<compile_context>
chip_gen: v7x
topology: tpu7x:2x2x1
jax: 0.10.2.dev20260603
libtpu: 0.0.44.dev20260713+nightly
codegen_flags: <defaults>
</compile_context>

<pallas_src>
import functools

import jax
import jax.numpy as jnp
from jax import lax
from jax.experimental import pallas as pl
from jax.experimental.pallas import tpu as pltpu
from jax.experimental.pallas import tpu_sc as plsc

_NC = 2
_NS = 16
_NW = _NC * _NS

_LN = 128


def _build_gather(BT, S, V, D, DP):
    n_strips = DP // _LN
    last_h = D - (n_strips - 1) * _LN
    blocks = S * (BT // _LN)
    bpw = blocks // _NW
    bb = BT // _LN
    assert n_strips % 2 == 0 and last_h % 8 == 0 and blocks % _NW == 0
    mesh = plsc.VectorSubcoreMesh(core_axis_name="c", subcore_axis_name="s")

    @functools.partial(
        pl.kernel,
        mesh=mesh,
        out_type=jax.ShapeDtypeStruct((S, D, BT), jnp.float32),
        scratch_types=[
            pltpu.VMEM((3, _LN), jnp.int32),
            pltpu.VMEM_SHARED((DP // _LN, V, _LN), jnp.float32),
            pltpu.VMEM((_LN, _LN), jnp.float32),
            pltpu.VMEM((_LN, _LN), jnp.float32),
            pltpu.VMEM((_LN, _LN), jnp.float32),
            pltpu.VMEM((_LN, _LN), jnp.float32),
            pltpu.SemaphoreType.DMA,
            pltpu.SemaphoreType.DMA,
            pltpu.SemaphoreType.DMA,
            pltpu.SemaphoreType.DMA,
            pltpu.SemaphoreType.DMA,
        ],
        compiler_params=pltpu.CompilerParams(needs_layout_passes=False),
    )
    def gather_kernel(tabs_hbm, idx_hbm, z_hbm, idx_v, spt,
                      raw0, raw1, tr0, tr1,
                      gsem0, gsem1, ssem0, ssem1, isem):
        wid = lax.axis_index("s") * _NC + lax.axis_index("c")
        sid = lax.axis_index("s")
        bufs = ((raw0, tr0, gsem0, ssem0), (raw1, tr1, gsem1, ssem1))
        rows16 = lax.iota(jnp.int32, 16)

        rows_maj = V // _NS // 8 * 8
        tail = V - 15 * rows_maj
        for k in range(n_strips):
            @pl.when(sid < 15)
            def _():
                pltpu.sync_copy(
                    tabs_hbm.at[k].at[pl.ds(sid * rows_maj, rows_maj)],
                    spt.at[k].at[pl.ds(sid * rows_maj, rows_maj)])

            @pl.when(sid == 15)
            def _():
                pltpu.sync_copy(
                    tabs_hbm.at[k].at[pl.ds(15 * rows_maj, tail)],
                    spt.at[k].at[pl.ds(15 * rows_maj, tail)])
        plsc.subcore_barrier()

        def fire_idx(beta):
            pltpu.async_copy(idx_hbm.at[wid].at[beta], idx_v.at[beta % 3],
                             isem)

        def wait_idx(beta):
            pltpu.make_async_copy(idx_hbm.at[wid].at[0], idx_v.at[0],
                                  isem).wait()

        def fire_gather(beta, k, rb, gs):
            pltpu.async_copy(spt.at[k].at[idx_v.at[beta % 3]], rb, gs)

        def wait_gather(rb, gs):
            pltpu.make_async_copy(
                spt.at[0].at[idx_v.at[0]], rb, gs).wait()

        def store_dst(s, b0, k):
            if k < n_strips - 1:
                return z_hbm.at[s, pl.ds(k * _LN, _LN), pl.ds(b0, _LN)]
            return z_hbm.at[s, pl.ds(k * _LN, last_h), pl.ds(b0, _LN)]

        def fire_store(s, b0, k, tb, ss):
            if k < n_strips - 1:
                pltpu.async_copy(tb, store_dst(s, b0, k), ss)
            else:
                pltpu.async_copy(tb.at[pl.ds(0, last_h)],
                                 store_dst(s, b0, k), ss)

        def wait_store(k, tb, ss):
            if k < n_strips - 1:
                pltpu.make_async_copy(tb, store_dst(0, 0, 0), ss).wait()
            else:
                pltpu.make_async_copy(tb.at[pl.ds(0, last_h)],
                                      store_dst(0, 0, k), ss).wait()

        row_ids = [rows16 + 16 * m for m in range(8)]

        def transpose(rb, tb):
            @plsc.parallel_loop(0, _LN, unroll=4)
            def _(cp):
                for m in range(8):
                    rr = row_ids[m]
                    cc = (cp + rr) & (_LN - 1)
                    v = plsc.load_gather(rb, [rr, cc])
                    plsc.store_scatter(tb, [cc, rr], v)

        pltpu.sync_copy(idx_hbm.at[wid].at[0], idx_v.at[0])
        fire_idx(1)
        fire_gather(0, 0, raw0, gsem0)

        def block_body(beta, carry):
            gb = wid * bpw + beta
            s = gb // bb
            b0 = (gb % bb) * _LN
            for k in range(n_strips):
                rb, tb, gs, ss = bufs[k % 2]
                nrb, _, ngs, _ = bufs[(k + 1) % 2]
                if k < n_strips - 1:
                    fire_gather(beta, k + 1, nrb, ngs)
                else:
                    @pl.when(beta + 1 < bpw)
                    def _():
                        wait_idx(beta + 1)
                        fire_gather(beta + 1, 0, nrb, ngs)

                    @pl.when(beta + 2 < bpw)
                    def _():
                        fire_idx(beta + 2)
                wait_gather(rb, gs)
                prev_k = k - 2 if k >= 2 else k + n_strips - 2
                if k >= 2:
                    wait_store(prev_k, tb, ss)
                else:
                    @pl.when(beta > 0)
                    def _():
                        wait_store(prev_k, tb, ss)
                transpose(rb, tb)
                fire_store(s, b0, k, tb, ss)
            return carry

        lax.fori_loop(0, bpw, block_body, 0)
        for k in (n_strips - 2, n_strips - 1):
            _, tb, _, ss = bufs[k % 2]
            wait_store(k, tb, ss)

    return gather_kernel


def kernel(x, table):
    BT, S = x.shape
    V, D = table.shape
    DP = (D + _LN - 1) // _LN * _LN
    tablep = jnp.pad(table, ((0, 0), (0, DP - D)))
    tabs = tablep.reshape(V, DP // _LN, _LN).transpose(1, 0, 2)
    xb = x.T.reshape(S * (BT // _LN), _LN).reshape(_NW, -1, _LN)
    xb = xb.astype(jnp.int32)
    z = _build_gather(BT, S, V, D, DP)(tabs, xb)
    return jnp.transpose(z, (2, 0, 1))

# --- scband reference (transcript-rebuilt; emitter-appended) ---
"""Pipeline reference for scband-simple-bigram-model-24292335026706 (READ-ONLY COPY).

The authoritative reference and input builder live on the scoring server;
editing this copy changes nothing except your own understanding.
"""

import jax, jax.numpy as jnp
import numpy as np

VOCAB = 1000
BATCH = 1024
SEQ = 200

def setup_inputs(seed: int = 0) -> dict:
    key = jax.random.key(seed)
    k_idx, k_tab = jax.random.split(key)
    x = jax.random.randint(k_idx, (BATCH, SEQ), 0, VOCAB, dtype=jnp.int64 if jax.config.jax_enable_x64 else jnp.int32)
    table = jax.random.normal(k_tab, (VOCAB, VOCAB), dtype=jnp.float32)
    return {"x": x, "table": table}

def reference(x, table):
    # nn.Embedding(vocab, vocab) lookup: gather rows of the bigram table
    return jnp.take(table, x, axis=0)

if __name__ == "__main__":
    import jax
    _d = setup_inputs()
    print(jax.jit(kernel)(*tuple(_d.values())))

</pallas_src>

<mosaic_0001>
#map = affine_map<(d0, d1) -> (0, 0, 0)>
module attributes {stable_mosaic.version = 14 : i64} {
  func.func @gather_kernel(%arg0: i32, %arg1: i32, %arg2: memref<8x1000x128xf32, #tpu.memory_space<hbm>>, %arg3: memref<32x50x128xi32, #tpu.memory_space<hbm>>, %arg4: memref<200x1000x1024xf32, #tpu.memory_space<hbm>>, %arg5: memref<3x128xi32, #tpu.memory_space<vmem>>, %arg6: memref<8x1000x128xf32, #tpu.memory_space<vmem_shared>>, %arg7: memref<128x128xf32, #tpu.memory_space<vmem>>, %arg8: memref<128x128xf32, #tpu.memory_space<vmem>>, %arg9: memref<128x128xf32, #tpu.memory_space<vmem>>, %arg10: memref<128x128xf32, #tpu.memory_space<vmem>>, %arg11: memref<!tpu.dma_semaphore, #tpu.memory_space<semaphore_mem>>, %arg12: memref<!tpu.dma_semaphore, #tpu.memory_space<semaphore_mem>>, %arg13: memref<!tpu.dma_semaphore, #tpu.memory_space<semaphore_mem>>, %arg14: memref<!tpu.dma_semaphore, #tpu.memory_space<semaphore_mem>>, %arg15: memref<!tpu.dma_semaphore, #tpu.memory_space<semaphore_mem>>) attributes {dimension_semantics = [#tpu.dimension_semantics<core_parallel>, #tpu.dimension_semantics<subcore_parallel>], iteration_bounds = array<i64: 2, 16>, scalar_prefetch = 0 : i64, scratch_operands = 11 : i64, tpu.core_type = #tpu.core_type<sc_vector_subcore>, window_params = [{transform_indices = #map}, {transform_indices = #map}, {transform_indices = #map}]} {
    %mul3A = arith.constant 2 : i32
    %mul3A_0 = arith.muli %arg1, %mul3A : i32
    %add3A = arith.addi %mul3A_0, %arg0 : i32
    %iota3A = tpu.iota {dimensions = array<i32: 0>} : vector<16xi32>
    %lt3A = arith.constant 15 : i32
    %lt3A_1 = arith.cmpi slt, %arg1, %lt3A : i32
    %convert_element_type3A = arith.extui %lt3A_1 : i1 to i32
    %cond3A = arith.constant 0 : i32
    %cond3A_2 = arith.cmpi ne, %convert_element_type3A, %cond3A : i32
    scf.if %cond3A_2 {
      %mul3A_163 = arith.constant 56 : i32
      %mul3A_164 = arith.muli %arg1, %mul3A_163 : i32
      %mul3A_165 = arith.constant 56 : i32
      %mul3A_166 = arith.muli %arg1, %mul3A_165 : i32
      %run_scoped3A_167 = arith.constant 0 : i32
      %run_scoped3A_168 = arith.constant 0 : i32
      "tpu.region"() ({
        %run_scoped3A_169 = tpu.sem_alloc : memref<!tpu.dma_semaphore, #tpu.memory_space<semaphore_mem>>
        %dma_start3A_170 = arith.constant 0 : i32
        %dma_start3A_171 = arith.constant 0 : i32
        %dma_start3A_172 = tpu.memref_slice %arg6[%run_scoped3A_168, %dma_start3A_170, %dma_start3A_171] : memref<8x1000x128xf32, #tpu.memory_space<vmem_shared>> -> memref<1x1000x128xf32, #tpu.memory_space<vmem_shared>>
        %dma_start3A_173 = tpu.memref_squeeze %dma_start3A_172 : memref<1x1000x128xf32, #tpu.memory_space<vmem_shared>> -> memref<1000x128xf32, #tpu.memory_space<vmem_shared>>
        %dma_start3A_174 = arith.constant 0 : i32
        %dma_start3A_175 = tpu.memref_slice %dma_start3A_173[%mul3A_166, %dma_start3A_174] : memref<1000x128xf32, #tpu.memory_space<vmem_shared>> -> memref<56x128xf32, #tpu.memory_space<vmem_shared>>
        %dma_start3A_176 = arith.constant 0 : i32
        %dma_start3A_177 = arith.constant 0 : i32
        %dma_start3A_178 = tpu.memref_slice %arg2[%run_scoped3A_167, %dma_start3A_176, %dma_start3A_177] : memref<8x1000x128xf32, #tpu.memory_space<hbm>> -> memref<1x1000x128xf32, #tpu.memory_space<hbm>>
        %dma_start3A_179 = tpu.memref_squeeze %dma_start3A_178 : memref<1x1000x128xf32, #tpu.memory_space<hbm>> -> memref<1000x128xf32, #tpu.memory_space<hbm>>
        %dma_start3A_180 = arith.constant 0 : i32
        %dma_start3A_181 = tpu.memref_slice %dma_start3A_179[%mul3A_164, %dma_start3A_180] : memref<1000x128xf32, #tpu.memory_space<hbm>> -> memref<56x128xf32, #tpu.memory_space<hbm>>
        tpu.enqueue_dma source(%dma_start3A_181 : memref<56x128xf32, #tpu.memory_space<hbm>>) target(%dma_start3A_175 : memref<56x128xf32, #tpu.memory_space<vmem_shared>>) target_semaphore(%run_scoped3A_169 : memref<!tpu.dma_semaphore, #tpu.memory_space<semaphore_mem>>)
        %dma_wait3A_182 = arith.constant 0 : i32
        %dma_wait3A_183 = arith.constant 0 : i32
        %dma_wait3A_184 = tpu.memref_slice %arg6[%run_scoped3A_168, %dma_wait3A_182, %dma_wait3A_183] : memref<8x1000x128xf32, #tpu.memory_space<vmem_shared>> -> memref<1x1000x128xf32, #tpu.memory_space<vmem_shared>>
        %dma_wait3A_185 = tpu.memref_squeeze %dma_wait3A_184 : memref<1x1000x128xf32, #tpu.memory_space<vmem_shared>> -> memref<1000x128xf32, #tpu.memory_space<vmem_shared>>
        %dma_wait3A_186 = arith.constant 0 : i32
        %dma_wait3A_187 = tpu.memref_slice %dma_wait3A_185[%mul3A_166, %dma_wait3A_186] : memref<1000x128xf32, #tpu.memory_space<vmem_shared>> -> memref<56x128xf32, #tpu.memory_space<vmem_shared>>
        %dma_wait3A_188 = arith.constant 0 : i32
        %dma_wait3A_189 = arith.constant 0 : i32
        %dma_wait3A_190 = tpu.memref_slice %arg2[%run_scoped3A_167, %dma_wait3A_188, %dma_wait3A_189] : memref<8x1000x128xf32, #tpu.memory_space<hbm>> -> memref<1x1000x128xf32, #tpu.memory_space<hbm>>
        %dma_wait3A_191 = tpu.memref_squeeze %dma_wait3A_190 : memref<1x1000x128xf32, #tpu.memory_space<hbm>> -> memref<1000x128xf32, #tpu.memory_space<hbm>>
        %dma_wait3A_192 = arith.constant 0 : i32
        %dma_wait3A_193 = tpu.memref_slice %dma_wait3A_191[%mul3A_164, %dma_wait3A_192] : memref<1000x128xf32, #tpu.memory_space<hbm>> -> memref<56x128xf32, #tpu.memory_space<hbm>>
        tpu.wait_dma2 semaphore(%run_scoped3A_169 : memref<!tpu.dma_semaphore, #tpu.memory_space<semaphore_mem>>) src(%dma_wait3A_193 : memref<56x128xf32, #tpu.memory_space<hbm>>) dst(%dma_wait3A_187 : memref<56x128xf32, #tpu.memory_space<vmem_shared>>)
        tpu.yield
      }) : () -> ()
    } else {
    }
    %eq3A = arith.constant 15 : i32
    %eq3A_3 = arith.cmpi eq, %arg1, %eq3A : i32
    %convert_element_type3A_4 = arith.extui %eq3A_3 : i1 to i32
    %cond3A_5 = arith.constant 0 : i32
    %cond3A_6 = arith.cmpi ne, %convert_element_type3A_4, %cond3A_5 : i32
    scf.if %cond3A_6 {
      %run_scoped3A_163 = arith.constant 0 : i32
      %run_scoped3A_164 = arith.constant 0 : i32
      "tpu.region"() ({
        %run_scoped3A_165 = tpu.sem_alloc : memref<!tpu.dma_semaphore, #tpu.memory_space<semaphore_mem>>
        %dma_start3A_166 = arith.constant 0 : i32
        %dma_start3A_167 = arith.constant 0 : i32
        %dma_start3A_168 = tpu.memref_slice %arg6[%run_scoped3A_164, %dma_start3A_166, %dma_start3A_167] : memref<8x1000x128xf32, #tpu.memory_space<vmem_shared>> -> memref<1x1000x128xf32, #tpu.memory_space<vmem_shared>>
        %dma_start3A_169 = tpu.memref_squeeze %dma_start3A_168 : memref<1x1000x128xf32, #tpu.memory_space<vmem_shared>> -> memref<1000x128xf32, #tpu.memory_space<vmem_shared>>
        %dma_start3A_170 = arith.constant 840 : i32
        %dma_start3A_171 = arith.constant 0 : i32
        %dma_start3A_172 = tpu.memref_slice %dma_start3A_169[%dma_start3A_170, %dma_start3A_171] : memref<1000x128xf32, #tpu.memory_space<vmem_shared>> -> memref<160x128xf32, #tpu.memory_space<vmem_shared>>
        %dma_start3A_173 = arith.constant 0 : i32
        %dma_start3A_174 = arith.constant 0 : i32
        %dma_start3A_175 = tpu.memref_slice %arg2[%run_scoped3A_163, %dma_start3A_173, %dma_start3A_174] : memref<8x1000x128xf32, #tpu.memory_space<hbm>> -> memref<1x1000x128xf32, #tpu.memory_space<hbm>>
        %dma_start3A_176 = tpu.memref_squeeze %dma_start3A_175 : memref<1x1000x128xf32, #tpu.memory_space<hbm>> -> memref<1000x128xf32, #tpu.memory_space<hbm>>
        %dma_start3A_177 = arith.constant 840 : i32
        %dma_start3A_178 = arith.constant 0 : i32
        %dma_start3A_179 = tpu.memref_slice %dma_start3A_176[%dma_start3A_177, %dma_start3A_178] : memref<1000x128xf32, #tpu.memory_space<hbm>> -> memref<160x128xf32, #tpu.memory_space<hbm>>
        tpu.enqueue_dma source(%dma_start3A_179 : memref<160x128xf32, #tpu.memory_space<hbm>>) target(%dma_start3A_172 : memref<160x128xf32, #tpu.memory_space<vmem_shared>>) target_semaphore(%run_scoped3A_165 : memref<!tpu.dma_semaphore, #tpu.memory_space<semaphore_mem>>)
        %dma_wait3A_180 = arith.constant 0 : i32
        %dma_wait3A_181 = arith.constant 0 : i32
        %dma_wait3A_182 = tpu.memref_slice %arg6[%run_scoped3A_164, %dma_wait3A_180, %dma_wait3A_181] : memref<8x1000x128xf32, #tpu.memory_space<vmem_shared>> -> memref<1x1000x128xf32, #tpu.memory_space<vmem_shared>>
        %dma_wait3A_183 = tpu.memref_squeeze %dma_wait3A_182 : memref<1x1000x128xf32, #tpu.memory_space<vmem_shared>> -> memref<1000x128xf32, #tpu.memory_space<vmem_shared>>
        %dma_wait3A_184 = arith.constant 840 : i32
        %dma_wait3A_185 = arith.constant 0 : i32
        %dma_wait3A_186 = tpu.memref_slice %dma_wait3A_183[%dma_wait3A_184, %dma_wait3A_185] : memref<1000x128xf32, #tpu.memory_space<vmem_shared>> -> memref<160x128xf32, #tpu.memory_space<vmem_shared>>
        %dma_wait3A_187 = arith.constant 0 : i32
        %dma_wait3A_188 = arith.constant 0 : i32
        %dma_wait3A_189 = tpu.memref_slice %arg2[%run_scoped3A_163, %dma_wait3A_187, %dma_wait3A_188] : memref<8x1000x128xf32, #tpu.memory_space<hbm>> -> memref<1x1000x128xf32, #tpu.memory_space<hbm>>
        %dma_wait3A_190 = tpu.memref_squeeze %dma_wait3A_189 : memref<1x1000x128xf32, #tpu.memory_space<hbm>> -> memref<1000x128xf32, #tpu.memory_space<hbm>>
        %dma_wait3A_191 = arith.constant 840 : i32
        %dma_wait3A_192 = arith.constant 0 : i32
        %dma_wait3A_193 = tpu.memref_slice %dma_wait3A_190[%dma_wait3A_191, %dma_wait3A_192] : memref<1000x128xf32, #tpu.memory_space<hbm>> -> memref<160x128xf32, #tpu.memory_space<hbm>>
        tpu.wait_dma2 semaphore(%run_scoped3A_165 : memref<!tpu.dma_semaphore, #tpu.memory_space<semaphore_mem>>) src(%dma_wait3A_193 : memref<160x128xf32, #tpu.memory_space<hbm>>) dst(%dma_wait3A_186 : memref<160x128xf32, #tpu.memory_space<vmem_shared>>)
        tpu.yield
      }) : () -> ()
    } else {
    }
    %lt3A_7 = arith.constant 15 : i32
    %lt3A_8 = arith.cmpi slt, %arg1, %lt3A_7 : i32
    %convert_element_type3A_9 = arith.extui %lt3A_8 : i1 to i32
    %cond3A_10 = arith.constant 0 : i32
    %cond3A_11 = arith.cmpi ne, %convert_element_type3A_9, %cond3A_10 : i32
    scf.if %cond3A_11 {
      %mul3A_163 = arith.constant 56 : i32
      %mul3A_164 = arith.muli %arg1, %mul3A_163 : i32
      %mul3A_165 = arith.constant 56 : i32
      %mul3A_166 = arith.muli %arg1, %mul3A_165 : i32
      %run_scoped3A_167 = arith.constant 1 : i32
      %run_scoped3A_168 = arith.constant 1 : i32
      "tpu.region"() ({
        %run_scoped3A_169 = tpu.sem_alloc : memref<!tpu.dma_semaphore, #tpu.memory_space<semaphore_mem>>
        %dma_start3A_170 = arith.constant 0 : i32
        %dma_start3A_171 = arith.constant 0 : i32
        %dma_start3A_172 = tpu.memref_slice %arg6[%run_scoped3A_168, %dma_start3A_170, %dma_start3A_171] : memref<8x1000x128xf32, #tpu.memory_space<vmem_shared>> -> memref<1x1000x128xf32, #tpu.memory_space<vmem_shared>>
        %dma_start3A_173 = tpu.memref_squeeze %dma_start3A_172 : memref<1x1000x128xf32, #tpu.memory_space<vmem_shared>> -> memref<1000x128xf32, #tpu.memory_space<vmem_shared>>
        %dma_start3A_174 = arith.constant 0 : i32
        %dma_start3A_175 = tpu.memref_slice %dma_start3A_173[%mul3A_166, %dma_start3A_174] : memref<1000x128xf32, #tpu.memory_space<vmem_shared>> -> memref<56x128xf32, #tpu.memory_space<vmem_shared>>
        %dma_start3A_176 = arith.constant 0 : i32
        %dma_start3A_177 = arith.constant 0 : i32
        %dma_start3A_178 = tpu.memref_slice %arg2[%run_scoped3A_167, %dma_start3A_176, %dma_start3A_177] : memref<8x1000x128xf32, #tpu.memory_space<hbm>> -> memref<1x1000x128xf32, #tpu.memory_space<hbm>>
        %dma_start3A_179 = tpu.memref_squeeze %dma_start3A_178 : memref<1x1000x128xf32, #tpu.memory_space<hbm>> -> memref<1000x128xf32, #tpu.memory_space<hbm>>
        %dma_start3A_180 = arith.constant 0 : i32
        %dma_start3A_181 = tpu.memref_slice %dma_start3A_179[%mul3A_164, %dma_start3A_180] : memref<1000x128xf32, #tpu.memory_space<hbm>> -> memref<56x128xf32, #tpu.memory_space<hbm>>
        tpu.enqueue_dma source(%dma_start3A_181 : memref<56x128xf32, #tpu.memory_space<hbm>>) target(%dma_start3A_175 : memref<56x128xf32, #tpu.memory_space<vmem_shared>>) target_semaphore(%run_scoped3A_169 : memref<!tpu.dma_semaphore, #tpu.memory_space<semaphore_mem>>)
        %dma_wait3A_182 = arith.constant 0 : i32
        %dma_wait3A_183 = arith.constant 0 : i32
        %dma_wait3A_184 = tpu.memref_slice %arg6[%run_scoped3A_168, %dma_wait3A_182, %dma_wait3A_183] : memref<8x1000x128xf32, #tpu.memory_space<vmem_shared>> -> memref<1x1000x128xf32, #tpu.memory_space<vmem_shared>>
        %dma_wait3A_185 = tpu.memref_squeeze %dma_wait3A_184 : memref<1x1000x128xf32, #tpu.memory_space<vmem_shared>> -> memref<1000x128xf32, #tpu.memory_space<vmem_shared>>
        %dma_wait3A_186 = arith.constant 0 : i32
        %dma_wait3A_187 = tpu.memref_slice %dma_wait3A_185[%mul3A_166, %dma_wait3A_186] : memref<1000x128xf32, #tpu.memory_space<vmem_shared>> -> memref<56x128xf32, #tpu.memory_space<vmem_shared>>
        %dma_wait3A_188 = arith.constant 0 : i32
        %dma_wait3A_189 = arith.constant 0 : i32
        %dma_wait3A_190 = tpu.memref_slice %arg2[%run_scoped3A_167, %dma_wait3A_188, %dma_wait3A_189] : memref<8x1000x128xf32, #tpu.memory_space<hbm>> -> memref<1x1000x128xf32, #tpu.memory_space<hbm>>
        %dma_wait3A_191 = tpu.memref_squeeze %dma_wait3A_190 : memref<1x1000x128xf32, #tpu.memory_space<hbm>> -> memref<1000x128xf32, #tpu.memory_space<hbm>>
        %dma_wait3A_192 = arith.constant 0 : i32
        %dma_wait3A_193 = tpu.memref_slice %dma_wait3A_191[%mul3A_164, %dma_wait3A_192] : memref<1000x128xf32, #tpu.memory_space<hbm>> -> memref<56x128xf32, #tpu.memory_space<hbm>>
        tpu.wait_dma2 semaphore(%run_scoped3A_169 : memref<!tpu.dma_semaphore, #tpu.memory_space<semaphore_mem>>) src(%dma_wait3A_193 : memref<56x128xf32, #tpu.memory_space<hbm>>) dst(%dma_wait3A_187 : memref<56x128xf32, #tpu.memory_space<vmem_shared>>)
        tpu.yield
      }) : () -> ()
    } else {
    }
    %eq3A_12 = arith.constant 15 : i32
    %eq3A_13 = arith.cmpi eq, %arg1, %eq3A_12 : i32
    %convert_element_type3A_14 = arith.extui %eq3A_13 : i1 to i32
    %cond3A_15 = arith.constant 0 : i32
    %cond3A_16 = arith.cmpi ne, %convert_element_type3A_14, %cond3A_15 : i32
    scf.if %cond3A_16 {
      %run_scoped3A_163 = arith.constant 1 : i32
      %run_scoped3A_164 = arith.constant 1 : i32
      "tpu.region"() ({
        %run_scoped3A_165 = tpu.sem_alloc : memref<!tpu.dma_semaphore, #tpu.memory_space<semaphore_mem>>
        %dma_start3A_166 = arith.constant 0 : i32
        %dma_start3A_167 = arith.constant 0 : i32
        %dma_start3A_168 = tpu.memref_slice %arg6[%run_scoped3A_164, %dma_start3A_166, %dma_start3A_167] : memref<8x1000x128xf32, #tpu.memory_space<vmem_shared>> -> memref<1x1000x128xf32, #tpu.memory_space<vmem_shared>>
        %dma_start3A_169 = tpu.memref_squeeze %dma_start3A_168 : memref<1x1000x128xf32, #tpu.memory_space<vmem_shared>> -> memref<1000x128xf32, #tpu.memory_space<vmem_shared>>
        %dma_start3A_170 = arith.constant 840 : i32
        %dma_start3A_171 = arith.constant 0 : i32
        %dma_start3A_172 = tpu.memref_slice %dma_start3A_169[%dma_start3A_170, %dma_start3A_171] : memref<1000x128xf32, #tpu.memory_space<vmem_shared>> -> memref<160x128xf32, #tpu.memory_space<vmem_shared>>
        %dma_start3A_173 = arith.constant 0 : i32
        %dma_start3A_174 = arith.constant 0 : i32
        %dma_start3A_175 = tpu.memref_slice %arg2[%run_scoped3A_163, %dma_start3A_173, %dma_start3A_174] : memref<8x1000x128xf32, #tpu.memory_space<hbm>> -> memref<1x1000x128xf32, #tpu.memory_space<hbm>>
        %dma_start3A_176 = tpu.memref_squeeze %dma_start3A_175 : memref<1x1000x128xf32, #tpu.memory_space<hbm>> -> memref<1000x128xf32, #tpu.memory_space<hbm>>
        %dma_start3A_177 = arith.constant 840 : i32
        %dma_start3A_178 = arith.constant 0 : i32
        %dma_start3A_179 = tpu.memref_slice %dma_start3A_176[%dma_start3A_177, %dma_start3A_178] : memref<1000x128xf32, #tpu.memory_space<hbm>> -> memref<160x128xf32, #tpu.memory_space<hbm>>
        tpu.enqueue_dma source(%dma_start3A_179 : memref<160x128xf32, #tpu.memory_space<hbm>>) target(%dma_start3A_172 : memref<160x128xf32, #tpu.memory_space<vmem_shared>>) target_semaphore(%run_scoped3A_165 : memref<!tpu.dma_semaphore, #tpu.memory_space<semaphore_mem>>)
        %dma_wait3A_180 = arith.constant 0 : i32
        %dma_wait3A_181 = arith.constant 0 : i32
        %dma_wait3A_182 = tpu.memref_slice %arg6[%run_scoped3A_164, %dma_wait3A_180, %dma_wait3A_181] : memref<8x1000x128xf32, #tpu.memory_space<vmem_shared>> -> memref<1x1000x128xf32, #tpu.memory_space<vmem_shared>>
        %dma_wait3A_183 = tpu.memref_squeeze %dma_wait3A_182 : memref<1x1000x128xf32, #tpu.memory_space<vmem_shared>> -> memref<1000x128xf32, #tpu.memory_space<vmem_shared>>
        %dma_wait3A_184 = arith.constant 840 : i32
        %dma_wait3A_185 = arith.constant 0 : i32
        %dma_wait3A_186 = tpu.memref_slice %dma_wait3A_183[%dma_wait3A_184, %dma_wait3A_185] : memref<1000x128xf32, #tpu.memory_space<vmem_shared>> -> memref<160x128xf32, #tpu.memory_space<vmem_shared>>
        %dma_wait3A_187 = arith.constant 0 : i32
        %dma_wait3A_188 = arith.constant 0 : i32
        %dma_wait3A_189 = tpu.memref_slice %arg2[%run_scoped3A_163, %dma_wait3A_187, %dma_wait3A_188] : memref<8x1000x128xf32, #tpu.memory_space<hbm>> -> memref<1x1000x128xf32, #tpu.memory_space<hbm>>
        %dma_wait3A_190 = tpu.memref_squeeze %dma_wait3A_189 : memref<1x1000x128xf32, #tpu.memory_space<hbm>> -> memref<1000x128xf32, #tpu.memory_space<hbm>>
        %dma_wait3A_191 = arith.constant 840 : i32
        %dma_wait3A_192 = arith.constant 0 : i32
        %dma_wait3A_193 = tpu.memref_slice %dma_wait3A_190[%dma_wait3A_191, %dma_wait3A_192] : memref<1000x128xf32, #tpu.memory_space<hbm>> -> memref<160x128xf32, #tpu.memory_space<hbm>>
        tpu.wait_dma2 semaphore(%run_scoped3A_165 : memref<!tpu.dma_semaphore, #tpu.memory_space<semaphore_mem>>) src(%dma_wait3A_193 : memref<160x128xf32, #tpu.memory_space<hbm>>) dst(%dma_wait3A_186 : memref<160x128xf32, #tpu.memory_space<vmem_shared>>)
        tpu.yield
      }) : () -> ()
    } else {
    }
    %lt3A_17 = arith.constant 15 : i32
    %lt3A_18 = arith.cmpi slt, %arg1, %lt3A_17 : i32
    %convert_element_type3A_19 = arith.extui %lt3A_18 : i1 to i32
    %cond3A_20 = arith.constant 0 : i32
    %cond3A_21 = arith.cmpi ne, %convert_element_type3A_19, %cond3A_20 : i32
    scf.if %cond3A_21 {
      %mul3A_163 = arith.constant 56 : i32
      %mul3A_164 = arith.muli %arg1, %mul3A_163 : i32
      %mul3A_165 = arith.constant 56 : i32
      %mul3A_166 = arith.muli %arg1, %mul3A_165 : i32
      %run_scoped3A_167 = arith.constant 2 : i32
      %run_scoped3A_168 = arith.constant 2 : i32
      "tpu.region"() ({
        %run_scoped3A_169 = tpu.sem_alloc : memref<!tpu.dma_semaphore, #tpu.memory_space<semaphore_mem>>
        %dma_start3A_170 = arith.constant 0 : i32
        %dma_start3A_171 = arith.constant 0 : i32
        %dma_start3A_172 = tpu.memref_slice %arg6[%run_scoped3A_168, %dma_start3A_170, %dma_start3A_171] : memref<8x1000x128xf32, #tpu.memory_space<vmem_shared>> -> memref<1x1000x128xf32, #tpu.memory_space<vmem_shared>>
        %dma_start3A_173 = tpu.memref_squeeze %dma_start3A_172 : memref<1x1000x128xf32, #tpu.memory_space<vmem_shared>> -> memref<1000x128xf32, #tpu.memory_space<vmem_shared>>
        %dma_start3A_174 = arith.constant 0 : i32
        %dma_start3A_175 = tpu.memref_slice %dma_start3A_173[%mul3A_166, %dma_start3A_174] : memref<1000x128xf32, #tpu.memory_space<vmem_shared>> -> memref<56x128xf32, #tpu.memory_space<vmem_shared>>
        %dma_start3A_176 = arith.constant 0 : i32
        %dma_start3A_177 = arith.constant 0 : i32
        %dma_start3A_178 = tpu.memref_slice %arg2[%run_scoped3A_167, %dma_start3A_176, %dma_start3A_177] : memref<8x1000x128xf32, #tpu.memory_space<hbm>> -> memref<1x1000x128xf32, #tpu.memory_space<hbm>>
        %dma_start3A_179 = tpu.memref_squeeze %dma_start3A_178 : memref<1x1000x128xf32, #tpu.memory_space<hbm>> -> memref<1000x128xf32, #tpu.memory_space<hbm>>
        %dma_start3A_180 = arith.constant 0 : i32
        %dma_start3A_181 = tpu.memref_slice %dma_start3A_179[%mul3A_164, %dma_start3A_180] : memref<1000x128xf32, #tpu.memory_space<hbm>> -> memref<56x128xf32, #tpu.memory_space<hbm>>
        tpu.enqueue_dma source(%dma_start3A_181 : memref<56x128xf32, #tpu.memory_space<hbm>>) target(%dma_start3A_175 : memref<56x128xf32, #tpu.memory_space<vmem_shared>>) target_semaphore(%run_scoped3A_169 : memref<!tpu.dma_semaphore, #tpu.memory_space<semaphore_mem>>)
        %dma_wait3A_182 = arith.constant 0 : i32
        %dma_wait3A_183 = arith.constant 0 : i32
        %dma_wait3A_184 = tpu.memref_slice %arg6[%run_scoped3A_168, %dma_wait3A_182, %dma_wait3A_183] : memref<8x1000x128xf32, #tpu.memory_space<vmem_shared>> -> memref<1x1000x128xf32, #tpu.memory_space<vmem_shared>>
        %dma_wait3A_185 = tpu.memref_squeeze %dma_wait3A_184 : memref<1x1000x128xf32, #tpu.memory_space<vmem_shared>> -> memref<1000x128xf32, #tpu.memory_space<vmem_shared>>
        %dma_wait3A_186 = arith.constant 0 : i32
        %dma_wait3A_187 = tpu.memref_slice %dma_wait3A_185[%mul3A_166, %dma_wait3A_186] : memref<1000x128xf32, #tpu.memory_space<vmem_shared>> -> memref<56x128xf32, #tpu.memory_space<vmem_shared>>
        %dma_wait3A_188 = arith.constant 0 : i32
        %dma_wait3A_189 = arith.constant 0 : i32
        %dma_wait3A_190 = tpu.memref_slice %arg2[%run_scoped3A_167, %dma_wait3A_188, %dma_wait3A_189] : memref<8x1000x128xf32, #tpu.memory_space<hbm>> -> memref<1x1000x128xf32, #tpu.memory_space<hbm>>
        %dma_wait3A_191 = tpu.memref_squeeze %dma_wait3A_190 : memref<1x1000x128xf32, #tpu.memory_space<hbm>> -> memref<1000x128xf32, #tpu.memory_space<hbm>>
        %dma_wait3A_192 = arith.constant 0 : i32
        %dma_wait3A_193 = tpu.memref_slice %dma_wait3A_191[%mul3A_164, %dma_wait3A_192] : memref<1000x128xf32, #tpu.memory_space<hbm>> -> memref<56x128xf32, #tpu.memory_space<hbm>>
        tpu.wait_dma2 semaphore(%run_scoped3A_169 : memref<!tpu.dma_semaphore, #tpu.memory_space<semaphore_mem>>) src(%dma_wait3A_193 : memref<56x128xf32, #tpu.memory_space<hbm>>) dst(%dma_wait3A_187 : memref<56x128xf32, #tpu.memory_space<vmem_shared>>)
        tpu.yield
      }) : () -> ()
    } else {
    }
    %eq3A_22 = arith.constant 15 : i32
    %eq3A_23 = arith.cmpi eq, %arg1, %eq3A_22 : i32
    %convert_element_type3A_24 = arith.extui %eq3A_23 : i1 to i32
    %cond3A_25 = arith.constant 0 : i32
    %cond3A_26 = arith.cmpi ne, %convert_element_type3A_24, %cond3A_25 : i32
    scf.if %cond3A_26 {
      %run_scoped3A_163 = arith.constant 2 : i32
      %run_scoped3A_164 = arith.constant 2 : i32
      "tpu.region"() ({
        %run_scoped3A_165 = tpu.sem_alloc : memref<!tpu.dma_semaphore, #tpu.memory_space<semaphore_mem>>
        %dma_start3A_166 = arith.constant 0 : i32
        %dma_start3A_167 = arith.constant 0 : i32
        %dma_start3A_168 = tpu.memref_slice %arg6[%run_scoped3A_164, %dma_start3A_166, %dma_start3A_167] : memref<8x1000x128xf32, #tpu.memory_space<vmem_shared>> -> memref<1x1000x128xf32, #tpu.memory_space<vmem_shared>>
        %dma_start3A_169 = tpu.memref_squeeze %dma_start3A_168 : memref<1x1000x128xf32, #tpu.memory_space<vmem_shared>> -> memref<1000x128xf32, #tpu.memory_space<vmem_shared>>
        %dma_start3A_170 = arith.constant 840 : i32
        %dma_start3A_171 = arith.constant 0 : i32
        %dma_start3A_172 = tpu.memref_slice %dma_start3A_169[%dma_start3A_170, %dma_start3A_171] : memref<1000x128xf32, #tpu.memory_space<vmem_shared>> -> memref<160x128xf32, #tpu.memory_space<vmem_shared>>
        %dma_start3A_173 = arith.constant 0 : i32
        %dma_start3A_174 = arith.constant 0 : i32
        %dma_start3A_175 = tpu.memref_slice %arg2[%run_scoped3A_163, %dma_start3A_173, %dma_start3A_174] : memref<8x1000x128xf32, #tpu.memory_space<hbm>> -> memref<1x1000x128xf32, #tpu.memory_space<hbm>>
        %dma_start3A_176 = tpu.memref_squeeze %dma_start3A_175 : memref<1x1000x128xf32, #tpu.memory_space<hbm>> -> memref<1000x128xf32, #tpu.memory_space<hbm>>
        %dma_start3A_177 = arith.constant 840 : i32
        %dma_start3A_178 = arith.constant 0 : i32
        %dma_start3A_179 = tpu.memref_slice %dma_start3A_176[%dma_start3A_177, %dma_start3A_178] : memref<1000x128xf32, #tpu.memory_space<hbm>> -> memref<160x128xf32, #tpu.memory_space<hbm>>
        tpu.enqueue_dma source(%dma_start3A_179 : memref<160x128xf32, #tpu.memory_space<hbm>>) target(%dma_start3A_172 : memref<160x128xf32, #tpu.memory_space<vmem_shared>>) target_semaphore(%run_scoped3A_165 : memref<!tpu.dma_semaphore, #tpu.memory_space<semaphore_mem>>)
        %dma_wait3A_180 = arith.constant 0 : i32
        %dma_wait3A_181 = arith.constant 0 : i32
        %dma_wait3A_182 = tpu.memref_slice %arg6[%run_scoped3A_164, %dma_wait3A_180, %dma_wait3A_181] : memref<8x1000x128xf32, #tpu.memory_space<vmem_shared>> -> memref<1x1000x128xf32, #tpu.memory_space<vmem_shared>>
        %dma_wait3A_183 = tpu.memref_squeeze %dma_wait3A_182 : memref<1x1000x128xf32, #tpu.memory_space<vmem_shared>> -> memref<1000x128xf32, #tpu.memory_space<vmem_shared>>
        %dma_wait3A_184 = arith.constant 840 : i32
        %dma_wait3A_185 = arith.constant 0 : i32
        %dma_wait3A_186 = tpu.memref_slice %dma_wait3A_183[%dma_wait3A_184, %dma_wait3A_185] : memref<1000x128xf32, #tpu.memory_space<vmem_shared>> -> memref<160x128xf32, #tpu.memory_space<vmem_shared>>
        %dma_wait3A_187 = arith.constant 0 : i32
        %dma_wait3A_188 = arith.constant 0 : i32
        %dma_wait3A_189 = tpu.memref_slice %arg2[%run_scoped3A_163, %dma_wait3A_187, %dma_wait3A_188] : memref<8x1000x128xf32, #tpu.memory_space<hbm>> -> memref<1x1000x128xf32, #tpu.memory_space<hbm>>
        %dma_wait3A_190 = tpu.memref_squeeze %dma_wait3A_189 : memref<1x1000x128xf32, #tpu.memory_space<hbm>> -> memref<1000x128xf32, #tpu.memory_space<hbm>>
        %dma_wait3A_191 = arith.constant 840 : i32
        %dma_wait3A_192 = arith.constant 0 : i32
        %dma_wait3A_193 = tpu.memref_slice %dma_wait3A_190[%dma_wait3A_191, %dma_wait3A_192] : memref<1000x128xf32, #tpu.memory_space<hbm>> -> memref<160x128xf32, #tpu.memory_space<hbm>>
        tpu.wait_dma2 semaphore(%run_scoped3A_165 : memref<!tpu.dma_semaphore, #tpu.memory_space<semaphore_mem>>) src(%dma_wait3A_193 : memref<160x128xf32, #tpu.memory_space<hbm>>) dst(%dma_wait3A_186 : memref<160x128xf32, #tpu.memory_space<vmem_shared>>)
        tpu.yield
      }) : () -> ()
    } else {
    }
    %lt3A_27 = arith.constant 15 : i32
    %lt3A_28 = arith.cmpi slt, %arg1, %lt3A_27 : i32
    %convert_element_type3A_29 = arith.extui %lt3A_28 : i1 to i32
    %cond3A_30 = arith.constant 0 : i32
    %cond3A_31 = arith.cmpi ne, %convert_element_type3A_29, %cond3A_30 : i32
    scf.if %cond3A_31 {
      %mul3A_163 = arith.constant 56 : i32
      %mul3A_164 = arith.muli %arg1, %mul3A_163 : i32
      %mul3A_165 = arith.constant 56 : i32
      %mul3A_166 = arith.muli %arg1, %mul3A_165 : i32
      %run_scoped3A_167 = arith.constant 3 : i32
      %run_scoped3A_168 = arith.constant 3 : i32
      "tpu.region"() ({
        %run_scoped3A_169 = tpu.sem_alloc : memref<!tpu.dma_semaphore, #tpu.memory_space<semaphore_mem>>
        %dma_start3A_170 = arith.constant 0 : i32
        %dma_start3A_171 = arith.constant 0 : i32
        %dma_start3A_172 = tpu.memref_slice %arg6[%run_scoped3A_168, %dma_start3A_170, %dma_start3A_171] : memref<8x1000x128xf32, #tpu.memory_space<vmem_shared>> -> memref<1x1000x128xf32, #tpu.memory_space<vmem_shared>>
        %dma_start3A_173 = tpu.memref_squeeze %dma_start3A_172 : memref<1x1000x128xf32, #tpu.memory_space<vmem_shared>> -> memref<1000x128xf32, #tpu.memory_space<vmem_shared>>
        %dma_start3A_174 = arith.constant 0 : i32
        %dma_start3A_175 = tpu.memref_slice %dma_start3A_173[%mul3A_166, %dma_start3A_174] : memref<1000x128xf32, #tpu.memory_space<vmem_shared>> -> memref<56x128xf32, #tpu.memory_space<vmem_shared>>
        %dma_start3A_176 = arith.constant 0 : i32
        %dma_start3A_177 = arith.constant 0 : i32
        %dma_start3A_178 = tpu.memref_slice %arg2[%run_scoped3A_167, %dma_start3A_176, %dma_start3A_177] : memref<8x1000x128xf32, #tpu.memory_space<hbm>> -> memref<1x1000x128xf32, #tpu.memory_space<hbm>>
        %dma_start3A_179 = tpu.memref_squeeze %dma_start3A_178 : memref<1x1000x128xf32, #tpu.memory_space<hbm>> -> memref<1000x128xf32, #tpu.memory_space<hbm>>
        %dma_start3A_180 = arith.constant 0 : i32
        %dma_start3A_181 = tpu.memref_slice %dma_start3A_179[%mul3A_164, %dma_start3A_180] : memref<1000x128xf32, #tpu.memory_space<hbm>> -> memref<56x128xf32, #tpu.memory_space<hbm>>
        tpu.enqueue_dma source(%dma_start3A_181 : memref<56x128xf32, #tpu.memory_space<hbm>>) target(%dma_start3A_175 : memref<56x128xf32, #tpu.memory_space<vmem_shared>>) target_semaphore(%run_scoped3A_169 : memref<!tpu.dma_semaphore, #tpu.memory_space<semaphore_mem>>)
        %dma_wait3A_182 = arith.constant 0 : i32
        %dma_wait3A_183 = arith.constant 0 : i32
        %dma_wait3A_184 = tpu.memref_slice %arg6[%run_scoped3A_168, %dma_wait3A_182, %dma_wait3A_183] : memref<8x1000x128xf32, #tpu.memory_space<vmem_shared>> -> memref<1x1000x128xf32, #tpu.memory_space<vmem_shared>>
        %dma_wait3A_185 = tpu.memref_squeeze %dma_wait3A_184 : memref<1x1000x128xf32, #tpu.memory_space<vmem_shared>> -> memref<1000x128xf32, #tpu.memory_space<vmem_shared>>
        %dma_wait3A_186 = arith.constant 0 : i32
        %dma_wait3A_187 = tpu.memref_slice %dma_wait3A_185[%mul3A_166, %dma_wait3A_186] : memref<1000x128xf32, #tpu.memory_space<vmem_shared>> -> memref<56x128xf32, #tpu.memory_space<vmem_shared>>
        %dma_wait3A_188 = arith.constant 0 : i32
        %dma_wait3A_189 = arith.constant 0 : i32
        %dma_wait3A_190 = tpu.memref_slice %arg2[%run_scoped3A_167, %dma_wait3A_188, %dma_wait3A_189] : memref<8x1000x128xf32, #tpu.memory_space<hbm>> -> memref<1x1000x128xf32, #tpu.memory_space<hbm>>
        %dma_wait3A_191 = tpu.memref_squeeze %dma_wait3A_190 : memref<1x1000x128xf32, #tpu.memory_space<hbm>> -> memref<1000x128xf32, #tpu.memory_space<hbm>>
        %dma_wait3A_192 = arith.constant 0 : i32
        %dma_wait3A_193 = tpu.memref_slice %dma_wait3A_191[%mul3A_164, %dma_wait3A_192] : memref<1000x128xf32, #tpu.memory_space<hbm>> -> memref<56x128xf32, #tpu.memory_space<hbm>>
        tpu.wait_dma2 semaphore(%run_scoped3A_169 : memref<!tpu.dma_semaphore, #tpu.memory_space<semaphore_mem>>) src(%dma_wait3A_193 : memref<56x128xf32, #tpu.memory_space<hbm>>) dst(%dma_wait3A_187 : memref<56x128xf32, #tpu.memory_space<vmem_shared>>)
        tpu.yield
      }) : () -> ()
    } else {
    }
    %eq3A_32 = arith.constant 15 : i32
    %eq3A_33 = arith.cmpi eq, %arg1, %eq3A_32 : i32
    %convert_element_type3A_34 = arith.extui %eq3A_33 : i1 to i32
    %cond3A_35 = arith.constant 0 : i32
    %cond3A_36 = arith.cmpi ne, %convert_element_type3A_34, %cond3A_35 : i32
    scf.if %cond3A_36 {
      %run_scoped3A_163 = arith.constant 3 : i32
      %run_scoped3A_164 = arith.constant 3 : i32
      "tpu.region"() ({
        %run_scoped3A_165 = tpu.sem_alloc : memref<!tpu.dma_semaphore, #tpu.memory_space<semaphore_mem>>
        %dma_start3A_166 = arith.constant 0 : i32
        %dma_start3A_167 = arith.constant 0 : i32
        %dma_start3A_168 = tpu.memref_slice %arg6[%run_scoped3A_164, %dma_start3A_166, %dma_start3A_167] : memref<8x1000x128xf32, #tpu.memory_space<vmem_shared>> -> memref<1x1000x128xf32, #tpu.memory_space<vmem_shared>>
        %dma_start3A_169 = tpu.memref_squeeze %dma_start3A_168 : memref<1x1000x128xf32, #tpu.memory_space<vmem_shared>> -> memref<1000x128xf32, #tpu.memory_space<vmem_shared>>
        %dma_start3A_170 = arith.constant 840 : i32
        %dma_start3A_171 = arith.constant 0 : i32
        %dma_start3A_172 = tpu.memref_slice %dma_start3A_169[%dma_start3A_170, %dma_start3A_171] : memref<1000x128xf32, #tpu.memory_space<vmem_shared>> -> memref<160x128xf32, #tpu.memory_space<vmem_shared>>
        %dma_start3A_173 = arith.constant 0 : i32
        %dma_start3A_174 = arith.constant 0 : i32
        %dma_start3A_175 = tpu.memref_slice %arg2[%run_scoped3A_163, %dma_start3A_173, %dma_start3A_174] : memref<8x1000x128xf32, #tpu.memory_space<hbm>> -> memref<1x1000x128xf32, #tpu.memory_space<hbm>>
        %dma_start3A_176 = tpu.memref_squeeze %dma_start3A_175 : memref<1x1000x128xf32, #tpu.memory_space<hbm>> -> memref<1000x128xf32, #tpu.memory_space<hbm>>
        %dma_start3A_177 = arith.constant 840 : i32
        %dma_start3A_178 = arith.constant 0 : i32
        %dma_start3A_179 = tpu.memref_slice %dma_start3A_176[%dma_start3A_177, %dma_start3A_178] : memref<1000x128xf32, #tpu.memory_space<hbm>> -> memref<160x128xf32, #tpu.memory_space<hbm>>
        tpu.enqueue_dma source(%dma_start3A_179 : memref<160x128xf32, #tpu.memory_space<hbm>>) target(%dma_start3A_172 : memref<160x128xf32, #tpu.memory_space<vmem_shared>>) target_semaphore(%run_scoped3A_165 : memref<!tpu.dma_semaphore, #tpu.memory_space<semaphore_mem>>)
        %dma_wait3A_180 = arith.constant 0 : i32
        %dma_wait3A_181 = arith.constant 0 : i32
        %dma_wait3A_182 = tpu.memref_slice %arg6[%run_scoped3A_164, %dma_wait3A_180, %dma_wait3A_181] : memref<8x1000x128xf32, #tpu.memory_space<vmem_shared>> -> memref<1x1000x128xf32, #tpu.memory_space<vmem_shared>>
        %dma_wait3A_183 = tpu.memref_squeeze %dma_wait3A_182 : memref<1x1000x128xf32, #tpu.memory_space<vmem_shared>> -> memref<1000x128xf32, #tpu.memory_space<vmem_shared>>
        %dma_wait3A_184 = arith.constant 840 : i32
        %dma_wait3A_185 = arith.constant 0 : i32
        %dma_wait3A_186 = tpu.memref_slice %dma_wait3A_183[%dma_wait3A_184, %dma_wait3A_185] : memref<1000x128xf32, #tpu.memory_space<vmem_shared>> -> memref<160x128xf32, #tpu.memory_space<vmem_shared>>
        %dma_wait3A_187 = arith.constant 0 : i32
        %dma_wait3A_188 = arith.constant 0 : i32
        %dma_wait3A_189 = tpu.memref_slice %arg2[%run_scoped3A_163, %dma_wait3A_187, %dma_wait3A_188] : memref<8x1000x128xf32, #tpu.memory_space<hbm>> -> memref<1x1000x128xf32, #tpu.memory_space<hbm>>
        %dma_wait3A_190 = tpu.memref_squeeze %dma_wait3A_189 : memref<1x1000x128xf32, #tpu.memory_space<hbm>> -> memref<1000x128xf32, #tpu.memory_space<hbm>>
        %dma_wait3A_191 = arith.constant 840 : i32
        %dma_wait3A_192 = arith.constant 0 : i32
        %dma_wait3A_193 = tpu.memref_slice %dma_wait3A_190[%dma_wait3A_191, %dma_wait3A_192] : memref<1000x128xf32, #tpu.memory_space<hbm>> -> memref<160x128xf32, #tpu.memory_space<hbm>>
        tpu.wait_dma2 semaphore(%run_scoped3A_165 : memref<!tpu.dma_semaphore, #tpu.memory_space<semaphore_mem>>) src(%dma_wait3A_193 : memref<160x128xf32, #tpu.memory_space<hbm>>) dst(%dma_wait3A_186 : memref<160x128xf32, #tpu.memory_space<vmem_shared>>)
        tpu.yield
      }) : () -> ()
    } else {
    }
    %lt3A_37 = arith.constant 15 : i32
    %lt3A_38 = arith.cmpi slt, %arg1, %lt3A_37 : i32
    %convert_element_type3A_39 = arith.extui %lt3A_38 : i1 to i32
    %cond3A_40 = arith.constant 0 : i32
    %cond3A_41 = arith.cmpi ne, %convert_element_type3A_39, %cond3A_40 : i32
    scf.if %cond3A_41 {
      %mul3A_163 = arith.constant 56 : i32
      %mul3A_164 = arith.muli %arg1, %mul3A_163 : i32
      %mul3A_165 = arith.constant 56 : i32
      %mul3A_166 = arith.muli %arg1, %mul3A_165 : i32
      %run_scoped3A_167 = arith.constant 4 : i32
      %run_scoped3A_168 = arith.constant 4 : i32
      "tpu.region"() ({
        %run_scoped3A_169 = tpu.sem_alloc : memref<!tpu.dma_semaphore, #tpu.memory_space<semaphore_mem>>
        %dma_start3A_170 = arith.constant 0 : i32
        %dma_start3A_171 = arith.constant 0 : i32
        %dma_start3A_172 = tpu.memref_slice %arg6[%run_scoped3A_168, %dma_start3A_170, %dma_start3A_171] : memref<8x1000x128xf32, #tpu.memory_space<vmem_shared>> -> memref<1x1000x128xf32, #tpu.memory_space<vmem_shared>>
        %dma_start3A_173 = tpu.memref_squeeze %dma_start3A_172 : memref<1x1000x128xf32, #tpu.memory_space<vmem_shared>> -> memref<1000x128xf32, #tpu.memory_space<vmem_shared>>
        %dma_start3A_174 = arith.constant 0 : i32
        %dma_start3A_175 = tpu.memref_slice %dma_start3A_173[%mul3A_166, %dma_start3A_174] : memref<1000x128xf32, #tpu.memory_space<vmem_shared>> -> memref<56x128xf32, #tpu.memory_space<vmem_shared>>
        %dma_start3A_176 = arith.constant 0 : i32
        %dma_start3A_177 = arith.constant 0 : i32
        %dma_start3A_178 = tpu.memref_slice %arg2[%run_scoped3A_167, %dma_start3A_176, %dma_start3A_177] : memref<8x1000x128xf32, #tpu.memory_space<hbm>> -> memref<1x1000x128xf32, #tpu.memory_space<hbm>>
        %dma_start3A_179 = tpu.memref_squeeze %dma_start3A_178 : memref<1x1000x128xf32, #tpu.memory_space<hbm>> -> memref<1000x128xf32, #tpu.memory_space<hbm>>
        %dma_start3A_180 = arith.constant 0 : i32
        %dma_start3A_181 = tpu.memref_slice %dma_start3A_179[%mul3A_164, %dma_start3A_180] : memref<1000x128xf32, #tpu.memory_space<hbm>> -> memref<56x128xf32, #tpu.memory_space<hbm>>
        tpu.enqueue_dma source(%dma_start3A_181 : memref<56x128xf32, #tpu.memory_space<hbm>>) target(%dma_start3A_175 : memref<56x128xf32, #tpu.memory_space<vmem_shared>>) target_semaphore(%run_scoped3A_169 : memref<!tpu.dma_semaphore, #tpu.memory_space<semaphore_mem>>)
        %dma_wait3A_182 = arith.constant 0 : i32
        %dma_wait3A_183 = arith.constant 0 : i32
        %dma_wait3A_184 = tpu.memref_slice %arg6[%run_scoped3A_168, %dma_wait3A_182, %dma_wait3A_183] : memref<8x1000x128xf32, #tpu.memory_space<vmem_shared>> -> memref<1x1000x128xf32, #tpu.memory_space<vmem_shared>>
        %dma_wait3A_185 = tpu.memref_squeeze %dma_wait3A_184 : memref<1x1000x128xf32, #tpu.memory_space<vmem_shared>> -> memref<1000x128xf32, #tpu.memory_space<vmem_shared>>
        %dma_wait3A_186 = arith.constant 0 : i32
        %dma_wait3A_187 = tpu.memref_slice %dma_wait3A_185[%mul3A_166, %dma_wait3A_186] : memref<1000x128xf32, #tpu.memory_space<vmem_shared>> -> memref<56x128xf32, #tpu.memory_space<vmem_shared>>
        %dma_wait3A_188 = arith.constant 0 : i32
        %dma_wait3A_189 = arith.constant 0 : i32
        %dma_wait3A_190 = tpu.memref_slice %arg2[%run_scoped3A_167, %dma_wait3A_188, %dma_wait3A_189] : memref<8x1000x128xf32, #tpu.memory_space<hbm>> -> memref<1x1000x128xf32, #tpu.memory_space<hbm>>
        %dma_wait3A_191 = tpu.memref_squeeze %dma_wait3A_190 : memref<1x1000x128xf32, #tpu.memory_space<hbm>> -> memref<1000x128xf32, #tpu.memory_space<hbm>>
        %dma_wait3A_192 = arith.constant 0 : i32
        %dma_wait3A_193 = tpu.memref_slice %dma_wait3A_191[%mul3A_164, %dma_wait3A_192] : memref<1000x128xf32, #tpu.memory_space<hbm>> -> memref<56x128xf32, #tpu.memory_space<hbm>>
        tpu.wait_dma2 semaphore(%run_scoped3A_169 : memref<!tpu.dma_semaphore, #tpu.memory_space<semaphore_mem>>) src(%dma_wait3A_193 : memref<56x128xf32, #tpu.memory_space<hbm>>) dst(%dma_wait3A_187 : memref<56x128xf32, #tpu.memory_space<vmem_shared>>)
        tpu.yield
      }) : () -> ()
    } else {
    }
    %eq3A_42 = arith.constant 15 : i32
    %eq3A_43 = arith.cmpi eq, %arg1, %eq3A_42 : i32
    %convert_element_type3A_44 = arith.extui %eq3A_43 : i1 to i32
    %cond3A_45 = arith.constant 0 : i32
    %cond3A_46 = arith.cmpi ne, %convert_element_type3A_44, %cond3A_45 : i32
    scf.if %cond3A_46 {
      %run_scoped3A_163 = arith.constant 4 : i32
      %run_scoped3A_164 = arith.constant 4 : i32
      "tpu.region"() ({
        %run_scoped3A_165 = tpu.sem_alloc : memref<!tpu.dma_semaphore, #tpu.memory_space<semaphore_mem>>
        %dma_start3A_166 = arith.constant 0 : i32
        %dma_start3A_167 = arith.constant 0 : i32
        %dma_start3A_168 = tpu.memref_slice %arg6[%run_scoped3A_164, %dma_start3A_166, %dma_start3A_167] : memref<8x1000x128xf32, #tpu.memory_space<vmem_shared>> -> memref<1x1000x128xf32, #tpu.memory_space<vmem_shared>>
        %dma_start3A_169 = tpu.memref_squeeze %dma_start3A_168 : memref<1x1000x128xf32, #tpu.memory_space<vmem_shared>> -> memref<1000x128xf32, #tpu.memory_space<vmem_shared>>
        %dma_start3A_170 = arith.constant 840 : i32
        %dma_start3A_171 = arith.constant 0 : i32
        %dma_start3A_172 = tpu.memref_slice %dma_start3A_169[%dma_start3A_170, %dma_start3A_171] : memref<1000x128xf32, #tpu.memory_space<vmem_shared>> -> memref<160x128xf32, #tpu.memory_space<vmem_shared>>
        %dma_start3A_173 = arith.constant 0 : i32
        %dma_start3A_174 = arith.constant 0 : i32
        %dma_start3A_175 = tpu.memref_slice %arg2[%run_scoped3A_163, %dma_start3A_173, %dma_start3A_174] : memref<8x1000x128xf32, #tpu.memory_space<hbm>> -> memref<1x1000x128xf32, #tpu.memory_space<hbm>>
        %dma_start3A_176 = tpu.memref_squeeze %dma_start3A_175 : memref<1x1000x128xf32, #tpu.memory_space<hbm>> -> memref<1000x128xf32, #tpu.memory_space<hbm>>
        %dma_start3A_177 = arith.constant 840 : i32
        %dma_start3A_178 = arith.constant 0 : i32
        %dma_start3A_179 = tpu.memref_slice %dma_start3A_176[%dma_start3A_177, %dma_start3A_178] : memref<1000x128xf32, #tpu.memory_space<hbm>> -> memref<160x128xf32, #tpu.memory_space<hbm>>
        tpu.enqueue_dma source(%dma_start3A_179 : memref<160x128xf32, #tpu.memory_space<hbm>>) target(%dma_start3A_172 : memref<160x128xf32, #tpu.memory_space<vmem_shared>>) target_semaphore(%run_scoped3A_165 : memref<!tpu.dma_semaphore, #tpu.memory_space<semaphore_mem>>)
        %dma_wait3A_180 = arith.constant 0 : i32
        %dma_wait3A_181 = arith.constant 0 : i32
        %dma_wait3A_182 = tpu.memref_slice %arg6[%run_scoped3A_164, %dma_wait3A_180, %dma_wait3A_181] : memref<8x1000x128xf32, #tpu.memory_space<vmem_shared>> -> memref<1x1000x128xf32, #tpu.memory_space<vmem_shared>>
        %dma_wait3A_183 = tpu.memref_squeeze %dma_wait3A_182 : memref<1x1000x128xf32, #tpu.memory_space<vmem_shared>> -> memref<1000x128xf32, #tpu.memory_space<vmem_shared>>
        %dma_wait3A_184 = arith.constant 840 : i32
        %dma_wait3A_185 = arith.constant 0 : i32
        %dma_wait3A_186 = tpu.memref_slice %dma_wait3A_183[%dma_wait3A_184, %dma_wait3A_185] : memref<1000x128xf32, #tpu.memory_space<vmem_shared>> -> memref<160x128xf32, #tpu.memory_space<vmem_shared>>
        %dma_wait3A_187 = arith.constant 0 : i32
        %dma_wait3A_188 = arith.constant 0 : i32
        %dma_wait3A_189 = tpu.memref_slice %arg2[%run_scoped3A_163, %dma_wait3A_187, %dma_wait3A_188] : memref<8x1000x128xf32, #tpu.memory_space<hbm>> -> memref<1x1000x128xf32, #tpu.memory_space<hbm>>
        %dma_wait3A_190 = tpu.memref_squeeze %dma_wait3A_189 : memref<1x1000x128xf32, #tpu.memory_space<hbm>> -> memref<1000x128xf32, #tpu.memory_space<hbm>>
        %dma_wait3A_191 = arith.constant 840 : i32
        %dma_wait3A_192 = arith.constant 0 : i32
        %dma_wait3A_193 = tpu.memref_slice %dma_wait3A_190[%dma_wait3A_191, %dma_wait3A_192] : memref<1000x128xf32, #tpu.memory_space<hbm>> -> memref<160x128xf32, #tpu.memory_space<hbm>>
        tpu.wait_dma2 semaphore(%run_scoped3A_165 : memref<!tpu.dma_semaphore, #tpu.memory_space<semaphore_mem>>) src(%dma_wait3A_193 : memref<160x128xf32, #tpu.memory_space<hbm>>) dst(%dma_wait3A_186 : memref<160x128xf32, #tpu.memory_space<vmem_shared>>)
        tpu.yield
      }) : () -> ()
    } else {
    }
    %lt3A_47 = arith.constant 15 : i32
    %lt3A_48 = arith.cmpi slt, %arg1, %lt3A_47 : i32
    %convert_element_type3A_49 = arith.extui %lt3A_48 : i1 to i32
    %cond3A_50 = arith.constant 0 : i32
    %cond3A_51 = arith.cmpi ne, %convert_element_type3A_49, %cond3A_50 : i32
    scf.if %cond3A_51 {
      %mul3A_163 = arith.constant 56 : i32
      %mul3A_164 = arith.muli %arg1, %mul3A_163 : i32
      %mul3A_165 = arith.constant 56 : i32
      %mul3A_166 = arith.muli %arg1, %mul3A_165 : i32
      %run_scoped3A_167 = arith.constant 5 : i32
      %run_scoped3A_168 = arith.constant 5 : i32
      "tpu.region"() ({
        %run_scoped3A_169 = tpu.sem_alloc : memref<!tpu.dma_semaphore, #tpu.memory_space<semaphore_mem>>
        %dma_start3A_170 = arith.constant 0 : i32
        %dma_start3A_171 = arith.constant 0 : i32
        %dma_start3A_172 = tpu.memref_slice %arg6[%run_scoped3A_168, %dma_start3A_170, %dma_start3A_171] : memref<8x1000x128xf32, #tpu.memory_space<vmem_shared>> -> memref<1x1000x128xf32, #tpu.memory_space<vmem_shared>>
        %dma_start3A_173 = tpu.memref_squeeze %dma_start3A_172 : memref<1x1000x128xf32, #tpu.memory_space<vmem_shared>> -> memref<1000x128xf32, #tpu.memory_space<vmem_shared>>
        %dma_start3A_174 = arith.constant 0 : i32
        %dma_start3A_175 = tpu.memref_slice %dma_start3A_173[%mul3A_166, %dma_start3A_174] : memref<1000x128xf32, #tpu.memory_space<vmem_shared>> -> memref<56x128xf32, #tpu.memory_space<vmem_shared>>
        %dma_start3A_176 = arith.constant 0 : i32
        %dma_start3A_177 = arith.constant 0 : i32
        %dma_start3A_178 = tpu.memref_slice %arg2[%run_scoped3A_167, %dma_start3A_176, %dma_start3A_177] : memref<8x1000x128xf32, #tpu.memory_space<hbm>> -> memref<1x1000x128xf32, #tpu.memory_space<hbm>>
        %dma_start3A_179 = tpu.memref_squeeze %dma_start3A_178 : memref<1x1000x128xf32, #tpu.memory_space<hbm>> -> memref<1000x128xf32, #tpu.memory_space<hbm>>
        %dma_start3A_180 = arith.constant 0 : i32
        %dma_start3A_181 = tpu.memref_slice %dma_start3A_179[%mul3A_164, %dma_start3A_180] : memref<1000x128xf32, #tpu.memory_space<hbm>> -> memref<56x128xf32, #tpu.memory_space<hbm>>
        tpu.enqueue_dma source(%dma_start3A_181 : memref<56x128xf32, #tpu.memory_space<hbm>>) target(%dma_start3A_175 : memref<56x128xf32, #tpu.memory_space<vmem_shared>>) target_semaphore(%run_scoped3A_169 : memref<!tpu.dma_semaphore, #tpu.memory_space<semaphore_mem>>)
        %dma_wait3A_182 = arith.constant 0 : i32
        %dma_wait3A_183 = arith.constant 0 : i32
        %dma_wait3A_184 = tpu.memref_slice %arg6[%run_scoped3A_168, %dma_wait3A_182, %dma_wait3A_183] : memref<8x1000x128xf32, #tpu.memory_space<vmem_shared>> -> memref<1x1000x128xf32, #tpu.memory_space<vmem_shared>>
        %dma_wait3A_185 = tpu.memref_squeeze %dma_wait3A_184 : memref<1x1000x128xf32, #tpu.memory_space<vmem_shared>> -> memref<1000x128xf32, #tpu.memory_space<vmem_shared>>
        %dma_wait3A_186 = arith.constant 0 : i32
        %dma_wait3A_187 = tpu.memref_slice %dma_wait3A_185[%mul3A_166, %dma_wait3A_186] : memref<1000x128xf32, #tpu.memory_space<vmem_shared>> -> memref<56x128xf32, #tpu.memory_space<vmem_shared>>
        %dma_wait3A_188 = arith.constant 0 : i32
        %dma_wait3A_189 = arith.constant 0 : i32
        %dma_wait3A_190 = tpu.memref_slice %arg2[%run_scoped3A_167, %dma_wait3A_188, %dma_wait3A_189] : memref<8x1000x128xf32, #tpu.memory_space<hbm>> -> memref<1x1000x128xf32, #tpu.memory_space<hbm>>
        %dma_wait3A_191 = tpu.memref_squeeze %dma_wait3A_190 : memref<1x1000x128xf32, #tpu.memory_space<hbm>> -> memref<1000x128xf32, #tpu.memory_space<hbm>>
        %dma_wait3A_192 = arith.constant 0 : i32
        %dma_wait3A_193 = tpu.memref_slice %dma_wait3A_191[%mul3A_164, %dma_wait3A_192] : memref<1000x128xf32, #tpu.memory_space<hbm>> -> memref<56x128xf32, #tpu.memory_space<hbm>>
        tpu.wait_dma2 semaphore(%run_scoped3A_169 : memref<!tpu.dma_semaphore, #tpu.memory_space<semaphore_mem>>) src(%dma_wait3A_193 : memref<56x128xf32, #tpu.memory_space<hbm>>) dst(%dma_wait3A_187 : memref<56x128xf32, #tpu.memory_space<vmem_shared>>)
        tpu.yield
      }) : () -> ()
    } else {
    }
    %eq3A_52 = arith.constant 15 : i32
    %eq3A_53 = arith.cmpi eq, %arg1, %eq3A_52 : i32
    %convert_element_type3A_54 = arith.extui %eq3A_53 : i1 to i32
    %cond3A_55 = arith.constant 0 : i32
    %cond3A_56 = arith.cmpi ne, %convert_element_type3A_54, %cond3A_55 : i32
    scf.if %cond3A_56 {
      %run_scoped3A_163 = arith.constant 5 : i32
      %run_scoped3A_164 = arith.constant 5 : i32
      "tpu.region"() ({
        %run_scoped3A_165 = tpu.sem_alloc : memref<!tpu.dma_semaphore, #tpu.memory_space<semaphore_mem>>
        %dma_start3A_166 = arith.constant 0 : i32
        %dma_start3A_167 = arith.constant 0 : i32
        %dma_start3A_168 = tpu.memref_slice %arg6[%run_scoped3A_164, %dma_start3A_166, %dma_start3A_167] : memref<8x1000x128xf32, #tpu.memory_space<vmem_shared>> -> memref<1x1000x128xf32, #tpu.memory_space<vmem_shared>>
        %dma_start3A_169 = tpu.memref_squeeze %dma_start3A_168 : memref<1x1000x128xf32, #tpu.memory_space<vmem_shared>> -> memref<1000x128xf32, #tpu.memory_space<vmem_shared>>
        %dma_start3A_170 = arith.constant 840 : i32
        %dma_start3A_171 = arith.constant 0 : i32
        %dma_start3A_172 = tpu.memref_slice %dma_start3A_169[%dma_start3A_170, %dma_start3A_171] : memref<1000x128xf32, #tpu.memory_space<vmem_shared>> -> memref<160x128xf32, #tpu.memory_space<vmem_shared>>
        %dma_start3A_173 = arith.constant 0 : i32
        %dma_start3A_174 = arith.constant 0 : i32
        %dma_start3A_175 = tpu.memref_slice %arg2[%run_scoped3A_163, %dma_start3A_173, %dma_start3A_174] : memref<8x1000x128xf32, #tpu.memory_space<hbm>> -> memref<1x1000x128xf32, #tpu.memory_space<hbm>>
        %dma_start3A_176 = tpu.memref_squeeze %dma_start3A_175 : memref<1x1000x128xf32, #tpu.memory_space<hbm>> -> memref<1000x128xf32, #tpu.memory_space<hbm>>
        %dma_start3A_177 = arith.constant 840 : i32
        %dma_start3A_178 = arith.constant 0 : i32
        %dma_start3A_179 = tpu.memref_slice %dma_start3A_176[%dma_start3A_177, %dma_start3A_178] : memref<1000x128xf32, #tpu.memory_space<hbm>> -> memref<160x128xf32, #tpu.memory_space<hbm>>
        tpu.enqueue_dma source(%dma_start3A_179 : memref<160x128xf32, #tpu.memory_space<hbm>>) target(%dma_start3A_172 : memref<160x128xf32, #tpu.memory_space<vmem_shared>>) target_semaphore(%run_scoped3A_165 : memref<!tpu.dma_semaphore, #tpu.memory_space<semaphore_mem>>)
        %dma_wait3A_180 = arith.constant 0 : i32
        %dma_wait3A_181 = arith.constant 0 : i32
        %dma_wait3A_182 = tpu.memref_slice %arg6[%run_scoped3A_164, %dma_wait3A_180, %dma_wait3A_181] : memref<8x1000x128xf32, #tpu.memory_space<vmem_shared>> -> memref<1x1000x128xf32, #tpu.memory_space<vmem_shared>>
        %dma_wait3A_183 = tpu.memref_squeeze %dma_wait3A_182 : memref<1x1000x128xf32, #tpu.memory_space<vmem_shared>> -> memref<1000x128xf32, #tpu.memory_space<vmem_shared>>
        %dma_wait3A_184 = arith.constant 840 : i32
        %dma_wait3A_185 = arith.constant 0 : i32
        %dma_wait3A_186 = tpu.memref_slice %dma_wait3A_183[%dma_wait3A_184, %dma_wait3A_185] : memref<1000x128xf32, #tpu.memory_space<vmem_shared>> -> memref<160x128xf32, #tpu.memory_space<vmem_shared>>
        %dma_wait3A_187 = arith.constant 0 : i32
        %dma_wait3A_188 = arith.constant 0 : i32
        %dma_wait3A_189 = tpu.memref_slice %arg2[%run_scoped3A_163, %dma_wait3A_187, %dma_wait3A_188] : memref<8x1000x128xf32, #tpu.memory_space<hbm>> -> memref<1x1000x128xf32, #tpu.memory_space<hbm>>
        %dma_wait3A_190 = tpu.memref_squeeze %dma_wait3A_189 : memref<1x1000x128xf32, #tpu.memory_space<hbm>> -> memref<1000x128xf32, #tpu.memory_space<hbm>>
        %dma_wait3A_191 = arith.constant 840 : i32
        %dma_wait3A_192 = arith.constant 0 : i32
        %dma_wait3A_193 = tpu.memref_slice %dma_wait3A_190[%dma_wait3A_191, %dma_wait3A_192] : memref<1000x128xf32, #tpu.memory_space<hbm>> -> memref<160x128xf32, #tpu.memory_space<hbm>>
        tpu.wait_dma2 semaphore(%run_scoped3A_165 : memref<!tpu.dma_semaphore, #tpu.memory_space<semaphore_mem>>) src(%dma_wait3A_193 : memref<160x128xf32, #tpu.memory_space<hbm>>) dst(%dma_wait3A_186 : memref<160x128xf32, #tpu.memory_space<vmem_shared>>)
        tpu.yield
      }) : () -> ()
    } else {
    }
    %lt3A_57 = arith.constant 15 : i32
    %lt3A_58 = arith.cmpi slt, %arg1, %lt3A_57 : i32
    %convert_element_type3A_59 = arith.extui %lt3A_58 : i1 to i32
    %cond3A_60 = arith.constant 0 : i32
    %cond3A_61 = arith.cmpi ne, %convert_element_type3A_59, %cond3A_60 : i32
    scf.if %cond3A_61 {
      %mul3A_163 = arith.constant 56 : i32
      %mul3A_164 = arith.muli %arg1, %mul3A_163 : i32
      %mul3A_165 = arith.constant 56 : i32
      %mul3A_166 = arith.muli %arg1, %mul3A_165 : i32
      %run_scoped3A_167 = arith.constant 6 : i32
      %run_scoped3A_168 = arith.constant 6 : i32
      "tpu.region"() ({
        %run_scoped3A_169 = tpu.sem_alloc : memref<!tpu.dma_semaphore, #tpu.memory_space<semaphore_mem>>
        %dma_start3A_170 = arith.constant 0 : i32
        %dma_start3A_171 = arith.constant 0 : i32
        %dma_start3A_172 = tpu.memref_slice %arg6[%run_scoped3A_168, %dma_start3A_170, %dma_start3A_171] : memref<8x1000x128xf32, #tpu.memory_space<vmem_shared>> -> memref<1x1000x128xf32, #tpu.memory_space<vmem_shared>>
        %dma_start3A_173 = tpu.memref_squeeze %dma_start3A_172 : memref<1x1000x128xf32, #tpu.memory_space<vmem_shared>> -> memref<1000x128xf32, #tpu.memory_space<vmem_shared>>
        %dma_start3A_174 = arith.constant 0 : i32
        %dma_start3A_175 = tpu.memref_slice %dma_start3A_173[%mul3A_166, %dma_start3A_174] : memref<1000x128xf32, #tpu.memory_space<vmem_shared>> -> memref<56x128xf32, #tpu.memory_space<vmem_shared>>
        %dma_start3A_176 = arith.constant 0 : i32
        %dma_start3A_177 = arith.constant 0 : i32
        %dma_start3A_178 = tpu.memref_slice %arg2[%run_scoped3A_167, %dma_start3A_176, %dma_start3A_177] : memref<8x1000x128xf32, #tpu.memory_space<hbm>> -> memref<1x1000x128xf32, #tpu.memory_space<hbm>>
        %dma_start3A_179 = tpu.memref_squeeze %dma_start3A_178 : memref<1x1000x128xf32, #tpu.memory_space<hbm>> -> memref<1000x128xf32, #tpu.memory_space<hbm>>
        %dma_start3A_180 = arith.constant 0 : i32
        %dma_start3A_181 = tpu.memref_slice %dma_start3A_179[%mul3A_164, %dma_start3A_180] : memref<1000x128xf32, #tpu.memory_space<hbm>> -> memref<56x128xf32, #tpu.memory_space<hbm>>
        tpu.enqueue_dma source(%dma_start3A_181 : memref<56x128xf32, #tpu.memory_space<hbm>>) target(%dma_start3A_175 : memref<56x128xf32, #tpu.memory_space<vmem_shared>>) target_semaphore(%run_scoped3A_169 : memref<!tpu.dma_semaphore, #tpu.memory_space<semaphore_mem>>)
        %dma_wait3A_182 = arith.constant 0 : i32
        %dma_wait3A_183 = arith.constant 0 : i32
        %dma_wait3A_184 = tpu.memref_slice %arg6[%run_scoped3A_168, %dma_wait3A_182, %dma_wait3A_183] : memref<8x1000x128xf32, #tpu.memory_space<vmem_shared>> -> memref<1x1000x128xf32, #tpu.memory_space<vmem_shared>>
        %dma_wait3A_185 = tpu.memref_squeeze %dma_wait3A_184 : memref<1x1000x128xf32, #tpu.memory_space<vmem_shared>> -> memref<1000x128xf32, #tpu.memory_space<vmem_shared>>
        %dma_wait3A_186 = arith.constant 0 : i32
        %dma_wait3A_187 = tpu.memref_slice %dma_wait3A_185[%mul3A_166, %dma_wait3A_186] : memref<1000x128xf32, #tpu.memory_space<vmem_shared>> -> memref<56x128xf32, #tpu.memory_space<vmem_shared>>
        %dma_wait3A_188 = arith.constant 0 : i32
        %dma_wait3A_189 = arith.constant 0 : i32
        %dma_wait3A_190 = tpu.memref_slice %arg2[%run_scoped3A_167, %dma_wait3A_188, %dma_wait3A_189] : memref<8x1000x128xf32, #tpu.memory_space<hbm>> -> memref<1x1000x128xf32, #tpu.memory_space<hbm>>
        %dma_wait3A_191 = tpu.memref_squeeze %dma_wait3A_190 : memref<1x1000x128xf32, #tpu.memory_space<hbm>> -> memref<1000x128xf32, #tpu.memory_space<hbm>>
        %dma_wait3A_192 = arith.constant 0 : i32
        %dma_wait3A_193 = tpu.memref_slice %dma_wait3A_191[%mul3A_164, %dma_wait3A_192] : memref<1000x128xf32, #tpu.memory_space<hbm>> -> memref<56x128xf32, #tpu.memory_space<hbm>>
        tpu.wait_dma2 semaphore(%run_scoped3A_169 : memref<!tpu.dma_semaphore, #tpu.memory_space<semaphore_mem>>) src(%dma_wait3A_193 : memref<56x128xf32, #tpu.memory_space<hbm>>) dst(%dma_wait3A_187 : memref<56x128xf32, #tpu.memory_space<vmem_shared>>)
        tpu.yield
      }) : () -> ()
    } else {
    }
    %eq3A_62 = arith.constant 15 : i32
    %eq3A_63 = arith.cmpi eq, %arg1, %eq3A_62 : i32
    %convert_element_type3A_64 = arith.extui %eq3A_63 : i1 to i32
    %cond3A_65 = arith.constant 0 : i32
    %cond3A_66 = arith.cmpi ne, %convert_element_type3A_64, %cond3A_65 : i32
    scf.if %cond3A_66 {
      %run_scoped3A_163 = arith.constant 6 : i32
      %run_scoped3A_164 = arith.constant 6 : i32
      "tpu.region"() ({
        %run_scoped3A_165 = tpu.sem_alloc : memref<!tpu.dma_semaphore, #tpu.memory_space<semaphore_mem>>
        %dma_start3A_166 = arith.constant 0 : i32
        %dma_start3A_167 = arith.constant 0 : i32
        %dma_start3A_168 = tpu.memref_slice %arg6[%run_scoped3A_164, %dma_start3A_166, %dma_start3A_167] : memref<8x1000x128xf32, #tpu.memory_space<vmem_shared>> -> memref<1x1000x128xf32, #tpu.memory_space<vmem_shared>>
        %dma_start3A_169 = tpu.memref_squeeze %dma_start3A_168 : memref<1x1000x128xf32, #tpu.memory_space<vmem_shared>> -> memref<1000x128xf32, #tpu.memory_space<vmem_shared>>
        %dma_start3A_170 = arith.constant 840 : i32
        %dma_start3A_171 = arith.constant 0 : i32
        %dma_start3A_172 = tpu.memref_slice %dma_start3A_169[%dma_start3A_170, %dma_start3A_171] : memref<1000x128xf32, #tpu.memory_space<vmem_shared>> -> memref<160x128xf32, #tpu.memory_space<vmem_shared>>
        %dma_start3A_173 = arith.constant 0 : i32
        %dma_start3A_174 = arith.constant 0 : i32
        %dma_start3A_175 = tpu.memref_slice %arg2[%run_scoped3A_163, %dma_start3A_173, %dma_start3A_174] : memref<8x1000x128xf32, #tpu.memory_space<hbm>> -> memref<1x1000x128xf32, #tpu.memory_space<hbm>>
        %dma_start3A_176 = tpu.memref_squeeze %dma_start3A_175 : memref<1x1000x128xf32, #tpu.memory_space<hbm>> -> memref<1000x128xf32, #tpu.memory_space<hbm>>
        %dma_start3A_177 = arith.constant 840 : i32
        %dma_start3A_178 = arith.constant 0 : i32
        %dma_start3A_179 = tpu.memref_slice %dma_start3A_176[%dma_start3A_177, %dma_start3A_178] : memref<1000x128xf32, #tpu.memory_space<hbm>> -> memref<160x128xf32, #tpu.memory_space<hbm>>
        tpu.enqueue_dma source(%dma_start3A_179 : memref<160x128xf32, #tpu.memory_space<hbm>>) target(%dma_start3A_172 : memref<160x128xf32, #tpu.memory_space<vmem_shared>>) target_semaphore(%run_scoped3A_165 : memref<!tpu.dma_semaphore, #tpu.memory_space<semaphore_mem>>)
        %dma_wait3A_180 = arith.constant 0 : i32
        %dma_wait3A_181 = arith.constant 0 : i32
        %dma_wait3A_182 = tpu.memref_slice %arg6[%run_scoped3A_164, %dma_wait3A_180, %dma_wait3A_181] : memref<8x1000x128xf32, #tpu.memory_space<vmem_shared>> -> memref<1x1000x128xf32, #tpu.memory_space<vmem_shared>>
        %dma_wait3A_183 = tpu.memref_squeeze %dma_wait3A_182 : memref<1x1000x128xf32, #tpu.memory_space<vmem_shared>> -> memref<1000x128xf32, #tpu.memory_space<vmem_shared>>
        %dma_wait3A_184 = arith.constant 840 : i32
        %dma_wait3A_185 = arith.constant 0 : i32
        %dma_wait3A_186 = tpu.memref_slice %dma_wait3A_183[%dma_wait3A_184, %dma_wait3A_185] : memref<1000x128xf32, #tpu.memory_space<vmem_shared>> -> memref<160x128xf32, #tpu.memory_space<vmem_shared>>
        %dma_wait3A_187 = arith.constant 0 : i32
        %dma_wait3A_188 = arith.constant 0 : i32
        %dma_wait3A_189 = tpu.memref_slice %arg2[%run_scoped3A_163, %dma_wait3A_187, %dma_wait3A_188] : memref<8x1000x128xf32, #tpu.memory_space<hbm>> -> memref<1x1000x128xf32, #tpu.memory_space<hbm>>
        %dma_wait3A_190 = tpu.memref_squeeze %dma_wait3A_189 : memref<1x1000x128xf32, #tpu.memory_space<hbm>> -> memref<1000x128xf32, #tpu.memory_space<hbm>>
        %dma_wait3A_191 = arith.constant 840 : i32
        %dma_wait3A_192 = arith.constant 0 : i32
        %dma_wait3A_193 = tpu.memref_slice %dma_wait3A_190[%dma_wait3A_191, %dma_wait3A_192] : memref<1000x128xf32, #tpu.memory_space<hbm>> -> memref<160x128xf32, #tpu.memory_space<hbm>>
        tpu.wait_dma2 semaphore(%run_scoped3A_165 : memref<!tpu.dma_semaphore, #tpu.memory_space<semaphore_mem>>) src(%dma_wait3A_193 : memref<160x128xf32, #tpu.memory_space<hbm>>) dst(%dma_wait3A_186 : memref<160x128xf32, #tpu.memory_space<vmem_shared>>)
        tpu.yield
      }) : () -> ()
    } else {
    }
    %lt3A_67 = arith.constant 15 : i32
    %lt3A_68 = arith.cmpi slt, %arg1, %lt3A_67 : i32
    %convert_element_type3A_69 = arith.extui %lt3A_68 : i1 to i32
    %cond3A_70 = arith.constant 0 : i32
    %cond3A_71 = arith.cmpi ne, %convert_element_type3A_69, %cond3A_70 : i32
    scf.if %cond3A_71 {
      %mul3A_163 = arith.constant 56 : i32
      %mul3A_164 = arith.muli %arg1, %mul3A_163 : i32
      %mul3A_165 = arith.constant 56 : i32
      %mul3A_166 = arith.muli %arg1, %mul3A_165 : i32
      %run_scoped3A_167 = arith.constant 7 : i32
      %run_scoped3A_168 = arith.constant 7 : i32
      "tpu.region"() ({
        %run_scoped3A_169 = tpu.sem_alloc : memref<!tpu.dma_semaphore, #tpu.memory_space<semaphore_mem>>
        %dma_start3A_170 = arith.constant 0 : i32
        %dma_start3A_171 = arith.constant 0 : i32
        %dma_start3A_172 = tpu.memref_slice %arg6[%run_scoped3A_168, %dma_start3A_170, %dma_start3A_171] : memref<8x1000x128xf32, #tpu.memory_space<vmem_shared>> -> memref<1x1000x128xf32, #tpu.memory_space<vmem_shared>>
        %dma_start3A_173 = tpu.memref_squeeze %dma_start3A_172 : memref<1x1000x128xf32, #tpu.memory_space<vmem_shared>> -> memref<1000x128xf32, #tpu.memory_space<vmem_shared>>
        %dma_start3A_174 = arith.constant 0 : i32
        %dma_start3A_175 = tpu.memref_slice %dma_start3A_173[%mul3A_166, %dma_start3A_174] : memref<1000x128xf32, #tpu.memory_space<vmem_shared>> -> memref<56x128xf32, #tpu.memory_space<vmem_shared>>
        %dma_start3A_176 = arith.constant 0 : i32
        %dma_start3A_177 = arith.constant 0 : i32
        %dma_start3A_178 = tpu.memref_slice %arg2[%run_scoped3A_167, %dma_start3A_176, %dma_start3A_177] : memref<8x1000x128xf32, #tpu.memory_space<hbm>> -> memref<1x1000x128xf32, #tpu.memory_space<hbm>>
        %dma_start3A_179 = tpu.memref_squeeze %dma_start3A_178 : memref<1x1000x128xf32, #tpu.memory_space<hbm>> -> memref<1000x128xf32, #tpu.memory_space<hbm>>
        %dma_start3A_180 = arith.constant 0 : i32
        %dma_start3A_181 = tpu.memref_slice %dma_start3A_179[%mul3A_164, %dma_start3A_180] : memref<1000x128xf32, #tpu.memory_space<hbm>> -> memref<56x128xf32, #tpu.memory_space<hbm>>
        tpu.enqueue_dma source(%dma_start3A_181 : memref<56x128xf32, #tpu.memory_space<hbm>>) target(%dma_start3A_175 : memref<56x128xf32, #tpu.memory_space<vmem_shared>>) target_semaphore(%run_scoped3A_169 : memref<!tpu.dma_semaphore, #tpu.memory_space<semaphore_mem>>)
        %dma_wait3A_182 = arith.constant 0 : i32
        %dma_wait3A_183 = arith.constant 0 : i32
        %dma_wait3A_184 = tpu.memref_slice %arg6[%run_scoped3A_168, %dma_wait3A_182, %dma_wait3A_183] : memref<8x1000x128xf32, #tpu.memory_space<vmem_shared>> -> memref<1x1000x128xf32, #tpu.memory_space<vmem_shared>>
        %dma_wait3A_185 = tpu.memref_squeeze %dma_wait3A_184 : memref<1x1000x128xf32, #tpu.memory_space<vmem_shared>> -> memref<1000x128xf32, #tpu.memory_space<vmem_shared>>
        %dma_wait3A_186 = arith.constant 0 : i32
        %dma_wait3A_187 = tpu.memref_slice %dma_wait3A_185[%mul3A_166, %dma_wait3A_186] : memref<1000x128xf32, #tpu.memory_space<vmem_shared>> -> memref<56x128xf32, #tpu.memory_space<vmem_shared>>
        %dma_wait3A_188 = arith.constant 0 : i32
        %dma_wait3A_189 = arith.constant 0 : i32
        %dma_wait3A_190 = tpu.memref_slice %arg2[%run_scoped3A_167, %dma_wait3A_188, %dma_wait3A_189] : memref<8x1000x128xf32, #tpu.memory_space<hbm>> -> memref<1x1000x128xf32, #tpu.memory_space<hbm>>
        %dma_wait3A_191 = tpu.memref_squeeze %dma_wait3A_190 : memref<1x1000x128xf32, #tpu.memory_space<hbm>> -> memref<1000x128xf32, #tpu.memory_space<hbm>>
        %dma_wait3A_192 = arith.constant 0 : i32
        %dma_wait3A_193 = tpu.memref_slice %dma_wait3A_191[%mul3A_164, %dma_wait3A_192] : memref<1000x128xf32, #tpu.memory_space<hbm>> -> memref<56x128xf32, #tpu.memory_space<hbm>>
        tpu.wait_dma2 semaphore(%run_scoped3A_169 : memref<!tpu.dma_semaphore, #tpu.memory_space<semaphore_mem>>) src(%dma_wait3A_193 : memref<56x128xf32, #tpu.memory_space<hbm>>) dst(%dma_wait3A_187 : memref<56x128xf32, #tpu.memory_space<vmem_shared>>)
        tpu.yield
      }) : () -> ()
    } else {
    }
    %eq3A_72 = arith.constant 15 : i32
    %eq3A_73 = arith.cmpi eq, %arg1, %eq3A_72 : i32
    %convert_element_type3A_74 = arith.extui %eq3A_73 : i1 to i32
    %cond3A_75 = arith.constant 0 : i32
    %cond3A_76 = arith.cmpi ne, %convert_element_type3A_74, %cond3A_75 : i32
    scf.if %cond3A_76 {
      %run_scoped3A_163 = arith.constant 7 : i32
      %run_scoped3A_164 = arith.constant 7 : i32
      "tpu.region"() ({
        %run_scoped3A_165 = tpu.sem_alloc : memref<!tpu.dma_semaphore, #tpu.memory_space<semaphore_mem>>
        %dma_start3A_166 = arith.constant 0 : i32
        %dma_start3A_167 = arith.constant 0 : i32
        %dma_start3A_168 = tpu.memref_slice %arg6[%run_scoped3A_164, %dma_start3A_166, %dma_start3A_167] : memref<8x1000x128xf32, #tpu.memory_space<vmem_shared>> -> memref<1x1000x128xf32, #tpu.memory_space<vmem_shared>>
        %dma_start3A_169 = tpu.memref_squeeze %dma_start3A_168 : memref<1x1000x128xf32, #tpu.memory_space<vmem_shared>> -> memref<1000x128xf32, #tpu.memory_space<vmem_shared>>
        %dma_start3A_170 = arith.constant 840 : i32
        %dma_start3A_171 = arith.constant 0 : i32
        %dma_start3A_172 = tpu.memref_slice %dma_start3A_169[%dma_start3A_170, %dma_start3A_171] : memref<1000x128xf32, #tpu.memory_space<vmem_shared>> -> memref<160x128xf32, #tpu.memory_space<vmem_shared>>
        %dma_start3A_173 = arith.constant 0 : i32
        %dma_start3A_174 = arith.constant 0 : i32
        %dma_start3A_175 = tpu.memref_slice %arg2[%run_scoped3A_163, %dma_start3A_173, %dma_start3A_174] : memref<8x1000x128xf32, #tpu.memory_space<hbm>> -> memref<1x1000x128xf32, #tpu.memory_space<hbm>>
        %dma_start3A_176 = tpu.memref_squeeze %dma_start3A_175 : memref<1x1000x128xf32, #tpu.memory_space<hbm>> -> memref<1000x128xf32, #tpu.memory_space<hbm>>
        %dma_start3A_177 = arith.constant 840 : i32
        %dma_start3A_178 = arith.constant 0 : i32
        %dma_start3A_179 = tpu.memref_slice %dma_start3A_176[%dma_start3A_177, %dma_start3A_178] : memref<1000x128xf32, #tpu.memory_space<hbm>> -> memref<160x128xf32, #tpu.memory_space<hbm>>
        tpu.enqueue_dma source(%dma_start3A_179 : memref<160x128xf32, #tpu.memory_space<hbm>>) target(%dma_start3A_172 : memref<160x128xf32, #tpu.memory_space<vmem_shared>>) target_semaphore(%run_scoped3A_165 : memref<!tpu.dma_semaphore, #tpu.memory_space<semaphore_mem>>)
        %dma_wait3A_180 = arith.constant 0 : i32
        %dma_wait3A_181 = arith.constant 0 : i32
        %dma_wait3A_182 = tpu.memref_slice %arg6[%run_scoped3A_164, %dma_wait3A_180, %dma_wait3A_181] : memref<8x1000x128xf32, #tpu.memory_space<vmem_shared>> -> memref<1x1000x128xf32, #tpu.memory_space<vmem_shared>>
        %dma_wait3A_183 = tpu.memref_squeeze %dma_wait3A_182 : memref<1x1000x128xf32, #tpu.memory_space<vmem_shared>> -> memref<1000x128xf32, #tpu.memory_space<vmem_shared>>
        %dma_wait3A_184 = arith.constant 840 : i32
        %dma_wait3A_185 = arith.constant 0 : i32
        %dma_wait3A_186 = tpu.memref_slice %dma_wait3A_183[%dma_wait3A_184, %dma_wait3A_185] : memref<1000x128xf32, #tpu.memory_space<vmem_shared>> -> memref<160x128xf32, #tpu.memory_space<vmem_shared>>
        %dma_wait3A_187 = arith.constant 0 : i32
        %dma_wait3A_188 = arith.constant 0 : i32
        %dma_wait3A_189 = tpu.memref_slice %arg2[%run_scoped3A_163, %dma_wait3A_187, %dma_wait3A_188] : memref<8x1000x128xf32, #tpu.memory_space<hbm>> -> memref<1x1000x128xf32, #tpu.memory_space<hbm>>
        %dma_wait3A_190 = tpu.memref_squeeze %dma_wait3A_189 : memref<1x1000x128xf32, #tpu.memory_space<hbm>> -> memref<1000x128xf32, #tpu.memory_space<hbm>>
        %dma_wait3A_191 = arith.constant 840 : i32
        %dma_wait3A_192 = arith.constant 0 : i32
        %dma_wait3A_193 = tpu.memref_slice %dma_wait3A_190[%dma_wait3A_191, %dma_wait3A_192] : memref<1000x128xf32, #tpu.memory_space<hbm>> -> memref<160x128xf32, #tpu.memory_space<hbm>>
        tpu.wait_dma2 semaphore(%run_scoped3A_165 : memref<!tpu.dma_semaphore, #tpu.memory_space<semaphore_mem>>) src(%dma_wait3A_193 : memref<160x128xf32, #tpu.memory_space<hbm>>) dst(%dma_wait3A_186 : memref<160x128xf32, #tpu.memory_space<vmem_shared>>)
        tpu.yield
      }) : () -> ()
    } else {
    }
    %barrier3A = arith.constant 0 : index
    tpu.barrier barrier_id(%barrier3A)
    %add3A_77 = arith.constant 0 : i32
    %add3A_78 = vector.broadcast %add3A_77 : i32 to vector<16xi32>
    %add3A_79 = arith.addi %iota3A, %add3A_78 : vector<16xi32>
    %add3A_80 = arith.constant 16 : i32
    %add3A_81 = vector.broadcast %add3A_80 : i32 to vector<16xi32>
    %add3A_82 = arith.addi %iota3A, %add3A_81 : vector<16xi32>
    %add3A_83 = arith.constant 32 : i32
    %add3A_84 = vector.broadcast %add3A_83 : i32 to vector<16xi32>
    %add3A_85 = arith.addi %iota3A, %add3A_84 : vector<16xi32>
    %add3A_86 = arith.constant 48 : i32
    %add3A_87 = vector.broadcast %add3A_86 : i32 to vector<16xi32>
    %add3A_88 = arith.addi %iota3A, %add3A_87 : vector<16xi32>
    %add3A_89 = arith.constant 64 : i32
    %add3A_90 = vector.broadcast %add3A_89 : i32 to vector<16xi32>
    %add3A_91 = arith.addi %iota3A, %add3A_90 : vector<16xi32>
    %add3A_92 = arith.constant 80 : i32
    %add3A_93 = vector.broadcast %add3A_92 : i32 to vector<16xi32>
    %add3A_94 = arith.addi %iota3A, %add3A_93 : vector<16xi32>
    %add3A_95 = arith.constant 96 : i32
    %add3A_96 = vector.broadcast %add3A_95 : i32 to vector<16xi32>
    %add3A_97 = arith.addi %iota3A, %add3A_96 : vector<16xi32>
    %add3A_98 = arith.constant 112 : i32
    %add3A_99 = vector.broadcast %add3A_98 : i32 to vector<16xi32>
    %add3A_100 = arith.addi %iota3A, %add3A_99 : vector<16xi32>
    %run_scoped3A = arith.constant 0 : i32
    %run_scoped3A_101 = arith.constant 0 : i32
    "tpu.region"() ({
      %run_scoped3A_163 = tpu.sem_alloc : memref<!tpu.dma_semaphore, #tpu.memory_space<semaphore_mem>>
      %dma_start3A_164 = arith.constant 0 : i32
      %dma_start3A_165 = tpu.memref_slice %arg5[%run_scoped3A_101, %dma_start3A_164] : memref<3x128xi32, #tpu.memory_space<vmem>> -> memref<1x128xi32, #tpu.memory_space<vmem>>
      %dma_start3A_166 = tpu.memref_squeeze %dma_start3A_165 : memref<1x128xi32, #tpu.memory_space<vmem>> -> memref<128xi32, #tpu.memory_space<vmem>>
      %dma_start3A_167 = arith.constant 0 : i32
      %dma_start3A_168 = arith.constant 0 : i32
      %dma_start3A_169 = tpu.memref_slice %arg3[%add3A, %dma_start3A_167, %dma_start3A_168] : memref<32x50x128xi32, #tpu.memory_space<hbm>> -> memref<1x50x128xi32, #tpu.memory_space<hbm>>
      %dma_start3A_170 = tpu.memref_squeeze %dma_start3A_169 : memref<1x50x128xi32, #tpu.memory_space<hbm>> -> memref<50x128xi32, #tpu.memory_space<hbm>>
      %dma_start3A_171 = arith.constant 0 : i32
      %dma_start3A_172 = tpu.memref_slice %dma_start3A_170[%run_scoped3A, %dma_start3A_171] : memref<50x128xi32, #tpu.memory_space<hbm>> -> memref<1x128xi32, #tpu.memory_space<hbm>>
      %dma_start3A_173 = tpu.memref_squeeze %dma_start3A_172 : memref<1x128xi32, #tpu.memory_space<hbm>> -> memref<128xi32, #tpu.memory_space<hbm>>
      %dma_start3A_174 = arith.constant 0 : i32
      %dma_start3A_175 = tpu.memref_slice %arg5[%run_scoped3A_101, %dma_start3A_174] : memref<3x128xi32, #tpu.memory_space<vmem>> -> memref<1x128xi32, #tpu.memory_space<vmem>>
      %dma_start3A_176 = tpu.memref_squeeze %dma_start3A_175 : memref<1x128xi32, #tpu.memory_space<vmem>> -> memref<128xi32, #tpu.memory_space<vmem>>
      %dma_start3A_177 = arith.constant 0 : i32
      %dma_start3A_178 = arith.constant 0 : i32
      %dma_start3A_179 = tpu.memref_slice %arg3[%add3A, %dma_start3A_177, %dma_start3A_178] : memref<32x50x128xi32, #tpu.memory_space<hbm>> -> memref<1x50x128xi32, #tpu.memory_space<hbm>>
      %dma_start3A_180 = tpu.memref_squeeze %dma_start3A_179 : memref<1x50x128xi32, #tpu.memory_space<hbm>> -> memref<50x128xi32, #tpu.memory_space<hbm>>
      %dma_start3A_181 = arith.constant 0 : i32
      %dma_start3A_182 = tpu.memref_slice %dma_start3A_180[%run_scoped3A, %dma_start3A_181] : memref<50x128xi32, #tpu.memory_space<hbm>> -> memref<1x128xi32, #tpu.memory_space<hbm>>
      %dma_start3A_183 = tpu.memref_squeeze %dma_start3A_182 : memref<1x128xi32, #tpu.memory_space<hbm>> -> memref<128xi32, #tpu.memory_space<hbm>>
      tpu.enqueue_dma source(%dma_start3A_183 : memref<128xi32, #tpu.memory_space<hbm>>) target(%dma_start3A_176 : memref<128xi32, #tpu.memory_space<vmem>>) target_semaphore(%run_scoped3A_163 : memref<!tpu.dma_semaphore, #tpu.memory_space<semaphore_mem>>)
      %dma_wait3A_184 = arith.constant 0 : i32
      %dma_wait3A_185 = tpu.memref_slice %arg5[%run_scoped3A_101, %dma_wait3A_184] : memref<3x128xi32, #tpu.memory_space<vmem>> -> memref<1x128xi32, #tpu.memory_space<vmem>>
      %dma_wait3A_186 = tpu.memref_squeeze %dma_wait3A_185 : memref<1x128xi32, #tpu.memory_space<vmem>> -> memref<128xi32, #tpu.memory_space<vmem>>
      %dma_wait3A_187 = arith.constant 0 : i32
      %dma_wait3A_188 = arith.constant 0 : i32
      %dma_wait3A_189 = tpu.memref_slice %arg3[%add3A, %dma_wait3A_187, %dma_wait3A_188] : memref<32x50x128xi32, #tpu.memory_space<hbm>> -> memref<1x50x128xi32, #tpu.memory_space<hbm>>
      %dma_wait3A_190 = tpu.memref_squeeze %dma_wait3A_189 : memref<1x50x128xi32, #tpu.memory_space<hbm>> -> memref<50x128xi32, #tpu.memory_space<hbm>>
      %dma_wait3A_191 = arith.constant 0 : i32
      %dma_wait3A_192 = tpu.memref_slice %dma_wait3A_190[%run_scoped3A, %dma_wait3A_191] : memref<50x128xi32, #tpu.memory_space<hbm>> -> memref<1x128xi32, #tpu.memory_space<hbm>>
      %dma_wait3A_193 = tpu.memref_squeeze %dma_wait3A_192 : memref<1x128xi32, #tpu.memory_space<hbm>> -> memref<128xi32, #tpu.memory_space<hbm>>
      %dma_wait3A_194 = arith.constant 0 : i32
      %dma_wait3A_195 = tpu.memref_slice %arg5[%run_scoped3A_101, %dma_wait3A_194] : memref<3x128xi32, #tpu.memory_space<vmem>> -> memref<1x128xi32, #tpu.memory_space<vmem>>
      %dma_wait3A_196 = tpu.memref_squeeze %dma_wait3A_195 : memref<1x128xi32, #tpu.memory_space<vmem>> -> memref<128xi32, #tpu.memory_space<vmem>>
      %dma_wait3A_197 = arith.constant 0 : i32
      %dma_wait3A_198 = arith.constant 0 : i32
      %dma_wait3A_199 = tpu.memref_slice %arg3[%add3A, %dma_wait3A_197, %dma_wait3A_198] : memref<32x50x128xi32, #tpu.memory_space<hbm>> -> memref<1x50x128xi32, #tpu.memory_space<hbm>>
      %dma_wait3A_200 = tpu.memref_squeeze %dma_wait3A_199 : memref<1x50x128xi32, #tpu.memory_space<hbm>> -> memref<50x128xi32, #tpu.memory_space<hbm>>
      %dma_wait3A_201 = arith.constant 0 : i32
      %dma_wait3A_202 = tpu.memref_slice %dma_wait3A_200[%run_scoped3A, %dma_wait3A_201] : memref<50x128xi32, #tpu.memory_space<hbm>> -> memref<1x128xi32, #tpu.memory_space<hbm>>
      %dma_wait3A_203 = tpu.memref_squeeze %dma_wait3A_202 : memref<1x128xi32, #tpu.memory_space<hbm>> -> memref<128xi32, #tpu.memory_space<hbm>>
      tpu.wait_dma2 semaphore(%run_scoped3A_163 : memref<!tpu.dma_semaphore, #tpu.memory_space<semaphore_mem>>) src(%dma_wait3A_203 : memref<128xi32, #tpu.memory_space<hbm>>) dst(%dma_wait3A_196 : memref<128xi32, #tpu.memory_space<vmem>>)
      tpu.yield
    }) : () -> ()
    %dma_start3A = arith.constant 1 : i32
    %dma_start3A_102 = arith.constant 1 : i32
    %dma_start3A_103 = arith.constant 0 : i32
    %dma_start3A_104 = tpu.memref_slice %arg5[%dma_start3A_102, %dma_start3A_103] : memref<3x128xi32, #tpu.memory_space<vmem>> -> memref<1x128xi32, #tpu.memory_space<vmem>>
    %dma_start3A_105 = tpu.memref_squeeze %dma_start3A_104 : memref<1x128xi32, #tpu.memory_space<vmem>> -> memref<128xi32, #tpu.memory_space<vmem>>
    %dma_start3A_106 = arith.constant 0 : i32
    %dma_start3A_107 = arith.constant 0 : i32
    %dma_start3A_108 = tpu.memref_slice %arg3[%add3A, %dma_start3A_106, %dma_start3A_107] : memref<32x50x128xi32, #tpu.memory_space<hbm>> -> memref<1x50x128xi32, #tpu.memory_space<hbm>>
    %dma_start3A_109 = tpu.memref_squeeze %dma_start3A_108 : memref<1x50x128xi32, #tpu.memory_space<hbm>> -> memref<50x128xi32, #tpu.memory_space<hbm>>
    %dma_start3A_110 = arith.constant 0 : i32
    %dma_start3A_111 = tpu.memref_slice %dma_start3A_109[%dma_start3A, %dma_start3A_110] : memref<50x128xi32, #tpu.memory_space<hbm>> -> memref<1x128xi32, #tpu.memory_space<hbm>>
    %dma_start3A_112 = tpu.memref_squeeze %dma_start3A_111 : memref<1x128xi32, #tpu.memory_space<hbm>> -> memref<128xi32, #tpu.memory_space<hbm>>
    %dma_start3A_113 = arith.constant 0 : i32
    %dma_start3A_114 = tpu.memref_slice %arg5[%dma_start3A_102, %dma_start3A_113] : memref<3x128xi32, #tpu.memory_space<vmem>> -> memref<1x128xi32, #tpu.memory_space<vmem>>
    %dma_start3A_115 = tpu.memref_squeeze %dma_start3A_114 : memref<1x128xi32, #tpu.memory_space<vmem>> -> memref<128xi32, #tpu.memory_space<vmem>>
    %dma_start3A_116 = arith.constant 0 : i32
    %dma_start3A_117 = arith.constant 0 : i32
    %dma_start3A_118 = tpu.memref_slice %arg3[%add3A, %dma_start3A_116, %dma_start3A_117] : memref<32x50x128xi32, #tpu.memory_space<hbm>> -> memref<1x50x128xi32, #tpu.memory_space<hbm>>
    %dma_start3A_119 = tpu.memref_squeeze %dma_start3A_118 : memref<1x50x128xi32, #tpu.memory_space<hbm>> -> memref<50x128xi32, #tpu.memory_space<hbm>>
    %dma_start3A_120 = arith.constant 0 : i32
    %dma_start3A_121 = tpu.memref_slice %dma_start3A_119[%dma_start3A, %dma_start3A_120] : memref<50x128xi32, #tpu.memory_space<hbm>> -> memref<1x128xi32, #tpu.memory_space<hbm>>
    %dma_start3A_122 = tpu.memref_squeeze %dma_start3A_121 : memref<1x128xi32, #tpu.memory_space<hbm>> -> memref<128xi32, #tpu.memory_space<hbm>>
    tpu.enqueue_dma source(%dma_start3A_122 : memref<128xi32, #tpu.memory_space<hbm>>) target(%dma_start3A_115 : memref<128xi32, #tpu.memory_space<vmem>>) target_semaphore(%arg15 : memref<!tpu.dma_semaphore, #tpu.memory_space<semaphore_mem>>)
    %dma_start3A_123 = arith.constant 0 : i32
    %dma_start3A_124 = arith.constant 0 : i32
    %dma_start3A_125 = arith.constant 0 : i32
    %dma_start3A_126 = tpu.memref_slice %arg5[%dma_start3A_124, %dma_start3A_125] : memref<3x128xi32, #tpu.memory_space<vmem>> -> memref<1x128xi32, #tpu.memory_space<vmem>>
    %dma_start3A_127 = tpu.memref_squeeze %dma_start3A_126 : memref<1x128xi32, #tpu.memory_space<vmem>> -> memref<128xi32, #tpu.memory_space<vmem>>
    %dma_start3A_128 = arith.constant 0 : i32
    %dma_start3A_129 = arith.constant 0 : i32
    %dma_start3A_130 = tpu.memref_slice %arg6[%dma_start3A_123, %dma_start3A_128, %dma_start3A_129] : memref<8x1000x128xf32, #tpu.memory_space<vmem_shared>> -> memref<1x1000x128xf32, #tpu.memory_space<vmem_shared>>
    %dma_start3A_131 = tpu.memref_squeeze %dma_start3A_130 : memref<1x1000x128xf32, #tpu.memory_space<vmem_shared>> -> memref<1000x128xf32, #tpu.memory_space<vmem_shared>>
    %dma_start3A_132 = arith.constant 0 : i32
    %dma_start3A_133 = arith.constant 0 : i32
    %dma_start3A_134 = tpu.memref_slice %dma_start3A_131[%dma_start3A_132, %dma_start3A_133] : memref<1000x128xf32, #tpu.memory_space<vmem_shared>> -> memref<1000x128xf32, #tpu.memory_space<vmem_shared>>
    tpu.enqueue_indirect_dma source(%dma_start3A_134 : memref<1000x128xf32, #tpu.memory_space<vmem_shared>>) target(%arg7 : memref<128x128xf32, #tpu.memory_space<vmem>>) offsets(%dma_start3A_127 : memref<128xi32, #tpu.memory_space<vmem>>) semaphore(%arg11 : memref<!tpu.dma_semaphore, #tpu.memory_space<semaphore_mem>>)
    %scan3A = arith.constant 0 : i32
    %scan3A_135 = arith.constant 0 : i32
    %scan3A_136 = arith.constant 50 : i32
    %scan3A_137 = arith.addi %scan3A_135, %scan3A_136 : i32
    %scan3A_138 = arith.constant 1 : i32
    scf.for %scan3A_163 = %scan3A_135 to %scan3A_137 step %scan3A_138  : i32 {
      %mul3A_164 = arith.constant 50 : i32
      %mul3A_165 = arith.muli %add3A, %mul3A_164 : i32
      %add3A_166 = arith.addi %mul3A_165, %scan3A_163 : i32
      %jit3A = arith.constant 8 : i32
      %div3A = arith.divsi %add3A_166, %jit3A : i32
      %sign3A = arith.constant 0 : i32
      %sign3A_167 = arith.cmpi sgt, %add3A_166, %sign3A : i32
      %sign3A_168 = arith.extui %sign3A_167 : i1 to i32
      %sign3A_169 = arith.constant 0 : i32
      %sign3A_170 = arith.cmpi slt, %add3A_166, %sign3A_169 : i32
      %sign3A_171 = arith.extui %sign3A_170 : i1 to i32
      %sign3A_172 = arith.subi %sign3A_168, %sign3A_171 : i32
      %sign3A_173 = arith.constant 0 : i32
      %sign3A_174 = arith.cmpi sgt, %jit3A, %sign3A_173 : i32
      %sign3A_175 = arith.extui %sign3A_174 : i1 to i32
      %sign3A_176 = arith.constant 0 : i32
      %sign3A_177 = arith.cmpi slt, %jit3A, %sign3A_176 : i32
      %sign3A_178 = arith.extui %sign3A_177 : i1 to i32
      %sign3A_179 = arith.subi %sign3A_175, %sign3A_178 : i32
      %ne3A = arith.cmpi ne, %sign3A_172, %sign3A_179 : i32
      %rem3A = arith.remsi %add3A_166, %jit3A : i32
      %ne3A_180 = arith.constant 0 : i32
      %ne3A_181 = arith.cmpi ne, %rem3A, %ne3A_180 : i32
      %and3A = arith.andi %ne3A, %ne3A_181 : i1
      %sub3A = arith.constant 1 : i32
      %sub3A_182 = arith.subi %div3A, %sub3A : i32
      %select_n3A = arith.select %and3A, %sub3A_182, %div3A : i32
      %jit3A_183 = arith.constant 8 : i32
      %eq3A_184 = arith.constant 0 : i32
      %eq3A_185 = arith.cmpi eq, %jit3A_183, %eq3A_184 : i32
      %jit3A_186 = arith.constant 1 : i32
      %select_n3A_187 = arith.select %eq3A_185, %jit3A_186, %jit3A_183 : i32
      %rem3A_188 = arith.remsi %add3A_166, %select_n3A_187 : i32
      %ne3A_189 = arith.constant 0 : i32
      %ne3A_190 = arith.cmpi ne, %rem3A_188, %ne3A_189 : i32
      %lt3A_191 = arith.constant 0 : i32
      %lt3A_192 = arith.cmpi slt, %rem3A_188, %lt3A_191 : i32
      %lt3A_193 = arith.constant 0 : i32
      %lt3A_194 = arith.cmpi slt, %select_n3A_187, %lt3A_193 : i32
      %ne3A_195 = arith.xori %lt3A_192, %lt3A_194 : i1
      %and3A_196 = arith.andi %ne3A_195, %ne3A_190 : i1
      %add3A_197 = arith.addi %rem3A_188, %select_n3A_187 : i32
      %select_n3A_198 = arith.select %and3A_196, %add3A_197, %rem3A_188 : i32
      %mul3A_199 = arith.constant 128 : i32
      %mul3A_200 = arith.muli %select_n3A_198, %mul3A_199 : i32
      %jit3A_201 = arith.constant 3 : i32
      %eq3A_202 = arith.constant 0 : i32
      %eq3A_203 = arith.cmpi eq, %jit3A_201, %eq3A_202 : i32
      %jit3A_204 = arith.constant 1 : i32
      %select_n3A_205 = arith.select %eq3A_203, %jit3A_204, %jit3A_201 : i32
      %rem3A_206 = arith.remsi %scan3A_163, %select_n3A_205 : i32
      %ne3A_207 = arith.constant 0 : i32
      %ne3A_208 = arith.cmpi ne, %rem3A_206, %ne3A_207 : i32
      %lt3A_209 = arith.constant 0 : i32
      %lt3A_210 = arith.cmpi slt, %rem3A_206, %lt3A_209 : i32
      %lt3A_211 = arith.constant 0 : i32
      %lt3A_212 = arith.cmpi slt, %select_n3A_205, %lt3A_211 : i32
      %ne3A_213 = arith.xori %lt3A_210, %lt3A_212 : i1
      %and3A_214 = arith.andi %ne3A_213, %ne3A_208 : i1
      %add3A_215 = arith.addi %rem3A_206, %select_n3A_205 : i32
      %select_n3A_216 = arith.select %and3A_214, %add3A_215, %rem3A_206 : i32
      %dma_start3A_217 = arith.constant 1 : i32
      %dma_start3A_218 = arith.constant 0 : i32
      %dma_start3A_219 = tpu.memref_slice %arg5[%select_n3A_216, %dma_start3A_218] : memref<3x128xi32, #tpu.memory_space<vmem>> -> memref<1x128xi32, #tpu.memory_space<vmem>>
      %dma_start3A_220 = tpu.memref_squeeze %dma_start3A_219 : memref<1x128xi32, #tpu.memory_space<vmem>> -> memref<128xi32, #tpu.memory_space<vmem>>
      %dma_start3A_221 = arith.constant 0 : i32
      %dma_start3A_222 = arith.constant 0 : i32
      %dma_start3A_223 = tpu.memref_slice %arg6[%dma_start3A_217, %dma_start3A_221, %dma_start3A_222] : memref<8x1000x128xf32, #tpu.memory_space<vmem_shared>> -> memref<1x1000x128xf32, #tpu.memory_space<vmem_shared>>
      %dma_start3A_224 = tpu.memref_squeeze %dma_start3A_223 : memref<1x1000x128xf32, #tpu.memory_space<vmem_shared>> -> memref<1000x128xf32, #tpu.memory_space<vmem_shared>>
      %dma_start3A_225 = arith.constant 0 : i32
      %dma_start3A_226 = arith.constant 0 : i32
      %dma_start3A_227 = tpu.memref_slice %dma_start3A_224[%dma_start3A_225, %dma_start3A_226] : memref<1000x128xf32, #tpu.memory_space<vmem_shared>> -> memref<1000x128xf32, #tpu.memory_space<vmem_shared>>
      tpu.enqueue_indirect_dma source(%dma_start3A_227 : memref<1000x128xf32, #tpu.memory_space<vmem_shared>>) target(%arg8 : memref<128x128xf32, #tpu.memory_space<vmem>>) offsets(%dma_start3A_220 : memref<128xi32, #tpu.memory_space<vmem>>) semaphore(%arg12 : memref<!tpu.dma_semaphore, #tpu.memory_space<semaphore_mem>>)
      %dma_wait3A_228 = arith.constant 0 : i32
      %dma_wait3A_229 = arith.constant 0 : i32
      %dma_wait3A_230 = arith.constant 0 : i32
      %dma_wait3A_231 = tpu.memref_slice %arg5[%dma_wait3A_229, %dma_wait3A_230] : memref<3x128xi32, #tpu.memory_space<vmem>> -> memref<1x128xi32, #tpu.memory_space<vmem>>
      %dma_wait3A_232 = tpu.memref_squeeze %dma_wait3A_231 : memref<1x128xi32, #tpu.memory_space<vmem>> -> memref<128xi32, #tpu.memory_space<vmem>>
      %dma_wait3A_233 = arith.constant 0 : i32
      %dma_wait3A_234 = arith.constant 0 : i32
      %dma_wait3A_235 = tpu.memref_slice %arg6[%dma_wait3A_228, %dma_wait3A_233, %dma_wait3A_234] : memref<8x1000x128xf32, #tpu.memory_space<vmem_shared>> -> memref<1x1000x128xf32, #tpu.memory_space<vmem_shared>>
      %dma_wait3A_236 = tpu.memref_squeeze %dma_wait3A_235 : memref<1x1000x128xf32, #tpu.memory_space<vmem_shared>> -> memref<1000x128xf32, #tpu.memory_space<vmem_shared>>
      %dma_wait3A_237 = arith.constant 0 : i32
      %dma_wait3A_238 = arith.constant 0 : i32
      %dma_wait3A_239 = tpu.memref_slice %dma_wait3A_236[%dma_wait3A_237, %dma_wait3A_238] : memref<1000x128xf32, #tpu.memory_space<vmem_shared>> -> memref<1000x128xf32, #tpu.memory_space<vmem_shared>>
      tpu.wait_indirect_dma semaphore(%arg11 : memref<!tpu.dma_semaphore, #tpu.memory_space<semaphore_mem>>) src(%dma_wait3A_239 : memref<1000x128xf32, #tpu.memory_space<vmem_shared>>) dst(%arg7 : memref<128x128xf32, #tpu.memory_space<vmem>>)
      %gt3A = arith.constant 0 : i32
      %gt3A_240 = arith.cmpi sgt, %scan3A_163, %gt3A : i32
      %convert_element_type3A_241 = arith.extui %gt3A_240 : i1 to i32
      %cond3A_242 = arith.constant 0 : i32
      %cond3A_243 = arith.cmpi ne, %convert_element_type3A_241, %cond3A_242 : i32
      scf.if %cond3A_243 {
        %dma_wait3A_640 = arith.constant 0 : i32
        %dma_wait3A_641 = arith.constant 0 : i32
        %dma_wait3A_642 = arith.constant 0 : i32
        %dma_wait3A_643 = tpu.memref_slice %arg4[%dma_wait3A_640, %dma_wait3A_641, %dma_wait3A_642] : memref<200x1000x1024xf32, #tpu.memory_space<hbm>> -> memref<1x128x128xf32, #tpu.memory_space<hbm>>
        %dma_wait3A_644 = tpu.memref_squeeze %dma_wait3A_643 : memref<1x128x128xf32, #tpu.memory_space<hbm>> -> memref<128x128xf32, #tpu.memory_space<hbm>>
        %dma_wait3A_645 = arith.constant 0 : i32
        %dma_wait3A_646 = arith.constant 0 : i32
        %dma_wait3A_647 = tpu.memref_slice %arg4[%dma_wait3A_640, %dma_wait3A_645, %dma_wait3A_646] : memref<200x1000x1024xf32, #tpu.memory_space<hbm>> -> memref<1x128x128xf32, #tpu.memory_space<hbm>>
        %dma_wait3A_648 = tpu.memref_squeeze %dma_wait3A_647 : memref<1x128x128xf32, #tpu.memory_space<hbm>> -> memref<128x128xf32, #tpu.memory_space<hbm>>
        tpu.wait_dma2 semaphore(%arg13 : memref<!tpu.dma_semaphore, #tpu.memory_space<semaphore_mem>>) src(%arg9 : memref<128x128xf32, #tpu.memory_space<vmem>>) dst(%dma_wait3A_648 : memref<128x128xf32, #tpu.memory_space<hbm>>)
      } else {
      }
      %parallel_loop3A = arith.constant 0 : i32
      %parallel_loop3A_244 = arith.constant 128 : i32
      %parallel_loop3A_245 = arith.constant 1 : i32
      scf.for %parallel_loop3A_640 = %parallel_loop3A to %parallel_loop3A_244 step %parallel_loop3A_245  : i32 {
        %parallel_loop3A_641 = vector.broadcast %parallel_loop3A_640 : i32 to vector<16xi32>
        %parallel_loop3A_642 = arith.addi %parallel_loop3A_641, %add3A_79 : vector<16xi32>
        %parallel_loop3A_643 = arith.constant 127 : i32
        %parallel_loop3A_644 = vector.broadcast %parallel_loop3A_643 : i32 to vector<16xi32>
        %parallel_loop3A_645 = arith.andi %parallel_loop3A_642, %parallel_loop3A_644 : vector<16xi32>
        %parallel_loop3A_646 = tpu.vector_load_idx %arg7[%add3A_79, %parallel_loop3A_645] : memref<128x128xf32, #tpu.memory_space<vmem>>[vector<16xi32>, vector<16xi32>], vector<16xf32>,
        tpu.vector_store_idx %arg9[%parallel_loop3A_645, %add3A_79], %parallel_loop3A_646 : memref<128x128xf32, #tpu.memory_space<vmem>>[vector<16xi32>, vector<16xi32>], vector<16xf32>,
        %parallel_loop3A_647 = vector.broadcast %parallel_loop3A_640 : i32 to vector<16xi32>
        %parallel_loop3A_648 = arith.addi %parallel_loop3A_647, %add3A_82 : vector<16xi32>
        %parallel_loop3A_649 = arith.constant 127 : i32
        %parallel_loop3A_650 = vector.broadcast %parallel_loop3A_649 : i32 to vector<16xi32>
        %parallel_loop3A_651 = arith.andi %parallel_loop3A_648, %parallel_loop3A_650 : vector<16xi32>
        %parallel_loop3A_652 = tpu.vector_load_idx %arg7[%add3A_82, %parallel_loop3A_651] : memref<128x128xf32, #tpu.memory_space<vmem>>[vector<16xi32>, vector<16xi32>], vector<16xf32>,
        tpu.vector_store_idx %arg9[%parallel_loop3A_651, %add3A_82], %parallel_loop3A_652 : memref<128x128xf32, #tpu.memory_space<vmem>>[vector<16xi32>, vector<16xi32>], vector<16xf32>,
        %parallel_loop3A_653 = vector.broadcast %parallel_loop3A_640 : i32 to vector<16xi32>
        %parallel_loop3A_654 = arith.addi %parallel_loop3A_653, %add3A_85 : vector<16xi32>
        %parallel_loop3A_655 = arith.constant 127 : i32
        %parallel_loop3A_656 = vector.broadcast %parallel_loop3A_655 : i32 to vector<16xi32>
        %parallel_loop3A_657 = arith.andi %parallel_loop3A_654, %parallel_loop3A_656 : vector<16xi32>
        %parallel_loop3A_658 = tpu.vector_load_idx %arg7[%add3A_85, %parallel_loop3A_657] : memref<128x128xf32, #tpu.memory_space<vmem>>[vector<16xi32>, vector<16xi32>], vector<16xf32>,
        tpu.vector_store_idx %arg9[%parallel_loop3A_657, %add3A_85], %parallel_loop3A_658 : memref<128x128xf32, #tpu.memory_space<vmem>>[vector<16xi32>, vector<16xi32>], vector<16xf32>,
        %parallel_loop3A_659 = vector.broadcast %parallel_loop3A_640 : i32 to vector<16xi32>
        %parallel_loop3A_660 = arith.addi %parallel_loop3A_659, %add3A_88 : vector<16xi32>
        %parallel_loop3A_661 = arith.constant 127 : i32
        %parallel_loop3A_662 = vector.broadcast %parallel_loop3A_661 : i32 to vector<16xi32>
        %parallel_loop3A_663 = arith.andi %parallel_loop3A_660, %parallel_loop3A_662 : vector<16xi32>
        %parallel_loop3A_664 = tpu.vector_load_idx %arg7[%add3A_88, %parallel_loop3A_663] : memref<128x128xf32, #tpu.memory_space<vmem>>[vector<16xi32>, vector<16xi32>], vector<16xf32>,
        tpu.vector_store_idx %arg9[%parallel_loop3A_663, %add3A_88], %parallel_loop3A_664 : memref<128x128xf32, #tpu.memory_space<vmem>>[vector<16xi32>, vector<16xi32>], vector<16xf32>,
        %parallel_loop3A_665 = vector.broadcast %parallel_loop3A_640 : i32 to vector<16xi32>
        %parallel_loop3A_666 = arith.addi %parallel_loop3A_665, %add3A_91 : vector<16xi32>
        %parallel_loop3A_667 = arith.constant 127 : i32
        %parallel_loop3A_668 = vector.broadcast %parallel_loop3A_667 : i32 to vector<16xi32>
        %parallel_loop3A_669 = arith.andi %parallel_loop3A_666, %parallel_loop3A_668 : vector<16xi32>
        %parallel_loop3A_670 = tpu.vector_load_idx %arg7[%add3A_91, %parallel_loop3A_669] : memref<128x128xf32, #tpu.memory_space<vmem>>[vector<16xi32>, vector<16xi32>], vector<16xf32>,
        tpu.vector_store_idx %arg9[%parallel_loop3A_669, %add3A_91], %parallel_loop3A_670 : memref<128x128xf32, #tpu.memory_space<vmem>>[vector<16xi32>, vector<16xi32>], vector<16xf32>,
        %parallel_loop3A_671 = vector.broadcast %parallel_loop3A_640 : i32 to vector<16xi32>
        %parallel_loop3A_672 = arith.addi %parallel_loop3A_671, %add3A_94 : vector<16xi32>
        %parallel_loop3A_673 = arith.constant 127 : i32
        %parallel_loop3A_674 = vector.broadcast %parallel_loop3A_673 : i32 to vector<16xi32>
        %parallel_loop3A_675 = arith.andi %parallel_loop3A_672, %parallel_loop3A_674 : vector<16xi32>
        %parallel_loop3A_676 = tpu.vector_load_idx %arg7[%add3A_94, %parallel_loop3A_675] : memref<128x128xf32, #tpu.memory_space<vmem>>[vector<16xi32>, vector<16xi32>], vector<16xf32>,
        tpu.vector_store_idx %arg9[%parallel_loop3A_675, %add3A_94], %parallel_loop3A_676 : memref<128x128xf32, #tpu.memory_space<vmem>>[vector<16xi32>, vector<16xi32>], vector<16xf32>,
        %parallel_loop3A_677 = vector.broadcast %parallel_loop3A_640 : i32 to vector<16xi32>
        %parallel_loop3A_678 = arith.addi %parallel_loop3A_677, %add3A_97 : vector<16xi32>
        %parallel_loop3A_679 = arith.constant 127 : i32
        %parallel_loop3A_680 = vector.broadcast %parallel_loop3A_679 : i32 to vector<16xi32>
        %parallel_loop3A_681 = arith.andi %parallel_loop3A_678, %parallel_loop3A_680 : vector<16xi32>
        %parallel_loop3A_682 = tpu.vector_load_idx %arg7[%add3A_97, %parallel_loop3A_681] : memref<128x128xf32, #tpu.memory_space<vmem>>[vector<16xi32>, vector<16xi32>], vector<16xf32>,
        tpu.vector_store_idx %arg9[%parallel_loop3A_681, %add3A_97], %parallel_loop3A_682 : memref<128x128xf32, #tpu.memory_space<vmem>>[vector<16xi32>, vector<16xi32>], vector<16xf32>,
        %parallel_loop3A_683 = vector.broadcast %parallel_loop3A_640 : i32 to vector<16xi32>
        %parallel_loop3A_684 = arith.addi %parallel_loop3A_683, %add3A_100 : vector<16xi32>
        %parallel_loop3A_685 = arith.constant 127 : i32
        %parallel_loop3A_686 = vector.broadcast %parallel_loop3A_685 : i32 to vector<16xi32>
        %parallel_loop3A_687 = arith.andi %parallel_loop3A_684, %parallel_loop3A_686 : vector<16xi32>
        %parallel_loop3A_688 = tpu.vector_load_idx %arg7[%add3A_100, %parallel_loop3A_687] : memref<128x128xf32, #tpu.memory_space<vmem>>[vector<16xi32>, vector<16xi32>], vector<16xf32>,
        tpu.vector_store_idx %arg9[%parallel_loop3A_687, %add3A_100], %parallel_loop3A_688 : memref<128x128xf32, #tpu.memory_space<vmem>>[vector<16xi32>, vector<16xi32>], vector<16xf32>,
      } {sc.loop_unroll_factor = 4 : i64, sc.parallel_access}
      %dma_start3A_246 = arith.constant 0 : i32
      %dma_start3A_247 = tpu.memref_slice %arg4[%select_n3A, %dma_start3A_246, %mul3A_200] : memref<200x1000x1024xf32, #tpu.memory_space<hbm>> -> memref<1x128x128xf32, #tpu.memory_space<hbm>>
      %dma_start3A_248 = tpu.memref_squeeze %dma_start3A_247 : memref<1x128x128xf32, #tpu.memory_space<hbm>> -> memref<128x128xf32, #tpu.memory_space<hbm>>
      %dma_start3A_249 = arith.constant 0 : i32
      %dma_start3A_250 = tpu.memref_slice %arg4[%select_n3A, %dma_start3A_249, %mul3A_200] : memref<200x1000x1024xf32, #tpu.memory_space<hbm>> -> memref<1x128x128xf32, #tpu.memory_space<hbm>>
      %dma_start3A_251 = tpu.memref_squeeze %dma_start3A_250 : memref<1x128x128xf32, #tpu.memory_space<hbm>> -> memref<128x128xf32, #tpu.memory_space<hbm>>
      tpu.enqueue_dma source(%arg9 : memref<128x128xf32, #tpu.memory_space<vmem>>) target(%dma_start3A_251 : memref<128x128xf32, #tpu.memory_space<hbm>>) target_semaphore(%arg13 : memref<!tpu.dma_semaphore, #tpu.memory_space<semaphore_mem>>)
      %jit3A_252 = arith.constant 3 : i32
      %eq3A_253 = arith.constant 0 : i32
      %eq3A_254 = arith.cmpi eq, %jit3A_252, %eq3A_253 : i32
      %jit3A_255 = arith.constant 1 : i32
      %select_n3A_256 = arith.select %eq3A_254, %jit3A_255, %jit3A_252 : i32
      %rem3A_257 = arith.remsi %scan3A_163, %select_n3A_256 : i32
      %ne3A_258 = arith.constant 0 : i32
      %ne3A_259 = arith.cmpi ne, %rem3A_257, %ne3A_258 : i32
      %lt3A_260 = arith.constant 0 : i32
      %lt3A_261 = arith.cmpi slt, %rem3A_257, %lt3A_260 : i32
      %lt3A_262 = arith.constant 0 : i32
      %lt3A_263 = arith.cmpi slt, %select_n3A_256, %lt3A_262 : i32
      %ne3A_264 = arith.xori %lt3A_261, %lt3A_263 : i1
      %and3A_265 = arith.andi %ne3A_264, %ne3A_259 : i1
      %add3A_266 = arith.addi %rem3A_257, %select_n3A_256 : i32
      %select_n3A_267 = arith.select %and3A_265, %add3A_266, %rem3A_257 : i32
      %dma_start3A_268 = arith.constant 2 : i32
      %dma_start3A_269 = arith.constant 0 : i32
      %dma_start3A_270 = tpu.memref_slice %arg5[%select_n3A_267, %dma_start3A_269] : memref<3x128xi32, #tpu.memory_space<vmem>> -> memref<1x128xi32, #tpu.memory_space<vmem>>
      %dma_start3A_271 = tpu.memref_squeeze %dma_start3A_270 : memref<1x128xi32, #tpu.memory_space<vmem>> -> memref<128xi32, #tpu.memory_space<vmem>>
      %dma_start3A_272 = arith.constant 0 : i32
      %dma_start3A_273 = arith.constant 0 : i32
      %dma_start3A_274 = tpu.memref_slice %arg6[%dma_start3A_268, %dma_start3A_272, %dma_start3A_273] : memref<8x1000x128xf32, #tpu.memory_space<vmem_shared>> -> memref<1x1000x128xf32, #tpu.memory_space<vmem_shared>>
      %dma_start3A_275 = tpu.memref_squeeze %dma_start3A_274 : memref<1x1000x128xf32, #tpu.memory_space<vmem_shared>> -> memref<1000x128xf32, #tpu.memory_space<vmem_shared>>
      %dma_start3A_276 = arith.constant 0 : i32
      %dma_start3A_277 = arith.constant 0 : i32
      %dma_start3A_278 = tpu.memref_slice %dma_start3A_275[%dma_start3A_276, %dma_start3A_277] : memref<1000x128xf32, #tpu.memory_space<vmem_shared>> -> memref<1000x128xf32, #tpu.memory_space<vmem_shared>>
      tpu.enqueue_indirect_dma source(%dma_start3A_278 : memref<1000x128xf32, #tpu.memory_space<vmem_shared>>) target(%arg7 : memref<128x128xf32, #tpu.memory_space<vmem>>) offsets(%dma_start3A_271 : memref<128xi32, #tpu.memory_space<vmem>>) semaphore(%arg11 : memref<!tpu.dma_semaphore, #tpu.memory_space<semaphore_mem>>)
      %dma_wait3A_279 = arith.constant 0 : i32
      %dma_wait3A_280 = arith.constant 0 : i32
      %dma_wait3A_281 = arith.constant 0 : i32
      %dma_wait3A_282 = tpu.memref_slice %arg5[%dma_wait3A_280, %dma_wait3A_281] : memref<3x128xi32, #tpu.memory_space<vmem>> -> memref<1x128xi32, #tpu.memory_space<vmem>>
      %dma_wait3A_283 = tpu.memref_squeeze %dma_wait3A_282 : memref<1x128xi32, #tpu.memory_space<vmem>> -> memref<128xi32, #tpu.memory_space<vmem>>
      %dma_wait3A_284 = arith.constant 0 : i32
      %dma_wait3A_285 = arith.constant 0 : i32
      %dma_wait3A_286 = tpu.memref_slice %arg6[%dma_wait3A_279, %dma_wait3A_284, %dma_wait3A_285] : memref<8x1000x128xf32, #tpu.memory_space<vmem_shared>> -> memref<1x1000x128xf32, #tpu.memory_space<vmem_shared>>
      %dma_wait3A_287 = tpu.memref_squeeze %dma_wait3A_286 : memref<1x1000x128xf32, #tpu.memory_space<vmem_shared>> -> memref<1000x128xf32, #tpu.memory_space<vmem_shared>>
      %dma_wait3A_288 = arith.constant 0 : i32
      %dma_wait3A_289 = arith.constant 0 : i32
      %dma_wait3A_290 = tpu.memref_slice %dma_wait3A_287[%dma_wait3A_288, %dma_wait3A_289] : memref<1000x128xf32, #tpu.memory_space<vmem_shared>> -> memref<1000x128xf32, #tpu.memory_space<vmem_shared>>
      tpu.wait_indirect_dma semaphore(%arg12 : memref<!tpu.dma_semaphore, #tpu.memory_space<semaphore_mem>>) src(%dma_wait3A_290 : memref<1000x128xf32, #tpu.memory_space<vmem_shared>>) dst(%arg8 : memref<128x128xf32, #tpu.memory_space<vmem>>)
      %gt3A_291 = arith.constant 0 : i32
      %gt3A_292 = arith.cmpi sgt, %scan3A_163, %gt3A_291 : i32
      %convert_element_type3A_293 = arith.extui %gt3A_292 : i1 to i32
      %cond3A_294 = arith.constant 0 : i32
      %cond3A_295 = arith.cmpi ne, %convert_element_type3A_293, %cond3A_294 : i32
      scf.if %cond3A_295 {
        %dma_wait3A_640 = arith.constant 0 : i32
        %dma_wait3A_641 = arith.constant 0 : i32
        %dma_wait3A_642 = arith.constant 0 : i32
        %dma_wait3A_643 = tpu.memref_slice %arg10[%dma_wait3A_641, %dma_wait3A_642] : memref<128x128xf32, #tpu.memory_space<vmem>> -> memref<104x128xf32, #tpu.memory_space<vmem>>
        %dma_wait3A_644 = arith.constant 896 : i32
        %dma_wait3A_645 = arith.constant 0 : i32
        %dma_wait3A_646 = tpu.memref_slice %arg4[%dma_wait3A_640, %dma_wait3A_644, %dma_wait3A_645] : memref<200x1000x1024xf32, #tpu.memory_space<hbm>> -> memref<1x104x128xf32, #tpu.memory_space<hbm>>
        %dma_wait3A_647 = tpu.memref_squeeze %dma_wait3A_646 : memref<1x104x128xf32, #tpu.memory_space<hbm>> -> memref<104x128xf32, #tpu.memory_space<hbm>>
        %dma_wait3A_648 = arith.constant 896 : i32
        %dma_wait3A_649 = arith.constant 0 : i32
        %dma_wait3A_650 = tpu.memref_slice %arg4[%dma_wait3A_640, %dma_wait3A_648, %dma_wait3A_649] : memref<200x1000x1024xf32, #tpu.memory_space<hbm>> -> memref<1x104x128xf32, #tpu.memory_space<hbm>>
        %dma_wait3A_651 = tpu.memref_squeeze %dma_wait3A_650 : memref<1x104x128xf32, #tpu.memory_space<hbm>> -> memref<104x128xf32, #tpu.memory_space<hbm>>
        %dma_wait3A_652 = arith.constant 0 : i32
        %dma_wait3A_653 = arith.constant 0 : i32
        %dma_wait3A_654 = tpu.memref_slice %arg10[%dma_wait3A_652, %dma_wait3A_653] : memref<128x128xf32, #tpu.memory_space<vmem>> -> memref<104x128xf32, #tpu.memory_space<vmem>>
        tpu.wait_dma2 semaphore(%arg14 : memref<!tpu.dma_semaphore, #tpu.memory_space<semaphore_mem>>) src(%dma_wait3A_654 : memref<104x128xf32, #tpu.memory_space<vmem>>) dst(%dma_wait3A_651 : memref<104x128xf32, #tpu.memory_space<hbm>>)
      } else {
      }
      %parallel_loop3A_296 = arith.constant 0 : i32
      %parallel_loop3A_297 = arith.constant 128 : i32
      %parallel_loop3A_298 = arith.constant 1 : i32
      scf.for %parallel_loop3A_640 = %parallel_loop3A_296 to %parallel_loop3A_297 step %parallel_loop3A_298  : i32 {
        %parallel_loop3A_641 = vector.broadcast %parallel_loop3A_640 : i32 to vector<16xi32>
        %parallel_loop3A_642 = arith.addi %parallel_loop3A_641, %add3A_79 : vector<16xi32>
        %parallel_loop3A_643 = arith.constant 127 : i32
        %parallel_loop3A_644 = vector.broadcast %parallel_loop3A_643 : i32 to vector<16xi32>
        %parallel_loop3A_645 = arith.andi %parallel_loop3A_642, %parallel_loop3A_644 : vector<16xi32>
        %parallel_loop3A_646 = tpu.vector_load_idx %arg8[%add3A_79, %parallel_loop3A_645] : memref<128x128xf32, #tpu.memory_space<vmem>>[vector<16xi32>, vector<16xi32>], vector<16xf32>,
        tpu.vector_store_idx %arg10[%parallel_loop3A_645, %add3A_79], %parallel_loop3A_646 : memref<128x128xf32, #tpu.memory_space<vmem>>[vector<16xi32>, vector<16xi32>], vector<16xf32>,
        %parallel_loop3A_647 = vector.broadcast %parallel_loop3A_640 : i32 to vector<16xi32>
        %parallel_loop3A_648 = arith.addi %parallel_loop3A_647, %add3A_82 : vector<16xi32>
        %parallel_loop3A_649 = arith.constant 127 : i32
        %parallel_loop3A_650 = vector.broadcast %parallel_loop3A_649 : i32 to vector<16xi32>
        %parallel_loop3A_651 = arith.andi %parallel_loop3A_648, %parallel_loop3A_650 : vector<16xi32>
        %parallel_loop3A_652 = tpu.vector_load_idx %arg8[%add3A_82, %parallel_loop3A_651] : memref<128x128xf32, #tpu.memory_space<vmem>>[vector<16xi32>, vector<16xi32>], vector<16xf32>,
        tpu.vector_store_idx %arg10[%parallel_loop3A_651, %add3A_82], %parallel_loop3A_652 : memref<128x128xf32, #tpu.memory_space<vmem>>[vector<16xi32>, vector<16xi32>], vector<16xf32>,
        %parallel_loop3A_653 = vector.broadcast %parallel_loop3A_640 : i32 to vector<16xi32>
        %parallel_loop3A_654 = arith.addi %parallel_loop3A_653, %add3A_85 : vector<16xi32>
        %parallel_loop3A_655 = arith.constant 127 : i32
        %parallel_loop3A_656 = vector.broadcast %parallel_loop3A_655 : i32 to vector<16xi32>
        %parallel_loop3A_657 = arith.andi %parallel_loop3A_654, %parallel_loop3A_656 : vector<16xi32>
        %parallel_loop3A_658 = tpu.vector_load_idx %arg8[%add3A_85, %parallel_loop3A_657] : memref<128x128xf32, #tpu.memory_space<vmem>>[vector<16xi32>, vector<16xi32>], vector<16xf32>,
        tpu.vector_store_idx %arg10[%parallel_loop3A_657, %add3A_85], %parallel_loop3A_658 : memref<128x128xf32, #tpu.memory_space<vmem>>[vector<16xi32>, vector<16xi32>], vector<16xf32>,
        %parallel_loop3A_659 = vector.broadcast %parallel_loop3A_640 : i32 to vector<16xi32>
        %parallel_loop3A_660 = arith.addi %parallel_loop3A_659, %add3A_88 : vector<16xi32>
        %parallel_loop3A_661 = arith.constant 127 : i32
        %parallel_loop3A_662 = vector.broadcast %parallel_loop3A_661 : i32 to vector<16xi32>
        %parallel_loop3A_663 = arith.andi %parallel_loop3A_660, %parallel_loop3A_662 : vector<16xi32>
        %parallel_loop3A_664 = tpu.vector_load_idx %arg8[%add3A_88, %parallel_loop3A_663] : memref<128x128xf32, #tpu.memory_space<vmem>>[vector<16xi32>, vector<16xi32>], vector<16xf32>,
        tpu.vector_store_idx %arg10[%parallel_loop3A_663, %add3A_88], %parallel_loop3A_664 : memref<128x128xf32, #tpu.memory_space<vmem>>[vector<16xi32>, vector<16xi32>], vector<16xf32>,
        %parallel_loop3A_665 = vector.broadcast %parallel_loop3A_640 : i32 to vector<16xi32>
        %parallel_loop3A_666 = arith.addi %parallel_loop3A_665, %add3A_91 : vector<16xi32>
        %parallel_loop3A_667 = arith.constant 127 : i32
        %parallel_loop3A_668 = vector.broadcast %parallel_loop3A_667 : i32 to vector<16xi32>
        %parallel_loop3A_669 = arith.andi %parallel_loop3A_666, %parallel_loop3A_668 : vector<16xi32>
        %parallel_loop3A_670 = tpu.vector_load_idx %arg8[%add3A_91, %parallel_loop3A_669] : memref<128x128xf32, #tpu.memory_space<vmem>>[vector<16xi32>, vector<16xi32>], vector<16xf32>,
        tpu.vector_store_idx %arg10[%parallel_loop3A_669, %add3A_91], %parallel_loop3A_670 : memref<128x128xf32, #tpu.memory_space<vmem>>[vector<16xi32>, vector<16xi32>], vector<16xf32>,
        %parallel_loop3A_671 = vector.broadcast %parallel_loop3A_640 : i32 to vector<16xi32>
        %parallel_loop3A_672 = arith.addi %parallel_loop3A_671, %add3A_94 : vector<16xi32>
        %parallel_loop3A_673 = arith.constant 127 : i32
        %parallel_loop3A_674 = vector.broadcast %parallel_loop3A_673 : i32 to vector<16xi32>
        %parallel_loop3A_675 = arith.andi %parallel_loop3A_672, %parallel_loop3A_674 : vector<16xi32>
        %parallel_loop3A_676 = tpu.vector_load_idx %arg8[%add3A_94, %parallel_loop3A_675] : memref<128x128xf32, #tpu.memory_space<vmem>>[vector<16xi32>, vector<16xi32>], vector<16xf32>,
        tpu.vector_store_idx %arg10[%parallel_loop3A_675, %add3A_94], %parallel_loop3A_676 : memref<128x128xf32, #tpu.memory_space<vmem>>[vector<16xi32>, vector<16xi32>], vector<16xf32>,
        %parallel_loop3A_677 = vector.broadcast %parallel_loop3A_640 : i32 to vector<16xi32>
        %parallel_loop3A_678 = arith.addi %parallel_loop3A_677, %add3A_97 : vector<16xi32>
        %parallel_loop3A_679 = arith.constant 127 : i32
        %parallel_loop3A_680 = vector.broadcast %parallel_loop3A_679 : i32 to vector<16xi32>
        %parallel_loop3A_681 = arith.andi %parallel_loop3A_678, %parallel_loop3A_680 : vector<16xi32>
        %parallel_loop3A_682 = tpu.vector_load_idx %arg8[%add3A_97, %parallel_loop3A_681] : memref<128x128xf32, #tpu.memory_space<vmem>>[vector<16xi32>, vector<16xi32>], vector<16xf32>,
        tpu.vector_store_idx %arg10[%parallel_loop3A_681, %add3A_97], %parallel_loop3A_682 : memref<128x128xf32, #tpu.memory_space<vmem>>[vector<16xi32>, vector<16xi32>], vector<16xf32>,
        %parallel_loop3A_683 = vector.broadcast %parallel_loop3A_640 : i32 to vector<16xi32>
        %parallel_loop3A_684 = arith.addi %parallel_loop3A_683, %add3A_100 : vector<16xi32>
        %parallel_loop3A_685 = arith.constant 127 : i32
        %parallel_loop3A_686 = vector.broadcast %parallel_loop3A_685 : i32 to vector<16xi32>
        %parallel_loop3A_687 = arith.andi %parallel_loop3A_684, %parallel_loop3A_686 : vector<16xi32>
        %parallel_loop3A_688 = tpu.vector_load_idx %arg8[%add3A_100, %parallel_loop3A_687] : memref<128x128xf32, #tpu.memory_space<vmem>>[vector<16xi32>, vector<16xi32>], vector<16xf32>,
        tpu.vector_store_idx %arg10[%parallel_loop3A_687, %add3A_100], %parallel_loop3A_688 : memref<128x128xf32, #tpu.memory_space<vmem>>[vector<16xi32>, vector<16xi32>], vector<16xf32>,
      } {sc.loop_unroll_factor = 4 : i64, sc.parallel_access}
      %dma_start3A_299 = arith.constant 128 : i32
      %dma_start3A_300 = tpu.memref_slice %arg4[%select_n3A, %dma_start3A_299, %mul3A_200] : memref<200x1000x1024xf32, #tpu.memory_space<hbm>> -> memref<1x128x128xf32, #tpu.memory_space<hbm>>
      %dma_start3A_301 = tpu.memref_squeeze %dma_start3A_300 : memref<1x128x128xf32, #tpu.memory_space<hbm>> -> memref<128x128xf32, #tpu.memory_space<hbm>>
      %dma_start3A_302 = arith.constant 128 : i32
      %dma_start3A_303 = tpu.memref_slice %arg4[%select_n3A, %dma_start3A_302, %mul3A_200] : memref<200x1000x1024xf32, #tpu.memory_space<hbm>> -> memref<1x128x128xf32, #tpu.memory_space<hbm>>
      %dma_start3A_304 = tpu.memref_squeeze %dma_start3A_303 : memref<1x128x128xf32, #tpu.memory_space<hbm>> -> memref<128x128xf32, #tpu.memory_space<hbm>>
      tpu.enqueue_dma source(%arg10 : memref<128x128xf32, #tpu.memory_space<vmem>>) target(%dma_start3A_304 : memref<128x128xf32, #tpu.memory_space<hbm>>) target_semaphore(%arg14 : memref<!tpu.dma_semaphore, #tpu.memory_space<semaphore_mem>>)
      %jit3A_305 = arith.constant 3 : i32
      %eq3A_306 = arith.constant 0 : i32
      %eq3A_307 = arith.cmpi eq, %jit3A_305, %eq3A_306 : i32
      %jit3A_308 = arith.constant 1 : i32
      %select_n3A_309 = arith.select %eq3A_307, %jit3A_308, %jit3A_305 : i32
      %rem3A_310 = arith.remsi %scan3A_163, %select_n3A_309 : i32
      %ne3A_311 = arith.constant 0 : i32
      %ne3A_312 = arith.cmpi ne, %rem3A_310, %ne3A_311 : i32
      %lt3A_313 = arith.constant 0 : i32
      %lt3A_314 = arith.cmpi slt, %rem3A_310, %lt3A_313 : i32
      %lt3A_315 = arith.constant 0 : i32
      %lt3A_316 = arith.cmpi slt, %select_n3A_309, %lt3A_315 : i32
      %ne3A_317 = arith.xori %lt3A_314, %lt3A_316 : i1
      %and3A_318 = arith.andi %ne3A_317, %ne3A_312 : i1
      %add3A_319 = arith.addi %rem3A_310, %select_n3A_309 : i32
      %select_n3A_320 = arith.select %and3A_318, %add3A_319, %rem3A_310 : i32
      %dma_start3A_321 = arith.constant 3 : i32
      %dma_start3A_322 = arith.constant 0 : i32
      %dma_start3A_323 = tpu.memref_slice %arg5[%select_n3A_320, %dma_start3A_322] : memref<3x128xi32, #tpu.memory_space<vmem>> -> memref<1x128xi32, #tpu.memory_space<vmem>>
      %dma_start3A_324 = tpu.memref_squeeze %dma_start3A_323 : memref<1x128xi32, #tpu.memory_space<vmem>> -> memref<128xi32, #tpu.memory_space<vmem>>
      %dma_start3A_325 = arith.constant 0 : i32
      %dma_start3A_326 = arith.constant 0 : i32
      %dma_start3A_327 = tpu.memref_slice %arg6[%dma_start3A_321, %dma_start3A_325, %dma_start3A_326] : memref<8x1000x128xf32, #tpu.memory_space<vmem_shared>> -> memref<1x1000x128xf32, #tpu.memory_space<vmem_shared>>
      %dma_start3A_328 = tpu.memref_squeeze %dma_start3A_327 : memref<1x1000x128xf32, #tpu.memory_space<vmem_shared>> -> memref<1000x128xf32, #tpu.memory_space<vmem_shared>>
      %dma_start3A_329 = arith.constant 0 : i32
      %dma_start3A_330 = arith.constant 0 : i32
      %dma_start3A_331 = tpu.memref_slice %dma_start3A_328[%dma_start3A_329, %dma_start3A_330] : memref<1000x128xf32, #tpu.memory_space<vmem_shared>> -> memref<1000x128xf32, #tpu.memory_space<vmem_shared>>
      tpu.enqueue_indirect_dma source(%dma_start3A_331 : memref<1000x128xf32, #tpu.memory_space<vmem_shared>>) target(%arg8 : memref<128x128xf32, #tpu.memory_space<vmem>>) offsets(%dma_start3A_324 : memref<128xi32, #tpu.memory_space<vmem>>) semaphore(%arg12 : memref<!tpu.dma_semaphore, #tpu.memory_space<semaphore_mem>>)
      %dma_wait3A_332 = arith.constant 0 : i32
      %dma_wait3A_333 = arith.constant 0 : i32
      %dma_wait3A_334 = arith.constant 0 : i32
      %dma_wait3A_335 = tpu.memref_slice %arg5[%dma_wait3A_333, %dma_wait3A_334] : memref<3x128xi32, #tpu.memory_space<vmem>> -> memref<1x128xi32, #tpu.memory_space<vmem>>
      %dma_wait3A_336 = tpu.memref_squeeze %dma_wait3A_335 : memref<1x128xi32, #tpu.memory_space<vmem>> -> memref<128xi32, #tpu.memory_space<vmem>>
      %dma_wait3A_337 = arith.constant 0 : i32
      %dma_wait3A_338 = arith.constant 0 : i32
      %dma_wait3A_339 = tpu.memref_slice %arg6[%dma_wait3A_332, %dma_wait3A_337, %dma_wait3A_338] : memref<8x1000x128xf32, #tpu.memory_space<vmem_shared>> -> memref<1x1000x128xf32, #tpu.memory_space<vmem_shared>>
      %dma_wait3A_340 = tpu.memref_squeeze %dma_wait3A_339 : memref<1x1000x128xf32, #tpu.memory_space<vmem_shared>> -> memref<1000x128xf32, #tpu.memory_space<vmem_shared>>
      %dma_wait3A_341 = arith.constant 0 : i32
      %dma_wait3A_342 = arith.constant 0 : i32
      %dma_wait3A_343 = tpu.memref_slice %dma_wait3A_340[%dma_wait3A_341, %dma_wait3A_342] : memref<1000x128xf32, #tpu.memory_space<vmem_shared>> -> memref<1000x128xf32, #tpu.memory_space<vmem_shared>>
      tpu.wait_indirect_dma semaphore(%arg11 : memref<!tpu.dma_semaphore, #tpu.memory_space<semaphore_mem>>) src(%dma_wait3A_343 : memref<1000x128xf32, #tpu.memory_space<vmem_shared>>) dst(%arg7 : memref<128x128xf32, #tpu.memory_space<vmem>>)
      %dma_wait3A_344 = arith.constant 0 : i32
      %dma_wait3A_345 = arith.constant 0 : i32
      %dma_wait3A_346 = arith.constant 0 : i32
      %dma_wait3A_347 = tpu.memref_slice %arg4[%dma_wait3A_344, %dma_wait3A_345, %dma_wait3A_346] : memref<200x1000x1024xf32, #tpu.memory_space<hbm>> -> memref<1x128x128xf32, #tpu.memory_space<hbm>>
      %dma_wait3A_348 = tpu.memref_squeeze %dma_wait3A_347 : memref<1x128x128xf32, #tpu.memory_space<hbm>> -> memref<128x128xf32, #tpu.memory_space<hbm>>
      %dma_wait3A_349 = arith.constant 0 : i32
      %dma_wait3A_350 = arith.constant 0 : i32
      %dma_wait3A_351 = tpu.memref_slice %arg4[%dma_wait3A_344, %dma_wait3A_349, %dma_wait3A_350] : memref<200x1000x1024xf32, #tpu.memory_space<hbm>> -> memref<1x128x128xf32, #tpu.memory_space<hbm>>
      %dma_wait3A_352 = tpu.memref_squeeze %dma_wait3A_351 : memref<1x128x128xf32, #tpu.memory_space<hbm>> -> memref<128x128xf32, #tpu.memory_space<hbm>>
      tpu.wait_dma2 semaphore(%arg13 : memref<!tpu.dma_semaphore, #tpu.memory_space<semaphore_mem>>) src(%arg9 : memref<128x128xf32, #tpu.memory_space<vmem>>) dst(%dma_wait3A_352 : memref<128x128xf32, #tpu.memory_space<hbm>>)
      %parallel_loop3A_353 = arith.constant 0 : i32
      %parallel_loop3A_354 = arith.constant 128 : i32
      %parallel_loop3A_355 = arith.constant 1 : i32
      scf.for %parallel_loop3A_640 = %parallel_loop3A_353 to %parallel_loop3A_354 step %parallel_loop3A_355  : i32 {
        %parallel_loop3A_641 = vector.broadcast %parallel_loop3A_640 : i32 to vector<16xi32>
        %parallel_loop3A_642 = arith.addi %parallel_loop3A_641, %add3A_79 : vector<16xi32>
        %parallel_loop3A_643 = arith.constant 127 : i32
        %parallel_loop3A_644 = vector.broadcast %parallel_loop3A_643 : i32 to vector<16xi32>
        %parallel_loop3A_645 = arith.andi %parallel_loop3A_642, %parallel_loop3A_644 : vector<16xi32>
        %parallel_loop3A_646 = tpu.vector_load_idx %arg7[%add3A_79, %parallel_loop3A_645] : memref<128x128xf32, #tpu.memory_space<vmem>>[vector<16xi32>, vector<16xi32>], vector<16xf32>,
        tpu.vector_store_idx %arg9[%parallel_loop3A_645, %add3A_79], %parallel_loop3A_646 : memref<128x128xf32, #tpu.memory_space<vmem>>[vector<16xi32>, vector<16xi32>], vector<16xf32>,
        %parallel_loop3A_647 = vector.broadcast %parallel_loop3A_640 : i32 to vector<16xi32>
        %parallel_loop3A_648 = arith.addi %parallel_loop3A_647, %add3A_82 : vector<16xi32>
        %parallel_loop3A_649 = arith.constant 127 : i32
        %parallel_loop3A_650 = vector.broadcast %parallel_loop3A_649 : i32 to vector<16xi32>
        %parallel_loop3A_651 = arith.andi %parallel_loop3A_648, %parallel_loop3A_650 : vector<16xi32>
        %parallel_loop3A_652 = tpu.vector_load_idx %arg7[%add3A_82, %parallel_loop3A_651] : memref<128x128xf32, #tpu.memory_space<vmem>>[vector<16xi32>, vector<16xi32>], vector<16xf32>,
        tpu.vector_store_idx %arg9[%parallel_loop3A_651, %add3A_82], %parallel_loop3A_652 : memref<128x128xf32, #tpu.memory_space<vmem>>[vector<16xi32>, vector<16xi32>], vector<16xf32>,
        %parallel_loop3A_653 = vector.broadcast %parallel_loop3A_640 : i32 to vector<16xi32>
        %parallel_loop3A_654 = arith.addi %parallel_loop3A_653, %add3A_85 : vector<16xi32>
        %parallel_loop3A_655 = arith.constant 127 : i32
        %parallel_loop3A_656 = vector.broadcast %parallel_loop3A_655 : i32 to vector<16xi32>
        %parallel_loop3A_657 = arith.andi %parallel_loop3A_654, %parallel_loop3A_656 : vector<16xi32>
        %parallel_loop3A_658 = tpu.vector_load_idx %arg7[%add3A_85, %parallel_loop3A_657] : memref<128x128xf32, #tpu.memory_space<vmem>>[vector<16xi32>, vector<16xi32>], vector<16xf32>,
        tpu.vector_store_idx %arg9[%parallel_loop3A_657, %add3A_85], %parallel_loop3A_658 : memref<128x128xf32, #tpu.memory_space<vmem>>[vector<16xi32>, vector<16xi32>], vector<16xf32>,
        %parallel_loop3A_659 = vector.broadcast %parallel_loop3A_640 : i32 to vector<16xi32>
        %parallel_loop3A_660 = arith.addi %parallel_loop3A_659, %add3A_88 : vector<16xi32>
        %parallel_loop3A_661 = arith.constant 127 : i32
        %parallel_loop3A_662 = vector.broadcast %parallel_loop3A_661 : i32 to vector<16xi32>
        %parallel_loop3A_663 = arith.andi %parallel_loop3A_660, %parallel_loop3A_662 : vector<16xi32>
        %parallel_loop3A_664 = tpu.vector_load_idx %arg7[%add3A_88, %parallel_loop3A_663] : memref<128x128xf32, #tpu.memory_space<vmem>>[vector<16xi32>, vector<16xi32>], vector<16xf32>,
        tpu.vector_store_idx %arg9[%parallel_loop3A_663, %add3A_88], %parallel_loop3A_664 : memref<128x128xf32, #tpu.memory_space<vmem>>[vector<16xi32>, vector<16xi32>], vector<16xf32>,
        %parallel_loop3A_665 = vector.broadcast %parallel_loop3A_640 : i32 to vector<16xi32>
        %parallel_loop3A_666 = arith.addi %parallel_loop3A_665, %add3A_91 : vector<16xi32>
        %parallel_loop3A_667 = arith.constant 127 : i32
        %parallel_loop3A_668 = vector.broadcast %parallel_loop3A_667 : i32 to vector<16xi32>
        %parallel_loop3A_669 = arith.andi %parallel_loop3A_666, %parallel_loop3A_668 : vector<16xi32>
        %parallel_loop3A_670 = tpu.vector_load_idx %arg7[%add3A_91, %parallel_loop3A_669] : memref<128x128xf32, #tpu.memory_space<vmem>>[vector<16xi32>, vector<16xi32>], vector<16xf32>,
        tpu.vector_store_idx %arg9[%parallel_loop3A_669, %add3A_91], %parallel_loop3A_670 : memref<128x128xf32, #tpu.memory_space<vmem>>[vector<16xi32>, vector<16xi32>], vector<16xf32>,
        %parallel_loop3A_671 = vector.broadcast %parallel_loop3A_640 : i32 to vector<16xi32>
        %parallel_loop3A_672 = arith.addi %parallel_loop3A_671, %add3A_94 : vector<16xi32>
        %parallel_loop3A_673 = arith.constant 127 : i32
        %parallel_loop3A_674 = vector.broadcast %parallel_loop3A_673 : i32 to vector<16xi32>
        %parallel_loop3A_675 = arith.andi %parallel_loop3A_672, %parallel_loop3A_674 : vector<16xi32>
        %parallel_loop3A_676 = tpu.vector_load_idx %arg7[%add3A_94, %parallel_loop3A_675] : memref<128x128xf32, #tpu.memory_space<vmem>>[vector<16xi32>, vector<16xi32>], vector<16xf32>,
        tpu.vector_store_idx %arg9[%parallel_loop3A_675, %add3A_94], %parallel_loop3A_676 : memref<128x128xf32, #tpu.memory_space<vmem>>[vector<16xi32>, vector<16xi32>], vector<16xf32>,
        %parallel_loop3A_677 = vector.broadcast %parallel_loop3A_640 : i32 to vector<16xi32>
        %parallel_loop3A_678 = arith.addi %parallel_loop3A_677, %add3A_97 : vector<16xi32>
        %parallel_loop3A_679 = arith.constant 127 : i32
        %parallel_loop3A_680 = vector.broadcast %parallel_loop3A_679 : i32 to vector<16xi32>
        %parallel_loop3A_681 = arith.andi %parallel_loop3A_678, %parallel_loop3A_680 : vector<16xi32>
        %parallel_loop3A_682 = tpu.vector_load_idx %arg7[%add3A_97, %parallel_loop3A_681] : memref<128x128xf32, #tpu.memory_space<vmem>>[vector<16xi32>, vector<16xi32>], vector<16xf32>,
        tpu.vector_store_idx %arg9[%parallel_loop3A_681, %add3A_97], %parallel_loop3A_682 : memref<128x128xf32, #tpu.memory_space<vmem>>[vector<16xi32>, vector<16xi32>], vector<16xf32>,
        %parallel_loop3A_683 = vector.broadcast %parallel_loop3A_640 : i32 to vector<16xi32>
        %parallel_loop3A_684 = arith.addi %parallel_loop3A_683, %add3A_100 : vector<16xi32>
        %parallel_loop3A_685 = arith.constant 127 : i32
        %parallel_loop3A_686 = vector.broadcast %parallel_loop3A_685 : i32 to vector<16xi32>
        %parallel_loop3A_687 = arith.andi %parallel_loop3A_684, %parallel_loop3A_686 : vector<16xi32>
        %parallel_loop3A_688 = tpu.vector_load_idx %arg7[%add3A_100, %parallel_loop3A_687] : memref<128x128xf32, #tpu.memory_space<vmem>>[vector<16xi32>, vector<16xi32>], vector<16xf32>,
        tpu.vector_store_idx %arg9[%parallel_loop3A_687, %add3A_100], %parallel_loop3A_688 : memref<128x128xf32, #tpu.memory_space<vmem>>[vector<16xi32>, vector<16xi32>], vector<16xf32>,
      } {sc.loop_unroll_factor = 4 : i64, sc.parallel_access}
      %dma_start3A_356 = arith.constant 256 : i32
      %dma_start3A_357 = tpu.memref_slice %arg4[%select_n3A, %dma_start3A_356, %mul3A_200] : memref<200x1000x1024xf32, #tpu.memory_space<hbm>> -> memref<1x128x128xf32, #tpu.memory_space<hbm>>
      %dma_start3A_358 = tpu.memref_squeeze %dma_start3A_357 : memref<1x128x128xf32, #tpu.memory_space<hbm>> -> memref<128x128xf32, #tpu.memory_space<hbm>>
      %dma_start3A_359 = arith.constant 256 : i32
      %dma_start3A_360 = tpu.memref_slice %arg4[%select_n3A, %dma_start3A_359, %mul3A_200] : memref<200x1000x1024xf32, #tpu.memory_space<hbm>> -> memref<1x128x128xf32, #tpu.memory_space<hbm>>
      %dma_start3A_361 = tpu.memref_squeeze %dma_start3A_360 : memref<1x128x128xf32, #tpu.memory_space<hbm>> -> memref<128x128xf32, #tpu.memory_space<hbm>>
      tpu.enqueue_dma source(%arg9 : memref<128x128xf32, #tpu.memory_space<vmem>>) target(%dma_start3A_361 : memref<128x128xf32, #tpu.memory_space<hbm>>) target_semaphore(%arg13 : memref<!tpu.dma_semaphore, #tpu.memory_space<semaphore_mem>>)
      %jit3A_362 = arith.constant 3 : i32
      %eq3A_363 = arith.constant 0 : i32
      %eq3A_364 = arith.cmpi eq, %jit3A_362, %eq3A_363 : i32
      %jit3A_365 = arith.constant 1 : i32
      %select_n3A_366 = arith.select %eq3A_364, %jit3A_365, %jit3A_362 : i32
      %rem3A_367 = arith.remsi %scan3A_163, %select_n3A_366 : i32
      %ne3A_368 = arith.constant 0 : i32
      %ne3A_369 = arith.cmpi ne, %rem3A_367, %ne3A_368 : i32
      %lt3A_370 = arith.constant 0 : i32
      %lt3A_371 = arith.cmpi slt, %rem3A_367, %lt3A_370 : i32
      %lt3A_372 = arith.constant 0 : i32
      %lt3A_373 = arith.cmpi slt, %select_n3A_366, %lt3A_372 : i32
      %ne3A_374 = arith.xori %lt3A_371, %lt3A_373 : i1
      %and3A_375 = arith.andi %ne3A_374, %ne3A_369 : i1
      %add3A_376 = arith.addi %rem3A_367, %select_n3A_366 : i32
      %select_n3A_377 = arith.select %and3A_375, %add3A_376, %rem3A_367 : i32
      %dma_start3A_378 = arith.constant 4 : i32
      %dma_start3A_379 = arith.constant 0 : i32
      %dma_start3A_380 = tpu.memref_slice %arg5[%select_n3A_377, %dma_start3A_379] : memref<3x128xi32, #tpu.memory_space<vmem>> -> memref<1x128xi32, #tpu.memory_space<vmem>>
      %dma_start3A_381 = tpu.memref_squeeze %dma_start3A_380 : memref<1x128xi32, #tpu.memory_space<vmem>> -> memref<128xi32, #tpu.memory_space<vmem>>
      %dma_start3A_382 = arith.constant 0 : i32
      %dma_start3A_383 = arith.constant 0 : i32
      %dma_start3A_384 = tpu.memref_slice %arg6[%dma_start3A_378, %dma_start3A_382, %dma_start3A_383] : memref<8x1000x128xf32, #tpu.memory_space<vmem_shared>> -> memref<1x1000x128xf32, #tpu.memory_space<vmem_shared>>
      %dma_start3A_385 = tpu.memref_squeeze %dma_start3A_384 : memref<1x1000x128xf32, #tpu.memory_space<vmem_shared>> -> memref<1000x128xf32, #tpu.memory_space<vmem_shared>>
      %dma_start3A_386 = arith.constant 0 : i32
      %dma_start3A_387 = arith.constant 0 : i32
      %dma_start3A_388 = tpu.memref_slice %dma_start3A_385[%dma_start3A_386, %dma_start3A_387] : memref<1000x128xf32, #tpu.memory_space<vmem_shared>> -> memref<1000x128xf32, #tpu.memory_space<vmem_shared>>
      tpu.enqueue_indirect_dma source(%dma_start3A_388 : memref<1000x128xf32, #tpu.memory_space<vmem_shared>>) target(%arg7 : memref<128x128xf32, #tpu.memory_space<vmem>>) offsets(%dma_start3A_381 : memref<128xi32, #tpu.memory_space<vmem>>) semaphore(%arg11 : memref<!tpu.dma_semaphore, #tpu.memory_space<semaphore_mem>>)
      %dma_wait3A_389 = arith.constant 0 : i32
      %dma_wait3A_390 = arith.constant 0 : i32
      %dma_wait3A_391 = arith.constant 0 : i32
      %dma_wait3A_392 = tpu.memref_slice %arg5[%dma_wait3A_390, %dma_wait3A_391] : memref<3x128xi32, #tpu.memory_space<vmem>> -> memref<1x128xi32, #tpu.memory_space<vmem>>
      %dma_wait3A_393 = tpu.memref_squeeze %dma_wait3A_392 : memref<1x128xi32, #tpu.memory_space<vmem>> -> memref<128xi32, #tpu.memory_space<vmem>>
      %dma_wait3A_394 = arith.constant 0 : i32
      %dma_wait3A_395 = arith.constant 0 : i32
      %dma_wait3A_396 = tpu.memref_slice %arg6[%dma_wait3A_389, %dma_wait3A_394, %dma_wait3A_395] : memref<8x1000x128xf32, #tpu.memory_space<vmem_shared>> -> memref<1x1000x128xf32, #tpu.memory_space<vmem_shared>>
      %dma_wait3A_397 = tpu.memref_squeeze %dma_wait3A_396 : memref<1x1000x128xf32, #tpu.memory_space<vmem_shared>> -> memref<1000x128xf32, #tpu.memory_space<vmem_shared>>
      %dma_wait3A_398 = arith.constant 0 : i32
      %dma_wait3A_399 = arith.constant 0 : i32
      %dma_wait3A_400 = tpu.memref_slice %dma_wait3A_397[%dma_wait3A_398, %dma_wait3A_399] : memref<1000x128xf32, #tpu.memory_space<vmem_shared>> -> memref<1000x128xf32, #tpu.memory_space<vmem_shared>>
      tpu.wait_indirect_dma semaphore(%arg12 : memref<!tpu.dma_semaphore, #tpu.memory_space<semaphore_mem>>) src(%dma_wait3A_400 : memref<1000x128xf32, #tpu.memory_space<vmem_shared>>) dst(%arg8 : memref<128x128xf32, #tpu.memory_space<vmem>>)
      %dma_wait3A_401 = arith.constant 0 : i32
      %dma_wait3A_402 = arith.constant 0 : i32
      %dma_wait3A_403 = arith.constant 0 : i32
      %dma_wait3A_404 = tpu.memref_slice %arg4[%dma_wait3A_401, %dma_wait3A_402, %dma_wait3A_403] : memref<200x1000x1024xf32, #tpu.memory_space<hbm>> -> memref<1x128x128xf32, #tpu.memory_space<hbm>>
      %dma_wait3A_405 = tpu.memref_squeeze %dma_wait3A_404 : memref<1x128x128xf32, #tpu.memory_space<hbm>> -> memref<128x128xf32, #tpu.memory_space<hbm>>
      %dma_wait3A_406 = arith.constant 0 : i32
      %dma_wait3A_407 = arith.constant 0 : i32
      %dma_wait3A_408 = tpu.memref_slice %arg4[%dma_wait3A_401, %dma_wait3A_406, %dma_wait3A_407] : memref<200x1000x1024xf32, #tpu.memory_space<hbm>> -> memref<1x128x128xf32, #tpu.memory_space<hbm>>
      %dma_wait3A_409 = tpu.memref_squeeze %dma_wait3A_408 : memref<1x128x128xf32, #tpu.memory_space<hbm>> -> memref<128x128xf32, #tpu.memory_space<hbm>>
      tpu.wait_dma2 semaphore(%arg14 : memref<!tpu.dma_semaphore, #tpu.memory_space<semaphore_mem>>) src(%arg10 : memref<128x128xf32, #tpu.memory_space<vmem>>) dst(%dma_wait3A_409 : memref<128x128xf32, #tpu.memory_space<hbm>>)
      %parallel_loop3A_410 = arith.constant 0 : i32
      %parallel_loop3A_411 = arith.constant 128 : i32
      %parallel_loop3A_412 = arith.constant 1 : i32
      scf.for %parallel_loop3A_640 = %parallel_loop3A_410 to %parallel_loop3A_411 step %parallel_loop3A_412  : i32 {
        %parallel_loop3A_641 = vector.broadcast %parallel_loop3A_640 : i32 to vector<16xi32>
        %parallel_loop3A_642 = arith.addi %parallel_loop3A_641, %add3A_79 : vector<16xi32>
        %parallel_loop3A_643 = arith.constant 127 : i32
        %parallel_loop3A_644 = vector.broadcast %parallel_loop3A_643 : i32 to vector<16xi32>
        %parallel_loop3A_645 = arith.andi %parallel_loop3A_642, %parallel_loop3A_644 : vector<16xi32>
        %parallel_loop3A_646 = tpu.vector_load_idx %arg8[%add3A_79, %parallel_loop3A_645] : memref<128x128xf32, #tpu.memory_space<vmem>>[vector<16xi32>, vector<16xi32>], vector<16xf32>,
        tpu.vector_store_idx %arg10[%parallel_loop3A_645, %add3A_79], %parallel_loop3A_646 : memref<128x128xf32, #tpu.memory_space<vmem>>[vector<16xi32>, vector<16xi32>], vector<16xf32>,
        %parallel_loop3A_647 = vector.broadcast %parallel_loop3A_640 : i32 to vector<16xi32>
        %parallel_loop3A_648 = arith.addi %parallel_loop3A_647, %add3A_82 : vector<16xi32>
        %parallel_loop3A_649 = arith.constant 127 : i32
        %parallel_loop3A_650 = vector.broadcast %parallel_loop3A_649 : i32 to vector<16xi32>
        %parallel_loop3A_651 = arith.andi %parallel_loop3A_648, %parallel_loop3A_650 : vector<16xi32>
        %parallel_loop3A_652 = tpu.vector_load_idx %arg8[%add3A_82, %parallel_loop3A_651] : memref<128x128xf32, #tpu.memory_space<vmem>>[vector<16xi32>, vector<16xi32>], vector<16xf32>,
        tpu.vector_store_idx %arg10[%parallel_loop3A_651, %add3A_82], %parallel_loop3A_652 : memref<128x128xf32, #tpu.memory_space<vmem>>[vector<16xi32>, vector<16xi32>], vector<16xf32>,
        %parallel_loop3A_653 = vector.broadcast %parallel_loop3A_640 : i32 to vector<16xi32>
        %parallel_loop3A_654 = arith.addi %parallel_loop3A_653, %add3A_85 : vector<16xi32>
        %parallel_loop3A_655 = arith.constant 127 : i32
        %parallel_loop3A_656 = vector.broadcast %parallel_loop3A_655 : i32 to vector<16xi32>
        %parallel_loop3A_657 = arith.andi %parallel_loop3A_654, %parallel_loop3A_656 : vector<16xi32>
        %parallel_loop3A_658 = tpu.vector_load_idx %arg8[%add3A_85, %parallel_loop3A_657] : memref<128x128xf32, #tpu.memory_space<vmem>>[vector<16xi32>, vector<16xi32>], vector<16xf32>,
        tpu.vector_store_idx %arg10[%parallel_loop3A_657, %add3A_85], %parallel_loop3A_658 : memref<128x128xf32, #tpu.memory_space<vmem>>[vector<16xi32>, vector<16xi32>], vector<16xf32>,
        %parallel_loop3A_659 = vector.broadcast %parallel_loop3A_640 : i32 to vector<16xi32>
        %parallel_loop3A_660 = arith.addi %parallel_loop3A_659, %add3A_88 : vector<16xi32>
        %parallel_loop3A_661 = arith.constant 127 : i32
        %parallel_loop3A_662 = vector.broadcast %parallel_loop3A_661 : i32 to vector<16xi32>
        %parallel_loop3A_663 = arith.andi %parallel_loop3A_660, %parallel_loop3A_662 : vector<16xi32>
        %parallel_loop3A_664 = tpu.vector_load_idx %arg8[%add3A_88, %parallel_loop3A_663] : memref<128x128xf32, #tpu.memory_space<vmem>>[vector<16xi32>, vector<16xi32>], vector<16xf32>,
        tpu.vector_store_idx %arg10[%parallel_loop3A_663, %add3A_88], %parallel_loop3A_664 : memref<128x128xf32, #tpu.memory_space<vmem>>[vector<16xi32>, vector<16xi32>], vector<16xf32>,
        %parallel_loop3A_665 = vector.broadcast %parallel_loop3A_640 : i32 to vector<16xi32>
        %parallel_loop3A_666 = arith.addi %parallel_loop3A_665, %add3A_91 : vector<16xi32>
        %parallel_loop3A_667 = arith.constant 127 : i32
        %parallel_loop3A_668 = vector.broadcast %parallel_loop3A_667 : i32 to vector<16xi32>
        %parallel_loop3A_669 = arith.andi %parallel_loop3A_666, %parallel_loop3A_668 : vector<16xi32>
        %parallel_loop3A_670 = tpu.vector_load_idx %arg8[%add3A_91, %parallel_loop3A_669] : memref<128x128xf32, #tpu.memory_space<vmem>>[vector<16xi32>, vector<16xi32>], vector<16xf32>,
        tpu.vector_store_idx %arg10[%parallel_loop3A_669, %add3A_91], %parallel_loop3A_670 : memref<128x128xf32, #tpu.memory_space<vmem>>[vector<16xi32>, vector<16xi32>], vector<16xf32>,
        %parallel_loop3A_671 = vector.broadcast %parallel_loop3A_640 : i32 to vector<16xi32>
        %parallel_loop3A_672 = arith.addi %parallel_loop3A_671, %add3A_94 : vector<16xi32>
        %parallel_loop3A_673 = arith.constant 127 : i32
        %parallel_loop3A_674 = vector.broadcast %parallel_loop3A_673 : i32 to vector<16xi32>
        %parallel_loop3A_675 = arith.andi %parallel_loop3A_672, %parallel_loop3A_674 : vector<16xi32>
        %parallel_loop3A_676 = tpu.vector_load_idx %arg8[%add3A_94, %parallel_loop3A_675] : memref<128x128xf32, #tpu.memory_space<vmem>>[vector<16xi32>, vector<16xi32>], vector<16xf32>,
        tpu.vector_store_idx %arg10[%parallel_loop3A_675, %add3A_94], %parallel_loop3A_676 : memref<128x128xf32, #tpu.memory_space<vmem>>[vector<16xi32>, vector<16xi32>], vector<16xf32>,
        %parallel_loop3A_677 = vector.broadcast %parallel_loop3A_640 : i32 to vector<16xi32>
        %parallel_loop3A_678 = arith.addi %parallel_loop3A_677, %add3A_97 : vector<16xi32>
        %parallel_loop3A_679 = arith.constant 127 : i32
        %parallel_loop3A_680 = vector.broadcast %parallel_loop3A_679 : i32 to vector<16xi32>
        %parallel_loop3A_681 = arith.andi %parallel_loop3A_678, %parallel_loop3A_680 : vector<16xi32>
        %parallel_loop3A_682 = tpu.vector_load_idx %arg8[%add3A_97, %parallel_loop3A_681] : memref<128x128xf32, #tpu.memory_space<vmem>>[vector<16xi32>, vector<16xi32>], vector<16xf32>,
        tpu.vector_store_idx %arg10[%parallel_loop3A_681, %add3A_97], %parallel_loop3A_682 : memref<128x128xf32, #tpu.memory_space<vmem>>[vector<16xi32>, vector<16xi32>], vector<16xf32>,
        %parallel_loop3A_683 = vector.broadcast %parallel_loop3A_640 : i32 to vector<16xi32>
        %parallel_loop3A_684 = arith.addi %parallel_loop3A_683, %add3A_100 : vector<16xi32>
        %parallel_loop3A_685 = arith.constant 127 : i32
        %parallel_loop3A_686 = vector.broadcast %parallel_loop3A_685 : i32 to vector<16xi32>
        %parallel_loop3A_687 = arith.andi %parallel_loop3A_684, %parallel_loop3A_686 : vector<16xi32>
        %parallel_loop3A_688 = tpu.vector_load_idx %arg8[%add3A_100, %parallel_loop3A_687] : memref<128x128xf32, #tpu.memory_space<vmem>>[vector<16xi32>, vector<16xi32>], vector<16xf32>,
        tpu.vector_store_idx %arg10[%parallel_loop3A_687, %add3A_100], %parallel_loop3A_688 : memref<128x128xf32, #tpu.memory_space<vmem>>[vector<16xi32>, vector<16xi32>], vector<16xf32>,
      } {sc.loop_unroll_factor = 4 : i64, sc.parallel_access}
      %dma_start3A_413 = arith.constant 384 : i32
      %dma_start3A_414 = tpu.memref_slice %arg4[%select_n3A, %dma_start3A_413, %mul3A_200] : memref<200x1000x1024xf32, #tpu.memory_space<hbm>> -> memref<1x128x128xf32, #tpu.memory_space<hbm>>
      %dma_start3A_415 = tpu.memref_squeeze %dma_start3A_414 : memref<1x128x128xf32, #tpu.memory_space<hbm>> -> memref<128x128xf32, #tpu.memory_space<hbm>>
      %dma_start3A_416 = arith.constant 384 : i32
      %dma_start3A_417 = tpu.memref_slice %arg4[%select_n3A, %dma_start3A_416, %mul3A_200] : memref<200x1000x1024xf32, #tpu.memory_space<hbm>> -> memref<1x128x128xf32, #tpu.memory_space<hbm>>
      %dma_start3A_418 = tpu.memref_squeeze %dma_start3A_417 : memref<1x128x128xf32, #tpu.memory_space<hbm>> -> memref<128x128xf32, #tpu.memory_space<hbm>>
      tpu.enqueue_dma source(%arg10 : memref<128x128xf32, #tpu.memory_space<vmem>>) target(%dma_start3A_418 : memref<128x128xf32, #tpu.memory_space<hbm>>) target_semaphore(%arg14 : memref<!tpu.dma_semaphore, #tpu.memory_space<semaphore_mem>>)
      %jit3A_419 = arith.constant 3 : i32
      %eq3A_420 = arith.constant 0 : i32
      %eq3A_421 = arith.cmpi eq, %jit3A_419, %eq3A_420 : i32
      %jit3A_422 = arith.constant 1 : i32
      %select_n3A_423 = arith.select %eq3A_421, %jit3A_422, %jit3A_419 : i32
      %rem3A_424 = arith.remsi %scan3A_163, %select_n3A_423 : i32
      %ne3A_425 = arith.constant 0 : i32
      %ne3A_426 = arith.cmpi ne, %rem3A_424, %ne3A_425 : i32
      %lt3A_427 = arith.constant 0 : i32
      %lt3A_428 = arith.cmpi slt, %rem3A_424, %lt3A_427 : i32
      %lt3A_429 = arith.constant 0 : i32
      %lt3A_430 = arith.cmpi slt, %select_n3A_423, %lt3A_429 : i32
      %ne3A_431 = arith.xori %lt3A_428, %lt3A_430 : i1
      %and3A_432 = arith.andi %ne3A_431, %ne3A_426 : i1
      %add3A_433 = arith.addi %rem3A_424, %select_n3A_423 : i32
      %select_n3A_434 = arith.select %and3A_432, %add3A_433, %rem3A_424 : i32
      %dma_start3A_435 = arith.constant 5 : i32
      %dma_start3A_436 = arith.constant 0 : i32
      %dma_start3A_437 = tpu.memref_slice %arg5[%select_n3A_434, %dma_start3A_436] : memref<3x128xi32, #tpu.memory_space<vmem>> -> memref<1x128xi32, #tpu.memory_space<vmem>>
      %dma_start3A_438 = tpu.memref_squeeze %dma_start3A_437 : memref<1x128xi32, #tpu.memory_space<vmem>> -> memref<128xi32, #tpu.memory_space<vmem>>
      %dma_start3A_439 = arith.constant 0 : i32
      %dma_start3A_440 = arith.constant 0 : i32
      %dma_start3A_441 = tpu.memref_slice %arg6[%dma_start3A_435, %dma_start3A_439, %dma_start3A_440] : memref<8x1000x128xf32, #tpu.memory_space<vmem_shared>> -> memref<1x1000x128xf32, #tpu.memory_space<vmem_shared>>
      %dma_start3A_442 = tpu.memref_squeeze %dma_start3A_441 : memref<1x1000x128xf32, #tpu.memory_space<vmem_shared>> -> memref<1000x128xf32, #tpu.memory_space<vmem_shared>>
      %dma_start3A_443 = arith.constant 0 : i32
      %dma_start3A_444 = arith.constant 0 : i32
      %dma_start3A_445 = tpu.memref_slice %dma_start3A_442[%dma_start3A_443, %dma_start3A_444] : memref<1000x128xf32, #tpu.memory_space<vmem_shared>> -> memref<1000x128xf32, #tpu.memory_space<vmem_shared>>
      tpu.enqueue_indirect_dma source(%dma_start3A_445 : memref<1000x128xf32, #tpu.memory_space<vmem_shared>>) target(%arg8 : memref<128x128xf32, #tpu.memory_space<vmem>>) offsets(%dma_start3A_438 : memref<128xi32, #tpu.memory_space<vmem>>) semaphore(%arg12 : memref<!tpu.dma_semaphore, #tpu.memory_space<semaphore_mem>>)
      %dma_wait3A_446 = arith.constant 0 : i32
      %dma_wait3A_447 = arith.constant 0 : i32
      %dma_wait3A_448 = arith.constant 0 : i32
      %dma_wait3A_449 = tpu.memref_slice %arg5[%dma_wait3A_447, %dma_wait3A_448] : memref<3x128xi32, #tpu.memory_space<vmem>> -> memref<1x128xi32, #tpu.memory_space<vmem>>
      %dma_wait3A_450 = tpu.memref_squeeze %dma_wait3A_449 : memref<1x128xi32, #tpu.memory_space<vmem>> -> memref<128xi32, #tpu.memory_space<vmem>>
      %dma_wait3A_451 = arith.constant 0 : i32
      %dma_wait3A_452 = arith.constant 0 : i32
      %dma_wait3A_453 = tpu.memref_slice %arg6[%dma_wait3A_446, %dma_wait3A_451, %dma_wait3A_452] : memref<8x1000x128xf32, #tpu.memory_space<vmem_shared>> -> memref<1x1000x128xf32, #tpu.memory_space<vmem_shared>>
      %dma_wait3A_454 = tpu.memref_squeeze %dma_wait3A_453 : memref<1x1000x128xf32, #tpu.memory_space<vmem_shared>> -> memref<1000x128xf32, #tpu.memory_space<vmem_shared>>
      %dma_wait3A_455 = arith.constant 0 : i32
      %dma_wait3A_456 = arith.constant 0 : i32
      %dma_wait3A_457 = tpu.memref_slice %dma_wait3A_454[%dma_wait3A_455, %dma_wait3A_456] : memref<1000x128xf32, #tpu.memory_space<vmem_shared>> -> memref<1000x128xf32, #tpu.memory_space<vmem_shared>>
      tpu.wait_indirect_dma semaphore(%arg11 : memref<!tpu.dma_semaphore, #tpu.memory_space<semaphore_mem>>) src(%dma_wait3A_457 : memref<1000x128xf32, #tpu.memory_space<vmem_shared>>) dst(%arg7 : memref<128x128xf32, #tpu.memory_space<vmem>>)
      %dma_wait3A_458 = arith.constant 0 : i32
      %dma_wait3A_459 = arith.constant 0 : i32
      %dma_wait3A_460 = arith.constant 0 : i32
      %dma_wait3A_461 = tpu.memref_slice %arg4[%dma_wait3A_458, %dma_wait3A_459, %dma_wait3A_460] : memref<200x1000x1024xf32, #tpu.memory_space<hbm>> -> memref<1x128x128xf32, #tpu.memory_space<hbm>>
      %dma_wait3A_462 = tpu.memref_squeeze %dma_wait3A_461 : memref<1x128x128xf32, #tpu.memory_space<hbm>> -> memref<128x128xf32, #tpu.memory_space<hbm>>
      %dma_wait3A_463 = arith.constant 0 : i32
      %dma_wait3A_464 = arith.constant 0 : i32
      %dma_wait3A_465 = tpu.memref_slice %arg4[%dma_wait3A_458, %dma_wait3A_463, %dma_wait3A_464] : memref<200x1000x1024xf32, #tpu.memory_space<hbm>> -> memref<1x128x128xf32, #tpu.memory_space<hbm>>
      %dma_wait3A_466 = tpu.memref_squeeze %dma_wait3A_465 : memref<1x128x128xf32, #tpu.memory_space<hbm>> -> memref<128x128xf32, #tpu.memory_space<hbm>>
      tpu.wait_dma2 semaphore(%arg13 : memref<!tpu.dma_semaphore, #tpu.memory_space<semaphore_mem>>) src(%arg9 : memref<128x128xf32, #tpu.memory_space<vmem>>) dst(%dma_wait3A_466 : memref<128x128xf32, #tpu.memory_space<hbm>>)
      %parallel_loop3A_467 = arith.constant 0 : i32
      %parallel_loop3A_468 = arith.constant 128 : i32
      %parallel_loop3A_469 = arith.constant 1 : i32
      scf.for %parallel_loop3A_640 = %parallel_loop3A_467 to %parallel_loop3A_468 step %parallel_loop3A_469  : i32 {
        %parallel_loop3A_641 = vector.broadcast %parallel_loop3A_640 : i32 to vector<16xi32>
        %parallel_loop3A_642 = arith.addi %parallel_loop3A_641, %add3A_79 : vector<16xi32>
        %parallel_loop3A_643 = arith.constant 127 : i32
        %parallel_loop3A_644 = vector.broadcast %parallel_loop3A_643 : i32 to vector<16xi32>
        %parallel_loop3A_645 = arith.andi %parallel_loop3A_642, %parallel_loop3A_644 : vector<16xi32>
        %parallel_loop3A_646 = tpu.vector_load_idx %arg7[%add3A_79, %parallel_loop3A_645] : memref<128x128xf32, #tpu.memory_space<vmem>>[vector<16xi32>, vector<16xi32>], vector<16xf32>,
        tpu.vector_store_idx %arg9[%parallel_loop3A_645, %add3A_79], %parallel_loop3A_646 : memref<128x128xf32, #tpu.memory_space<vmem>>[vector<16xi32>, vector<16xi32>], vector<16xf32>,
        %parallel_loop3A_647 = vector.broadcast %parallel_loop3A_640 : i32 to vector<16xi32>
        %parallel_loop3A_648 = arith.addi %parallel_loop3A_647, %add3A_82 : vector<16xi32>
        %parallel_loop3A_649 = arith.constant 127 : i32
        %parallel_loop3A_650 = vector.broadcast %parallel_loop3A_649 : i32 to vector<16xi32>
        %parallel_loop3A_651 = arith.andi %parallel_loop3A_648, %parallel_loop3A_650 : vector<16xi32>
        %parallel_loop3A_652 = tpu.vector_load_idx %arg7[%add3A_82, %parallel_loop3A_651] : memref<128x128xf32, #tpu.memory_space<vmem>>[vector<16xi32>, vector<16xi32>], vector<16xf32>,
        tpu.vector_store_idx %arg9[%parallel_loop3A_651, %add3A_82], %parallel_loop3A_652 : memref<128x128xf32, #tpu.memory_space<vmem>>[vector<16xi32>, vector<16xi32>], vector<16xf32>,
        %parallel_loop3A_653 = vector.broadcast %parallel_loop3A_640 : i32 to vector<16xi32>
        %parallel_loop3A_654 = arith.addi %parallel_loop3A_653, %add3A_85 : vector<16xi32>
        %parallel_loop3A_655 = arith.constant 127 : i32
        %parallel_loop3A_656 = vector.broadcast %parallel_loop3A_655 : i32 to vector<16xi32>
        %parallel_loop3A_657 = arith.andi %parallel_loop3A_654, %parallel_loop3A_656 : vector<16xi32>
        %parallel_loop3A_658 = tpu.vector_load_idx %arg7[%add3A_85, %parallel_loop3A_657] : memref<128x128xf32, #tpu.memory_space<vmem>>[vector<16xi32>, vector<16xi32>], vector<16xf32>,
        tpu.vector_store_idx %arg9[%parallel_loop3A_657, %add3A_85], %parallel_loop3A_658 : memref<128x128xf32, #tpu.memory_space<vmem>>[vector<16xi32>, vector<16xi32>], vector<16xf32>,
        %parallel_loop3A_659 = vector.broadcast %parallel_loop3A_640 : i32 to vector<16xi32>
        %parallel_loop3A_660 = arith.addi %parallel_loop3A_659, %add3A_88 : vector<16xi32>
        %parallel_loop3A_661 = arith.constant 127 : i32
        %parallel_loop3A_662 = vector.broadcast %parallel_loop3A_661 : i32 to vector<16xi32>
        %parallel_loop3A_663 = arith.andi %parallel_loop3A_660, %parallel_loop3A_662 : vector<16xi32>
        %parallel_loop3A_664 = tpu.vector_load_idx %arg7[%add3A_88, %parallel_loop3A_663] : memref<128x128xf32, #tpu.memory_space<vmem>>[vector<16xi32>, vector<16xi32>], vector<16xf32>,
        tpu.vector_store_idx %arg9[%parallel_loop3A_663, %add3A_88], %parallel_loop3A_664 : memref<128x128xf32, #tpu.memory_space<vmem>>[vector<16xi32>, vector<16xi32>], vector<16xf32>,
        %parallel_loop3A_665 = vector.broadcast %parallel_loop3A_640 : i32 to vector<16xi32>
        %parallel_loop3A_666 = arith.addi %parallel_loop3A_665, %add3A_91 : vector<16xi32>
        %parallel_loop3A_667 = arith.constant 127 : i32
        %parallel_loop3A_668 = vector.broadcast %parallel_loop3A_667 : i32 to vector<16xi32>
        %parallel_loop3A_669 = arith.andi %parallel_loop3A_666, %parallel_loop3A_668 : vector<16xi32>
        %parallel_loop3A_670 = tpu.vector_load_idx %arg7[%add3A_91, %parallel_loop3A_669] : memref<128x128xf32, #tpu.memory_space<vmem>>[vector<16xi32>, vector<16xi32>], vector<16xf32>,
        tpu.vector_store_idx %arg9[%parallel_loop3A_669, %add3A_91], %parallel_loop3A_670 : memref<128x128xf32, #tpu.memory_space<vmem>>[vector<16xi32>, vector<16xi32>], vector<16xf32>,
        %parallel_loop3A_671 = vector.broadcast %parallel_loop3A_640 : i32 to vector<16xi32>
        %parallel_loop3A_672 = arith.addi %parallel_loop3A_671, %add3A_94 : vector<16xi32>
        %parallel_loop3A_673 = arith.constant 127 : i32
        %parallel_loop3A_674 = vector.broadcast %parallel_loop3A_673 : i32 to vector<16xi32>
        %parallel_loop3A_675 = arith.andi %parallel_loop3A_672, %parallel_loop3A_674 : vector<16xi32>
        %parallel_loop3A_676 = tpu.vector_load_idx %arg7[%add3A_94, %parallel_loop3A_675] : memref<128x128xf32, #tpu.memory_space<vmem>>[vector<16xi32>, vector<16xi32>], vector<16xf32>,
        tpu.vector_store_idx %arg9[%parallel_loop3A_675, %add3A_94], %parallel_loop3A_676 : memref<128x128xf32, #tpu.memory_space<vmem>>[vector<16xi32>, vector<16xi32>], vector<16xf32>,
        %parallel_loop3A_677 = vector.broadcast %parallel_loop3A_640 : i32 to vector<16xi32>
        %parallel_loop3A_678 = arith.addi %parallel_loop3A_677, %add3A_97 : vector<16xi32>
        %parallel_loop3A_679 = arith.constant 127 : i32
        %parallel_loop3A_680 = vector.broadcast %parallel_loop3A_679 : i32 to vector<16xi32>
        %parallel_loop3A_681 = arith.andi %parallel_loop3A_678, %parallel_loop3A_680 : vector<16xi32>
        %parallel_loop3A_682 = tpu.vector_load_idx %arg7[%add3A_97, %parallel_loop3A_681] : memref<128x128xf32, #tpu.memory_space<vmem>>[vector<16xi32>, vector<16xi32>], vector<16xf32>,
        tpu.vector_store_idx %arg9[%parallel_loop3A_681, %add3A_97], %parallel_loop3A_682 : memref<128x128xf32, #tpu.memory_space<vmem>>[vector<16xi32>, vector<16xi32>], vector<16xf32>,
        %parallel_loop3A_683 = vector.broadcast %parallel_loop3A_640 : i32 to vector<16xi32>
        %parallel_loop3A_684 = arith.addi %parallel_loop3A_683, %add3A_100 : vector<16xi32>
        %parallel_loop3A_685 = arith.constant 127 : i32
        %parallel_loop3A_686 = vector.broadcast %parallel_loop3A_685 : i32 to vector<16xi32>
        %parallel_loop3A_687 = arith.andi %parallel_loop3A_684, %parallel_loop3A_686 : vector<16xi32>
        %parallel_loop3A_688 = tpu.vector_load_idx %arg7[%add3A_100, %parallel_loop3A_687] : memref<128x128xf32, #tpu.memory_space<vmem>>[vector<16xi32>, vector<16xi32>], vector<16xf32>,
        tpu.vector_store_idx %arg9[%parallel_loop3A_687, %add3A_100], %parallel_loop3A_688 : memref<128x128xf32, #tpu.memory_space<vmem>>[vector<16xi32>, vector<16xi32>], vector<16xf32>,
      } {sc.loop_unroll_factor = 4 : i64, sc.parallel_access}
      %dma_start3A_470 = arith.constant 512 : i32
      %dma_start3A_471 = tpu.memref_slice %arg4[%select_n3A, %dma_start3A_470, %mul3A_200] : memref<200x1000x1024xf32, #tpu.memory_space<hbm>> -> memref<1x128x128xf32, #tpu.memory_space<hbm>>
      %dma_start3A_472 = tpu.memref_squeeze %dma_start3A_471 : memref<1x128x128xf32, #tpu.memory_space<hbm>> -> memref<128x128xf32, #tpu.memory_space<hbm>>
      %dma_start3A_473 = arith.constant 512 : i32
      %dma_start3A_474 = tpu.memref_slice %arg4[%select_n3A, %dma_start3A_473, %mul3A_200] : memref<200x1000x1024xf32, #tpu.memory_space<hbm>> -> memref<1x128x128xf32, #tpu.memory_space<hbm>>
      %dma_start3A_475 = tpu.memref_squeeze %dma_start3A_474 : memref<1x128x128xf32, #tpu.memory_space<hbm>> -> memref<128x128xf32, #tpu.memory_space<hbm>>
      tpu.enqueue_dma source(%arg9 : memref<128x128xf32, #tpu.memory_space<vmem>>) target(%dma_start3A_475 : memref<128x128xf32, #tpu.memory_space<hbm>>) target_semaphore(%arg13 : memref<!tpu.dma_semaphore, #tpu.memory_space<semaphore_mem>>)
      %jit3A_476 = arith.constant 3 : i32
      %eq3A_477 = arith.constant 0 : i32
      %eq3A_478 = arith.cmpi eq, %jit3A_476, %eq3A_477 : i32
      %jit3A_479 = arith.constant 1 : i32
      %select_n3A_480 = arith.select %eq3A_478, %jit3A_479, %jit3A_476 : i32
      %rem3A_481 = arith.remsi %scan3A_163, %select_n3A_480 : i32
      %ne3A_482 = arith.constant 0 : i32
      %ne3A_483 = arith.cmpi ne, %rem3A_481, %ne3A_482 : i32
      %lt3A_484 = arith.constant 0 : i32
      %lt3A_485 = arith.cmpi slt, %rem3A_481, %lt3A_484 : i32
      %lt3A_486 = arith.constant 0 : i32
      %lt3A_487 = arith.cmpi slt, %select_n3A_480, %lt3A_486 : i32
      %ne3A_488 = arith.xori %lt3A_485, %lt3A_487 : i1
      %and3A_489 = arith.andi %ne3A_488, %ne3A_483 : i1
      %add3A_490 = arith.addi %rem3A_481, %select_n3A_480 : i32
      %select_n3A_491 = arith.select %and3A_489, %add3A_490, %rem3A_481 : i32
      %dma_start3A_492 = arith.constant 6 : i32
      %dma_start3A_493 = arith.constant 0 : i32
      %dma_start3A_494 = tpu.memref_slice %arg5[%select_n3A_491, %dma_start3A_493] : memref<3x128xi32, #tpu.memory_space<vmem>> -> memref<1x128xi32, #tpu.memory_space<vmem>>
      %dma_start3A_495 = tpu.memref_squeeze %dma_start3A_494 : memref<1x128xi32, #tpu.memory_space<vmem>> -> memref<128xi32, #tpu.memory_space<vmem>>
      %dma_start3A_496 = arith.constant 0 : i32
      %dma_start3A_497 = arith.constant 0 : i32
      %dma_start3A_498 = tpu.memref_slice %arg6[%dma_start3A_492, %dma_start3A_496, %dma_start3A_497] : memref<8x1000x128xf32, #tpu.memory_space<vmem_shared>> -> memref<1x1000x128xf32, #tpu.memory_space<vmem_shared>>
      %dma_start3A_499 = tpu.memref_squeeze %dma_start3A_498 : memref<1x1000x128xf32, #tpu.memory_space<vmem_shared>> -> memref<1000x128xf32, #tpu.memory_space<vmem_shared>>
      %dma_start3A_500 = arith.constant 0 : i32
      %dma_start3A_501 = arith.constant 0 : i32
      %dma_start3A_502 = tpu.memref_slice %dma_start3A_499[%dma_start3A_500, %dma_start3A_501] : memref<1000x128xf32, #tpu.memory_space<vmem_shared>> -> memref<1000x128xf32, #tpu.memory_space<vmem_shared>>
      tpu.enqueue_indirect_dma source(%dma_start3A_502 : memref<1000x128xf32, #tpu.memory_space<vmem_shared>>) target(%arg7 : memref<128x128xf32, #tpu.memory_space<vmem>>) offsets(%dma_start3A_495 : memref<128xi32, #tpu.memory_space<vmem>>) semaphore(%arg11 : memref<!tpu.dma_semaphore, #tpu.memory_space<semaphore_mem>>)
      %dma_wait3A_503 = arith.constant 0 : i32
      %dma_wait3A_504 = arith.constant 0 : i32
      %dma_wait3A_505 = arith.constant 0 : i32
      %dma_wait3A_506 = tpu.memref_slice %arg5[%dma_wait3A_504, %dma_wait3A_505] : memref<3x128xi32, #tpu.memory_space<vmem>> -> memref<1x128xi32, #tpu.memory_space<vmem>>
      %dma_wait3A_507 = tpu.memref_squeeze %dma_wait3A_506 : memref<1x128xi32, #tpu.memory_space<vmem>> -> memref<128xi32, #tpu.memory_space<vmem>>
      %dma_wait3A_508 = arith.constant 0 : i32
      %dma_wait3A_509 = arith.constant 0 : i32
      %dma_wait3A_510 = tpu.memref_slice %arg6[%dma_wait3A_503, %dma_wait3A_508, %dma_wait3A_509] : memref<8x1000x128xf32, #tpu.memory_space<vmem_shared>> -> memref<1x1000x128xf32, #tpu.memory_space<vmem_shared>>
      %dma_wait3A_511 = tpu.memref_squeeze %dma_wait3A_510 : memref<1x1000x128xf32, #tpu.memory_space<vmem_shared>> -> memref<1000x128xf32, #tpu.memory_space<vmem_shared>>
      %dma_wait3A_512 = arith.constant 0 : i32
      %dma_wait3A_513 = arith.constant 0 : i32
      %dma_wait3A_514 = tpu.memref_slice %dma_wait3A_511[%dma_wait3A_512, %dma_wait3A_513] : memref<1000x128xf32, #tpu.memory_space<vmem_shared>> -> memref<1000x128xf32, #tpu.memory_space<vmem_shared>>
      tpu.wait_indirect_dma semaphore(%arg12 : memref<!tpu.dma_semaphore, #tpu.memory_space<semaphore_mem>>) src(%dma_wait3A_514 : memref<1000x128xf32, #tpu.memory_space<vmem_shared>>) dst(%arg8 : memref<128x128xf32, #tpu.memory_space<vmem>>)
      %dma_wait3A_515 = arith.constant 0 : i32
      %dma_wait3A_516 = arith.constant 0 : i32
      %dma_wait3A_517 = arith.constant 0 : i32
      %dma_wait3A_518 = tpu.memref_slice %arg4[%dma_wait3A_515, %dma_wait3A_516, %dma_wait3A_517] : memref<200x1000x1024xf32, #tpu.memory_space<hbm>> -> memref<1x128x128xf32, #tpu.memory_space<hbm>>
      %dma_wait3A_519 = tpu.memref_squeeze %dma_wait3A_518 : memref<1x128x128xf32, #tpu.memory_space<hbm>> -> memref<128x128xf32, #tpu.memory_space<hbm>>
      %dma_wait3A_520 = arith.constant 0 : i32
      %dma_wait3A_521 = arith.constant 0 : i32
      %dma_wait3A_522 = tpu.memref_slice %arg4[%dma_wait3A_515, %dma_wait3A_520, %dma_wait3A_521] : memref<200x1000x1024xf32, #tpu.memory_space<hbm>> -> memref<1x128x128xf32, #tpu.memory_space<hbm>>
      %dma_wait3A_523 = tpu.memref_squeeze %dma_wait3A_522 : memref<1x128x128xf32, #tpu.memory_space<hbm>> -> memref<128x128xf32, #tpu.memory_space<hbm>>
      tpu.wait_dma2 semaphore(%arg14 : memref<!tpu.dma_semaphore, #tpu.memory_space<semaphore_mem>>) src(%arg10 : memref<128x128xf32, #tpu.memory_space<vmem>>) dst(%dma_wait3A_523 : memref<128x128xf32, #tpu.memory_space<hbm>>)
      %parallel_loop3A_524 = arith.constant 0 : i32
      %parallel_loop3A_525 = arith.constant 128 : i32
      %parallel_loop3A_526 = arith.constant 1 : i32
      scf.for %parallel_loop3A_640 = %parallel_loop3A_524 to %parallel_loop3A_525 step %parallel_loop3A_526  : i32 {
        %parallel_loop3A_641 = vector.broadcast %parallel_loop3A_640 : i32 to vector<16xi32>
        %parallel_loop3A_642 = arith.addi %parallel_loop3A_641, %add3A_79 : vector<16xi32>
        %parallel_loop3A_643 = arith.constant 127 : i32
        %parallel_loop3A_644 = vector.broadcast %parallel_loop3A_643 : i32 to vector<16xi32>
        %parallel_loop3A_645 = arith.andi %parallel_loop3A_642, %parallel_loop3A_644 : vector<16xi32>
        %parallel_loop3A_646 = tpu.vector_load_idx %arg8[%add3A_79, %parallel_loop3A_645] : memref<128x128xf32, #tpu.memory_space<vmem>>[vector<16xi32>, vector<16xi32>], vector<16xf32>,
        tpu.vector_store_idx %arg10[%parallel_loop3A_645, %add3A_79], %parallel_loop3A_646 : memref<128x128xf32, #tpu.memory_space<vmem>>[vector<16xi32>, vector<16xi32>], vector<16xf32>,
        %parallel_loop3A_647 = vector.broadcast %parallel_loop3A_640 : i32 to vector<16xi32>
        %parallel_loop3A_648 = arith.addi %parallel_loop3A_647, %add3A_82 : vector<16xi32>
        %parallel_loop3A_649 = arith.constant 127 : i32
        %parallel_loop3A_650 = vector.broadcast %parallel_loop3A_649 : i32 to vector<16xi32>
        %parallel_loop3A_651 = arith.andi %parallel_loop3A_648, %parallel_loop3A_650 : vector<16xi32>
        %parallel_loop3A_652 = tpu.vector_load_idx %arg8[%add3A_82, %parallel_loop3A_651] : memref<128x128xf32, #tpu.memory_space<vmem>>[vector<16xi32>, vector<16xi32>], vector<16xf32>,
        tpu.vector_store_idx %arg10[%parallel_loop3A_651, %add3A_82], %parallel_loop3A_652 : memref<128x128xf32, #tpu.memory_space<vmem>>[vector<16xi32>, vector<16xi32>], vector<16xf32>,
        %parallel_loop3A_653 = vector.broadcast %parallel_loop3A_640 : i32 to vector<16xi32>
        %parallel_loop3A_654 = arith.addi %parallel_loop3A_653, %add3A_85 : vector<16xi32>
        %parallel_loop3A_655 = arith.constant 127 : i32
        %parallel_loop3A_656 = vector.broadcast %parallel_loop3A_655 : i32 to vector<16xi32>
        %parallel_loop3A_657 = arith.andi %parallel_loop3A_654, %parallel_loop3A_656 : vector<16xi32>
        %parallel_loop3A_658 = tpu.vector_load_idx %arg8[%add3A_85, %parallel_loop3A_657] : memref<128x128xf32, #tpu.memory_space<vmem>>[vector<16xi32>, vector<16xi32>], vector<16xf32>,
        tpu.vector_store_idx %arg10[%parallel_loop3A_657, %add3A_85], %parallel_loop3A_658 : memref<128x128xf32, #tpu.memory_space<vmem>>[vector<16xi32>, vector<16xi32>], vector<16xf32>,
        %parallel_loop3A_659 = vector.broadcast %parallel_loop3A_640 : i32 to vector<16xi32>
        %parallel_loop3A_660 = arith.addi %parallel_loop3A_659, %add3A_88 : vector<16xi32>
        %parallel_loop3A_661 = arith.constant 127 : i32
        %parallel_loop3A_662 = vector.broadcast %parallel_loop3A_661 : i32 to vector<16xi32>
        %parallel_loop3A_663 = arith.andi %parallel_loop3A_660, %parallel_loop3A_662 : vector<16xi32>
        %parallel_loop3A_664 = tpu.vector_load_idx %arg8[%add3A_88, %parallel_loop3A_663] : memref<128x128xf32, #tpu.memory_space<vmem>>[vector<16xi32>, vector<16xi32>], vector<16xf32>,
        tpu.vector_store_idx %arg10[%parallel_loop3A_663, %add3A_88], %parallel_loop3A_664 : memref<128x128xf32, #tpu.memory_space<vmem>>[vector<16xi32>, vector<16xi32>], vector<16xf32>,
        %parallel_loop3A_665 = vector.broadcast %parallel_loop3A_640 : i32 to vector<16xi32>
        %parallel_loop3A_666 = arith.addi %parallel_loop3A_665, %add3A_91 : vector<16xi32>
        %parallel_loop3A_667 = arith.constant 127 : i32
        %parallel_loop3A_668 = vector.broadcast %parallel_loop3A_667 : i32 to vector<16xi32>
        %parallel_loop3A_669 = arith.andi %parallel_loop3A_666, %parallel_loop3A_668 : vector<16xi32>
        %parallel_loop3A_670 = tpu.vector_load_idx %arg8[%add3A_91, %parallel_loop3A_669] : memref<128x128xf32, #tpu.memory_space<vmem>>[vector<16xi32>, vector<16xi32>], vector<16xf32>,
        tpu.vector_store_idx %arg10[%parallel_loop3A_669, %add3A_91], %parallel_loop3A_670 : memref<128x128xf32, #tpu.memory_space<vmem>>[vector<16xi32>, vector<16xi32>], vector<16xf32>,
        %parallel_loop3A_671 = vector.broadcast %parallel_loop3A_640 : i32 to vector<16xi32>
        %parallel_loop3A_672 = arith.addi %parallel_loop3A_671, %add3A_94 : vector<16xi32>
        %parallel_loop3A_673 = arith.constant 127 : i32
        %parallel_loop3A_674 = vector.broadcast %parallel_loop3A_673 : i32 to vector<16xi32>
        %parallel_loop3A_675 = arith.andi %parallel_loop3A_672, %parallel_loop3A_674 : vector<16xi32>
        %parallel_loop3A_676 = tpu.vector_load_idx %arg8[%add3A_94, %parallel_loop3A_675] : memref<128x128xf32, #tpu.memory_space<vmem>>[vector<16xi32>, vector<16xi32>], vector<16xf32>,
        tpu.vector_store_idx %arg10[%parallel_loop3A_675, %add3A_94], %parallel_loop3A_676 : memref<128x128xf32, #tpu.memory_space<vmem>>[vector<16xi32>, vector<16xi32>], vector<16xf32>,
        %parallel_loop3A_677 = vector.broadcast %parallel_loop3A_640 : i32 to vector<16xi32>
        %parallel_loop3A_678 = arith.addi %parallel_loop3A_677, %add3A_97 : vector<16xi32>
        %parallel_loop3A_679 = arith.constant 127 : i32
        %parallel_loop3A_680 = vector.broadcast %parallel_loop3A_679 : i32 to vector<16xi32>
        %parallel_loop3A_681 = arith.andi %parallel_loop3A_678, %parallel_loop3A_680 : vector<16xi32>
        %parallel_loop3A_682 = tpu.vector_load_idx %arg8[%add3A_97, %parallel_loop3A_681] : memref<128x128xf32, #tpu.memory_space<vmem>>[vector<16xi32>, vector<16xi32>], vector<16xf32>,
        tpu.vector_store_idx %arg10[%parallel_loop3A_681, %add3A_97], %parallel_loop3A_682 : memref<128x128xf32, #tpu.memory_space<vmem>>[vector<16xi32>, vector<16xi32>], vector<16xf32>,
        %parallel_loop3A_683 = vector.broadcast %parallel_loop3A_640 : i32 to vector<16xi32>
        %parallel_loop3A_684 = arith.addi %parallel_loop3A_683, %add3A_100 : vector<16xi32>
        %parallel_loop3A_685 = arith.constant 127 : i32
        %parallel_loop3A_686 = vector.broadcast %parallel_loop3A_685 : i32 to vector<16xi32>
        %parallel_loop3A_687 = arith.andi %parallel_loop3A_684, %parallel_loop3A_686 : vector<16xi32>
        %parallel_loop3A_688 = tpu.vector_load_idx %arg8[%add3A_100, %parallel_loop3A_687] : memref<128x128xf32, #tpu.memory_space<vmem>>[vector<16xi32>, vector<16xi32>], vector<16xf32>,
        tpu.vector_store_idx %arg10[%parallel_loop3A_687, %add3A_100], %parallel_loop3A_688 : memref<128x128xf32, #tpu.memory_space<vmem>>[vector<16xi32>, vector<16xi32>], vector<16xf32>,
      } {sc.loop_unroll_factor = 4 : i64, sc.parallel_access}
      %dma_start3A_527 = arith.constant 640 : i32
      %dma_start3A_528 = tpu.memref_slice %arg4[%select_n3A, %dma_start3A_527, %mul3A_200] : memref<200x1000x1024xf32, #tpu.memory_space<hbm>> -> memref<1x128x128xf32, #tpu.memory_space<hbm>>
      %dma_start3A_529 = tpu.memref_squeeze %dma_start3A_528 : memref<1x128x128xf32, #tpu.memory_space<hbm>> -> memref<128x128xf32, #tpu.memory_space<hbm>>
      %dma_start3A_530 = arith.constant 640 : i32
      %dma_start3A_531 = tpu.memref_slice %arg4[%select_n3A, %dma_start3A_530, %mul3A_200] : memref<200x1000x1024xf32, #tpu.memory_space<hbm>> -> memref<1x128x128xf32, #tpu.memory_space<hbm>>
      %dma_start3A_532 = tpu.memref_squeeze %dma_start3A_531 : memref<1x128x128xf32, #tpu.memory_space<hbm>> -> memref<128x128xf32, #tpu.memory_space<hbm>>
      tpu.enqueue_dma source(%arg10 : memref<128x128xf32, #tpu.memory_space<vmem>>) target(%dma_start3A_532 : memref<128x128xf32, #tpu.memory_space<hbm>>) target_semaphore(%arg14 : memref<!tpu.dma_semaphore, #tpu.memory_space<semaphore_mem>>)
      %jit3A_533 = arith.constant 3 : i32
      %eq3A_534 = arith.constant 0 : i32
      %eq3A_535 = arith.cmpi eq, %jit3A_533, %eq3A_534 : i32
      %jit3A_536 = arith.constant 1 : i32
      %select_n3A_537 = arith.select %eq3A_535, %jit3A_536, %jit3A_533 : i32
      %rem3A_538 = arith.remsi %scan3A_163, %select_n3A_537 : i32
      %ne3A_539 = arith.constant 0 : i32
      %ne3A_540 = arith.cmpi ne, %rem3A_538, %ne3A_539 : i32
      %lt3A_541 = arith.constant 0 : i32
      %lt3A_542 = arith.cmpi slt, %rem3A_538, %lt3A_541 : i32
      %lt3A_543 = arith.constant 0 : i32
      %lt3A_544 = arith.cmpi slt, %select_n3A_537, %lt3A_543 : i32
      %ne3A_545 = arith.xori %lt3A_542, %lt3A_544 : i1
      %and3A_546 = arith.andi %ne3A_545, %ne3A_540 : i1
      %add3A_547 = arith.addi %rem3A_538, %select_n3A_537 : i32
      %select_n3A_548 = arith.select %and3A_546, %add3A_547, %rem3A_538 : i32
      %dma_start3A_549 = arith.constant 7 : i32
      %dma_start3A_550 = arith.constant 0 : i32
      %dma_start3A_551 = tpu.memref_slice %arg5[%select_n3A_548, %dma_start3A_550] : memref<3x128xi32, #tpu.memory_space<vmem>> -> memref<1x128xi32, #tpu.memory_space<vmem>>
      %dma_start3A_552 = tpu.memref_squeeze %dma_start3A_551 : memref<1x128xi32, #tpu.memory_space<vmem>> -> memref<128xi32, #tpu.memory_space<vmem>>
      %dma_start3A_553 = arith.constant 0 : i32
      %dma_start3A_554 = arith.constant 0 : i32
      %dma_start3A_555 = tpu.memref_slice %arg6[%dma_start3A_549, %dma_start3A_553, %dma_start3A_554] : memref<8x1000x128xf32, #tpu.memory_space<vmem_shared>> -> memref<1x1000x128xf32, #tpu.memory_space<vmem_shared>>
      %dma_start3A_556 = tpu.memref_squeeze %dma_start3A_555 : memref<1x1000x128xf32, #tpu.memory_space<vmem_shared>> -> memref<1000x128xf32, #tpu.memory_space<vmem_shared>>
      %dma_start3A_557 = arith.constant 0 : i32
      %dma_start3A_558 = arith.constant 0 : i32
      %dma_start3A_559 = tpu.memref_slice %dma_start3A_556[%dma_start3A_557, %dma_start3A_558] : memref<1000x128xf32, #tpu.memory_space<vmem_shared>> -> memref<1000x128xf32, #tpu.memory_space<vmem_shared>>
      tpu.enqueue_indirect_dma source(%dma_start3A_559 : memref<1000x128xf32, #tpu.memory_space<vmem_shared>>) target(%arg8 : memref<128x128xf32, #tpu.memory_space<vmem>>) offsets(%dma_start3A_552 : memref<128xi32, #tpu.memory_space<vmem>>) semaphore(%arg12 : memref<!tpu.dma_semaphore, #tpu.memory_space<semaphore_mem>>)
      %dma_wait3A_560 = arith.constant 0 : i32
      %dma_wait3A_561 = arith.constant 0 : i32
      %dma_wait3A_562 = arith.constant 0 : i32
      %dma_wait3A_563 = tpu.memref_slice %arg5[%dma_wait3A_561, %dma_wait3A_562] : memref<3x128xi32, #tpu.memory_space<vmem>> -> memref<1x128xi32, #tpu.memory_space<vmem>>
      %dma_wait3A_564 = tpu.memref_squeeze %dma_wait3A_563 : memref<1x128xi32, #tpu.memory_space<vmem>> -> memref<128xi32, #tpu.memory_space<vmem>>
      %dma_wait3A_565 = arith.constant 0 : i32
      %dma_wait3A_566 = arith.constant 0 : i32
      %dma_wait3A_567 = tpu.memref_slice %arg6[%dma_wait3A_560, %dma_wait3A_565, %dma_wait3A_566] : memref<8x1000x128xf32, #tpu.memory_space<vmem_shared>> -> memref<1x1000x128xf32, #tpu.memory_space<vmem_shared>>
      %dma_wait3A_568 = tpu.memref_squeeze %dma_wait3A_567 : memref<1x1000x128xf32, #tpu.memory_space<vmem_shared>> -> memref<1000x128xf32, #tpu.memory_space<vmem_shared>>
      %dma_wait3A_569 = arith.constant 0 : i32
      %dma_wait3A_570 = arith.constant 0 : i32
      %dma_wait3A_571 = tpu.memref_slice %dma_wait3A_568[%dma_wait3A_569, %dma_wait3A_570] : memref<1000x128xf32, #tpu.memory_space<vmem_shared>> -> memref<1000x128xf32, #tpu.memory_space<vmem_shared>>
      tpu.wait_indirect_dma semaphore(%arg11 : memref<!tpu.dma_semaphore, #tpu.memory_space<semaphore_mem>>) src(%dma_wait3A_571 : memref<1000x128xf32, #tpu.memory_space<vmem_shared>>) dst(%arg7 : memref<128x128xf32, #tpu.memory_space<vmem>>)
      %dma_wait3A_572 = arith.constant 0 : i32
      %dma_wait3A_573 = arith.constant 0 : i32
      %dma_wait3A_574 = arith.constant 0 : i32
      %dma_wait3A_575 = tpu.memref_slice %arg4[%dma_wait3A_572, %dma_wait3A_573, %dma_wait3A_574] : memref<200x1000x1024xf32, #tpu.memory_space<hbm>> -> memref<1x128x128xf32, #tpu.memory_space<hbm>>
      %dma_wait3A_576 = tpu.memref_squeeze %dma_wait3A_575 : memref<1x128x128xf32, #tpu.memory_space<hbm>> -> memref<128x128xf32, #tpu.memory_space<hbm>>
      %dma_wait3A_577 = arith.constant 0 : i32
      %dma_wait3A_578 = arith.constant 0 : i32
      %dma_wait3A_579 = tpu.memref_slice %arg4[%dma_wait3A_572, %dma_wait3A_577, %dma_wait3A_578] : memref<200x1000x1024xf32, #tpu.memory_space<hbm>> -> memref<1x128x128xf32, #tpu.memory_space<hbm>>
      %dma_wait3A_580 = tpu.memref_squeeze %dma_wait3A_579 : memref<1x128x128xf32, #tpu.memory_space<hbm>> -> memref<128x128xf32, #tpu.memory_space<hbm>>
      tpu.wait_dma2 semaphore(%arg13 : memref<!tpu.dma_semaphore, #tpu.memory_space<semaphore_mem>>) src(%arg9 : memref<128x128xf32, #tpu.memory_space<vmem>>) dst(%dma_wait3A_580 : memref<128x128xf32, #tpu.memory_space<hbm>>)
      %parallel_loop3A_581 = arith.constant 0 : i32
      %parallel_loop3A_582 = arith.constant 128 : i32
      %parallel_loop3A_583 = arith.constant 1 : i32
      scf.for %parallel_loop3A_640 = %parallel_loop3A_581 to %parallel_loop3A_582 step %parallel_loop3A_583  : i32 {
        %parallel_loop3A_641 = vector.broadcast %parallel_loop3A_640 : i32 to vector<16xi32>
        %parallel_loop3A_642 = arith.addi %parallel_loop3A_641, %add3A_79 : vector<16xi32>
        %parallel_loop3A_643 = arith.constant 127 : i32
        %parallel_loop3A_644 = vector.broadcast %parallel_loop3A_643 : i32 to vector<16xi32>
        %parallel_loop3A_645 = arith.andi %parallel_loop3A_642, %parallel_loop3A_644 : vector<16xi32>
        %parallel_loop3A_646 = tpu.vector_load_idx %arg7[%add3A_79, %parallel_loop3A_645] : memref<128x128xf32, #tpu.memory_space<vmem>>[vector<16xi32>, vector<16xi32>], vector<16xf32>,
        tpu.vector_store_idx %arg9[%parallel_loop3A_645, %add3A_79], %parallel_loop3A_646 : memref<128x128xf32, #tpu.memory_space<vmem>>[vector<16xi32>, vector<16xi32>], vector<16xf32>,
        %parallel_loop3A_647 = vector.broadcast %parallel_loop3A_640 : i32 to vector<16xi32>
        %parallel_loop3A_648 = arith.addi %parallel_loop3A_647, %add3A_82 : vector<16xi32>
        %parallel_loop3A_649 = arith.constant 127 : i32
        %parallel_loop3A_650 = vector.broadcast %parallel_loop3A_649 : i32 to vector<16xi32>
        %parallel_loop3A_651 = arith.andi %parallel_loop3A_648, %parallel_loop3A_650 : vector<16xi32>
        %parallel_loop3A_652 = tpu.vector_load_idx %arg7[%add3A_82, %parallel_loop3A_651] : memref<128x128xf32, #tpu.memory_space<vmem>>[vector<16xi32>, vector<16xi32>], vector<16xf32>,
        tpu.vector_store_idx %arg9[%parallel_loop3A_651, %add3A_82], %parallel_loop3A_652 : memref<128x128xf32, #tpu.memory_space<vmem>>[vector<16xi32>, vector<16xi32>], vector<16xf32>,
        %parallel_loop3A_653 = vector.broadcast %parallel_loop3A_640 : i32 to vector<16xi32>
        %parallel_loop3A_654 = arith.addi %parallel_loop3A_653, %add3A_85 : vector<16xi32>
        %parallel_loop3A_655 = arith.constant 127 : i32
        %parallel_loop3A_656 = vector.broadcast %parallel_loop3A_655 : i32 to vector<16xi32>
        %parallel_loop3A_657 = arith.andi %parallel_loop3A_654, %parallel_loop3A_656 : vector<16xi32>
        %parallel_loop3A_658 = tpu.vector_load_idx %arg7[%add3A_85, %parallel_loop3A_657] : memref<128x128xf32, #tpu.memory_space<vmem>>[vector<16xi32>, vector<16xi32>], vector<16xf32>,
        tpu.vector_store_idx %arg9[%parallel_loop3A_657, %add3A_85], %parallel_loop3A_658 : memref<128x128xf32, #tpu.memory_space<vmem>>[vector<16xi32>, vector<16xi32>], vector<16xf32>,
        %parallel_loop3A_659 = vector.broadcast %parallel_loop3A_640 : i32 to vector<16xi32>
        %parallel_loop3A_660 = arith.addi %parallel_loop3A_659, %add3A_88 : vector<16xi32>
        %parallel_loop3A_661 = arith.constant 127 : i32
        %parallel_loop3A_662 = vector.broadcast %parallel_loop3A_661 : i32 to vector<16xi32>
        %parallel_loop3A_663 = arith.andi %parallel_loop3A_660, %parallel_loop3A_662 : vector<16xi32>
        %parallel_loop3A_664 = tpu.vector_load_idx %arg7[%add3A_88, %parallel_loop3A_663] : memref<128x128xf32, #tpu.memory_space<vmem>>[vector<16xi32>, vector<16xi32>], vector<16xf32>,
        tpu.vector_store_idx %arg9[%parallel_loop3A_663, %add3A_88], %parallel_loop3A_664 : memref<128x128xf32, #tpu.memory_space<vmem>>[vector<16xi32>, vector<16xi32>], vector<16xf32>,
        %parallel_loop3A_665 = vector.broadcast %parallel_loop3A_640 : i32 to vector<16xi32>
        %parallel_loop3A_666 = arith.addi %parallel_loop3A_665, %add3A_91 : vector<16xi32>
        %parallel_loop3A_667 = arith.constant 127 : i32
        %parallel_loop3A_668 = vector.broadcast %parallel_loop3A_667 : i32 to vector<16xi32>
        %parallel_loop3A_669 = arith.andi %parallel_loop3A_666, %parallel_loop3A_668 : vector<16xi32>
        %parallel_loop3A_670 = tpu.vector_load_idx %arg7[%add3A_91, %parallel_loop3A_669] : memref<128x128xf32, #tpu.memory_space<vmem>>[vector<16xi32>, vector<16xi32>], vector<16xf32>,
        tpu.vector_store_idx %arg9[%parallel_loop3A_669, %add3A_91], %parallel_loop3A_670 : memref<128x128xf32, #tpu.memory_space<vmem>>[vector<16xi32>, vector<16xi32>], vector<16xf32>,
        %parallel_loop3A_671 = vector.broadcast %parallel_loop3A_640 : i32 to vector<16xi32>
        %parallel_loop3A_672 = arith.addi %parallel_loop3A_671, %add3A_94 : vector<16xi32>
        %parallel_loop3A_673 = arith.constant 127 : i32
        %parallel_loop3A_674 = vector.broadcast %parallel_loop3A_673 : i32 to vector<16xi32>
        %parallel_loop3A_675 = arith.andi %parallel_loop3A_672, %parallel_loop3A_674 : vector<16xi32>
        %parallel_loop3A_676 = tpu.vector_load_idx %arg7[%add3A_94, %parallel_loop3A_675] : memref<128x128xf32, #tpu.memory_space<vmem>>[vector<16xi32>, vector<16xi32>], vector<16xf32>,
        tpu.vector_store_idx %arg9[%parallel_loop3A_675, %add3A_94], %parallel_loop3A_676 : memref<128x128xf32, #tpu.memory_space<vmem>>[vector<16xi32>, vector<16xi32>], vector<16xf32>,
        %parallel_loop3A_677 = vector.broadcast %parallel_loop3A_640 : i32 to vector<16xi32>
        %parallel_loop3A_678 = arith.addi %parallel_loop3A_677, %add3A_97 : vector<16xi32>
        %parallel_loop3A_679 = arith.constant 127 : i32
        %parallel_loop3A_680 = vector.broadcast %parallel_loop3A_679 : i32 to vector<16xi32>
        %parallel_loop3A_681 = arith.andi %parallel_loop3A_678, %parallel_loop3A_680 : vector<16xi32>
        %parallel_loop3A_682 = tpu.vector_load_idx %arg7[%add3A_97, %parallel_loop3A_681] : memref<128x128xf32, #tpu.memory_space<vmem>>[vector<16xi32>, vector<16xi32>], vector<16xf32>,
        tpu.vector_store_idx %arg9[%parallel_loop3A_681, %add3A_97], %parallel_loop3A_682 : memref<128x128xf32, #tpu.memory_space<vmem>>[vector<16xi32>, vector<16xi32>], vector<16xf32>,
        %parallel_loop3A_683 = vector.broadcast %parallel_loop3A_640 : i32 to vector<16xi32>
        %parallel_loop3A_684 = arith.addi %parallel_loop3A_683, %add3A_100 : vector<16xi32>
        %parallel_loop3A_685 = arith.constant 127 : i32
        %parallel_loop3A_686 = vector.broadcast %parallel_loop3A_685 : i32 to vector<16xi32>
        %parallel_loop3A_687 = arith.andi %parallel_loop3A_684, %parallel_loop3A_686 : vector<16xi32>
        %parallel_loop3A_688 = tpu.vector_load_idx %arg7[%add3A_100, %parallel_loop3A_687] : memref<128x128xf32, #tpu.memory_space<vmem>>[vector<16xi32>, vector<16xi32>], vector<16xf32>,
        tpu.vector_store_idx %arg9[%parallel_loop3A_687, %add3A_100], %parallel_loop3A_688 : memref<128x128xf32, #tpu.memory_space<vmem>>[vector<16xi32>, vector<16xi32>], vector<16xf32>,
      } {sc.loop_unroll_factor = 4 : i64, sc.parallel_access}
      %dma_start3A_584 = arith.constant 768 : i32
      %dma_start3A_585 = tpu.memref_slice %arg4[%select_n3A, %dma_start3A_584, %mul3A_200] : memref<200x1000x1024xf32, #tpu.memory_space<hbm>> -> memref<1x128x128xf32, #tpu.memory_space<hbm>>
      %dma_start3A_586 = tpu.memref_squeeze %dma_start3A_585 : memref<1x128x128xf32, #tpu.memory_space<hbm>> -> memref<128x128xf32, #tpu.memory_space<hbm>>
      %dma_start3A_587 = arith.constant 768 : i32
      %dma_start3A_588 = tpu.memref_slice %arg4[%select_n3A, %dma_start3A_587, %mul3A_200] : memref<200x1000x1024xf32, #tpu.memory_space<hbm>> -> memref<1x128x128xf32, #tpu.memory_space<hbm>>
      %dma_start3A_589 = tpu.memref_squeeze %dma_start3A_588 : memref<1x128x128xf32, #tpu.memory_space<hbm>> -> memref<128x128xf32, #tpu.memory_space<hbm>>
      tpu.enqueue_dma source(%arg9 : memref<128x128xf32, #tpu.memory_space<vmem>>) target(%dma_start3A_589 : memref<128x128xf32, #tpu.memory_space<hbm>>) target_semaphore(%arg13 : memref<!tpu.dma_semaphore, #tpu.memory_space<semaphore_mem>>)
      %add3A_590 = arith.constant 1 : i32
      %add3A_591 = arith.addi %scan3A_163, %add3A_590 : i32
      %lt3A_592 = arith.constant 50 : i32
      %lt3A_593 = arith.cmpi slt, %add3A_591, %lt3A_592 : i32
      %convert_element_type3A_594 = arith.extui %lt3A_593 : i1 to i32
      %cond3A_595 = arith.constant 0 : i32
      %cond3A_596 = arith.cmpi ne, %convert_element_type3A_594, %cond3A_595 : i32
      scf.if %cond3A_596 {
        %add3A_640 = arith.constant 1 : i32
        %add3A_641 = arith.addi %scan3A_163, %add3A_640 : i32
        %dma_wait3A_642 = arith.constant 0 : i32
        %dma_wait3A_643 = arith.constant 0 : i32
        %dma_wait3A_644 = arith.constant 0 : i32
        %dma_wait3A_645 = tpu.memref_slice %arg5[%dma_wait3A_643, %dma_wait3A_644] : memref<3x128xi32, #tpu.memory_space<vmem>> -> memref<1x128xi32, #tpu.memory_space<vmem>>
        %dma_wait3A_646 = tpu.memref_squeeze %dma_wait3A_645 : memref<1x128xi32, #tpu.memory_space<vmem>> -> memref<128xi32, #tpu.memory_space<vmem>>
        %dma_wait3A_647 = arith.constant 0 : i32
        %dma_wait3A_648 = arith.constant 0 : i32
        %dma_wait3A_649 = tpu.memref_slice %arg3[%add3A, %dma_wait3A_647, %dma_wait3A_648] : memref<32x50x128xi32, #tpu.memory_space<hbm>> -> memref<1x50x128xi32, #tpu.memory_space<hbm>>
        %dma_wait3A_650 = tpu.memref_squeeze %dma_wait3A_649 : memref<1x50x128xi32, #tpu.memory_space<hbm>> -> memref<50x128xi32, #tpu.memory_space<hbm>>
        %dma_wait3A_651 = arith.constant 0 : i32
        %dma_wait3A_652 = tpu.memref_slice %dma_wait3A_650[%dma_wait3A_642, %dma_wait3A_651] : memref<50x128xi32, #tpu.memory_space<hbm>> -> memref<1x128xi32, #tpu.memory_space<hbm>>
        %dma_wait3A_653 = tpu.memref_squeeze %dma_wait3A_652 : memref<1x128xi32, #tpu.memory_space<hbm>> -> memref<128xi32, #tpu.memory_space<hbm>>
        %dma_wait3A_654 = arith.constant 0 : i32
        %dma_wait3A_655 = tpu.memref_slice %arg5[%dma_wait3A_643, %dma_wait3A_654] : memref<3x128xi32, #tpu.memory_space<vmem>> -> memref<1x128xi32, #tpu.memory_space<vmem>>
        %dma_wait3A_656 = tpu.memref_squeeze %dma_wait3A_655 : memref<1x128xi32, #tpu.memory_space<vmem>> -> memref<128xi32, #tpu.memory_space<vmem>>
        %dma_wait3A_657 = arith.constant 0 : i32
        %dma_wait3A_658 = arith.constant 0 : i32
        %dma_wait3A_659 = tpu.memref_slice %arg3[%add3A, %dma_wait3A_657, %dma_wait3A_658] : memref<32x50x128xi32, #tpu.memory_space<hbm>> -> memref<1x50x128xi32, #tpu.memory_space<hbm>>
        %dma_wait3A_660 = tpu.memref_squeeze %dma_wait3A_659 : memref<1x50x128xi32, #tpu.memory_space<hbm>> -> memref<50x128xi32, #tpu.memory_space<hbm>>
        %dma_wait3A_661 = arith.constant 0 : i32
        %dma_wait3A_662 = tpu.memref_slice %dma_wait3A_660[%dma_wait3A_642, %dma_wait3A_661] : memref<50x128xi32, #tpu.memory_space<hbm>> -> memref<1x128xi32, #tpu.memory_space<hbm>>
        %dma_wait3A_663 = tpu.memref_squeeze %dma_wait3A_662 : memref<1x128xi32, #tpu.memory_space<hbm>> -> memref<128xi32, #tpu.memory_space<hbm>>
        tpu.wait_dma2 semaphore(%arg15 : memref<!tpu.dma_semaphore, #tpu.memory_space<semaphore_mem>>) src(%dma_wait3A_663 : memref<128xi32, #tpu.memory_space<hbm>>) dst(%dma_wait3A_656 : memref<128xi32, #tpu.memory_space<vmem>>)
        %add3A_664 = arith.constant 1 : i32
        %add3A_665 = arith.addi %scan3A_163, %add3A_664 : i32
        %jit3A_666 = arith.constant 3 : i32
        %eq3A_667 = arith.constant 0 : i32
        %eq3A_668 = arith.cmpi eq, %jit3A_666, %eq3A_667 : i32
        %jit3A_669 = arith.constant 1 : i32
        %select_n3A_670 = arith.select %eq3A_668, %jit3A_669, %jit3A_666 : i32
        %rem3A_671 = arith.remsi %add3A_665, %select_n3A_670 : i32
        %ne3A_672 = arith.constant 0 : i32
        %ne3A_673 = arith.cmpi ne, %rem3A_671, %ne3A_672 : i32
        %lt3A_674 = arith.constant 0 : i32
        %lt3A_675 = arith.cmpi slt, %rem3A_671, %lt3A_674 : i32
        %lt3A_676 = arith.constant 0 : i32
        %lt3A_677 = arith.cmpi slt, %select_n3A_670, %lt3A_676 : i32
        %ne3A_678 = arith.xori %lt3A_675, %lt3A_677 : i1
        %and3A_679 = arith.andi %ne3A_678, %ne3A_673 : i1
        %add3A_680 = arith.addi %rem3A_671, %select_n3A_670 : i32
        %select_n3A_681 = arith.select %and3A_679, %add3A_680, %rem3A_671 : i32
        %dma_start3A_682 = arith.constant 0 : i32
        %dma_start3A_683 = arith.constant 0 : i32
        %dma_start3A_684 = tpu.memref_slice %arg5[%select_n3A_681, %dma_start3A_683] : memref<3x128xi32, #tpu.memory_space<vmem>> -> memref<1x128xi32, #tpu.memory_space<vmem>>
        %dma_start3A_685 = tpu.memref_squeeze %dma_start3A_684 : memref<1x128xi32, #tpu.memory_space<vmem>> -> memref<128xi32, #tpu.memory_space<vmem>>
        %dma_start3A_686 = arith.constant 0 : i32
        %dma_start3A_687 = arith.constant 0 : i32
        %dma_start3A_688 = tpu.memref_slice %arg6[%dma_start3A_682, %dma_start3A_686, %dma_start3A_687] : memref<8x1000x128xf32, #tpu.memory_space<vmem_shared>> -> memref<1x1000x128xf32, #tpu.memory_space<vmem_shared>>
        %dma_start3A_689 = tpu.memref_squeeze %dma_start3A_688 : memref<1x1000x128xf32, #tpu.memory_space<vmem_shared>> -> memref<1000x128xf32, #tpu.memory_space<vmem_shared>>
        %dma_start3A_690 = arith.constant 0 : i32
        %dma_start3A_691 = arith.constant 0 : i32
        %dma_start3A_692 = tpu.memref_slice %dma_start3A_689[%dma_start3A_690, %dma_start3A_691] : memref<1000x128xf32, #tpu.memory_space<vmem_shared>> -> memref<1000x128xf32, #tpu.memory_space<vmem_shared>>
        tpu.enqueue_indirect_dma source(%dma_start3A_692 : memref<1000x128xf32, #tpu.memory_space<vmem_shared>>) target(%arg7 : memref<128x128xf32, #tpu.memory_space<vmem>>) offsets(%dma_start3A_685 : memref<128xi32, #tpu.memory_space<vmem>>) semaphore(%arg11 : memref<!tpu.dma_semaphore, #tpu.memory_space<semaphore_mem>>)
      } else {
      }
      %add3A_597 = arith.constant 2 : i32
      %add3A_598 = arith.addi %scan3A_163, %add3A_597 : i32
      %lt3A_599 = arith.constant 50 : i32
      %lt3A_600 = arith.cmpi slt, %add3A_598, %lt3A_599 : i32
      %convert_element_type3A_601 = arith.extui %lt3A_600 : i1 to i32
      %cond3A_602 = arith.constant 0 : i32
      %cond3A_603 = arith.cmpi ne, %convert_element_type3A_601, %cond3A_602 : i32
      scf.if %cond3A_603 {
        %add3A_640 = arith.constant 2 : i32
        %add3A_641 = arith.addi %scan3A_163, %add3A_640 : i32
        %jit3A_642 = arith.constant 3 : i32
        %eq3A_643 = arith.constant 0 : i32
        %eq3A_644 = arith.cmpi eq, %jit3A_642, %eq3A_643 : i32
        %jit3A_645 = arith.constant 1 : i32
        %select_n3A_646 = arith.select %eq3A_644, %jit3A_645, %jit3A_642 : i32
        %rem3A_647 = arith.remsi %add3A_641, %select_n3A_646 : i32
        %ne3A_648 = arith.constant 0 : i32
        %ne3A_649 = arith.cmpi ne, %rem3A_647, %ne3A_648 : i32
        %lt3A_650 = arith.constant 0 : i32
        %lt3A_651 = arith.cmpi slt, %rem3A_647, %lt3A_650 : i32
        %lt3A_652 = arith.constant 0 : i32
        %lt3A_653 = arith.cmpi slt, %select_n3A_646, %lt3A_652 : i32
        %ne3A_654 = arith.xori %lt3A_651, %lt3A_653 : i1
        %and3A_655 = arith.andi %ne3A_654, %ne3A_649 : i1
        %add3A_656 = arith.addi %rem3A_647, %select_n3A_646 : i32
        %select_n3A_657 = arith.select %and3A_655, %add3A_656, %rem3A_647 : i32
        %dma_start3A_658 = arith.constant 0 : i32
        %dma_start3A_659 = tpu.memref_slice %arg5[%select_n3A_657, %dma_start3A_658] : memref<3x128xi32, #tpu.memory_space<vmem>> -> memref<1x128xi32, #tpu.memory_space<vmem>>
        %dma_start3A_660 = tpu.memref_squeeze %dma_start3A_659 : memref<1x128xi32, #tpu.memory_space<vmem>> -> memref<128xi32, #tpu.memory_space<vmem>>
        %dma_start3A_661 = arith.constant 0 : i32
        %dma_start3A_662 = arith.constant 0 : i32
        %dma_start3A_663 = tpu.memref_slice %arg3[%add3A, %dma_start3A_661, %dma_start3A_662] : memref<32x50x128xi32, #tpu.memory_space<hbm>> -> memref<1x50x128xi32, #tpu.memory_space<hbm>>
        %dma_start3A_664 = tpu.memref_squeeze %dma_start3A_663 : memref<1x50x128xi32, #tpu.memory_space<hbm>> -> memref<50x128xi32, #tpu.memory_space<hbm>>
        %dma_start3A_665 = arith.constant 0 : i32
        %dma_start3A_666 = tpu.memref_slice %dma_start3A_664[%add3A_641, %dma_start3A_665] : memref<50x128xi32, #tpu.memory_space<hbm>> -> memref<1x128xi32, #tpu.memory_space<hbm>>
        %dma_start3A_667 = tpu.memref_squeeze %dma_start3A_666 : memref<1x128xi32, #tpu.memory_space<hbm>> -> memref<128xi32, #tpu.memory_space<hbm>>
        %dma_start3A_668 = arith.constant 0 : i32
        %dma_start3A_669 = tpu.memref_slice %arg5[%select_n3A_657, %dma_start3A_668] : memref<3x128xi32, #tpu.memory_space<vmem>> -> memref<1x128xi32, #tpu.memory_space<vmem>>
        %dma_start3A_670 = tpu.memref_squeeze %dma_start3A_669 : memref<1x128xi32, #tpu.memory_space<vmem>> -> memref<128xi32, #tpu.memory_space<vmem>>
        %dma_start3A_671 = arith.constant 0 : i32
        %dma_start3A_672 = arith.constant 0 : i32
        %dma_start3A_673 = tpu.memref_slice %arg3[%add3A, %dma_start3A_671, %dma_start3A_672] : memref<32x50x128xi32, #tpu.memory_space<hbm>> -> memref<1x50x128xi32, #tpu.memory_space<hbm>>
        %dma_start3A_674 = tpu.memref_squeeze %dma_start3A_673 : memref<1x50x128xi32, #tpu.memory_space<hbm>> -> memref<50x128xi32, #tpu.memory_space<hbm>>
        %dma_start3A_675 = arith.constant 0 : i32
        %dma_start3A_676 = tpu.memref_slice %dma_start3A_674[%add3A_641, %dma_start3A_675] : memref<50x128xi32, #tpu.memory_space<hbm>> -> memref<1x128xi32, #tpu.memory_space<hbm>>
        %dma_start3A_677 = tpu.memref_squeeze %dma_start3A_676 : memref<1x128xi32, #tpu.memory_space<hbm>> -> memref<128xi32, #tpu.memory_space<hbm>>
        tpu.enqueue_dma source(%dma_start3A_677 : memref<128xi32, #tpu.memory_space<hbm>>) target(%dma_start3A_670 : memref<128xi32, #tpu.memory_space<vmem>>) target_semaphore(%arg15 : memref<!tpu.dma_semaphore, #tpu.memory_space<semaphore_mem>>)
      } else {
      }
      %dma_wait3A_604 = arith.constant 0 : i32
      %dma_wait3A_605 = arith.constant 0 : i32
      %dma_wait3A_606 = arith.constant 0 : i32
      %dma_wait3A_607 = tpu.memref_slice %arg5[%dma_wait3A_605, %dma_wait3A_606] : memref<3x128xi32, #tpu.memory_space<vmem>> -> memref<1x128xi32, #tpu.memory_space<vmem>>
      %dma_wait3A_608 = tpu.memref_squeeze %dma_wait3A_607 : memref<1x128xi32, #tpu.memory_space<vmem>> -> memref<128xi32, #tpu.memory_space<vmem>>
      %dma_wait3A_609 = arith.constant 0 : i32
      %dma_wait3A_610 = arith.constant 0 : i32
      %dma_wait3A_611 = tpu.memref_slice %arg6[%dma_wait3A_604, %dma_wait3A_609, %dma_wait3A_610] : memref<8x1000x128xf32, #tpu.memory_space<vmem_shared>> -> memref<1x1000x128xf32, #tpu.memory_space<vmem_shared>>
      %dma_wait3A_612 = tpu.memref_squeeze %dma_wait3A_611 : memref<1x1000x128xf32, #tpu.memory_space<vmem_shared>> -> memref<1000x128xf32, #tpu.memory_space<vmem_shared>>
      %dma_wait3A_613 = arith.constant 0 : i32
      %dma_wait3A_614 = arith.constant 0 : i32
      %dma_wait3A_615 = tpu.memref_slice %dma_wait3A_612[%dma_wait3A_613, %dma_wait3A_614] : memref<1000x128xf32, #tpu.memory_space<vmem_shared>> -> memref<1000x128xf32, #tpu.memory_space<vmem_shared>>
      tpu.wait_indirect_dma semaphore(%arg12 : memref<!tpu.dma_semaphore, #tpu.memory_space<semaphore_mem>>) src(%dma_wait3A_615 : memref<1000x128xf32, #tpu.memory_space<vmem_shared>>) dst(%arg8 : memref<128x128xf32, #tpu.memory_space<vmem>>)
      %dma_wait3A_616 = arith.constant 0 : i32
      %dma_wait3A_617 = arith.constant 0 : i32
      %dma_wait3A_618 = arith.constant 0 : i32
      %dma_wait3A_619 = tpu.memref_slice %arg4[%dma_wait3A_616, %dma_wait3A_617, %dma_wait3A_618] : memref<200x1000x1024xf32, #tpu.memory_space<hbm>> -> memref<1x128x128xf32, #tpu.memory_space<hbm>>
      %dma_wait3A_620 = tpu.memref_squeeze %dma_wait3A_619 : memref<1x128x128xf32, #tpu.memory_space<hbm>> -> memref<128x128xf32, #tpu.memory_space<hbm>>
      %dma_wait3A_621 = arith.constant 0 : i32
      %dma_wait3A_622 = arith.constant 0 : i32
      %dma_wait3A_623 = tpu.memref_slice %arg4[%dma_wait3A_616, %dma_wait3A_621, %dma_wait3A_622] : memref<200x1000x1024xf32, #tpu.memory_space<hbm>> -> memref<1x128x128xf32, #tpu.memory_space<hbm>>
      %dma_wait3A_624 = tpu.memref_squeeze %dma_wait3A_623 : memref<1x128x128xf32, #tpu.memory_space<hbm>> -> memref<128x128xf32, #tpu.memory_space<hbm>>
      tpu.wait_dma2 semaphore(%arg14 : memref<!tpu.dma_semaphore, #tpu.memory_space<semaphore_mem>>) src(%arg10 : memref<128x128xf32, #tpu.memory_space<vmem>>) dst(%dma_wait3A_624 : memref<128x128xf32, #tpu.memory_space<hbm>>)
      %parallel_loop3A_625 = arith.constant 0 : i32
      %parallel_loop3A_626 = arith.constant 128 : i32
      %parallel_loop3A_627 = arith.constant 1 : i32
      scf.for %parallel_loop3A_640 = %parallel_loop3A_625 to %parallel_loop3A_626 step %parallel_loop3A_627  : i32 {
        %parallel_loop3A_641 = vector.broadcast %parallel_loop3A_640 : i32 to vector<16xi32>
        %parallel_loop3A_642 = arith.addi %parallel_loop3A_641, %add3A_79 : vector<16xi32>
        %parallel_loop3A_643 = arith.constant 127 : i32
        %parallel_loop3A_644 = vector.broadcast %parallel_loop3A_643 : i32 to vector<16xi32>
        %parallel_loop3A_645 = arith.andi %parallel_loop3A_642, %parallel_loop3A_644 : vector<16xi32>
        %parallel_loop3A_646 = tpu.vector_load_idx %arg8[%add3A_79, %parallel_loop3A_645] : memref<128x128xf32, #tpu.memory_space<vmem>>[vector<16xi32>, vector<16xi32>], vector<16xf32>,
        tpu.vector_store_idx %arg10[%parallel_loop3A_645, %add3A_79], %parallel_loop3A_646 : memref<128x128xf32, #tpu.memory_space<vmem>>[vector<16xi32>, vector<16xi32>], vector<16xf32>,
        %parallel_loop3A_647 = vector.broadcast %parallel_loop3A_640 : i32 to vector<16xi32>
        %parallel_loop3A_648 = arith.addi %parallel_loop3A_647, %add3A_82 : vector<16xi32>
        %parallel_loop3A_649 = arith.constant 127 : i32
        %parallel_loop3A_650 = vector.broadcast %parallel_loop3A_649 : i32 to vector<16xi32>
        %parallel_loop3A_651 = arith.andi %parallel_loop3A_648, %parallel_loop3A_650 : vector<16xi32>
        %parallel_loop3A_652 = tpu.vector_load_idx %arg8[%add3A_82, %parallel_loop3A_651] : memref<128x128xf32, #tpu.memory_space<vmem>>[vector<16xi32>, vector<16xi32>], vector<16xf32>,
        tpu.vector_store_idx %arg10[%parallel_loop3A_651, %add3A_82], %parallel_loop3A_652 : memref<128x128xf32, #tpu.memory_space<vmem>>[vector<16xi32>, vector<16xi32>], vector<16xf32>,
        %parallel_loop3A_653 = vector.broadcast %parallel_loop3A_640 : i32 to vector<16xi32>
        %parallel_loop3A_654 = arith.addi %parallel_loop3A_653, %add3A_85 : vector<16xi32>
        %parallel_loop3A_655 = arith.constant 127 : i32
        %parallel_loop3A_656 = vector.broadcast %parallel_loop3A_655 : i32 to vector<16xi32>
        %parallel_loop3A_657 = arith.andi %parallel_loop3A_654, %parallel_loop3A_656 : vector<16xi32>
        %parallel_loop3A_658 = tpu.vector_load_idx %arg8[%add3A_85, %parallel_loop3A_657] : memref<128x128xf32, #tpu.memory_space<vmem>>[vector<16xi32>, vector<16xi32>], vector<16xf32>,
        tpu.vector_store_idx %arg10[%parallel_loop3A_657, %add3A_85], %parallel_loop3A_658 : memref<128x128xf32, #tpu.memory_space<vmem>>[vector<16xi32>, vector<16xi32>], vector<16xf32>,
        %parallel_loop3A_659 = vector.broadcast %parallel_loop3A_640 : i32 to vector<16xi32>
        %parallel_loop3A_660 = arith.addi %parallel_loop3A_659, %add3A_88 : vector<16xi32>
        %parallel_loop3A_661 = arith.constant 127 : i32
        %parallel_loop3A_662 = vector.broadcast %parallel_loop3A_661 : i32 to vector<16xi32>
        %parallel_loop3A_663 = arith.andi %parallel_loop3A_660, %parallel_loop3A_662 : vector<16xi32>
        %parallel_loop3A_664 = tpu.vector_load_idx %arg8[%add3A_88, %parallel_loop3A_663] : memref<128x128xf32, #tpu.memory_space<vmem>>[vector<16xi32>, vector<16xi32>], vector<16xf32>,
        tpu.vector_store_idx %arg10[%parallel_loop3A_663, %add3A_88], %parallel_loop3A_664 : memref<128x128xf32, #tpu.memory_space<vmem>>[vector<16xi32>, vector<16xi32>], vector<16xf32>,
        %parallel_loop3A_665 = vector.broadcast %parallel_loop3A_640 : i32 to vector<16xi32>
        %parallel_loop3A_666 = arith.addi %parallel_loop3A_665, %add3A_91 : vector<16xi32>
        %parallel_loop3A_667 = arith.constant 127 : i32
        %parallel_loop3A_668 = vector.broadcast %parallel_loop3A_667 : i32 to vector<16xi32>
        %parallel_loop3A_669 = arith.andi %parallel_loop3A_666, %parallel_loop3A_668 : vector<16xi32>
        %parallel_loop3A_670 = tpu.vector_load_idx %arg8[%add3A_91, %parallel_loop3A_669] : memref<128x128xf32, #tpu.memory_space<vmem>>[vector<16xi32>, vector<16xi32>], vector<16xf32>,
        tpu.vector_store_idx %arg10[%parallel_loop3A_669, %add3A_91], %parallel_loop3A_670 : memref<128x128xf32, #tpu.memory_space<vmem>>[vector<16xi32>, vector<16xi32>], vector<16xf32>,
        %parallel_loop3A_671 = vector.broadcast %parallel_loop3A_640 : i32 to vector<16xi32>
        %parallel_loop3A_672 = arith.addi %parallel_loop3A_671, %add3A_94 : vector<16xi32>
        %parallel_loop3A_673 = arith.constant 127 : i32
        %parallel_loop3A_674 = vector.broadcast %parallel_loop3A_673 : i32 to vector<16xi32>
        %parallel_loop3A_675 = arith.andi %parallel_loop3A_672, %parallel_loop3A_674 : vector<16xi32>
        %parallel_loop3A_676 = tpu.vector_load_idx %arg8[%add3A_94, %parallel_loop3A_675] : memref<128x128xf32, #tpu.memory_space<vmem>>[vector<16xi32>, vector<16xi32>], vector<16xf32>,
        tpu.vector_store_idx %arg10[%parallel_loop3A_675, %add3A_94], %parallel_loop3A_676 : memref<128x128xf32, #tpu.memory_space<vmem>>[vector<16xi32>, vector<16xi32>], vector<16xf32>,
        %parallel_loop3A_677 = vector.broadcast %parallel_loop3A_640 : i32 to vector<16xi32>
        %parallel_loop3A_678 = arith.addi %parallel_loop3A_677, %add3A_97 : vector<16xi32>
        %parallel_loop3A_679 = arith.constant 127 : i32
        %parallel_loop3A_680 = vector.broadcast %parallel_loop3A_679 : i32 to vector<16xi32>
        %parallel_loop3A_681 = arith.andi %parallel_loop3A_678, %parallel_loop3A_680 : vector<16xi32>
        %parallel_loop3A_682 = tpu.vector_load_idx %arg8[%add3A_97, %parallel_loop3A_681] : memref<128x128xf32, #tpu.memory_space<vmem>>[vector<16xi32>, vector<16xi32>], vector<16xf32>,
        tpu.vector_store_idx %arg10[%parallel_loop3A_681, %add3A_97], %parallel_loop3A_682 : memref<128x128xf32, #tpu.memory_space<vmem>>[vector<16xi32>, vector<16xi32>], vector<16xf32>,
        %parallel_loop3A_683 = vector.broadcast %parallel_loop3A_640 : i32 to vector<16xi32>
        %parallel_loop3A_684 = arith.addi %parallel_loop3A_683, %add3A_100 : vector<16xi32>
        %parallel_loop3A_685 = arith.constant 127 : i32
        %parallel_loop3A_686 = vector.broadcast %parallel_loop3A_685 : i32 to vector<16xi32>
        %parallel_loop3A_687 = arith.andi %parallel_loop3A_684, %parallel_loop3A_686 : vector<16xi32>
        %parallel_loop3A_688 = tpu.vector_load_idx %arg8[%add3A_100, %parallel_loop3A_687] : memref<128x128xf32, #tpu.memory_space<vmem>>[vector<16xi32>, vector<16xi32>], vector<16xf32>,
        tpu.vector_store_idx %arg10[%parallel_loop3A_687, %add3A_100], %parallel_loop3A_688 : memref<128x128xf32, #tpu.memory_space<vmem>>[vector<16xi32>, vector<16xi32>], vector<16xf32>,
      } {sc.loop_unroll_factor = 4 : i64, sc.parallel_access}
      %dma_start3A_628 = arith.constant 0 : i32
      %dma_start3A_629 = arith.constant 0 : i32
      %dma_start3A_630 = tpu.memref_slice %arg10[%dma_start3A_628, %dma_start3A_629] : memref<128x128xf32, #tpu.memory_space<vmem>> -> memref<104x128xf32, #tpu.memory_space<vmem>>
      %dma_start3A_631 = arith.constant 896 : i32
      %dma_start3A_632 = tpu.memref_slice %arg4[%select_n3A, %dma_start3A_631, %mul3A_200] : memref<200x1000x1024xf32, #tpu.memory_space<hbm>> -> memref<1x104x128xf32, #tpu.memory_space<hbm>>
      %dma_start3A_633 = tpu.memref_squeeze %dma_start3A_632 : memref<1x104x128xf32, #tpu.memory_space<hbm>> -> memref<104x128xf32, #tpu.memory_space<hbm>>
      %dma_start3A_634 = arith.constant 896 : i32
      %dma_start3A_635 = tpu.memref_slice %arg4[%select_n3A, %dma_start3A_634, %mul3A_200] : memref<200x1000x1024xf32, #tpu.memory_space<hbm>> -> memref<1x104x128xf32, #tpu.memory_space<hbm>>
      %dma_start3A_636 = tpu.memref_squeeze %dma_start3A_635 : memref<1x104x128xf32, #tpu.memory_space<hbm>> -> memref<104x128xf32, #tpu.memory_space<hbm>>
      %dma_start3A_637 = arith.constant 0 : i32
      %dma_start3A_638 = arith.constant 0 : i32
      %dma_start3A_639 = tpu.memref_slice %arg10[%dma_start3A_637, %dma_start3A_638] : memref<128x128xf32, #tpu.memory_space<vmem>> -> memref<104x128xf32, #tpu.memory_space<vmem>>
      tpu.enqueue_dma source(%dma_start3A_639 : memref<104x128xf32, #tpu.memory_space<vmem>>) target(%dma_start3A_636 : memref<104x128xf32, #tpu.memory_space<hbm>>) target_semaphore(%arg14 : memref<!tpu.dma_semaphore, #tpu.memory_space<semaphore_mem>>)
    }
    %scan3A_139 = arith.constant 50 : i32
    %dma_wait3A = arith.constant 0 : i32
    %dma_wait3A_140 = arith.constant 0 : i32
    %dma_wait3A_141 = arith.constant 0 : i32
    %dma_wait3A_142 = tpu.memref_slice %arg4[%dma_wait3A, %dma_wait3A_140, %dma_wait3A_141] : memref<200x1000x1024xf32, #tpu.memory_space<hbm>> -> memref<1x128x128xf32, #tpu.memory_space<hbm>>
    %dma_wait3A_143 = tpu.memref_squeeze %dma_wait3A_142 : memref<1x128x128xf32, #tpu.memory_space<hbm>> -> memref<128x128xf32, #tpu.memory_space<hbm>>
    %dma_wait3A_144 = arith.constant 0 : i32
    %dma_wait3A_145 = arith.constant 0 : i32
    %dma_wait3A_146 = tpu.memref_slice %arg4[%dma_wait3A, %dma_wait3A_144, %dma_wait3A_145] : memref<200x1000x1024xf32, #tpu.memory_space<hbm>> -> memref<1x128x128xf32, #tpu.memory_space<hbm>>
    %dma_wait3A_147 = tpu.memref_squeeze %dma_wait3A_146 : memref<1x128x128xf32, #tpu.memory_space<hbm>> -> memref<128x128xf32, #tpu.memory_space<hbm>>
    tpu.wait_dma2 semaphore(%arg13 : memref<!tpu.dma_semaphore, #tpu.memory_space<semaphore_mem>>) src(%arg9 : memref<128x128xf32, #tpu.memory_space<vmem>>) dst(%dma_wait3A_147 : memref<128x128xf32, #tpu.memory_space<hbm>>)
    %dma_wait3A_148 = arith.constant 0 : i32
    %dma_wait3A_149 = arith.constant 0 : i32
    %dma_wait3A_150 = arith.constant 0 : i32
    %dma_wait3A_151 = tpu.memref_slice %arg10[%dma_wait3A_149, %dma_wait3A_150] : memref<128x128xf32, #tpu.memory_space<vmem>> -> memref<104x128xf32, #tpu.memory_space<vmem>>
    %dma_wait3A_152 = arith.constant 896 : i32
    %dma_wait3A_153 = arith.constant 0 : i32
    %dma_wait3A_154 = tpu.memref_slice %arg4[%dma_wait3A_148, %dma_wait3A_152, %dma_wait3A_153] : memref<200x1000x1024xf32, #tpu.memory_space<hbm>> -> memref<1x104x128xf32, #tpu.memory_space<hbm>>
    %dma_wait3A_155 = tpu.memref_squeeze %dma_wait3A_154 : memref<1x104x128xf32, #tpu.memory_space<hbm>> -> memref<104x128xf32, #tpu.memory_space<hbm>>
    %dma_wait3A_156 = arith.constant 896 : i32
    %dma_wait3A_157 = arith.constant 0 : i32
    %dma_wait3A_158 = tpu.memref_slice %arg4[%dma_wait3A_148, %dma_wait3A_156, %dma_wait3A_157] : memref<200x1000x1024xf32, #tpu.memory_space<hbm>> -> memref<1x104x128xf32, #tpu.memory_space<hbm>>
    %dma_wait3A_159 = tpu.memref_squeeze %dma_wait3A_158 : memref<1x104x128xf32, #tpu.memory_space<hbm>> -> memref<104x128xf32, #tpu.memory_space<hbm>>
    %dma_wait3A_160 = arith.constant 0 : i32
    %dma_wait3A_161 = arith.constant 0 : i32
    %dma_wait3A_162 = tpu.memref_slice %arg10[%dma_wait3A_160, %dma_wait3A_161] : memref<128x128xf32, #tpu.memory_space<vmem>> -> memref<104x128xf32, #tpu.memory_space<vmem>>
    tpu.wait_dma2 semaphore(%arg14 : memref<!tpu.dma_semaphore, #tpu.memory_space<semaphore_mem>>) src(%dma_wait3A_162 : memref<104x128xf32, #tpu.memory_space<vmem>>) dst(%dma_wait3A_159 : memref<104x128xf32, #tpu.memory_space<hbm>>)
    return
  }
}

</mosaic_0001>

<sc_bundles>
// kernel: kernel.3.cloned.1.call-start
scs
__scs_entry_jumppad:
0x0: {  	(pc) =	sbr.rel $0x88, $3  }
0x1: {  	(tag) =	ssettag $0x0;
	lr =	simm.s32 $0x1  }
0x2: {  	[smem:$0x3F9F] =	sst lr;
	_ =	strace $0xD0000000  }
0x3: {  	_ = 	snop  }
0x4: {  	_ = 	snop  }
0x5: {  	_ = 	snop  }
0x6: {  	_ = 	snop  }
0x7: {  	_ = 	snop  }
__scs_overlays_trampoline_lowered:
0x8: {  	[smem:$0x3FAE] =	sst s0  }
0x9: {  	[smem:$0x3FAF] =	sst s1  }
0xa: {  	[smem:$0x3FB0] =	sst s2  }
0xb: {  	[smem:$0x3FB1] =	sst s3  }
0xc: {  	[smem:$0x3FB2] =	sst s4  }
0xd: {  	[smem:$0x3FB3] =	sst s5  }
0xe: {  	[smem:$0x3FB4] =	sst s6  }
0xf: {  	[smem:$0x3FB5] =	sst s7  }
0x10: {  	[smem:$0x3FB6] =	sst s8  }
0x11: {  	[smem:$0x3FB7] =	sst s9;
	s0 =	simm.s32 @!p0 $0x0  }
0x12: {  	s1 =	sld [smem:$0x3F9D];
	s0 =	simm.s32 @p0 $0x1  }
0x13: {  	[smem:$0x3FB8] =	sst s0;
	s0 =	simm.s32 @!p1 $0x0  }
0x14: {  	s2 =	sld [smem:$0x3F9C];
	s0 =	simm.s32 @p1 $0x1  }
0x15: {  	[smem:$0x3FB9] =	sst s0;
	s0 =	simm.s32 @!p2 $0x0  }
0x16: {  	s3 =	sld [smem:$0x3FDB];
	s0 =	simm.s32 @p2 $0x1  }
0x17: {  	s4 =	simm.s32 $0x1BF5;
	[smem:$0x3FBB] =	sst s0  }
0x18: {  	s0 =	sld [smem:$0x3F9E];
	_ =	swait.ge [sflag:s4], $0x0  }
0x19: {  	s7 =	sld [smem:$0x3F9F]  }
0x1a: {  	s8 =	sadd.s32 $0xFFFFE003, lr  }
0x1b: {  	s9 =	sadd.s32 $0xFFFFFEF7, lr;
	s5 =	simm.s32 $0xFFFFFFFF;
	p2 =	slt.u32 s8, $0xFFFFF086  }
0x1c: {  	p1 =	slt.u32 s9, $0xF7A;
	s5 =	simm.s32 @!p2 $0x0  }
0x1d: {  	s5 =	simm.s32 @p1 $0x1;
	p0 =	seq.s32 s7, s2  }
0x1e: {  	s7 =	smul.u32 @!p0 $0xF7A, s2;
	p2 =	seq.s32 @!p0 s5, $0x0  }
0x1f: {  	s9 =	smul.u32 $0xF7A, s1;
	s8 =	simm.s32 @!p0 $0x1BF5;
	p2 =	por !p2, p0  }
0x20: {  	[sflag:s8] =	ssyncset.s32 @!p0 $0xFFFFF086;
	s6 =	sadd.s32 @!p0 s3, s7;
	s7 =	simm.s32 @!p0 $0x108  }
0x21: {  	s3 =	sadd.s32 s3, s9;
	s6 =	sadd.s32 @!p0 $0x88, s6;
	s7 =	simm.s32 @p2 $0x1082  }
0x22: {  	[simem:s7], [sflag:s8] =	dma.local @!p0 [hbm:s6], $0xF7A  }
0x23: {  	s9 =	sor.u32 $0xD0000000, s2;
	s6 =	simm.s32 $0x108;
	_ =	swait.ge @!p0 [sflag:s8], $0x0  }
0x24: {  	s3 =	sadd.s32 $0x88, s3;
	s6 =	simm.s32 @!p1 $0x1082;
	[sflag:s4] =	ssyncset.s32 $0xFFFFF086  }
0x25: {  	[simem:s6], [sflag:s4] =	dma.local [hbm:s3], $0xF7A  }
0x26: {  	[smem:$0x3F9F] =	sst s1;
	(tag) =	ssettag s2;
	_ =	strace s9  }
0x27: {  	s1 =	sld [smem:$0x3FAF]  }
0x28: {  	s2 =	sld [smem:$0x3FB0]  }
0x29: {  	s4 =	sld [smem:$0x3FB2]  }
0x2a: {  	p0 =	seq.s32 s5, $0x0;
	s5 =	sld [smem:$0x3FB3]  }
0x2b: {  	s6 =	sld [smem:$0x3FB4]  }
0x2c: {  	s7 =	sld [smem:$0x3FB5]  }
0x2d: {  	s3 =	simm.s32 $0x108;
	s8 =	sld [smem:$0x3FB6]  }
0x2e: {  	s3 =	simm.s32 @!p0 $0x1082;
	s9 =	sld [smem:$0x3FB7]  }
0x2f: {  	lr =	sadd.s32 s0, s3;
	s0 =	sld [smem:$0x3FAE]  }
0x30: {  	s3 =	sld [smem:$0x3FB1]  }
0x31: {  	[smem:$0x3FBA] =	sst s10  }
0x32: {  	s10 =	sld [smem:$0x3FB8];
	_ =	sdelay $0x3  }
0x33: {  	p0 =	seq.s32 s10, $0x1;
	s10 =	sld [smem:$0x3FBA];
	_ =	sdelay $0x3  }
0x34: {  	[smem:$0x3FBA] =	sst s10  }
0x35: {  	s10 =	sld [smem:$0x3FB9];
	_ =	sdelay $0x3  }
0x36: {  	p1 =	seq.s32 s10, $0x1;
	s10 =	sld [smem:$0x3FBA];
	_ =	sdelay $0x3  }
0x37: {  	[smem:$0x3FBA] =	sst s10  }
0x38: {  	s10 =	sld [smem:$0x3FBB]  }
0x39: {  	_ = 	snop;
	(pc) =	sbr.ind lr, $3  }
0x3a: {  	_ = 	snop  }
0x3b: {  	_ = 	snop  }
0x3c: {  	p2 =	seq.s32 s10, $0x1;
	s10 =	sld [smem:$0x3FBA]  }
0x3d: {  	_ =	shalt  }
0x3e: {  	_ =	shalt  }
0x3f: {  	_ =	shalt  }
0x40: {  	_ =	shalt  }
0x41: {  	_ =	shalt  }
0x42: {  	_ =	shalt  }
0x43: {  	_ =	shalt  }
0x44: {  	_ =	shalt  }
0x45: {  	_ =	shalt  }
0x46: {  	_ =	shalt  }
0x47: {  	_ =	shalt  }
0x48: {  	_ =	shalt  }
0x49: {  	_ =	shalt  }
0x4a: {  	_ =	shalt  }
0x4b: {  	_ =	shalt  }
0x4c: {  	_ =	shalt  }
0x4d: {  	_ =	shalt  }
0x4e: {  	_ =	shalt  }
0x4f: {  	_ =	shalt  }
0x50: {  	_ =	shalt  }
0x51: {  	_ =	shalt  }
0x52: {  	_ =	shalt  }
0x53: {  	_ =	shalt  }
0x54: {  	_ =	shalt  }
0x55: {  	_ =	shalt  }
0x56: {  	_ =	shalt  }
0x57: {  	_ =	shalt  }
0x58: {  	_ =	shalt  }
0x59: {  	_ =	shalt  }
0x5a: {  	_ =	shalt  }
0x5b: {  	_ =	shalt  }
0x5c: {  	_ =	shalt  }
0x5d: {  	_ =	shalt  }
0x5e: {  	_ =	shalt  }
0x5f: {  	_ =	shalt  }
0x60: {  	_ =	shalt  }
0x61: {  	_ =	shalt  }
0x62: {  	_ =	shalt  }
0x63: {  	_ =	shalt  }
0x64: {  	_ =	shalt  }
0x65: {  	_ =	shalt  }
0x66: {  	_ =	shalt  }
0x67: {  	_ =	shalt  }
0x68: {  	_ =	shalt  }
0x69: {  	_ =	shalt  }
0x6a: {  	_ =	shalt  }
0x6b: {  	_ =	shalt  }
0x6c: {  	_ =	shalt  }
0x6d: {  	_ =	shalt  }
0x6e: {  	_ =	shalt  }
0x6f: {  	_ =	shalt  }
0x70: {  	_ =	shalt  }
0x71: {  	_ =	shalt  }
0x72: {  	_ =	shalt  }
0x73: {  	_ =	shalt  }
0x74: {  	_ =	shalt  }
0x75: {  	_ =	shalt  }
0x76: {  	_ =	shalt  }
0x77: {  	_ =	shalt  }
0x78: {  	_ =	shalt  }
0x79: {  	_ =	shalt  }
0x7a: {  	_ =	shalt  }
0x7b: {  	_ =	shalt  }
0x7c: {  	_ =	shalt  }
0x7d: {  	_ =	shalt  }
0x7e: {  	_ =	shalt  }
0x7f: {  	_ =	shalt  }
0x80: {  	_ =	shalt  }
0x81: {  	_ =	shalt  }
0x82: {  	_ =	shalt  }
0x83: {  	_ =	shalt  }
0x84: {  	_ =	shalt  }
0x85: {  	_ =	shalt  }
0x86: {  	_ =	shalt  }
0x87: {  	_ =	shalt  }
.Lfunc_end0:
.L_simem_size_0:
called_computation_lowered:
.L_overlay_start_0:
0x88: {  	s2 =	sld [smem:$0x3FD9]  }
0x89: {  	s3 =	sld [smem:$0x3FFE];
	_ =	sdelay $0x1  }
0x8a: {  	s1 =	srdreg.scid  }
0x8b: {  	s0 =	sand.u32 $0x1, s1  }
0x8c: {  	s17 =	sshll.u32 s0, $0xA;
	s2 =	sadd.s32 s3, s2  }
0x8d: {  	s2 =	sadd.s32 s2, s17  }
0x8e: {  	[smem:$0x3FC6] =	sst s2  }
0x8f: {  	_ = 	snop  }
0x90: {  	s2 =	sld [smem:$0x3FD0];
	(tm) =	ssettm $0x1  }
0x91: {  	s18 =	sld [smem:$0x3FFB];
	_ =	sdelay $0x3  }
0x92: {  	_ =	strace s18  }
0x93: {  	s3 =	sld [smem:$0x3FFC];
	_ =	sdelay $0x3  }
0x94: {  	_ =	strace s3  }
0x95: {  	s3 =	sld [smem:$0x3FFD];
	_ =	sdelay $0x3  }
0x96: {  	_ =	strace s3  }
0x97: {  	_ =	strace $0x8FFFFFFF  }
0x98: {  	s19 =	sld [smem:$0x3FDB];
	_ =	sdelay $0x1  }
0x99: {  	s4 =	simm.s32 $_scs_section_size  }
0x9a: {  	s5 =	simm.s32 $_size__tile_overlayer_lowered;
	s6 =	simm.s32 $_tile_overlayer_lowered  }
0x9b: {  	s22 =	simm.s32 $0x1BFF;
	s21 =	sshll.u32 s6, $0x1;
	s3 =	sadd.s32 s4, s19  }
0x9c: {  	s7 =	simm.s32 $0x0;
	s20 =	sshll.u32 s5, $0x1;
	s5 =	sadd.s32 s21, s3  }
0x9d: {  	[timem:s7], [sflag:s22] =	dma.local [hbm:s5], s20  }
0x9e: {  	_ =	swait.ge [sflag:s22], s20  }
0x9f: {  	s4 =	ssub.s32 $0x0, s20;
	[sflag:s22] =	ssyncset.done $0x0  }
0xa0: {  	[sflag:s22] =	ssyncadd.s32 s4;
	_ =	sdelay $0x1  }
0xa1: {  	s23 =	simm.s32 $0x1B8B  }
0xa2: {  	_ =	swait.ge [sflag:s23], $0x1  }
0xa3: {  	[sflag:s23] =	ssyncset.done $0x0  }
0xa4: {  	s25 =	simm.s32 $0x1B8E;
	s24 =	sld [smem:$0x3FFE];
	[sflag:s23] =	ssyncadd.s32 $0xFFFFFFFF  }
0xa5: {  	s26 =	simm.s32 $execute0_lowered;
	[smem:$0x3FD2] =	sst s25  }
0xa6: {  	s5 =	sshll.u32 s26, $0x1;
	_ =	strace $0x80000046;
	[dreg:$0x1] =	wrdreg $0xFFFFFFFF  }
0xa7: {  	s28 =	simm.s32 $_size_execute0_lowered;
	s3 =	sadd.s32 s3, s5;
	[dreg:$0x0] =	wrdreg $0x0  }
0xa8: {  	s5 =	sshll.u32 s28, $0x1;
	[dreg:$0x2] =	wrdreg s3  }
0xa9: {  	[dreg:$0x3] =	wrdreg s5  }
0xaa: {  	[dreg:$0x4] =	wrdreg $0xC0  }
0xab: {  	_ =	task [dreg:s7], $0x5FFFF  }
0xac: {  	[dreg:$0x1] =	wrdreg $0xFFFFFFFF  }
0xad: {  	[dreg:$0x0] =	wrdreg $0x60  }
0xae: {  	[dreg:$0x2] =	wrdreg s24  }
0xaf: {  	[dreg:$0x3] =	wrdreg s2  }
0xb0: {  	[dreg:$0x4] =	wrdreg $0x2000  }
0xb1: {  	[dreg:$0x5] =	wrdreg $0x9  }
0xb2: {  	_ =	task.clear_ibuf [dreg:s7], $0x6FFFF;
	_ =	strace $0x90000046  }
0xb3: {  	s29 =	simm.s32 $0x9;
	_ =	strace $0x80000048  }
0xb4: {  	_ =	swait.ge [sflag:s29], $0x1  }
0xb5: {  	[sflag:s29] =	ssyncadd.s32 $0xFFFFFFFF  }
0xb6: {  	_ =	strace $0x90000048  }
0xb7: {  	_ =	sfence  }
0xb8: {  	s30 =	sld [smem:$0x0];
	_ =	sdelay $0x2  }
0xb9: {  	s31 =	sshll.u32 s1, $0xD;
	s1 =	sshrl.u32 s1, $0x2  }
0xba: {  	s3 =	sand.u32 $0x4000, s31;
	s1 =	sadd.s32 s1, s30  }
0xbb: {  	s0 =	sor.u32 s3, s0;
	s1 =	sshll.u32 s1, $0x11  }
0xbc: {  	s0 =	sor.u32 s1, s0  }
0xbd: {  	s0 =	sadd.s32 $0x8F2B, s0  }
0xbe: {  	[sflag:s0] =	ssyncadd.remote.s32 $0x1  }
0xbf: {  	_ =	sfence.sel $0xFFFF  }
0xc0: {  	[dreg:$0x0] =	wrdreg $0xFFFFFFFF;
	(pc) =	sbr.abs _section_cstart, $3  }
0xc1: {  	[dreg:$0x1] =	wrdreg $0xFFFFFFFF  }
0xc2: {  	_ =	task.clear_ibuf [dreg:s7], $0x2FFFF;
	_ =	strace $0x9FFFFFFF  }
0xc3: {  	(tm) =	ssettm $0x7FFFFFFF  }
tec
execute0_lowered:
.L_overlay_start_1:
0x0: {  	(tag) =	ssettag $0x1  }
0x1: {  	s0 =	rddreg [dreg:$0x0];
	s21 =	stileid.u32  }
0x2: {  	s1 =	srdreg.scid;
	s2 =	rddreg [dreg:$0x1]  }
0x3: {  	s3 =	rddreg [dreg:$0x2];
	s6 =	simm.s32 $0x0;
	s28 =	simm.s32 $0x2  }
0x4: {  	s29 =	simm.s32 $0x1BC00;
	s30 =	simm.s32 $0x3;
	s1 =	sand.u32 $0x1, s1  }
0x5: {  	s4 =	sshll.u32 s21, $0x1;
	s7 =	smul.u32 $0x380, s21;
	[smem:$0x7FF] =	sst s6  }
0x6: {  	s26 =	smul.u32 $0x7000, s21;
	s6 =	sadd.s32 $0x1F400, s3;
	s9 =	sadd.s32 $0x5DC00, s3  }
0x7: {  	s10 =	sadd.s32 $0x7D000, s3;
	s11 =	sadd.s32 $0x9C400, s3;
	s12 =	sadd.s32 $0xBB800, s3  }
0x8: {  	s13 =	sadd.s32 $0xDAC00, s3;
	s22 =	sadd.s32 $0xB280, s0;
	s31 =	sadd.s32 $0xF100, s0  }
0x9: {  	s23 =	sadd.s32 $0x12F80, s0;
	_ =	strace $0x80000047;
	[dreg:$0x6] =	wrdreg s22  }
0xa: {  	s24 =	sadd.s32 $0x16E00, s0;
	s25 =	sadd.s32 $0x1AC80, s0;
	[dreg:$0x7] =	wrdreg s31  }
0xb: {  	p0 =	seq.s32 s21, $0xF;
	s21 =	simm.s32 $0x1;
	[dreg:$0x8] =	wrdreg s23  }
0xc: {  	s4 =	sor.u32 s1, s4;
	s1 =	ssub.s32 $0x2, s1;
	[dreg:$0x9] =	wrdreg s24  }
0xd: {  	[dreg:$0xa] =	wrdreg s25;
	s31 =	sadd.s32 $0x22980, s0;
	s24 =	simm.s32 $0x17C00  }
0xe: {  	s5 =	smul.u32 $0x380, s4;
	[dreg:$0x4] =	wrdreg s7;
	s7 =	sadd.s32 s7, s0  }
0xf: {  	s8 =	sshrl.u32 s1, $0x1;
	s14 =	sshrl.u32 s26, $0x2;
	s26 =	sadd.s32 $0x1EB00, s0  }
0x10: {  	[dreg:$0xc] =	wrdreg s31;
	s23 =	smul.u32 $0x32, s4;
	s4 =	sadd.s32 $0x39800, s3  }
0x11: {  	s1 =	ssub.s32 s1, s8;
	s5 =	sadd.s32 s5, s0;
	s0 =	sadd.s32 $0xA880, s0  }
0x12: {  	s15 =	sadd.s32 s14, s3;
	[dreg:$0xd] =	wrdreg s0;
	s0 =	sadd.s32 $0x1A400, s3  }
0x13: {  	s7 =	sadd.s32 $0x7400, s7;
	[dreg:$0xb] =	wrdreg s26;
	s0 =	sshrl.u32 @p0 s0, $0x3  }
0x14: {  	s8 =	sadd.s32 $0x3E800, s3;
	[dreg:$0xf] =	wrdreg s0;
	s0 =	sshrl.u32 @p0 s4, $0x3  }
0x15: {  	s1 =	smax.u32 s1, $0x1;
	[dreg:$0x10] =	wrdreg s0;
	s0 =	sadd.s32 $0x58C00, s3  }
0x16: {  	[dreg:$0xe] =	wrdreg s1;
	s1 =	sadd.s32 $0x78000, s3;
	s0 =	sshrl.u32 @p0 s0, $0x3  }
0x17: {  	s4 =	sadd.s32 $0x97400, s3;
	[dreg:$0x11] =	wrdreg s0;
	s0 =	sshrl.u32 @p0 s1, $0x3  }
0x18: {  	s17 =	sadd.s32 s14, s9;
	[dreg:$0x12] =	wrdreg s0;
	s0 =	sshrl.u32 @p0 s4, $0x3  }
0x19: {  	s18 =	sadd.s32 s14, s10;
	[dreg:$0x13] =	wrdreg s0;
	s0 =	sadd.s32 $0xB6800, s3  }
0x1a: {  	[dreg:$0x5] =	wrdreg s7;
	s1 =	sadd.s32 $0xD5C00, s3;
	s0 =	sshrl.u32 @p0 s0, $0x3  }
0x1b: {  	s4 =	sadd.s32 $0xF5000, s3;
	[dreg:$0x14] =	wrdreg s0;
	s0 =	sshrl.u32 @p0 s1, $0x3  }
0x1c: {  	s19 =	sadd.s32 s14, s11;
	[dreg:$0x15] =	wrdreg s0;
	s0 =	sshrl.u32 @p0 s4, $0x3  }
0x1d: {  	s7 =	sadd.s32 s14, s6;
	[dreg:$0x16] =	wrdreg s0;
	s0 =	sshrl.u32 @!p0 s15, $0x3  }
0x1e: {  	s16 =	sadd.s32 s14, s8;
	[dreg:$0x17] =	wrdreg s0;
	s0 =	sshrl.u32 @!p0 s7, $0x3  }
0x1f: {  	s20 =	sadd.s32 s14, s12;
	[dreg:$0x18] =	wrdreg s0;
	s0 =	sshrl.u32 @!p0 s16, $0x3  }
0x20: {  	v0 =	vlaneseq.u32;
	s26 =	simm.s32 $0x2000;
	[dreg:$0x19] =	wrdreg s0;
	s0 =	sshrl.u32 @!p0 s17, $0x3  }
0x21: {  	v1 =	vmul.u32 $0x80, v0;
	v2 =	vor.u32 $0x10, v0;
	v4 =	vor.u32 $0x20, v0;
	s14 =	sadd.s32 s14, s13;
	[dreg:$0x1a] =	wrdreg s0;
	s0 =	sshrl.u32 @!p0 s18, $0x3  }
0x22: {  	v6 =	vor.u32 $0x30, v0;
	v8 =	vor.u32 $0x40, v0;
	v10 =	vor.u32 $0x50, v0;
	s22 =	sadd.s32 $0x400, s5;
	[dreg:$0x1b] =	wrdreg s0;
	s0 =	sshrl.u32 @!p0 s19, $0x3  }
0x23: {  	v12 =	vor.u32 $0x60, v0;
	v14 =	vor.u32 $0x70, v0;
	v3 =	vor.u32 $0x800, v1;
	s5 =	simm.s32 $0x4;
	[dreg:$0x1c] =	wrdreg s0;
	s0 =	sshrl.u32 @!p0 s20, $0x3  }
0x24: {  	v5 =	vor.u32 $0x1000, v1;
	v7 =	vor.u32 $0x1800, v1;
	v9 =	vor.u32 $0x2000, v1;
	s4 =	simm.s32 $0x0;
	[dreg:$0x1d] =	wrdreg s0;
	s0 =	sshrl.u32 @!p0 s14, $0x3  }
0x25: {  	v11 =	vor.u32 $0x2800, v1;
	v13 =	vor.u32 $0x3000, v1;
	v15 =	vor.u32 $0x3800, v1;
	s7 =	simm.s32 $0x13C00;
	[dreg:$0x1e] =	wrdreg s0;
	s0 =	simm.s32 $0xFC00  }
.LBB2_1:
0x26: {  	[dreg:$0x1f] =	wrdreg s4  }
0x27: {  	s14 =	rddreg [dreg:$0xd]  }
0x28: {  	s4 =	simm.s32 @p0 $0x1FC6;
	s1 =	rddreg [dreg:$0xf]  }
0x29: {  	[spmem:s1], [sflag:s4] =	dma.local @p0 [hbm:s14], $0xA00  }
0x2a: {  	s14 =	simm.s32 @p0 $0x6  }
0x2b: {  	_ =	swait.ge @p0 [sflag:s14], $0xA00  }
0x2c: {  	[sflag:s14] =	ssyncset.done @p0 $0x0;
	s17 =	rddreg [dreg:$0x6]  }
0x2d: {  	s1 =	rddreg [dreg:$0x10];
	[sflag:s14] =	ssyncadd.s32 @p0 $0xFFFFF600;
	s15 =	sadd.s32 @p0 $0x3480, s17  }
0x2e: {  	[spmem:s1], [sflag:s4] =	dma.local @p0 [hbm:s15], $0xA00  }
0x2f: {  	_ =	swait.ge @p0 [sflag:s14], $0xA00  }
0x30: {  	[sflag:s14] =	ssyncset.done @p0 $0x0;
	s18 =	rddreg [dreg:$0x7]  }
0x31: {  	s1 =	rddreg [dreg:$0x11];
	[sflag:s14] =	ssyncadd.s32 @p0 $0xFFFFF600;
	s15 =	sadd.s32 @p0 $0x3480, s18  }
0x32: {  	[spmem:s1], [sflag:s4] =	dma.local @p0 [hbm:s15], $0xA00  }
0x33: {  	_ =	swait.ge @p0 [sflag:s14], $0xA00  }
0x34: {  	s25 =	smov.u32 s23;
	[sflag:s14] =	ssyncset.done @p0 $0x0;
	s19 =	rddreg [dreg:$0x8]  }
0x35: {  	s1 =	rddreg [dreg:$0x12];
	[sflag:s14] =	ssyncadd.s32 @p0 $0xFFFFF600;
	s15 =	sadd.s32 @p0 $0x3480, s19  }
0x36: {  	[spmem:s1], [sflag:s4] =	dma.local @p0 [hbm:s15], $0xA00  }
0x37: {  	s23 =	smov.u32 s13;
	s13 =	smov.u32 s12;
	_ =	swait.ge @p0 [sflag:s14], $0xA00  }
0x38: {  	s12 =	smov.u32 s11;
	[sflag:s14] =	ssyncset.done @p0 $0x0;
	s20 =	rddreg [dreg:$0x9]  }
0x39: {  	s1 =	rddreg [dreg:$0x13];
	[sflag:s14] =	ssyncadd.s32 @p0 $0xFFFFF600;
	s15 =	sadd.s32 @p0 $0x3480, s20  }
0x3a: {  	[spmem:s1], [sflag:s4] =	dma.local @p0 [hbm:s15], $0xA00  }
0x3b: {  	s11 =	smov.u32 s10;
	s10 =	smov.u32 s9;
	_ =	swait.ge @p0 [sflag:s14], $0xA00  }
0x3c: {  	s9 =	smov.u32 s8;
	[sflag:s14] =	ssyncset.done @p0 $0x0;
	s31 =	rddreg [dreg:$0xa]  }
0x3d: {  	s1 =	rddreg [dreg:$0x14];
	[sflag:s14] =	ssyncadd.s32 @p0 $0xFFFFF600;
	s15 =	sadd.s32 @p0 $0x3480, s31  }
0x3e: {  	[spmem:s1], [sflag:s4] =	dma.local @p0 [hbm:s15], $0xA00  }
0x3f: {  	s8 =	smov.u32 s6;
	s6 =	smov.u32 s3;
	_ =	swait.ge @p0 [sflag:s14], $0xA00  }
0x40: {  	s3 =	smov.u32 s2;
	[sflag:s14] =	ssyncset.done @p0 $0x0;
	s2 =	rddreg [dreg:$0xb]  }
0x41: {  	s1 =	rddreg [dreg:$0x15];
	[sflag:s14] =	ssyncadd.s32 @p0 $0xFFFFF600;
	s15 =	sadd.s32 @p0 $0x3480, s2  }
0x42: {  	[spmem:s1], [sflag:s4] =	dma.local @p0 [hbm:s15], $0xA00  }
0x43: {  	_ =	swait.ge @p0 [sflag:s14], $0xA00  }
0x44: {  	s1 =	smov.u32 s22;
	[sflag:s14] =	ssyncset.done @p0 $0x0;
	s22 =	rddreg [dreg:$0xc]  }
0x45: {  	s16 =	rddreg [dreg:$0x16];
	[sflag:s14] =	ssyncadd.s32 @p0 $0xFFFFF600;
	s15 =	sadd.s32 @p0 $0x3480, s22  }
0x46: {  	[spmem:s16], [sflag:s4] =	dma.local @p0 [hbm:s15], $0xA00  }
0x47: {  	s4 =	stileid.u32;
	_ =	swait.ge @p0 [sflag:s14], $0xA00  }
0x48: {  	s4 =	sshll.u32 @!p0 s4, $0x6;
	[sflag:s14] =	ssyncset.done @p0 $0x0;
	s15 =	rddreg [dreg:$0x17]  }
0x49: {  	s4 =	sor.u32 @!p0 $0x1C06, s4;
	[sflag:s14] =	ssyncadd.s32 @p0 $0xFFFFF600;
	s14 =	rddreg [dreg:$0x5]  }
0x4a: {  	[spmem:s15], [sflag:s4] =	dma.local @!p0 [hbm:s14], $0x380  }
0x4b: {  	s14 =	simm.s32 @!p0 $0x6  }
0x4c: {  	_ =	swait.ge @!p0 [sflag:s14], $0x380  }
0x4d: {  	[sflag:s14] =	ssyncset.done @!p0 $0x0;
	s16 =	rddreg [dreg:$0x4]  }
0x4e: {  	[sflag:s14] =	ssyncadd.s32 @!p0 $0xFFFFFC80;
	s15 =	sadd.s32 @!p0 s16, s17;
	s17 =	rddreg [dreg:$0x18]  }
0x4f: {  	[spmem:s17], [sflag:s4] =	dma.local @!p0 [hbm:s15], $0x380  }
0x50: {  	_ =	swait.ge @!p0 [sflag:s14], $0x380  }
0x51: {  	[sflag:s14] =	ssyncset.done @!p0 $0x0  }
0x52: {  	s15 =	sadd.s32 @!p0 s16, s18;
	s17 =	rddreg [dreg:$0x19];
	[sflag:s14] =	ssyncadd.s32 @!p0 $0xFFFFFC80  }
0x53: {  	[spmem:s17], [sflag:s4] =	dma.local @!p0 [hbm:s15], $0x380  }
0x54: {  	_ =	swait.ge @!p0 [sflag:s14], $0x380  }
0x55: {  	[sflag:s14] =	ssyncset.done @!p0 $0x0  }
0x56: {  	s15 =	sadd.s32 @!p0 s16, s19;
	s17 =	rddreg [dreg:$0x1a];
	[sflag:s14] =	ssyncadd.s32 @!p0 $0xFFFFFC80  }
0x57: {  	[spmem:s17], [sflag:s4] =	dma.local @!p0 [hbm:s15], $0x380  }
0x58: {  	_ =	swait.ge @!p0 [sflag:s14], $0x380  }
0x59: {  	[sflag:s14] =	ssyncset.done @!p0 $0x0  }
0x5a: {  	s15 =	sadd.s32 @!p0 s16, s20;
	s17 =	rddreg [dreg:$0x1b];
	[sflag:s14] =	ssyncadd.s32 @!p0 $0xFFFFFC80  }
0x5b: {  	[spmem:s17], [sflag:s4] =	dma.local @!p0 [hbm:s15], $0x380  }
0x5c: {  	_ =	swait.ge @!p0 [sflag:s14], $0x380  }
0x5d: {  	[sflag:s14] =	ssyncset.done @!p0 $0x0  }
0x5e: {  	s15 =	sadd.s32 @!p0 s16, s31;
	s17 =	rddreg [dreg:$0x1c];
	[sflag:s14] =	ssyncadd.s32 @!p0 $0xFFFFFC80  }
0x5f: {  	[spmem:s17], [sflag:s4] =	dma.local @!p0 [hbm:s15], $0x380  }
0x60: {  	_ =	swait.ge @!p0 [sflag:s14], $0x380  }
0x61: {  	[sflag:s14] =	ssyncset.done @!p0 $0x0  }
0x62: {  	s15 =	sadd.s32 @!p0 s16, s2;
	s17 =	rddreg [dreg:$0x1d];
	[sflag:s14] =	ssyncadd.s32 @!p0 $0xFFFFFC80  }
0x63: {  	[spmem:s17], [sflag:s4] =	dma.local @!p0 [hbm:s15], $0x380  }
0x64: {  	_ =	swait.ge @!p0 [sflag:s14], $0x380  }
0x65: {  	s15 =	sadd.s32 @!p0 s16, s22;
	[sflag:s14] =	ssyncset.done @!p0 $0x0  }
0x66: {  	s22 =	smov.u32 s1;
	s1 =	rddreg [dreg:$0x1e];
	[sflag:s14] =	ssyncadd.s32 @!p0 $0xFFFFFC80  }
0x67: {  	[spmem:s1], [sflag:s4] =	dma.local @!p0 [hbm:s15], $0x380  }
0x68: {  	s19 =	simm.s32 $0x0;
	s20 =	simm.s32 $0x6;
	_ =	swait.ge @!p0 [sflag:s14], $0x380  }
0x69: {  	s2 =	smov.u32 s3;
	s3 =	smov.u32 s6;
	[sflag:s14] =	ssyncset.done @!p0 $0x0  }
0x6a: {  	s6 =	smov.u32 s8;
	s8 =	smov.u32 s9;
	[sflag:s14] =	ssyncadd.s32 @!p0 $0xFFFFFC80  }
0x6b: {  	s9 =	smov.u32 s10;
	s10 =	smov.u32 s11;
	[bflag:$0x0] =	sbarrier.arrive $0xFFFF  }
0x6c: {  	[tilespmem:s19], [sflag:$0x6] =	stream.linear.gather [hbm4b:s22+s19], $0x80, $0x38;
	[tilespmem:$0x1FC00] =	vst v63  }
0x6d: {  	s11 =	smov.u32 s12;
	s12 =	smov.u32 s13;
	_ =	swait.ge [sflag:s20], $0x80  }
0x6e: {  	s13 =	smov.u32 s23;
	s23 =	smov.u32 s25;
	[sflag:s20] =	ssyncset.done $0x0  }
0x6f: {  	s25 =	simm.s32 $0x80;
	s31 =	sadd.s32 $0x10, s22;
	[sflag:s20] =	ssyncadd.s32 $0xFFFFFF80  }
0x70: {  	[tilespmem:s25], [sflag:$0x5] =	stream.linear.gather [hbm4b:s31+s19], $0x80, $0x38;
	[tilespmem:$0x1FC00] =	vst v63  }
0x71: {  	s1 =	simm.s32 $0x400;
	s14 =	simm.s32 $0x0  }
0x72: {  	[tilespmem:s0], [sflag:$0x1] =	stream.indirect.gather [spmem:s3], $0x80, s19, s25, $0xb8;
	[tilespmem:$0x1FC00] =	vst v63  }
.LBB2_2:
0x73: {  	s4 =	smul.u32 $0xAB, s14;
	_ =	sdelay $0x1  }
0x74: {  	s4 =	sshrl.u32 s4, $0x9  }
0x75: {  	s4 =	sand.u32 $0x7F, s4  }
0x76: {  	s4 =	smul.u32 $0x3, s4;
	_ =	sdelay $0x1  }
0x77: {  	s4 =	ssub.s32 s14, s4  }
0x78: {  	s18 =	simm.s32 $0x0;
	s17 =	simm.s32 $0x3;
	s4 =	sand.u32 $0xFF, s4  }
0x79: {  	s15 =	simm.s32 $0x2;
	s20 =	simm.s32 $0x1;
	v16 =	vadd.s32 s18, v4;
	v17 =	vadd.s32 s18, v2;
	v18 =	vadd.s32 s18, v0;
	s16 =	sshll.u32 s4, $0x7  }
0x7a: {  	v19 =	vadd.s32 s17, v0;
	v21 =	vadd.s32 s15, v0;
	[tilespmem:s7], [sflag:$0x2] =	stream.indirect.gather [spmem:s6], $0x80, s16, s25, $0xb8;
	[tilespmem:$0x1FC00] =	vst v63  }
0x7b: {  	v23 =	vadd.s32 s20, v0;
	v26 =	vadd.s32 s17, v2;
	v18 =	vand.u32 $0x7F, v18;
	_ =	swait.ge [sflag:s21], $0x4000  }
0x7c: {  	p1 =	seq.s32 s14, $0x0;
	v28 =	vadd.s32 s15, v2;
	v19 =	vand.u32 $0x7F, v19;
	v20 =	vor.u32 v1, v18;
	[sflag:s21] =	ssyncset.done $0x0  }
0x7d: {  	s19 =	simm.s32 @!p1 $0x3;
	v30 =	vadd.s32 s20, v2;
	v21 =	vand.u32 $0x7F, v21;
	v22 =	vor.u32 v1, v19;
	[sflag:s21] =	ssyncadd.s32 $0xFFFFC000  }
0x7e: {  	v34 =	vadd.s32 s17, v6;
	v23 =	vand.u32 $0x7F, v23;
	v24 =	vor.u32 v1, v21;
	_ =	swait.ge @!p1 [sflag:s19], $0x4000  }
0x7f: {  	v36 =	vadd.s32 s17, v10;
	v37 =	vadd.s32 s17, v12;
	v25 =	vor.u32 v1, v23;
	[sflag:s19] =	ssyncset.done @!p1 $0x0  }
0x80: {  	v17 =	vand.u32 $0x7F, v17;
	v26 =	vand.u32 $0x7F, v26;
	v18 =	vshll.u32 v18, $0x7;
	[sflag:s19] =	ssyncadd.s32 @!p1 $0xFFFFC000  }
0x81: {  	v28 =	vand.u32 $0x7F, v28;
	v19 =	vshll.u32 v19, $0x7;
	v18 =	vor.u32 v0, v18;
	v20 =	vld.idx.msk [tilespmem:v20+s0+$0x0], $0xffff  }
0x82: {  	v30 =	vand.u32 $0x7F, v30;
	v21 =	vshll.u32 v21, $0x7;
	v19 =	vor.u32 v0, v19;
	v22 =	vld.idx.msk [tilespmem:v22+s0+$0x0], $0xffff  }
0x83: {  	v16 =	vand.u32 $0x7F, v16;
	v23 =	vshll.u32 v23, $0x7;
	v21 =	vor.u32 v0, v21;
	v24 =	vld.idx.msk [tilespmem:v24+s0+$0x0], $0xffff  }
0x84: {  	v55 =	vand.u32 $0x7F, v36;
	v27 =	vor.u32 v3, v17;
	v23 =	vor.u32 v0, v23;
	v25 =	vld.idx.msk [tilespmem:v25+s0+$0x0], $0xffff  }
0x85: {  	v58 =	vand.u32 $0x7F, v37;
	v29 =	vor.u32 v3, v26;
	v31 =	vor.u32 v3, v28  }
0x86: {  	v32 =	vor.u32 v3, v30;
	v17 =	vshll.u32 v17, $0x7;
	v33 =	vor.u32 v5, v16;
	[tilespmem:v18+s24+$0x0] =	vst.idx.msk $0xffff, v20  }
0x87: {  	v16 =	vshll.u32 v16, $0x7;
	v56 =	vor.u32 v11, v55;
	v17 =	vor.u32 v2, v17;
	[tilespmem:v19+s24+$0x0] =	vst.idx.msk $0xffff, v22  }
0x88: {  	v18 =	vadd.s32 s17, v4;
	v20 =	vadd.s32 s18, v6;
	v19 =	vadd.s32 s15, v4;
	[tilespmem:v21+s24+$0x0] =	vst.idx.msk $0xffff, v24  }
0x89: {  	v22 =	vshll.u32 v26, $0x7;
	v24 =	vshll.u32 v28, $0x7;
	[tilespmem:v23+s24+$0x0] =	vst.idx.msk $0xffff, v25;
	v23 =	vshll.u32 v30, $0x7;
	v26 =	vld.idx.msk [tilespmem:v27+s0+$0x0], $0xffff  }
0x8a: {  	v25 =	vadd.s32 s20, v4;
	v18 =	vand.u32 $0x7F, v18;
	v27 =	vld.idx.msk [tilespmem:v29+s0+$0x0], $0xffff;
	v22 =	vor.u32 v2, v22  }
0x8b: {  	v19 =	vand.u32 $0x7F, v19;
	v28 =	vld.idx.msk [tilespmem:v31+s0+$0x0], $0xffff;
	v24 =	vor.u32 v2, v24;
	v21 =	vor.u32 v5, v18  }
0x8c: {  	v23 =	vor.u32 v2, v23;
	v25 =	vand.u32 $0x7F, v25;
	v29 =	vld.idx.msk [tilespmem:v32+s0+$0x0], $0xffff;
	v30 =	vor.u32 v5, v19  }
0x8d: {  	v59 =	vor.u32 v13, v58;
	v20 =	vand.u32 $0x7F, v20;
	v31 =	vor.u32 v5, v25  }
0x8e: {  	v16 =	vor.u32 v4, v16;
	v51 =	vor.u32 v7, v20;
	v18 =	vshll.u32 v18, $0x7;
	[tilespmem:v17+s24+$0x0] =	vst.idx.msk $0xffff, v26  }
0x8f: {  	v35 =	vadd.s32 s17, v8;
	v19 =	vshll.u32 v19, $0x7;
	v18 =	vor.u32 v4, v18;
	[tilespmem:v22+s24+$0x0] =	vst.idx.msk $0xffff, v27;
	v33 =	vld.idx.msk [tilespmem:v33+s0+$0x0], $0xffff  }
0x90: {  	v53 =	vand.u32 $0x7F, v35;
	v19 =	vor.u32 v4, v19;
	v26 =	vand.u32 $0x7F, v34;
	[tilespmem:v24+s24+$0x0] =	vst.idx.msk $0xffff, v28;
	v21 =	vld.idx.msk [tilespmem:v21+s0+$0x0], $0xffff  }
0x91: {  	v22 =	vadd.s32 s15, v6;
	[tilespmem:v23+s24+$0x0] =	vst.idx.msk $0xffff, v29;
	v23 =	vshll.u32 v25, $0x7;
	v24 =	vadd.s32 s20, v6;
	v25 =	vld.idx.msk [tilespmem:v30+s0+$0x0], $0xffff  }
0x92: {  	v27 =	vor.u32 v7, v26;
	v22 =	vand.u32 $0x7F, v22;
	v23 =	vor.u32 v4, v23;
	v29 =	vld.idx.msk [tilespmem:v31+s0+$0x0], $0xffff  }
0x93: {  	v17 =	vadd.s32 s18, v8;
	v24 =	vand.u32 $0x7F, v24;
	v28 =	vor.u32 v7, v22  }
0x94: {  	v20 =	vshll.u32 v20, $0x7;
	v17 =	vand.u32 $0x7F, v17;
	v31 =	vor.u32 v7, v24;
	[tilespmem:v16+s24+$0x0] =	vst.idx.msk $0xffff, v33  }
0x95: {  	v30 =	vadd.s32 s18, v14;
	v52 =	vor.u32 v9, v17;
	v16 =	vor.u32 v6, v20;
	[tilespmem:v18+s24+$0x0] =	vst.idx.msk $0xffff, v21  }
0x96: {  	v18 =	vadd.s32 s15, v8;
	v21 =	vshll.u32 v26, $0x7;
	v26 =	vor.u32 v9, v53;
	[tilespmem:v19+s24+$0x0] =	vst.idx.msk $0xffff, v25;
	v32 =	vld.idx.msk [tilespmem:v51+s0+$0x0], $0xffff  }
0x97: {  	v19 =	vshll.u32 v22, $0x7;
	[tilespmem:v23+s24+$0x0] =	vst.idx.msk $0xffff, v29;
	v23 =	vshll.u32 v24, $0x7;
	v21 =	vor.u32 v6, v21;
	v22 =	vld.idx.msk [tilespmem:v27+s0+$0x0], $0xffff  }
0x98: {  	v24 =	vadd.s32 s20, v8;
	v18 =	vand.u32 $0x7F, v18;
	v19 =	vor.u32 v6, v19;
	v25 =	vld.idx.msk [tilespmem:v28+s0+$0x0], $0xffff  }
0x99: {  	v23 =	vor.u32 v6, v23;
	v24 =	vand.u32 $0x7F, v24;
	v28 =	vld.idx.msk [tilespmem:v31+s0+$0x0], $0xffff;
	v27 =	vor.u32 v9, v18  }
0x9a: {  	v17 =	vshll.u32 v17, $0x7;
	v61 =	vand.u32 $0x7F, v30;
	v31 =	vor.u32 v9, v24  }
0x9b: {  	v17 =	vor.u32 v8, v17;
	v39 =	vor.u32 v15, v61;
	[tilespmem:v16+s24+$0x0] =	vst.idx.msk $0xffff, v32  }
0x9c: {  	v20 =	vadd.s32 s18, v10;
	[tilespmem:v21+s24+$0x0] =	vst.idx.msk $0xffff, v22;
	v21 =	vadd.s32 s15, v10;
	v22 =	vshll.u32 v53, $0x7;
	v34 =	vld.idx.msk [tilespmem:v52+s0+$0x0], $0xffff  }
0x9d: {  	v18 =	vshll.u32 v18, $0x7;
	[tilespmem:v19+s24+$0x0] =	vst.idx.msk $0xffff, v25;
	v19 =	vand.u32 $0x7F, v21;
	v21 =	vor.u32 v8, v22;
	v22 =	vld.idx.msk [tilespmem:v26+s0+$0x0], $0xffff  }
0x9e: {  	v20 =	vand.u32 $0x7F, v20;
	v18 =	vor.u32 v8, v18;
	[tilespmem:v23+s24+$0x0] =	vst.idx.msk $0xffff, v28;
	v23 =	vshll.u32 v24, $0x7;
	v25 =	vld.idx.msk [tilespmem:v27+s0+$0x0], $0xffff  }
0x9f: {  	v54 =	vor.u32 v11, v20;
	v20 =	vshll.u32 v20, $0x7;
	v23 =	vor.u32 v8, v23;
	v27 =	vld.idx.msk [tilespmem:v31+s0+$0x0], $0xffff  }
0xa0: {  	v29 =	vadd.s32 s18, v12;
	s18 =	simm.s32 $0x4;
	v20 =	vor.u32 v10, v20;
	v24 =	vadd.s32 s20, v10  }
0xa1: {  	v16 =	vadd.s32 s18, v4;
	v24 =	vand.u32 $0x7F, v24;
	v26 =	vor.u32 v11, v19;
	[tilespmem:v17+s24+$0x0] =	vst.idx.msk $0xffff, v34  }
0xa2: {  	v28 =	vadd.s32 s18, v2;
	v31 =	vand.u32 $0x7F, v29;
	v29 =	vor.u32 v11, v24;
	[tilespmem:v21+s24+$0x0] =	vst.idx.msk $0xffff, v22  }
0xa3: {  	v57 =	vor.u32 v13, v31;
	v17 =	vadd.s32 s18, v0;
	v21 =	vadd.s32 s15, v12;
	[tilespmem:v18+s24+$0x0] =	vst.idx.msk $0xffff, v25  }
0xa4: {  	v22 =	vshll.u32 v55, $0x7;
	v18 =	vshll.u32 v19, $0x7;
	[tilespmem:v23+s24+$0x0] =	vst.idx.msk $0xffff, v27;
	v23 =	vshll.u32 v24, $0x7;
	v35 =	vld.idx.msk [tilespmem:v54+s0+$0x0], $0xffff  }
0xa5: {  	v24 =	vadd.s32 s20, v12;
	v27 =	vshll.u32 v31, $0x7;
	v19 =	vor.u32 v10, v22;
	v22 =	vld.idx.msk [tilespmem:v56+s0+$0x0], $0xffff  }
0xa6: {  	v21 =	vand.u32 $0x7F, v21;
	v18 =	vor.u32 v10, v18;
	v25 =	vld.idx.msk [tilespmem:v26+s0+$0x0], $0xffff;
	v23 =	vor.u32 v10, v23  }
0xa7: {  	v24 =	vand.u32 $0x7F, v24;
	v60 =	vld.idx.msk [tilespmem:v29+s0+$0x0], $0xffff;
	v29 =	vand.u32 $0x7F, v28;
	v26 =	vor.u32 v13, v21  }
0xa8: {  	v28 =	vadd.s32 s17, v14;
	v30 =	vand.u32 $0x7F, v17;
	v38 =	vor.u32 v13, v24  }
0xa9: {  	v62 =	vor.u32 v12, v27;
	v40 =	vand.u32 $0x7F, v28;
	v31 =	vor.u32 v1, v30;
	[tilespmem:v20+s24+$0x0] =	vst.idx.msk $0xffff, v35  }
0xaa: {  	v17 =	vadd.s32 s15, v14;
	[tilespmem:v19+s24+$0x0] =	vst.idx.msk $0xffff, v22;
	v20 =	vshll.u32 v58, $0x7;
	v19 =	vor.u32 v15, v40;
	v36 =	vld.idx.msk [tilespmem:v57+s0+$0x0], $0xffff  }
0xab: {  	v27 =	vand.u32 $0x7F, v17;
	[tilespmem:v18+s24+$0x0] =	vst.idx.msk $0xffff, v25;
	v18 =	vshll.u32 v21, $0x7;
	v63 =	vld.idx.msk [tilespmem:v59+s0+$0x0], $0xffff;
	v41 =	vor.u32 v12, v20  }
0xac: {  	v17 =	vshll.u32 v24, $0x7;
	[tilespmem:v23+s24+$0x0] =	vst.idx.msk $0xffff, v60;
	v20 =	vadd.s32 s20, v14;
	v28 =	vor.u32 v12, v18;
	v25 =	vld.idx.msk [tilespmem:v26+s0+$0x0], $0xffff  }
0xad: {  	s20 =	simm.s32 $0x7;
	v26 =	vor.u32 v12, v17;
	v24 =	vld.idx.msk [tilespmem:v38+s0+$0x0], $0xffff;
	v17 =	vand.u32 $0x7F, v20;
	v20 =	vor.u32 v15, v27  }
0xae: {  	s4 =	simm.s32 $0x6;
	v34 =	vshll.u32 v40, $0x7;
	v21 =	vadd.s32 s20, v0;
	v18 =	vor.u32 v15, v17  }
0xaf: {  	s15 =	sadd.s32 s23, s14;
	v22 =	vshll.u32 v61, $0x7;
	v23 =	vadd.s32 s4, v0;
	v32 =	vand.u32 $0x7F, v21;
	[tilespmem:v62+s24+$0x0] =	vst.idx.msk $0xffff, v36  }
0xb0: {  	s31 =	simm.s32 $0x8;
	s19 =	simm.s32 $0x5;
	s17 =	sshrl.u32 s15, $0x3;
	v21 =	vor.u32 v14, v22;
	v33 =	vor.u32 v1, v32;
	[tilespmem:v41+s24+$0x0] =	vst.idx.msk $0xffff, v63;
	v22 =	vld.idx.msk [tilespmem:v39+s0+$0x0], $0xffff  }
.LBB2_3:
0xb1: {  	p2 =	slt.u32 s31, $0x7C;
	v35 =	vadd.s32 s19, v0;
	v23 =	vand.u32 $0x7F, v23;
	[tilespmem:v28+s24+$0x0] =	vst.idx.msk $0xffff, v25;
	v19 =	vld.idx.msk [tilespmem:v19+s0+$0x0], $0xffff;
	v25 =	vor.u32 v14, v34  }
0xb2: {  	v28 =	vand.u32 $0x7F, v35;
	v34 =	vor.u32 v1, v23;
	[tilespmem:v26+s24+$0x0] =	vst.idx.msk $0xffff, v24;
	v20 =	vld.idx.msk [tilespmem:v20+s0+$0x0], $0xffff;
	v24 =	vshll.u32 v27, $0x7  }
0xb3: {  	v17 =	vshll.u32 v17, $0x7;
	v26 =	vor.u32 v1, v28;
	v18 =	vld.idx.msk [tilespmem:v18+s0+$0x0], $0xffff;
	v24 =	vor.u32 v14, v24  }
0xb4: {  	v27 =	vshll.u32 v30, $0x7;
	v30 =	vadd.s32 s20, v2;
	v17 =	vor.u32 v14, v17  }
0xb5: {  	v35 =	vor.u32 v3, v29;
	v27 =	vor.u32 v0, v27;
	v30 =	vand.u32 $0x7F, v30;
	v31 =	vld.idx.msk [tilespmem:v31+s0+$0x0], $0xffff  }
0xb6: {  	v36 =	vadd.s32 s4, v2;
	v32 =	vshll.u32 v32, $0x7;
	v37 =	vor.u32 v3, v30;
	v33 =	vld.idx.msk [tilespmem:v33+s0+$0x0], $0xffff;
	[tilespmem:v21+s24+$0x0] =	vst.idx.msk $0xffff, v22  }
0xb7: {  	v32 =	vor.u32 v0, v32;
	v22 =	vshll.u32 v23, $0x7;
	v23 =	vand.u32 $0x7F, v36;
	v21 =	vld.idx.msk [tilespmem:v34+s0+$0x0], $0xffff;
	[tilespmem:v25+s24+$0x0] =	vst.idx.msk $0xffff, v19  }
0xb8: {  	v25 =	vshll.u32 v28, $0x7;
	v22 =	vor.u32 v0, v22;
	v19 =	vld.idx.msk [tilespmem:v26+s0+$0x0], $0xffff;
	v26 =	vadd.s32 s19, v2;
	[tilespmem:v24+s24+$0x0] =	vst.idx.msk $0xffff, v20  }
0xb9: {  	v20 =	vor.u32 v0, v25;
	v25 =	vor.u32 v3, v23;
	v24 =	vand.u32 $0x7F, v26;
	[tilespmem:v17+s24+$0x0] =	vst.idx.msk $0xffff, v18  }
0xba: {  	v16 =	vand.u32 $0x7F, v16;
	v17 =	vor.u32 v3, v24  }
0xbb: {  	v18 =	vshll.u32 v29, $0x7;
	v26 =	vor.u32 v5, v16;
	[tilespmem:v27+s24+$0x0] =	vst.idx.msk $0xffff, v31;
	v27 =	vadd.s32 s20, v4  }
0xbc: {  	v29 =	vadd.s32 s18, v6;
	v18 =	vor.u32 v2, v18;
	v28 =	vld.idx.msk [tilespmem:v35+s0+$0x0], $0xffff;
	[tilespmem:v32+s24+$0x0] =	vst.idx.msk $0xffff, v33;
	v27 =	vand.u32 $0x7F, v27  }
0xbd: {  	v30 =	vshll.u32 v30, $0x7;
	[tilespmem:v22+s24+$0x0] =	vst.idx.msk $0xffff, v21;
	v21 =	vadd.s32 s4, v4;
	v22 =	vld.idx.msk [tilespmem:v37+s0+$0x0], $0xffff;
	v31 =	vor.u32 v5, v27  }
0xbe: {  	[tilespmem:v20+s24+$0x0] =	vst.idx.msk $0xffff, v19;
	v19 =	vld.idx.msk [tilespmem:v25+s0+$0x0], $0xffff;
	v20 =	vshll.u32 v23, $0x7;
	v21 =	vand.u32 $0x7F, v21;
	v23 =	vor.u32 v2, v30  }
0xbf: {  	v24 =	vshll.u32 v24, $0x7;
	v25 =	vadd.s32 s19, v4;
	v17 =	vld.idx.msk [tilespmem:v17+s0+$0x0], $0xffff;
	v20 =	vor.u32 v2, v20  }
0xc0: {  	v24 =	vor.u32 v2, v24;
	v25 =	vand.u32 $0x7F, v25;
	v30 =	vor.u32 v5, v21  }
0xc1: {  	v29 =	vand.u32 $0x7F, v29;
	v32 =	vor.u32 v5, v25  }
0xc2: {  	v16 =	vshll.u32 v16, $0x7;
	[tilespmem:v18+s24+$0x0] =	vst.idx.msk $0xffff, v28;
	v18 =	vor.u32 v7, v29;
	v28 =	vadd.s32 s20, v6  }
0xc3: {  	v16 =	vor.u32 v4, v16;
	v33 =	vadd.s32 s18, v8;
	v26 =	vld.idx.msk [tilespmem:v26+s0+$0x0], $0xffff;
	[tilespmem:v23+s24+$0x0] =	vst.idx.msk $0xffff, v22;
	v22 =	vand.u32 $0x7F, v28  }
0xc4: {  	v23 =	vshll.u32 v27, $0x7;
	[tilespmem:v20+s24+$0x0] =	vst.idx.msk $0xffff, v19;
	v19 =	vadd.s32 s4, v6;
	v20 =	vld.idx.msk [tilespmem:v31+s0+$0x0], $0xffff;
	v27 =	vor.u32 v7, v22  }
0xc5: {  	v21 =	vshll.u32 v21, $0x7;
	v23 =	vor.u32 v4, v23;
	[tilespmem:v24+s24+$0x0] =	vst.idx.msk $0xffff, v17;
	v17 =	vld.idx.msk [tilespmem:v30+s0+$0x0], $0xffff;
	v19 =	vand.u32 $0x7F, v19  }
0xc6: {  	v25 =	vshll.u32 v25, $0x7;
	v21 =	vor.u32 v4, v21;
	v28 =	vadd.s32 s19, v6;
	v24 =	vld.idx.msk [tilespmem:v32+s0+$0x0], $0xffff  }
0xc7: {  	v25 =	vor.u32 v4, v25;
	v28 =	vand.u32 $0x7F, v28;
	v30 =	vor.u32 v7, v19  }
0xc8: {  	v31 =	vand.u32 $0x7F, v33;
	v33 =	vor.u32 v7, v28;
	v32 =	vadd.s32 s18, v14  }
0xc9: {  	[tilespmem:v16+s24+$0x0] =	vst.idx.msk $0xffff, v26;
	v16 =	vshll.u32 v29, $0x7;
	v26 =	vor.u32 v9, v31;
	v29 =	vadd.s32 s20, v8  }
0xca: {  	v34 =	vadd.s32 s18, v10;
	v18 =	vld.idx.msk [tilespmem:v18+s0+$0x0], $0xffff;
	v16 =	vor.u32 v6, v16;
	[tilespmem:v23+s24+$0x0] =	vst.idx.msk $0xffff, v20;
	v20 =	vand.u32 $0x7F, v29  }
0xcb: {  	v22 =	vshll.u32 v22, $0x7;
	[tilespmem:v21+s24+$0x0] =	vst.idx.msk $0xffff, v17;
	v17 =	vadd.s32 s4, v8;
	v21 =	vld.idx.msk [tilespmem:v27+s0+$0x0], $0xffff;
	v23 =	vor.u32 v9, v20  }
0xcc: {  	v22 =	vor.u32 v6, v22;
	v19 =	vshll.u32 v19, $0x7;
	[tilespmem:v25+s24+$0x0] =	vst.idx.msk $0xffff, v24;
	v24 =	vld.idx.msk [tilespmem:v30+s0+$0x0], $0xffff;
	v17 =	vand.u32 $0x7F, v17  }
0xcd: {  	v19 =	vor.u32 v6, v19;
	v27 =	vshll.u32 v28, $0x7;
	v28 =	vadd.s32 s19, v8;
	v25 =	vld.idx.msk [tilespmem:v33+s0+$0x0], $0xffff  }
0xce: {  	v27 =	vor.u32 v6, v27;
	v28 =	vand.u32 $0x7F, v28;
	v29 =	vor.u32 v9, v17  }
0xcf: {  	v30 =	vand.u32 $0x7F, v34;
	v33 =	vadd.s32 s18, v12;
	v34 =	vor.u32 v9, v28;
	s18 =	smov.u32 s31  }
0xd0: {  	v35 =	vadd.s32 s20, v10;
	[tilespmem:v16+s24+$0x0] =	vst.idx.msk $0xffff, v18;
	v18 =	vshll.u32 v31, $0x7;
	v31 =	vor.u32 v11, v30  }
0xd1: {  	v16 =	vadd.s32 s31, v4;
	v26 =	vld.idx.msk [tilespmem:v26+s0+$0x0], $0xffff;
	v18 =	vor.u32 v8, v18;
	[tilespmem:v22+s24+$0x0] =	vst.idx.msk $0xffff, v21;
	v21 =	vand.u32 $0x7F, v35  }
0xd2: {  	v20 =	vshll.u32 v20, $0x7;
	[tilespmem:v19+s24+$0x0] =	vst.idx.msk $0xffff, v24;
	v19 =	vadd.s32 s4, v10;
	v22 =	vld.idx.msk [tilespmem:v23+s0+$0x0], $0xffff;
	v23 =	vor.u32 v11, v21  }
0xd3: {  	v20 =	vor.u32 v8, v20;
	v17 =	vshll.u32 v17, $0x7;
	[tilespmem:v27+s24+$0x0] =	vst.idx.msk $0xffff, v25;
	v24 =	vld.idx.msk [tilespmem:v29+s0+$0x0], $0xffff;
	v19 =	vand.u32 $0x7F, v19  }
0xd4: {  	v17 =	vor.u32 v8, v17;
	v27 =	vshll.u32 v28, $0x7;
	v28 =	vadd.s32 s19, v10;
	v25 =	vld.idx.msk [tilespmem:v34+s0+$0x0], $0xffff  }
0xd5: {  	v27 =	vor.u32 v8, v27;
	v28 =	vand.u32 $0x7F, v28;
	v29 =	vor.u32 v11, v19  }
0xd6: {  	v33 =	vand.u32 $0x7F, v33;
	v34 =	vadd.s32 s31, v2;
	v35 =	vor.u32 v11, v28  }
0xd7: {  	[tilespmem:v18+s24+$0x0] =	vst.idx.msk $0xffff, v26;
	v18 =	vshll.u32 v30, $0x7;
	v26 =	vor.u32 v13, v33;
	v30 =	vadd.s32 s20, v12  }
0xd8: {  	v36 =	vadd.s32 s31, v0;
	v31 =	vld.idx.msk [tilespmem:v31+s0+$0x0], $0xffff;
	v18 =	vor.u32 v10, v18;
	[tilespmem:v20+s24+$0x0] =	vst.idx.msk $0xffff, v22;
	v20 =	vand.u32 $0x7F, v30  }
0xd9: {  	v21 =	vshll.u32 v21, $0x7;
	[tilespmem:v17+s24+$0x0] =	vst.idx.msk $0xffff, v24;
	v17 =	vadd.s32 s4, v12;
	v22 =	vld.idx.msk [tilespmem:v23+s0+$0x0], $0xffff;
	v23 =	vor.u32 v13, v20  }
0xda: {  	v21 =	vor.u32 v10, v21;
	v19 =	vshll.u32 v19, $0x7;
	[tilespmem:v27+s24+$0x0] =	vst.idx.msk $0xffff, v25;
	v24 =	vld.idx.msk [tilespmem:v29+s0+$0x0], $0xffff;
	v17 =	vand.u32 $0x7F, v17  }
0xdb: {  	v19 =	vor.u32 v10, v19;
	v27 =	vshll.u32 v28, $0x7;
	v28 =	vadd.s32 s19, v12;
	v25 =	vld.idx.msk [tilespmem:v35+s0+$0x0], $0xffff  }
0xdc: {  	v27 =	vor.u32 v10, v27;
	v28 =	vand.u32 $0x7F, v28;
	v35 =	vor.u32 v13, v17  }
0xdd: {  	v32 =	vand.u32 $0x7F, v32;
	v29 =	vand.u32 $0x7F, v34;
	v34 =	vor.u32 v13, v28  }
0xde: {  	v37 =	vor.u32 v15, v32;
	[tilespmem:v18+s24+$0x0] =	vst.idx.msk $0xffff, v31;
	v18 =	vshll.u32 v33, $0x7;
	v31 =	vadd.s32 s20, v14  }
0xdf: {  	v30 =	vand.u32 $0x7F, v36;
	v33 =	vld.idx.msk [tilespmem:v26+s0+$0x0], $0xffff;
	v36 =	vor.u32 v12, v18;
	[tilespmem:v21+s24+$0x0] =	vst.idx.msk $0xffff, v22;
	v38 =	vand.u32 $0x7F, v31  }
0xe0: {  	v20 =	vshll.u32 v20, $0x7;
	v18 =	vadd.s32 s4, v14;
	[tilespmem:v19+s24+$0x0] =	vst.idx.msk $0xffff, v24;
	v39 =	vld.idx.msk [tilespmem:v23+s0+$0x0], $0xffff;
	v19 =	vor.u32 v15, v38  }
0xe1: {  	v17 =	vshll.u32 v17, $0x7;
	[tilespmem:v27+s24+$0x0] =	vst.idx.msk $0xffff, v25;
	v25 =	vld.idx.msk [tilespmem:v35+s0+$0x0], $0xffff;
	v27 =	vand.u32 $0x7F, v18;
	v35 =	vor.u32 v12, v20  }
.Ltmp0:
0xe2: {  	v18 =	vshll.u32 v28, $0x7;
	v20 =	vadd.s32 s19, v14;
	v28 =	vor.u32 v12, v17;
	v24 =	vld.idx.msk [tilespmem:v34+s0+$0x0], $0xffff;
	(pc) =	sbr.rel @p2 .LBB2_3-.Ltmp0, $4  }
0xe3: {  	s20 =	sadd.s32 $0x3, s31;
	v26 =	vor.u32 v12, v18;
	v17 =	vand.u32 $0x7F, v20;
	v20 =	vor.u32 v15, v27  }
0xe4: {  	v21 =	vadd.s32 s20, v0;
	v22 =	vshll.u32 v32, $0x7;
	v18 =	vor.u32 v15, v17  }
0xe5: {  	v31 =	vor.u32 v1, v30;
	s4 =	sadd.s32 $0x2, s31;
	v32 =	vand.u32 $0x7F, v21;
	v21 =	vor.u32 v14, v22;
	[tilespmem:v36+s24+$0x0] =	vst.idx.msk $0xffff, v33  }
0xe6: {  	s31 =	sadd.s32 $0x4, s31;
	v23 =	vadd.s32 s4, v0;
	s19 =	sadd.s32 $0x1, s18;
	v34 =	vshll.u32 v38, $0x7;
	v33 =	vor.u32 v1, v32;
	v22 =	vld.idx.msk [tilespmem:v37+s0+$0x0], $0xffff;
	[tilespmem:v35+s24+$0x0] =	vst.idx.msk $0xffff, v39  }
0xe7: {  	v35 =	vadd.s32 s19, v0;
	v36 =	vand.u32 $0x7F, v23;
	v23 =	vor.u32 v14, v34  }
0xe8: {  	v27 =	vshll.u32 v27, $0x7;
	v30 =	vshll.u32 v30, $0x7;
	v38 =	vadd.s32 s20, v2  }
0xe9: {  	v39 =	vor.u32 v3, v29;
	v40 =	vadd.s32 s4, v2;
	v32 =	vshll.u32 v32, $0x7  }
0xea: {  	v42 =	vadd.s32 s19, v2;
	v16 =	vand.u32 $0x7F, v16;
	v29 =	vshll.u32 v29, $0x7  }
0xeb: {  	v52 =	vadd.s32 s19, v4;
	v59 =	vadd.s32 s20, v6;
	v61 =	vadd.s32 s4, v6  }
0xec: {  	v17 =	vshll.u32 v17, $0x7;
	v46 =	vand.u32 $0x7F, v35;
	v47 =	vor.u32 v1, v36  }
0xed: {  	v30 =	vor.u32 v0, v30;
	v38 =	vand.u32 $0x7F, v38;
	v37 =	vor.u32 v1, v46  }
0xee: {  	v36 =	vshll.u32 v36, $0x7;
	v40 =	vand.u32 $0x7F, v40;
	v32 =	vor.u32 v0, v32  }
0xef: {  	v31 =	vld.idx.msk [tilespmem:v31+s0+$0x0], $0xffff;
	v42 =	vand.u32 $0x7F, v42;
	v45 =	vor.u32 v5, v16;
	v29 =	vor.u32 v2, v29  }
0xf0: {  	v33 =	vld.idx.msk [tilespmem:v33+s0+$0x0], $0xffff;
	v16 =	vshll.u32 v16, $0x7;
	v60 =	vand.u32 $0x7F, v59;
	v41 =	vor.u32 v3, v38  }
0xf1: {  	v34 =	vshll.u32 v46, $0x7;
	v36 =	vor.u32 v0, v36;
	v43 =	vor.u32 v3, v40;
	v35 =	vld.idx.msk [tilespmem:v47+s0+$0x0], $0xffff  }
0xf2: {  	v44 =	vor.u32 v3, v42;
	v46 =	vadd.s32 s20, v4;
	v34 =	vor.u32 v0, v34;
	v37 =	vld.idx.msk [tilespmem:v37+s0+$0x0], $0xffff  }
0xf3: {  	v49 =	vshll.u32 v40, $0x7;
	v51 =	vshll.u32 v42, $0x7;
	v16 =	vor.u32 v4, v16  }
0xf4: {  	v63 =	vor.u32 v7, v60;
	v42 =	vadd.s32 s18, v14;
	v46 =	vand.u32 $0x7F, v46;
	[tilespmem:v30+s24+$0x0] =	vst.idx.msk $0xffff, v31  }
0xf5: {  	v62 =	vshll.u32 v46, $0x7;
	v30 =	vadd.s32 s4, v4;
	v31 =	vshll.u32 v38, $0x7;
	[tilespmem:v32+s24+$0x0] =	vst.idx.msk $0xffff, v33;
	v48 =	vld.idx.msk [tilespmem:v39+s0+$0x0], $0xffff  }
0xf6: {  	v38 =	vor.u32 v5, v46;
	v31 =	vor.u32 v2, v31;
	v50 =	vld.idx.msk [tilespmem:v41+s0+$0x0], $0xffff;
	[tilespmem:v36+s24+$0x0] =	vst.idx.msk $0xffff, v35  }
0xf7: {  	v47 =	vadd.s32 s18, v6;
	v33 =	vor.u32 v2, v49;
	v30 =	vand.u32 $0x7F, v30;
	v53 =	vld.idx.msk [tilespmem:v43+s0+$0x0], $0xffff;
	[tilespmem:v34+s24+$0x0] =	vst.idx.msk $0xffff, v37  }
0xf8: {  	v39 =	vand.u32 $0x7F, v52;
	v54 =	vor.u32 v5, v30;
	v36 =	vor.u32 v2, v51;
	v57 =	vld.idx.msk [tilespmem:v44+s0+$0x0], $0xffff  }
0xf9: {  	v49 =	vand.u32 $0x7F, v61;
	v32 =	vshll.u32 v60, $0x7;
	v56 =	vor.u32 v5, v39  }
0xfa: {  	v55 =	vand.u32 $0x7F, v47;
	v52 =	vor.u32 v7, v49;
	v32 =	vor.u32 v6, v32;
	[tilespmem:v29+s24+$0x0] =	vst.idx.msk $0xffff, v48  }
0xfb: {  	v58 =	vor.u32 v7, v55;
	v30 =	vshll.u32 v30, $0x7;
	v39 =	vshll.u32 v39, $0x7;
	[tilespmem:v31+s24+$0x0] =	vst.idx.msk $0xffff, v50;
	v31 =	vld.idx.msk [tilespmem:v45+s0+$0x0], $0xffff  }
0xfc: {  	v30 =	vor.u32 v4, v30;
	v35 =	vor.u32 v4, v62;
	v48 =	vld.idx.msk [tilespmem:v38+s0+$0x0], $0xffff;
	[tilespmem:v33+s24+$0x0] =	vst.idx.msk $0xffff, v53  }
0xfd: {  	v60 =	vadd.s32 s18, v12;
	v39 =	vor.u32 v4, v39;
	v50 =	vadd.s32 s19, v6;
	v40 =	vld.idx.msk [tilespmem:v54+s0+$0x0], $0xffff;
	[tilespmem:v36+s24+$0x0] =	vst.idx.msk $0xffff, v57  }
0xfe: {  	v29 =	vadd.s32 s18, v8;
	v34 =	vshll.u32 v55, $0x7;
	v51 =	vand.u32 $0x7F, v50;
	v37 =	vld.idx.msk [tilespmem:v56+s0+$0x0], $0xffff  }
0xff: {  	[tilespmem:v28+s24+$0x0] =	vst.idx.msk $0xffff, v25;
	v55 =	vadd.s32 s18, v10;
	v38 =	vshll.u32 v49, $0x7;
	v53 =	vor.u32 v7, v51  }
0x100: {  	v29 =	vand.u32 $0x7F, v29;
	v34 =	vor.u32 v6, v34;
	v38 =	vor.u32 v6, v38;
	[tilespmem:v16+s24+$0x0] =	vst.idx.msk $0xffff, v31  }
0x101: {  	v45 =	vadd.s32 s4, v10;
	v16 =	vor.u32 v9, v29;
	v31 =	vadd.s32 s20, v8;
	[tilespmem:v35+s24+$0x0] =	vst.idx.msk $0xffff, v48;
	v54 =	vld.idx.msk [tilespmem:v58+s0+$0x0], $0xffff  }
0x102: {  	v36 =	vshll.u32 v51, $0x7;
	v31 =	vand.u32 $0x7F, v31;
	v56 =	vld.idx.msk [tilespmem:v63+s0+$0x0], $0xffff;
	[tilespmem:v30+s24+$0x0] =	vst.idx.msk $0xffff, v40;
	v30 =	vadd.s32 s4, v8  }
0x103: {  	v58 =	vadd.s32 s19, v8;
	v57 =	vor.u32 v9, v31;
	v41 =	vld.idx.msk [tilespmem:v52+s0+$0x0], $0xffff;
	[tilespmem:v39+s24+$0x0] =	vst.idx.msk $0xffff, v37;
	v30 =	vand.u32 $0x7F, v30  }
0x104: {  	v36 =	vor.u32 v6, v36;
	v37 =	vand.u32 $0x7F, v58;
	v39 =	vld.idx.msk [tilespmem:v53+s0+$0x0], $0xffff;
	v59 =	vor.u32 v9, v30  }
0x105: {  	[tilespmem:v26+s24+$0x0] =	vst.idx.msk $0xffff, v24;
	v25 =	vand.u32 $0x7F, v45;
	v35 =	vand.u32 $0x7F, v55;
	v61 =	vor.u32 v9, v37  }
0x106: {  	v24 =	vor.u32 v11, v25;
	v29 =	vshll.u32 v29, $0x7;
	v62 =	vor.u32 v11, v35;
	[tilespmem:v34+s24+$0x0] =	vst.idx.msk $0xffff, v54  }
0x107: {  	v49 =	vadd.s32 s19, v10;
	v29 =	vor.u32 v8, v29;
	v31 =	vshll.u32 v31, $0x7;
	[tilespmem:v32+s24+$0x0] =	vst.idx.msk $0xffff, v56;
	v16 =	vld.idx.msk [tilespmem:v16+s0+$0x0], $0xffff  }
0x108: {  	v63 =	vadd.s32 s20, v10;
	v31 =	vor.u32 v8, v31;
	v46 =	vld.idx.msk [tilespmem:v57+s0+$0x0], $0xffff;
	v30 =	vshll.u32 v30, $0x7;
	[tilespmem:v38+s24+$0x0] =	vst.idx.msk $0xffff, v41  }
0x109: {  	v40 =	vand.u32 $0x7F, v63;
	v37 =	vshll.u32 v37, $0x7;
	v30 =	vor.u32 v8, v30;
	[tilespmem:v36+s24+$0x0] =	vst.idx.msk $0xffff, v39;
	v48 =	vld.idx.msk [tilespmem:v59+s0+$0x0], $0xffff  }
0x10a: {  	v25 =	vshll.u32 v25, $0x7;
	v47 =	vor.u32 v11, v40;
	v50 =	vor.u32 v8, v37;
	v28 =	vld.idx.msk [tilespmem:v61+s0+$0x0], $0xffff  }
0x10b: {  	v26 =	vand.u32 $0x7F, v60;
	v25 =	vor.u32 v10, v25;
	v51 =	vand.u32 $0x7F, v49  }
0x10c: {  	v55 =	vadd.s32 s4, v12;
	v52 =	vor.u32 v11, v51;
	[tilespmem:v29+s24+$0x0] =	vst.idx.msk $0xffff, v16;
	v16 =	vshll.u32 v35, $0x7  }
0x10d: {  	v58 =	vshll.u32 v51, $0x7;
	v53 =	vadd.s32 s20, v12;
	[tilespmem:v31+s24+$0x0] =	vst.idx.msk $0xffff, v46;
	v31 =	vld.idx.msk [tilespmem:v62+s0+$0x0], $0xffff;
	v16 =	vor.u32 v10, v16  }
0x10e: {  	v57 =	vand.u32 $0x7F, v55;
	v54 =	vand.u32 $0x7F, v53;
	[tilespmem:v30+s24+$0x0] =	vst.idx.msk $0xffff, v48;
	v30 =	vshll.u32 v40, $0x7  }
0x10f: {  	v29 =	vor.u32 v13, v26;
	[tilespmem:v50+s24+$0x0] =	vst.idx.msk $0xffff, v28;
	v28 =	vld.idx.msk [tilespmem:v47+s0+$0x0], $0xffff;
	v30 =	vor.u32 v10, v30  }
0x110: {  	v60 =	vor.u32 v13, v57;
	v56 =	vor.u32 v13, v54;
	v59 =	vadd.s32 s19, v12;
	v24 =	vld.idx.msk [tilespmem:v24+s0+$0x0], $0xffff  }
0x111: {  	[tilespmem:v21+s24+$0x0] =	vst.idx.msk $0xffff, v22;
	v35 =	vor.u32 v10, v58;
	v22 =	vand.u32 $0x7F, v59;
	v61 =	vand.u32 $0x7F, v42;
	v21 =	vld.idx.msk [tilespmem:v52+s0+$0x0], $0xffff  }
0x112: {  	v62 =	vor.u32 v13, v22;
	[tilespmem:v16+s24+$0x0] =	vst.idx.msk $0xffff, v31;
	v16 =	vshll.u32 v26, $0x7;
	v26 =	vadd.s32 s20, v14  }
0x113: {  	v19 =	vld.idx.msk [tilespmem:v19+s0+$0x0], $0xffff;
	v31 =	vor.u32 v15, v61;
	v16 =	vor.u32 v12, v16;
	v26 =	vand.u32 $0x7F, v26  }
0x114: {  	v36 =	vadd.s32 s19, v14;
	v29 =	vld.idx.msk [tilespmem:v29+s0+$0x0], $0xffff;
	v63 =	vor.u32 v15, v26;
	[tilespmem:v30+s24+$0x0] =	vst.idx.msk $0xffff, v28;
	v30 =	vshll.u32 v54, $0x7  }
0x115: {  	v28 =	vadd.s32 s4, v14;
	[tilespmem:v25+s24+$0x0] =	vst.idx.msk $0xffff, v24;
	v25 =	vshll.u32 v57, $0x7;
	v24 =	vld.idx.msk [tilespmem:v56+s0+$0x0], $0xffff;
	v30 =	vor.u32 v12, v30  }
0x116: {  	v22 =	vshll.u32 v22, $0x7;
	v28 =	vand.u32 $0x7F, v28;
	[tilespmem:v35+s24+$0x0] =	vst.idx.msk $0xffff, v21;
	v21 =	vld.idx.msk [tilespmem:v60+s0+$0x0], $0xffff;
	v25 =	vor.u32 v12, v25  }
0x117: {  	v33 =	vand.u32 $0x7F, v36;
	v22 =	vor.u32 v12, v22;
	v39 =	vld.idx.msk [tilespmem:v62+s0+$0x0], $0xffff;
	v40 =	vor.u32 v15, v28  }
0x118: {  	v20 =	vld.idx.msk [tilespmem:v20+s0+$0x0], $0xffff;
	v27 =	vor.u32 v14, v27;
	[tilespmem:v23+s24+$0x0] =	vst.idx.msk $0xffff, v19;
	v19 =	vor.u32 v15, v33  }
0x119: {  	v18 =	vld.idx.msk [tilespmem:v18+s0+$0x0], $0xffff;
	v17 =	vor.u32 v14, v17;
	v23 =	vshll.u32 v61, $0x7;
	[tilespmem:v16+s24+$0x0] =	vst.idx.msk $0xffff, v29  }
0x11a: {  	v16 =	vor.u32 v14, v23;
	v23 =	vld.idx.msk [tilespmem:v31+s0+$0x0], $0xffff;
	[tilespmem:v30+s24+$0x0] =	vst.idx.msk $0xffff, v24;
	v24 =	vshll.u32 v26, $0x7  }
0x11b: {  	[tilespmem:v25+s24+$0x0] =	vst.idx.msk $0xffff, v21;
	v25 =	vshll.u32 v28, $0x7;
	v21 =	vld.idx.msk [tilespmem:v63+s0+$0x0], $0xffff;
	v24 =	vor.u32 v14, v24  }
0x11c: {  	v26 =	vshll.u32 v33, $0x7;
	[tilespmem:v22+s24+$0x0] =	vst.idx.msk $0xffff, v39;
	v22 =	vld.idx.msk [tilespmem:v40+s0+$0x0], $0xffff;
	v25 =	vor.u32 v14, v25  }
0x11d: {  	[tilespmem:v27+s24+$0x0] =	vst.idx.msk $0xffff, v20;
	v20 =	vor.u32 v14, v26;
	v19 =	vld.idx.msk [tilespmem:v19+s0+$0x0], $0xffff  }
0x11e: {  	s15 =	sshll.u32 s15, $0xA;
	[tilespmem:v17+s24+$0x0] =	vst.idx.msk $0xffff, v18;
	s18 =	smul.u32 $0xFA000, s17  }
0x11f: {  	s15 =	sand.u32 $0x1C00, s15;
	[tilespmem:v16+s24+$0x0] =	vst.idx.msk $0xffff, v23  }
0x120: {  	s4 =	sor.u32 s15, s18;
	[tilespmem:v24+s24+$0x0] =	vst.idx.msk $0xffff, v21  }
0x121: {  	s4 =	sshrl.u32 s4, $0x3;
	[tilespmem:v25+s24+$0x0] =	vst.idx.msk $0xffff, v22  }
0x122: {  	s19 =	simm.s32 $0x0;
	s15 =	sadd.s32 s2, s4;
	[tilespmem:v20+s24+$0x0] =	vst.idx.msk $0xffff, v19  }
0x123: {  	v17 =	vadd.s32 s19, v2;
	[hbm4b:s15+s1] =	stream.strided.scatter [tilespmem:s24], [sflag:$0x3], $0x4000, s26, s1, $0x38;
	[tilespmem:$0x1FC00] =	vst v63  }
0x124: {  	v17 =	vand.u32 $0x7F, v17;
	s18 =	simm.s32 $0x3  }
0x125: {  	v18 =	vadd.s32 s19, v0;
	v27 =	vor.u32 v3, v17;
	v17 =	vshll.u32 v17, $0x7;
	[tilespmem:s0], [sflag:$0x1] =	stream.indirect.gather [spmem:s8], $0x80, s16, s25, $0xb8;
	[tilespmem:$0x1FC00] =	vst v63  }
0x126: {  	v18 =	vand.u32 $0x7F, v18;
	v17 =	vor.u32 v2, v17;
	s4 =	simm.s32 $0x2;
	v19 =	vadd.s32 s18, v0;
	_ =	swait.ge [sflag:s28], $0x4000  }
0x127: {  	s31 =	simm.s32 $0x1;
	v21 =	vadd.s32 s4, v0;
	v20 =	vor.u32 v1, v18;
	v19 =	vand.u32 $0x7F, v19;
	[sflag:s28] =	ssyncset.done $0x0  }
0x128: {  	s20 =	simm.s32 @!p1 $0x4;
	v23 =	vadd.s32 s31, v0;
	v21 =	vand.u32 $0x7F, v21;
	v22 =	vor.u32 v1, v19;
	[sflag:s28] =	ssyncadd.s32 $0xFFFFC000  }
0x129: {  	v49 =	vadd.s32 s18, v10;
	v23 =	vand.u32 $0x7F, v23;
	v24 =	vor.u32 v1, v21;
	_ =	swait.ge @!p1 [sflag:s20], $0x3400  }
0x12a: {  	v53 =	vadd.s32 s18, v12;
	v50 =	vand.u32 $0x7F, v49;
	v25 =	vor.u32 v1, v23;
	[sflag:s20] =	ssyncset.done @!p1 $0x0  }
0x12b: {  	v54 =	vand.u32 $0x7F, v53;
	v51 =	vor.u32 v11, v50;
	v18 =	vshll.u32 v18, $0x7;
	[sflag:s20] =	ssyncadd.s32 @!p1 $0xFFFFCC00  }
0x12c: {  	v55 =	vor.u32 v13, v54;
	v18 =	vor.u32 v0, v18;
	v19 =	vshll.u32 v19, $0x7;
	v20 =	vld.idx.msk [tilespmem:v20+s7+$0x0], $0xffff  }
0x12d: {  	v28 =	vadd.s32 s4, v2;
	v21 =	vshll.u32 v21, $0x7;
	v19 =	vor.u32 v0, v19;
	v22 =	vld.idx.msk [tilespmem:v22+s7+$0x0], $0xffff  }
0x12e: {  	v26 =	vadd.s32 s18, v2;
	v23 =	vshll.u32 v23, $0x7;
	v21 =	vor.u32 v0, v21;
	v24 =	vld.idx.msk [tilespmem:v24+s7+$0x0], $0xffff  }
0x12f: {  	v30 =	vadd.s32 s31, v2;
	v26 =	vand.u32 $0x7F, v26;
	v23 =	vor.u32 v0, v23;
	v25 =	vld.idx.msk [tilespmem:v25+s7+$0x0], $0xffff  }
0x130: {  	v16 =	vadd.s32 s19, v4;
	v28 =	vand.u32 $0x7F, v28;
	v29 =	vor.u32 v3, v26  }
0x131: {  	v30 =	vand.u32 $0x7F, v30;
	v31 =	vor.u32 v3, v28;
	v16 =	vand.u32 $0x7F, v16;
	[tilespmem:v18+s29+$0x0] =	vst.idx.msk $0xffff, v20  }
0x132: {  	v44 =	vadd.s32 s18, v6;
	v41 =	vor.u32 v3, v30;
	v42 =	vor.u32 v5, v16;
	[tilespmem:v19+s29+$0x0] =	vst.idx.msk $0xffff, v22  }
0x133: {  	v18 =	vadd.s32 s18, v4;
	v20 =	vadd.s32 s19, v6;
	v19 =	vadd.s32 s4, v4;
	[tilespmem:v21+s29+$0x0] =	vst.idx.msk $0xffff, v24  }
0x134: {  	v22 =	vshll.u32 v26, $0x7;
	v24 =	vshll.u32 v28, $0x7;
	[tilespmem:v23+s29+$0x0] =	vst.idx.msk $0xffff, v25;
	v23 =	vshll.u32 v30, $0x7;
	v26 =	vld.idx.msk [tilespmem:v27+s7+$0x0], $0xffff  }
0x135: {  	v25 =	vadd.s32 s31, v4;
	v18 =	vand.u32 $0x7F, v18;
	v27 =	vld.idx.msk [tilespmem:v29+s7+$0x0], $0xffff;
	v22 =	vor.u32 v2, v22  }
0x136: {  	v19 =	vand.u32 $0x7F, v19;
	v28 =	vld.idx.msk [tilespmem:v31+s7+$0x0], $0xffff;
	v24 =	vor.u32 v2, v24;
	v21 =	vor.u32 v5, v18  }
0x137: {  	v23 =	vor.u32 v2, v23;
	v25 =	vand.u32 $0x7F, v25;
	v29 =	vld.idx.msk [tilespmem:v41+s7+$0x0], $0xffff;
	v30 =	vor.u32 v5, v19  }
0x138: {  	v16 =	vshll.u32 v16, $0x7;
	v20 =	vand.u32 $0x7F, v20;
	v31 =	vor.u32 v5, v25  }
0x139: {  	v16 =	vor.u32 v4, v16;
	v43 =	vor.u32 v7, v20;
	v18 =	vshll.u32 v18, $0x7;
	[tilespmem:v17+s29+$0x0] =	vst.idx.msk $0xffff, v26  }
0x13a: {  	v46 =	vadd.s32 s18, v8;
	v19 =	vshll.u32 v19, $0x7;
	v18 =	vor.u32 v4, v18;
	[tilespmem:v22+s29+$0x0] =	vst.idx.msk $0xffff, v27;
	v33 =	vld.idx.msk [tilespmem:v42+s7+$0x0], $0xffff  }
0x13b: {  	v47 =	vand.u32 $0x7F, v46;
	v19 =	vor.u32 v4, v19;
	v26 =	vand.u32 $0x7F, v44;
	[tilespmem:v24+s29+$0x0] =	vst.idx.msk $0xffff, v28;
	v21 =	vld.idx.msk [tilespmem:v21+s7+$0x0], $0xffff  }
0x13c: {  	v22 =	vadd.s32 s4, v6;
	[tilespmem:v23+s29+$0x0] =	vst.idx.msk $0xffff, v29;
	v23 =	vshll.u32 v25, $0x7;
	v24 =	vadd.s32 s31, v6;
	v25 =	vld.idx.msk [tilespmem:v30+s7+$0x0], $0xffff  }
0x13d: {  	v27 =	vor.u32 v7, v26;
	v22 =	vand.u32 $0x7F, v22;
	v23 =	vor.u32 v4, v23;
	v29 =	vld.idx.msk [tilespmem:v31+s7+$0x0], $0xffff  }
0x13e: {  	v17 =	vadd.s32 s19, v8;
	v24 =	vand.u32 $0x7F, v24;
	v28 =	vor.u32 v7, v22  }
0x13f: {  	v20 =	vshll.u32 v20, $0x7;
	v17 =	vand.u32 $0x7F, v17;
	v31 =	vor.u32 v7, v24;
	[tilespmem:v16+s29+$0x0] =	vst.idx.msk $0xffff, v33  }
0x140: {  	v30 =	vadd.s32 s19, v14;
	v45 =	vor.u32 v9, v17;
	v16 =	vor.u32 v6, v20;
	[tilespmem:v18+s29+$0x0] =	vst.idx.msk $0xffff, v21  }
0x141: {  	v18 =	vadd.s32 s4, v8;
	v21 =	vshll.u32 v26, $0x7;
	v26 =	vor.u32 v9, v47;
	[tilespmem:v19+s29+$0x0] =	vst.idx.msk $0xffff, v25;
	v32 =	vld.idx.msk [tilespmem:v43+s7+$0x0], $0xffff  }
0x142: {  	v19 =	vshll.u32 v22, $0x7;
	[tilespmem:v23+s29+$0x0] =	vst.idx.msk $0xffff, v29;
	v23 =	vshll.u32 v24, $0x7;
	v21 =	vor.u32 v6, v21;
	v22 =	vld.idx.msk [tilespmem:v27+s7+$0x0], $0xffff  }
0x143: {  	v24 =	vadd.s32 s31, v8;
	v18 =	vand.u32 $0x7F, v18;
	v19 =	vor.u32 v6, v19;
	v25 =	vld.idx.msk [tilespmem:v28+s7+$0x0], $0xffff  }
0x144: {  	v23 =	vor.u32 v6, v23;
	v24 =	vand.u32 $0x7F, v24;
	v28 =	vld.idx.msk [tilespmem:v31+s7+$0x0], $0xffff;
	v27 =	vor.u32 v9, v18  }
0x145: {  	v17 =	vshll.u32 v17, $0x7;
	v57 =	vand.u32 $0x7F, v30;
	v31 =	vor.u32 v9, v24  }
0x146: {  	v17 =	vor.u32 v8, v17;
	v59 =	vor.u32 v15, v57;
	[tilespmem:v16+s29+$0x0] =	vst.idx.msk $0xffff, v32  }
0x147: {  	v20 =	vadd.s32 s19, v10;
	[tilespmem:v21+s29+$0x0] =	vst.idx.msk $0xffff, v22;
	v21 =	vadd.s32 s4, v10;
	v22 =	vshll.u32 v47, $0x7;
	v34 =	vld.idx.msk [tilespmem:v45+s7+$0x0], $0xffff  }
0x148: {  	v18 =	vshll.u32 v18, $0x7;
	[tilespmem:v19+s29+$0x0] =	vst.idx.msk $0xffff, v25;
	v19 =	vand.u32 $0x7F, v21;
	v21 =	vor.u32 v8, v22;
	v22 =	vld.idx.msk [tilespmem:v26+s7+$0x0], $0xffff  }
0x149: {  	v20 =	vand.u32 $0x7F, v20;
	v18 =	vor.u32 v8, v18;
	[tilespmem:v23+s29+$0x0] =	vst.idx.msk $0xffff, v28;
	v23 =	vshll.u32 v24, $0x7;
	v25 =	vld.idx.msk [tilespmem:v27+s7+$0x0], $0xffff  }
0x14a: {  	v48 =	vor.u32 v11, v20;
	v20 =	vshll.u32 v20, $0x7;
	v23 =	vor.u32 v8, v23;
	v27 =	vld.idx.msk [tilespmem:v31+s7+$0x0], $0xffff  }
0x14b: {  	s17 =	simm.s32 $0x4;
	v29 =	vadd.s32 s19, v12;
	v20 =	vor.u32 v10, v20;
	v24 =	vadd.s32 s31, v10  }
0x14c: {  	v16 =	vadd.s32 s17, v4;
	v24 =	vand.u32 $0x7F, v24;
	v26 =	vor.u32 v11, v19;
	[tilespmem:v17+s29+$0x0] =	vst.idx.msk $0xffff, v34  }
0x14d: {  	v28 =	vadd.s32 s17, v2;
	v31 =	vand.u32 $0x7F, v29;
	v29 =	vor.u32 v11, v24;
	[tilespmem:v21+s29+$0x0] =	vst.idx.msk $0xffff, v22  }
0x14e: {  	v52 =	vor.u32 v13, v31;
	v17 =	vadd.s32 s17, v0;
	v21 =	vadd.s32 s4, v12;
	[tilespmem:v18+s29+$0x0] =	vst.idx.msk $0xffff, v25  }
0x14f: {  	v22 =	vshll.u32 v50, $0x7;
	v18 =	vshll.u32 v19, $0x7;
	[tilespmem:v23+s29+$0x0] =	vst.idx.msk $0xffff, v27;
	v23 =	vshll.u32 v24, $0x7;
	v35 =	vld.idx.msk [tilespmem:v48+s7+$0x0], $0xffff  }
0x150: {  	v24 =	vadd.s32 s31, v12;
	v21 =	vand.u32 $0x7F, v21;
	v19 =	vor.u32 v10, v22;
	v22 =	vld.idx.msk [tilespmem:v51+s7+$0x0], $0xffff  }
0x151: {  	v18 =	vor.u32 v10, v18;
	v25 =	vld.idx.msk [tilespmem:v26+s7+$0x0], $0xffff;
	v23 =	vor.u32 v10, v23;
	v24 =	vand.u32 $0x7F, v24  }
0x152: {  	v56 =	vld.idx.msk [tilespmem:v29+s7+$0x0], $0xffff;
	v29 =	vand.u32 $0x7F, v28;
	v26 =	vshll.u32 v31, $0x7;
	v27 =	vor.u32 v13, v21  }
0x153: {  	v28 =	vadd.s32 s18, v14;
	v30 =	vand.u32 $0x7F, v17;
	v58 =	vor.u32 v13, v24  }
0x154: {  	v60 =	vor.u32 v12, v26;
	v61 =	vand.u32 $0x7F, v28;
	v31 =	vor.u32 v1, v30;
	[tilespmem:v20+s29+$0x0] =	vst.idx.msk $0xffff, v35  }
0x155: {  	v17 =	vadd.s32 s4, v14;
	[tilespmem:v19+s29+$0x0] =	vst.idx.msk $0xffff, v22;
	v20 =	vshll.u32 v54, $0x7;
	v19 =	vor.u32 v15, v61;
	v36 =	vld.idx.msk [tilespmem:v52+s7+$0x0], $0xffff  }
0x156: {  	v26 =	vand.u32 $0x7F, v17;
	[tilespmem:v18+s29+$0x0] =	vst.idx.msk $0xffff, v25;
	v18 =	vshll.u32 v21, $0x7;
	v62 =	vld.idx.msk [tilespmem:v55+s7+$0x0], $0xffff;
	v63 =	vor.u32 v12, v20  }
0x157: {  	v17 =	vshll.u32 v24, $0x7;
	[tilespmem:v23+s29+$0x0] =	vst.idx.msk $0xffff, v56;
	v20 =	vadd.s32 s31, v14;
	v28 =	vor.u32 v12, v18;
	v25 =	vld.idx.msk [tilespmem:v27+s7+$0x0], $0xffff  }
0x158: {  	s19 =	simm.s32 $0x7;
	v27 =	vor.u32 v12, v17;
	v24 =	vld.idx.msk [tilespmem:v58+s7+$0x0], $0xffff;
	v17 =	vand.u32 $0x7F, v20;
	v20 =	vor.u32 v15, v26  }
0x159: {  	s4 =	simm.s32 $0x6;
	v34 =	vshll.u32 v61, $0x7;
	v21 =	vadd.s32 s19, v0;
	v18 =	vor.u32 v15, v17  }
0x15a: {  	v22 =	vshll.u32 v57, $0x7;
	v23 =	vadd.s32 s4, v0;
	v32 =	vand.u32 $0x7F, v21;
	[tilespmem:v60+s29+$0x0] =	vst.idx.msk $0xffff, v36  }
0x15b: {  	s20 =	simm.s32 $0x8;
	s18 =	simm.s32 $0x5;
	v21 =	vor.u32 v14, v22;
	v33 =	vor.u32 v1, v32;
	[tilespmem:v63+s29+$0x0] =	vst.idx.msk $0xffff, v62;
	v22 =	vld.idx.msk [tilespmem:v59+s7+$0x0], $0xffff  }
.LBB2_5:
0x15c: {  	p1 =	slt.u32 s20, $0x7C;
	v35 =	vadd.s32 s18, v0;
	v23 =	vand.u32 $0x7F, v23;
	[tilespmem:v28+s29+$0x0] =	vst.idx.msk $0xffff, v25;
	v19 =	vld.idx.msk [tilespmem:v19+s7+$0x0], $0xffff;
	v25 =	vor.u32 v14, v34  }
0x15d: {  	v28 =	vand.u32 $0x7F, v35;
	v34 =	vor.u32 v1, v23;
	[tilespmem:v27+s29+$0x0] =	vst.idx.msk $0xffff, v24;
	v20 =	vld.idx.msk [tilespmem:v20+s7+$0x0], $0xffff;
	v24 =	vshll.u32 v26, $0x7  }
0x15e: {  	v17 =	vshll.u32 v17, $0x7;
	v26 =	vor.u32 v1, v28;
	v18 =	vld.idx.msk [tilespmem:v18+s7+$0x0], $0xffff;
	v24 =	vor.u32 v14, v24  }
0x15f: {  	v27 =	vshll.u32 v30, $0x7;
	v30 =	vadd.s32 s19, v2;
	v17 =	vor.u32 v14, v17  }
0x160: {  	v35 =	vor.u32 v3, v29;
	v27 =	vor.u32 v0, v27;
	v30 =	vand.u32 $0x7F, v30;
	v31 =	vld.idx.msk [tilespmem:v31+s7+$0x0], $0xffff  }
0x161: {  	v36 =	vadd.s32 s4, v2;
	v32 =	vshll.u32 v32, $0x7;
	v37 =	vor.u32 v3, v30;
	v33 =	vld.idx.msk [tilespmem:v33+s7+$0x0], $0xffff;
	[tilespmem:v21+s29+$0x0] =	vst.idx.msk $0xffff, v22  }
0x162: {  	v32 =	vor.u32 v0, v32;
	v22 =	vshll.u32 v23, $0x7;
	v23 =	vand.u32 $0x7F, v36;
	v21 =	vld.idx.msk [tilespmem:v34+s7+$0x0], $0xffff;
	[tilespmem:v25+s29+$0x0] =	vst.idx.msk $0xffff, v19  }
0x163: {  	v25 =	vshll.u32 v28, $0x7;
	v22 =	vor.u32 v0, v22;
	v19 =	vld.idx.msk [tilespmem:v26+s7+$0x0], $0xffff;
	v26 =	vadd.s32 s18, v2;
	[tilespmem:v24+s29+$0x0] =	vst.idx.msk $0xffff, v20  }
0x164: {  	v20 =	vor.u32 v0, v25;
	v25 =	vor.u32 v3, v23;
	v24 =	vand.u32 $0x7F, v26;
	[tilespmem:v17+s29+$0x0] =	vst.idx.msk $0xffff, v18  }
0x165: {  	v16 =	vand.u32 $0x7F, v16;
	v17 =	vor.u32 v3, v24  }
0x166: {  	v18 =	vshll.u32 v29, $0x7;
	v26 =	vor.u32 v5, v16;
	[tilespmem:v27+s29+$0x0] =	vst.idx.msk $0xffff, v31;
	v27 =	vadd.s32 s19, v4  }
0x167: {  	v29 =	vadd.s32 s17, v6;
	v18 =	vor.u32 v2, v18;
	v28 =	vld.idx.msk [tilespmem:v35+s7+$0x0], $0xffff;
	[tilespmem:v32+s29+$0x0] =	vst.idx.msk $0xffff, v33;
	v27 =	vand.u32 $0x7F, v27  }
0x168: {  	v30 =	vshll.u32 v30, $0x7;
	[tilespmem:v22+s29+$0x0] =	vst.idx.msk $0xffff, v21;
	v21 =	vadd.s32 s4, v4;
	v22 =	vld.idx.msk [tilespmem:v37+s7+$0x0], $0xffff;
	v31 =	vor.u32 v5, v27  }
0x169: {  	[tilespmem:v20+s29+$0x0] =	vst.idx.msk $0xffff, v19;
	v19 =	vld.idx.msk [tilespmem:v25+s7+$0x0], $0xffff;
	v20 =	vshll.u32 v23, $0x7;
	v21 =	vand.u32 $0x7F, v21;
	v23 =	vor.u32 v2, v30  }
0x16a: {  	v24 =	vshll.u32 v24, $0x7;
	v25 =	vadd.s32 s18, v4;
	v17 =	vld.idx.msk [tilespmem:v17+s7+$0x0], $0xffff;
	v20 =	vor.u32 v2, v20  }
0x16b: {  	v24 =	vor.u32 v2, v24;
	v25 =	vand.u32 $0x7F, v25;
	v30 =	vor.u32 v5, v21  }
0x16c: {  	v29 =	vand.u32 $0x7F, v29;
	v32 =	vor.u32 v5, v25  }
0x16d: {  	v16 =	vshll.u32 v16, $0x7;
	[tilespmem:v18+s29+$0x0] =	vst.idx.msk $0xffff, v28;
	v18 =	vor.u32 v7, v29;
	v28 =	vadd.s32 s19, v6  }
0x16e: {  	v16 =	vor.u32 v4, v16;
	v33 =	vadd.s32 s17, v8;
	v26 =	vld.idx.msk [tilespmem:v26+s7+$0x0], $0xffff;
	[tilespmem:v23+s29+$0x0] =	vst.idx.msk $0xffff, v22;
	v22 =	vand.u32 $0x7F, v28  }
0x16f: {  	v23 =	vshll.u32 v27, $0x7;
	[tilespmem:v20+s29+$0x0] =	vst.idx.msk $0xffff, v19;
	v19 =	vadd.s32 s4, v6;
	v20 =	vld.idx.msk [tilespmem:v31+s7+$0x0], $0xffff;
	v27 =	vor.u32 v7, v22  }
0x170: {  	v21 =	vshll.u32 v21, $0x7;
	v23 =	vor.u32 v4, v23;
	[tilespmem:v24+s29+$0x0] =	vst.idx.msk $0xffff, v17;
	v17 =	vld.idx.msk [tilespmem:v30+s7+$0x0], $0xffff;
	v19 =	vand.u32 $0x7F, v19  }
0x171: {  	v25 =	vshll.u32 v25, $0x7;
	v21 =	vor.u32 v4, v21;
	v28 =	vadd.s32 s18, v6;
	v24 =	vld.idx.msk [tilespmem:v32+s7+$0x0], $0xffff  }
0x172: {  	v25 =	vor.u32 v4, v25;
	v28 =	vand.u32 $0x7F, v28;
	v30 =	vor.u32 v7, v19  }
0x173: {  	v31 =	vand.u32 $0x7F, v33;
	v33 =	vor.u32 v7, v28;
	v32 =	vadd.s32 s17, v14  }
0x174: {  	[tilespmem:v16+s29+$0x0] =	vst.idx.msk $0xffff, v26;
	v16 =	vshll.u32 v29, $0x7;
	v26 =	vor.u32 v9, v31;
	v29 =	vadd.s32 s19, v8  }
0x175: {  	v34 =	vadd.s32 s17, v10;
	v18 =	vld.idx.msk [tilespmem:v18+s7+$0x0], $0xffff;
	v16 =	vor.u32 v6, v16;
	[tilespmem:v23+s29+$0x0] =	vst.idx.msk $0xffff, v20;
	v20 =	vand.u32 $0x7F, v29  }
0x176: {  	v22 =	vshll.u32 v22, $0x7;
	[tilespmem:v21+s29+$0x0] =	vst.idx.msk $0xffff, v17;
	v17 =	vadd.s32 s4, v8;
	v21 =	vld.idx.msk [tilespmem:v27+s7+$0x0], $0xffff;
	v23 =	vor.u32 v9, v20  }
0x177: {  	v22 =	vor.u32 v6, v22;
	v19 =	vshll.u32 v19, $0x7;
	[tilespmem:v25+s29+$0x0] =	vst.idx.msk $0xffff, v24;
	v24 =	vld.idx.msk [tilespmem:v30+s7+$0x0], $0xffff;
	v17 =	vand.u32 $0x7F, v17  }
0x178: {  	v19 =	vor.u32 v6, v19;
	v27 =	vshll.u32 v28, $0x7;
	v28 =	vadd.s32 s18, v8;
	v25 =	vld.idx.msk [tilespmem:v33+s7+$0x0], $0xffff  }
0x179: {  	v27 =	vor.u32 v6, v27;
	v28 =	vand.u32 $0x7F, v28;
	v29 =	vor.u32 v9, v17  }
0x17a: {  	v30 =	vand.u32 $0x7F, v34;
	v33 =	vadd.s32 s17, v12;
	v34 =	vor.u32 v9, v28;
	s17 =	smov.u32 s20  }
0x17b: {  	v35 =	vadd.s32 s19, v10;
	[tilespmem:v16+s29+$0x0] =	vst.idx.msk $0xffff, v18;
	v18 =	vshll.u32 v31, $0x7;
	v31 =	vor.u32 v11, v30  }
0x17c: {  	v16 =	vadd.s32 s20, v4;
	v26 =	vld.idx.msk [tilespmem:v26+s7+$0x0], $0xffff;
	v18 =	vor.u32 v8, v18;
	[tilespmem:v22+s29+$0x0] =	vst.idx.msk $0xffff, v21;
	v21 =	vand.u32 $0x7F, v35  }
0x17d: {  	v20 =	vshll.u32 v20, $0x7;
	[tilespmem:v19+s29+$0x0] =	vst.idx.msk $0xffff, v24;
	v19 =	vadd.s32 s4, v10;
	v22 =	vld.idx.msk [tilespmem:v23+s7+$0x0], $0xffff;
	v23 =	vor.u32 v11, v21  }
0x17e: {  	v20 =	vor.u32 v8, v20;
	v17 =	vshll.u32 v17, $0x7;
	[tilespmem:v27+s29+$0x0] =	vst.idx.msk $0xffff, v25;
	v24 =	vld.idx.msk [tilespmem:v29+s7+$0x0], $0xffff;
	v19 =	vand.u32 $0x7F, v19  }
0x17f: {  	v17 =	vor.u32 v8, v17;
	v27 =	vshll.u32 v28, $0x7;
	v28 =	vadd.s32 s18, v10;
	v25 =	vld.idx.msk [tilespmem:v34+s7+$0x0], $0xffff  }
0x180: {  	v27 =	vor.u32 v8, v27;
	v28 =	vand.u32 $0x7F, v28;
	v29 =	vor.u32 v11, v19  }
0x181: {  	v33 =	vand.u32 $0x7F, v33;
	v34 =	vadd.s32 s20, v2;
	v35 =	vor.u32 v11, v28  }
0x182: {  	[tilespmem:v18+s29+$0x0] =	vst.idx.msk $0xffff, v26;
	v18 =	vshll.u32 v30, $0x7;
	v26 =	vor.u32 v13, v33;
	v30 =	vadd.s32 s19, v12  }
0x183: {  	v36 =	vadd.s32 s20, v0;
	v31 =	vld.idx.msk [tilespmem:v31+s7+$0x0], $0xffff;
	v18 =	vor.u32 v10, v18;
	[tilespmem:v20+s29+$0x0] =	vst.idx.msk $0xffff, v22;
	v20 =	vand.u32 $0x7F, v30  }
0x184: {  	v21 =	vshll.u32 v21, $0x7;
	[tilespmem:v17+s29+$0x0] =	vst.idx.msk $0xffff, v24;
	v17 =	vadd.s32 s4, v12;
	v22 =	vld.idx.msk [tilespmem:v23+s7+$0x0], $0xffff;
	v23 =	vor.u32 v13, v20  }
0x185: {  	v21 =	vor.u32 v10, v21;
	v19 =	vshll.u32 v19, $0x7;
	[tilespmem:v27+s29+$0x0] =	vst.idx.msk $0xffff, v25;
	v24 =	vld.idx.msk [tilespmem:v29+s7+$0x0], $0xffff;
	v17 =	vand.u32 $0x7F, v17  }
0x186: {  	v19 =	vor.u32 v10, v19;
	v27 =	vshll.u32 v28, $0x7;
	v28 =	vadd.s32 s18, v12;
	v25 =	vld.idx.msk [tilespmem:v35+s7+$0x0], $0xffff  }
0x187: {  	v27 =	vor.u32 v10, v27;
	v28 =	vand.u32 $0x7F, v28;
	v35 =	vor.u32 v13, v17  }
0x188: {  	v32 =	vand.u32 $0x7F, v32;
	v29 =	vand.u32 $0x7F, v34;
	v34 =	vor.u32 v13, v28  }
0x189: {  	v37 =	vor.u32 v15, v32;
	[tilespmem:v18+s29+$0x0] =	vst.idx.msk $0xffff, v31;
	v18 =	vshll.u32 v33, $0x7;
	v31 =	vadd.s32 s19, v14  }
0x18a: {  	v30 =	vand.u32 $0x7F, v36;
	v33 =	vld.idx.msk [tilespmem:v26+s7+$0x0], $0xffff;
	v36 =	vor.u32 v12, v18;
	[tilespmem:v21+s29+$0x0] =	vst.idx.msk $0xffff, v22;
	v38 =	vand.u32 $0x7F, v31  }
0x18b: {  	v20 =	vshll.u32 v20, $0x7;
	v18 =	vadd.s32 s4, v14;
	[tilespmem:v19+s29+$0x0] =	vst.idx.msk $0xffff, v24;
	v39 =	vld.idx.msk [tilespmem:v23+s7+$0x0], $0xffff;
	v19 =	vor.u32 v15, v38  }
0x18c: {  	v17 =	vshll.u32 v17, $0x7;
	v26 =	vand.u32 $0x7F, v18;
	[tilespmem:v27+s29+$0x0] =	vst.idx.msk $0xffff, v25;
	v25 =	vld.idx.msk [tilespmem:v35+s7+$0x0], $0xffff;
	v35 =	vor.u32 v12, v20  }
.Ltmp1:
0x18d: {  	v18 =	vshll.u32 v28, $0x7;
	v28 =	vor.u32 v12, v17;
	v20 =	vadd.s32 s18, v14;
	v24 =	vld.idx.msk [tilespmem:v34+s7+$0x0], $0xffff;
	(pc) =	sbr.rel @p1 .LBB2_5-.Ltmp1, $4  }
0x18e: {  	s19 =	sadd.s32 $0x3, s20;
	v27 =	vor.u32 v12, v18;
	v17 =	vand.u32 $0x7F, v20;
	v20 =	vor.u32 v15, v26  }
0x18f: {  	v21 =	vadd.s32 s19, v0;
	v22 =	vshll.u32 v32, $0x7;
	v18 =	vor.u32 v15, v17  }
0x190: {  	v31 =	vor.u32 v1, v30;
	s4 =	sadd.s32 $0x2, s20;
	v32 =	vand.u32 $0x7F, v21;
	v21 =	vor.u32 v14, v22;
	[tilespmem:v36+s29+$0x0] =	vst.idx.msk $0xffff, v33  }
0x191: {  	s20 =	sadd.s32 $0x4, s20;
	v23 =	vadd.s32 s4, v0;
	s18 =	sadd.s32 $0x1, s17;
	v34 =	vshll.u32 v38, $0x7;
	v33 =	vor.u32 v1, v32;
	v22 =	vld.idx.msk [tilespmem:v37+s7+$0x0], $0xffff;
	[tilespmem:v35+s29+$0x0] =	vst.idx.msk $0xffff, v39  }
0x192: {  	v35 =	vadd.s32 s18, v0;
	v36 =	vand.u32 $0x7F, v23;
	v23 =	vor.u32 v14, v34  }
0x193: {  	v26 =	vshll.u32 v26, $0x7;
	v30 =	vshll.u32 v30, $0x7;
	v38 =	vadd.s32 s19, v2  }
0x194: {  	v39 =	vor.u32 v3, v29;
	v40 =	vadd.s32 s4, v2;
	v32 =	vshll.u32 v32, $0x7  }
0x195: {  	v42 =	vadd.s32 s18, v2;
	v16 =	vand.u32 $0x7F, v16;
	v29 =	vshll.u32 v29, $0x7  }
0x196: {  	v52 =	vadd.s32 s18, v4;
	v59 =	vadd.s32 s19, v6;
	v61 =	vadd.s32 s4, v6  }
0x197: {  	v17 =	vshll.u32 v17, $0x7;
	v46 =	vand.u32 $0x7F, v35;
	v47 =	vor.u32 v1, v36  }
0x198: {  	v30 =	vor.u32 v0, v30;
	v38 =	vand.u32 $0x7F, v38;
	v37 =	vor.u32 v1, v46  }
0x199: {  	v36 =	vshll.u32 v36, $0x7;
	v40 =	vand.u32 $0x7F, v40;
	v32 =	vor.u32 v0, v32  }
0x19a: {  	v31 =	vld.idx.msk [tilespmem:v31+s7+$0x0], $0xffff;
	v42 =	vand.u32 $0x7F, v42;
	v45 =	vor.u32 v5, v16;
	v29 =	vor.u32 v2, v29  }
0x19b: {  	v33 =	vld.idx.msk [tilespmem:v33+s7+$0x0], $0xffff;
	v16 =	vshll.u32 v16, $0x7;
	v60 =	vand.u32 $0x7F, v59;
	v41 =	vor.u32 v3, v38  }
0x19c: {  	v34 =	vshll.u32 v46, $0x7;
	v36 =	vor.u32 v0, v36;
	v43 =	vor.u32 v3, v40;
	v35 =	vld.idx.msk [tilespmem:v47+s7+$0x0], $0xffff  }
0x19d: {  	v44 =	vor.u32 v3, v42;
	v46 =	vadd.s32 s19, v4;
	v34 =	vor.u32 v0, v34;
	v37 =	vld.idx.msk [tilespmem:v37+s7+$0x0], $0xffff  }
0x19e: {  	v49 =	vshll.u32 v40, $0x7;
	v51 =	vshll.u32 v42, $0x7;
	v16 =	vor.u32 v4, v16  }
0x19f: {  	v63 =	vor.u32 v7, v60;
	v42 =	vadd.s32 s17, v14;
	v46 =	vand.u32 $0x7F, v46;
	[tilespmem:v30+s29+$0x0] =	vst.idx.msk $0xffff, v31  }
0x1a0: {  	v62 =	vshll.u32 v46, $0x7;
	v30 =	vadd.s32 s4, v4;
	v31 =	vshll.u32 v38, $0x7;
	[tilespmem:v32+s29+$0x0] =	vst.idx.msk $0xffff, v33;
	v48 =	vld.idx.msk [tilespmem:v39+s7+$0x0], $0xffff  }
0x1a1: {  	v38 =	vor.u32 v5, v46;
	v31 =	vor.u32 v2, v31;
	v50 =	vld.idx.msk [tilespmem:v41+s7+$0x0], $0xffff;
	[tilespmem:v36+s29+$0x0] =	vst.idx.msk $0xffff, v35  }
0x1a2: {  	v47 =	vadd.s32 s17, v6;
	v33 =	vor.u32 v2, v49;
	v30 =	vand.u32 $0x7F, v30;
	v53 =	vld.idx.msk [tilespmem:v43+s7+$0x0], $0xffff;
	[tilespmem:v34+s29+$0x0] =	vst.idx.msk $0xffff, v37  }
0x1a3: {  	v39 =	vand.u32 $0x7F, v52;
	v54 =	vor.u32 v5, v30;
	v36 =	vor.u32 v2, v51;
	v57 =	vld.idx.msk [tilespmem:v44+s7+$0x0], $0xffff  }
0x1a4: {  	v49 =	vand.u32 $0x7F, v61;
	v32 =	vshll.u32 v60, $0x7;
	v56 =	vor.u32 v5, v39  }
0x1a5: {  	v55 =	vand.u32 $0x7F, v47;
	v52 =	vor.u32 v7, v49;
	v32 =	vor.u32 v6, v32;
	[tilespmem:v29+s29+$0x0] =	vst.idx.msk $0xffff, v48  }
0x1a6: {  	v58 =	vor.u32 v7, v55;
	v30 =	vshll.u32 v30, $0x7;
	v39 =	vshll.u32 v39, $0x7;
	[tilespmem:v31+s29+$0x0] =	vst.idx.msk $0xffff, v50;
	v31 =	vld.idx.msk [tilespmem:v45+s7+$0x0], $0xffff  }
0x1a7: {  	v30 =	vor.u32 v4, v30;
	v35 =	vor.u32 v4, v62;
	v48 =	vld.idx.msk [tilespmem:v38+s7+$0x0], $0xffff;
	[tilespmem:v33+s29+$0x0] =	vst.idx.msk $0xffff, v53  }
0x1a8: {  	v60 =	vadd.s32 s17, v12;
	v39 =	vor.u32 v4, v39;
	v50 =	vadd.s32 s18, v6;
	v40 =	vld.idx.msk [tilespmem:v54+s7+$0x0], $0xffff;
	[tilespmem:v36+s29+$0x0] =	vst.idx.msk $0xffff, v57  }
0x1a9: {  	v29 =	vadd.s32 s17, v8;
	v34 =	vshll.u32 v55, $0x7;
	v51 =	vand.u32 $0x7F, v50;
	v37 =	vld.idx.msk [tilespmem:v56+s7+$0x0], $0xffff  }
0x1aa: {  	[tilespmem:v28+s29+$0x0] =	vst.idx.msk $0xffff, v25;
	v55 =	vadd.s32 s17, v10;
	v38 =	vshll.u32 v49, $0x7;
	v53 =	vor.u32 v7, v51  }
0x1ab: {  	v29 =	vand.u32 $0x7F, v29;
	v34 =	vor.u32 v6, v34;
	v38 =	vor.u32 v6, v38;
	[tilespmem:v16+s29+$0x0] =	vst.idx.msk $0xffff, v31  }
0x1ac: {  	v45 =	vadd.s32 s4, v10;
	v16 =	vor.u32 v9, v29;
	v31 =	vadd.s32 s19, v8;
	[tilespmem:v35+s29+$0x0] =	vst.idx.msk $0xffff, v48;
	v54 =	vld.idx.msk [tilespmem:v58+s7+$0x0], $0xffff  }
0x1ad: {  	v36 =	vshll.u32 v51, $0x7;
	v31 =	vand.u32 $0x7F, v31;
	v56 =	vld.idx.msk [tilespmem:v63+s7+$0x0], $0xffff;
	[tilespmem:v30+s29+$0x0] =	vst.idx.msk $0xffff, v40;
	v30 =	vadd.s32 s4, v8  }
0x1ae: {  	v58 =	vadd.s32 s18, v8;
	v57 =	vor.u32 v9, v31;
	v41 =	vld.idx.msk [tilespmem:v52+s7+$0x0], $0xffff;
	[tilespmem:v39+s29+$0x0] =	vst.idx.msk $0xffff, v37;
	v30 =	vand.u32 $0x7F, v30  }
0x1af: {  	v36 =	vor.u32 v6, v36;
	v37 =	vand.u32 $0x7F, v58;
	v39 =	vld.idx.msk [tilespmem:v53+s7+$0x0], $0xffff;
	v59 =	vor.u32 v9, v30  }
0x1b0: {  	[tilespmem:v27+s29+$0x0] =	vst.idx.msk $0xffff, v24;
	v25 =	vand.u32 $0x7F, v45;
	v35 =	vand.u32 $0x7F, v55;
	v61 =	vor.u32 v9, v37  }
0x1b1: {  	v24 =	vor.u32 v11, v25;
	v29 =	vshll.u32 v29, $0x7;
	v62 =	vor.u32 v11, v35;
	[tilespmem:v34+s29+$0x0] =	vst.idx.msk $0xffff, v54  }
0x1b2: {  	v49 =	vadd.s32 s18, v10;
	v29 =	vor.u32 v8, v29;
	v31 =	vshll.u32 v31, $0x7;
	[tilespmem:v32+s29+$0x0] =	vst.idx.msk $0xffff, v56;
	v16 =	vld.idx.msk [tilespmem:v16+s7+$0x0], $0xffff  }
0x1b3: {  	v63 =	vadd.s32 s19, v10;
	v31 =	vor.u32 v8, v31;
	v46 =	vld.idx.msk [tilespmem:v57+s7+$0x0], $0xffff;
	v30 =	vshll.u32 v30, $0x7;
	[tilespmem:v38+s29+$0x0] =	vst.idx.msk $0xffff, v41  }
0x1b4: {  	v40 =	vand.u32 $0x7F, v63;
	v37 =	vshll.u32 v37, $0x7;
	v30 =	vor.u32 v8, v30;
	[tilespmem:v36+s29+$0x0] =	vst.idx.msk $0xffff, v39;
	v48 =	vld.idx.msk [tilespmem:v59+s7+$0x0], $0xffff  }
0x1b5: {  	v25 =	vshll.u32 v25, $0x7;
	v47 =	vor.u32 v11, v40;
	v50 =	vor.u32 v8, v37;
	v28 =	vld.idx.msk [tilespmem:v61+s7+$0x0], $0xffff  }
0x1b6: {  	v27 =	vand.u32 $0x7F, v60;
	v25 =	vor.u32 v10, v25;
	v51 =	vand.u32 $0x7F, v49  }
0x1b7: {  	v55 =	vadd.s32 s4, v12;
	v52 =	vor.u32 v11, v51;
	[tilespmem:v29+s29+$0x0] =	vst.idx.msk $0xffff, v16;
	v16 =	vshll.u32 v35, $0x7  }
0x1b8: {  	v58 =	vshll.u32 v51, $0x7;
	v53 =	vadd.s32 s19, v12;
	[tilespmem:v31+s29+$0x0] =	vst.idx.msk $0xffff, v46;
	v31 =	vld.idx.msk [tilespmem:v62+s7+$0x0], $0xffff;
	v16 =	vor.u32 v10, v16  }
0x1b9: {  	v57 =	vand.u32 $0x7F, v55;
	v54 =	vand.u32 $0x7F, v53;
	[tilespmem:v30+s29+$0x0] =	vst.idx.msk $0xffff, v48;
	v30 =	vshll.u32 v40, $0x7  }
0x1ba: {  	v29 =	vor.u32 v13, v27;
	[tilespmem:v50+s29+$0x0] =	vst.idx.msk $0xffff, v28;
	v28 =	vld.idx.msk [tilespmem:v47+s7+$0x0], $0xffff;
	v30 =	vor.u32 v10, v30  }
0x1bb: {  	v60 =	vor.u32 v13, v57;
	v56 =	vor.u32 v13, v54;
	v59 =	vadd.s32 s18, v12;
	v24 =	vld.idx.msk [tilespmem:v24+s7+$0x0], $0xffff  }
0x1bc: {  	[tilespmem:v21+s29+$0x0] =	vst.idx.msk $0xffff, v22;
	v35 =	vor.u32 v10, v58;
	v22 =	vand.u32 $0x7F, v59;
	v61 =	vand.u32 $0x7F, v42;
	v21 =	vld.idx.msk [tilespmem:v52+s7+$0x0], $0xffff  }
0x1bd: {  	v62 =	vor.u32 v13, v22;
	[tilespmem:v16+s29+$0x0] =	vst.idx.msk $0xffff, v31;
	v16 =	vshll.u32 v27, $0x7;
	v27 =	vadd.s32 s19, v14  }
0x1be: {  	v19 =	vld.idx.msk [tilespmem:v19+s7+$0x0], $0xffff;
	v31 =	vor.u32 v15, v61;
	v16 =	vor.u32 v12, v16;
	v27 =	vand.u32 $0x7F, v27  }
0x1bf: {  	v36 =	vadd.s32 s18, v14;
	v29 =	vld.idx.msk [tilespmem:v29+s7+$0x0], $0xffff;
	v63 =	vor.u32 v15, v27;
	[tilespmem:v30+s29+$0x0] =	vst.idx.msk $0xffff, v28;
	v30 =	vshll.u32 v54, $0x7  }
0x1c0: {  	v28 =	vadd.s32 s4, v14;
	[tilespmem:v25+s29+$0x0] =	vst.idx.msk $0xffff, v24;
	v25 =	vshll.u32 v57, $0x7;
	v24 =	vld.idx.msk [tilespmem:v56+s7+$0x0], $0xffff;
	v30 =	vor.u32 v12, v30  }
0x1c1: {  	v22 =	vshll.u32 v22, $0x7;
	v28 =	vand.u32 $0x7F, v28;
	[tilespmem:v35+s29+$0x0] =	vst.idx.msk $0xffff, v21;
	v21 =	vld.idx.msk [tilespmem:v60+s7+$0x0], $0xffff;
	v25 =	vor.u32 v12, v25  }
0x1c2: {  	v33 =	vand.u32 $0x7F, v36;
	v22 =	vor.u32 v12, v22;
	v39 =	vld.idx.msk [tilespmem:v62+s7+$0x0], $0xffff;
	v40 =	vor.u32 v15, v28  }
0x1c3: {  	v20 =	vld.idx.msk [tilespmem:v20+s7+$0x0], $0xffff;
	v26 =	vor.u32 v14, v26;
	[tilespmem:v23+s29+$0x0] =	vst.idx.msk $0xffff, v19;
	v19 =	vor.u32 v15, v33  }
0x1c4: {  	v18 =	vld.idx.msk [tilespmem:v18+s7+$0x0], $0xffff;
	v17 =	vor.u32 v14, v17;
	v23 =	vshll.u32 v61, $0x7;
	[tilespmem:v16+s29+$0x0] =	vst.idx.msk $0xffff, v29  }
0x1c5: {  	v16 =	vor.u32 v14, v23;
	v23 =	vld.idx.msk [tilespmem:v31+s7+$0x0], $0xffff;
	[tilespmem:v30+s29+$0x0] =	vst.idx.msk $0xffff, v24;
	v24 =	vshll.u32 v27, $0x7  }
0x1c6: {  	[tilespmem:v25+s29+$0x0] =	vst.idx.msk $0xffff, v21;
	v25 =	vshll.u32 v28, $0x7;
	v21 =	vld.idx.msk [tilespmem:v63+s7+$0x0], $0xffff;
	v24 =	vor.u32 v14, v24  }
0x1c7: {  	v27 =	vshll.u32 v33, $0x7;
	[tilespmem:v22+s29+$0x0] =	vst.idx.msk $0xffff, v39;
	v22 =	vld.idx.msk [tilespmem:v40+s7+$0x0], $0xffff;
	v25 =	vor.u32 v14, v25  }
0x1c8: {  	[tilespmem:v26+s29+$0x0] =	vst.idx.msk $0xffff, v20;
	v20 =	vor.u32 v14, v27;
	v19 =	vld.idx.msk [tilespmem:v19+s7+$0x0], $0xffff  }
0x1c9: {  	[tilespmem:v17+s29+$0x0] =	vst.idx.msk $0xffff, v18  }
0x1ca: {  	[tilespmem:v16+s29+$0x0] =	vst.idx.msk $0xffff, v23  }
0x1cb: {  	[tilespmem:v24+s29+$0x0] =	vst.idx.msk $0xffff, v21  }
0x1cc: {  	[tilespmem:v25+s29+$0x0] =	vst.idx.msk $0xffff, v22  }
0x1cd: {  	s31 =	sadd.s32 $0x4000, s15;
	s18 =	simm.s32 $0x3;
	[tilespmem:v20+s29+$0x0] =	vst.idx.msk $0xffff, v19  }
0x1ce: {  	[hbm4b:s31+s1] =	stream.strided.scatter [tilespmem:s29], [sflag:$0x4], $0x4000, s26, s1, $0x38;
	[tilespmem:$0x1FC00] =	vst v63  }
0x1cf: {  	v26 =	vadd.s32 s18, v2;
	v49 =	vadd.s32 s18, v10;
	s4 =	simm.s32 $0x0  }
0x1d0: {  	v53 =	vadd.s32 s18, v12;
	v26 =	vand.u32 $0x7F, v26;
	v18 =	vadd.s32 s4, v0;
	[tilespmem:s7], [sflag:$0x2] =	stream.indirect.gather [spmem:s9], $0x80, s16, s25, $0xb8;
	[tilespmem:$0x1FC00] =	vst v63  }
0x1d1: {  	s20 =	simm.s32 $0x2;
	v50 =	vand.u32 $0x7F, v49;
	v18 =	vand.u32 $0x7F, v18;
	v19 =	vadd.s32 s18, v0;
	_ =	swait.ge [sflag:s21], $0x4000  }
0x1d2: {  	v21 =	vadd.s32 s20, v0;
	v20 =	vor.u32 v1, v18;
	v19 =	vand.u32 $0x7F, v19;
	s31 =	simm.s32 $0x1;
	[sflag:s21] =	ssyncset.done $0x0  }
0x1d3: {  	v21 =	vand.u32 $0x7F, v21;
	v22 =	vor.u32 v1, v19;
	v23 =	vadd.s32 s31, v0;
	[sflag:s21] =	ssyncadd.s32 $0xFFFFC000  }
0x1d4: {  	v51 =	vor.u32 v11, v50;
	v24 =	vor.u32 v1, v21;
	v23 =	vand.u32 $0x7F, v23;
	_ =	swait.ge [sflag:s30], $0x4000  }
0x1d5: {  	v54 =	vand.u32 $0x7F, v53;
	v17 =	vadd.s32 s4, v2;
	v25 =	vor.u32 v1, v23;
	[sflag:s30] =	ssyncset.done $0x0  }
0x1d6: {  	v29 =	vor.u32 v3, v26;
	v55 =	vor.u32 v13, v54;
	v18 =	vshll.u32 v18, $0x7;
	[sflag:s30] =	ssyncadd.s32 $0xFFFFC000  }
0x1d7: {  	v17 =	vand.u32 $0x7F, v17;
	v18 =	vor.u32 v0, v18;
	v19 =	vshll.u32 v19, $0x7;
	v20 =	vld.idx.msk [tilespmem:v20+s0+$0x0], $0xffff  }
0x1d8: {  	v28 =	vadd.s32 s20, v2;
	v21 =	vshll.u32 v21, $0x7;
	v19 =	vor.u32 v0, v19;
	v22 =	vld.idx.msk [tilespmem:v22+s0+$0x0], $0xffff  }
0x1d9: {  	v16 =	vadd.s32 s4, v4;
	v21 =	vor.u32 v0, v21;
	v23 =	vshll.u32 v23, $0x7;
	v24 =	vld.idx.msk [tilespmem:v24+s0+$0x0], $0xffff  }
0x1da: {  	v27 =	vor.u32 v3, v17;
	v28 =	vand.u32 $0x7F, v28;
	v23 =	vor.u32 v0, v23;
	v25 =	vld.idx.msk [tilespmem:v25+s0+$0x0], $0xffff  }
0x1db: {  	v17 =	vshll.u32 v17, $0x7;
	v31 =	vor.u32 v3, v28;
	v30 =	vadd.s32 s31, v2  }
0x1dc: {  	v16 =	vand.u32 $0x7F, v16;
	v17 =	vor.u32 v2, v17;
	v30 =	vand.u32 $0x7F, v30;
	[tilespmem:v18+s24+$0x0] =	vst.idx.msk $0xffff, v20  }
0x1dd: {  	v44 =	vadd.s32 s18, v6;
	v42 =	vor.u32 v5, v16;
	v41 =	vor.u32 v3, v30;
	[tilespmem:v19+s24+$0x0] =	vst.idx.msk $0xffff, v22  }
0x1de: {  	v18 =	vadd.s32 s18, v4;
	v20 =	vadd.s32 s4, v6;
	v19 =	vadd.s32 s20, v4;
	[tilespmem:v21+s24+$0x0] =	vst.idx.msk $0xffff, v24  }
0x1df: {  	v22 =	vshll.u32 v26, $0x7;
	v24 =	vshll.u32 v28, $0x7;
	[tilespmem:v23+s24+$0x0] =	vst.idx.msk $0xffff, v25;
	v23 =	vshll.u32 v30, $0x7;
	v26 =	vld.idx.msk [tilespmem:v27+s0+$0x0], $0xffff  }
0x1e0: {  	v25 =	vadd.s32 s31, v4;
	v18 =	vand.u32 $0x7F, v18;
	v27 =	vld.idx.msk [tilespmem:v29+s0+$0x0], $0xffff;
	v22 =	vor.u32 v2, v22  }
0x1e1: {  	v19 =	vand.u32 $0x7F, v19;
	v28 =	vld.idx.msk [tilespmem:v31+s0+$0x0], $0xffff;
	v24 =	vor.u32 v2, v24;
	v21 =	vor.u32 v5, v18  }
0x1e2: {  	v23 =	vor.u32 v2, v23;
	v25 =	vand.u32 $0x7F, v25;
	v29 =	vld.idx.msk [tilespmem:v41+s0+$0x0], $0xffff;
	v30 =	vor.u32 v5, v19  }
0x1e3: {  	v16 =	vshll.u32 v16, $0x7;
	v20 =	vand.u32 $0x7F, v20;
	v31 =	vor.u32 v5, v25  }
0x1e4: {  	v16 =	vor.u32 v4, v16;
	v43 =	vor.u32 v7, v20;
	v18 =	vshll.u32 v18, $0x7;
	[tilespmem:v17+s24+$0x0] =	vst.idx.msk $0xffff, v26  }
0x1e5: {  	v46 =	vadd.s32 s18, v8;
	v19 =	vshll.u32 v19, $0x7;
	v18 =	vor.u32 v4, v18;
	[tilespmem:v22+s24+$0x0] =	vst.idx.msk $0xffff, v27;
	v33 =	vld.idx.msk [tilespmem:v42+s0+$0x0], $0xffff  }
0x1e6: {  	v47 =	vand.u32 $0x7F, v46;
	v19 =	vor.u32 v4, v19;
	v26 =	vand.u32 $0x7F, v44;
	[tilespmem:v24+s24+$0x0] =	vst.idx.msk $0xffff, v28;
	v21 =	vld.idx.msk [tilespmem:v21+s0+$0x0], $0xffff  }
0x1e7: {  	v22 =	vadd.s32 s20, v6;
	[tilespmem:v23+s24+$0x0] =	vst.idx.msk $0xffff, v29;
	v23 =	vshll.u32 v25, $0x7;
	v24 =	vadd.s32 s31, v6;
	v25 =	vld.idx.msk [tilespmem:v30+s0+$0x0], $0xffff  }
0x1e8: {  	v27 =	vor.u32 v7, v26;
	v22 =	vand.u32 $0x7F, v22;
	v23 =	vor.u32 v4, v23;
	v29 =	vld.idx.msk [tilespmem:v31+s0+$0x0], $0xffff  }
0x1e9: {  	v17 =	vadd.s32 s4, v8;
	v24 =	vand.u32 $0x7F, v24;
	v28 =	vor.u32 v7, v22  }
0x1ea: {  	v20 =	vshll.u32 v20, $0x7;
	v17 =	vand.u32 $0x7F, v17;
	v31 =	vor.u32 v7, v24;
	[tilespmem:v16+s24+$0x0] =	vst.idx.msk $0xffff, v33  }
0x1eb: {  	v30 =	vadd.s32 s4, v14;
	v45 =	vor.u32 v9, v17;
	v16 =	vor.u32 v6, v20;
	[tilespmem:v18+s24+$0x0] =	vst.idx.msk $0xffff, v21  }
0x1ec: {  	v18 =	vadd.s32 s20, v8;
	v21 =	vshll.u32 v26, $0x7;
	v26 =	vor.u32 v9, v47;
	[tilespmem:v19+s24+$0x0] =	vst.idx.msk $0xffff, v25;
	v32 =	vld.idx.msk [tilespmem:v43+s0+$0x0], $0xffff  }
0x1ed: {  	v19 =	vshll.u32 v22, $0x7;
	[tilespmem:v23+s24+$0x0] =	vst.idx.msk $0xffff, v29;
	v23 =	vshll.u32 v24, $0x7;
	v21 =	vor.u32 v6, v21;
	v22 =	vld.idx.msk [tilespmem:v27+s0+$0x0], $0xffff  }
0x1ee: {  	v24 =	vadd.s32 s31, v8;
	v18 =	vand.u32 $0x7F, v18;
	v19 =	vor.u32 v6, v19;
	v25 =	vld.idx.msk [tilespmem:v28+s0+$0x0], $0xffff  }
0x1ef: {  	v23 =	vor.u32 v6, v23;
	v24 =	vand.u32 $0x7F, v24;
	v28 =	vld.idx.msk [tilespmem:v31+s0+$0x0], $0xffff;
	v27 =	vor.u32 v9, v18  }
0x1f0: {  	v17 =	vshll.u32 v17, $0x7;
	v57 =	vand.u32 $0x7F, v30;
	v31 =	vor.u32 v9, v24  }
0x1f1: {  	v17 =	vor.u32 v8, v17;
	v59 =	vor.u32 v15, v57;
	[tilespmem:v16+s24+$0x0] =	vst.idx.msk $0xffff, v32  }
0x1f2: {  	v20 =	vadd.s32 s4, v10;
	[tilespmem:v21+s24+$0x0] =	vst.idx.msk $0xffff, v22;
	v21 =	vadd.s32 s20, v10;
	v22 =	vshll.u32 v47, $0x7;
	v34 =	vld.idx.msk [tilespmem:v45+s0+$0x0], $0xffff  }
0x1f3: {  	v18 =	vshll.u32 v18, $0x7;
	[tilespmem:v19+s24+$0x0] =	vst.idx.msk $0xffff, v25;
	v19 =	vand.u32 $0x7F, v21;
	v21 =	vor.u32 v8, v22;
	v22 =	vld.idx.msk [tilespmem:v26+s0+$0x0], $0xffff  }
0x1f4: {  	v20 =	vand.u32 $0x7F, v20;
	v18 =	vor.u32 v8, v18;
	[tilespmem:v23+s24+$0x0] =	vst.idx.msk $0xffff, v28;
	v23 =	vshll.u32 v24, $0x7;
	v25 =	vld.idx.msk [tilespmem:v27+s0+$0x0], $0xffff  }
0x1f5: {  	v48 =	vor.u32 v11, v20;
	v20 =	vshll.u32 v20, $0x7;
	v23 =	vor.u32 v8, v23;
	v27 =	vld.idx.msk [tilespmem:v31+s0+$0x0], $0xffff  }
0x1f6: {  	s17 =	simm.s32 $0x4;
	v29 =	vadd.s32 s4, v12;
	v20 =	vor.u32 v10, v20;
	v24 =	vadd.s32 s31, v10  }
0x1f7: {  	v16 =	vadd.s32 s17, v4;
	v24 =	vand.u32 $0x7F, v24;
	v26 =	vor.u32 v11, v19;
	[tilespmem:v17+s24+$0x0] =	vst.idx.msk $0xffff, v34  }
0x1f8: {  	v28 =	vadd.s32 s17, v2;
	v31 =	vand.u32 $0x7F, v29;
	v29 =	vor.u32 v11, v24;
	[tilespmem:v21+s24+$0x0] =	vst.idx.msk $0xffff, v22  }
0x1f9: {  	v52 =	vor.u32 v13, v31;
	v17 =	vadd.s32 s17, v0;
	v21 =	vadd.s32 s20, v12;
	[tilespmem:v18+s24+$0x0] =	vst.idx.msk $0xffff, v25  }
0x1fa: {  	v22 =	vshll.u32 v50, $0x7;
	v18 =	vshll.u32 v19, $0x7;
	[tilespmem:v23+s24+$0x0] =	vst.idx.msk $0xffff, v27;
	v23 =	vshll.u32 v24, $0x7;
	v35 =	vld.idx.msk [tilespmem:v48+s0+$0x0], $0xffff  }
0x1fb: {  	v24 =	vadd.s32 s31, v12;
	v21 =	vand.u32 $0x7F, v21;
	v19 =	vor.u32 v10, v22;
	v22 =	vld.idx.msk [tilespmem:v51+s0+$0x0], $0xffff  }
0x1fc: {  	v18 =	vor.u32 v10, v18;
	v25 =	vld.idx.msk [tilespmem:v26+s0+$0x0], $0xffff;
	v23 =	vor.u32 v10, v23;
	v24 =	vand.u32 $0x7F, v24  }
0x1fd: {  	v56 =	vld.idx.msk [tilespmem:v29+s0+$0x0], $0xffff;
	v29 =	vand.u32 $0x7F, v28;
	v26 =	vshll.u32 v31, $0x7;
	v27 =	vor.u32 v13, v21  }
0x1fe: {  	v28 =	vadd.s32 s18, v14;
	v30 =	vand.u32 $0x7F, v17;
	v58 =	vor.u32 v13, v24  }
0x1ff: {  	v60 =	vor.u32 v12, v26;
	v61 =	vand.u32 $0x7F, v28;
	v31 =	vor.u32 v1, v30;
	[tilespmem:v20+s24+$0x0] =	vst.idx.msk $0xffff, v35  }
0x200: {  	v17 =	vadd.s32 s20, v14;
	[tilespmem:v19+s24+$0x0] =	vst.idx.msk $0xffff, v22;
	v20 =	vshll.u32 v54, $0x7;
	v19 =	vor.u32 v15, v61;
	v36 =	vld.idx.msk [tilespmem:v52+s0+$0x0], $0xffff  }
0x201: {  	v26 =	vand.u32 $0x7F, v17;
	[tilespmem:v18+s24+$0x0] =	vst.idx.msk $0xffff, v25;
	v18 =	vshll.u32 v21, $0x7;
	v62 =	vld.idx.msk [tilespmem:v55+s0+$0x0], $0xffff;
	v63 =	vor.u32 v12, v20  }
0x202: {  	v17 =	vshll.u32 v24, $0x7;
	[tilespmem:v23+s24+$0x0] =	vst.idx.msk $0xffff, v56;
	v20 =	vadd.s32 s31, v14;
	v28 =	vor.u32 v12, v18;
	v25 =	vld.idx.msk [tilespmem:v27+s0+$0x0], $0xffff  }
0x203: {  	s19 =	simm.s32 $0x7;
	v27 =	vor.u32 v12, v17;
	v24 =	vld.idx.msk [tilespmem:v58+s0+$0x0], $0xffff;
	v17 =	vand.u32 $0x7F, v20;
	v20 =	vor.u32 v15, v26  }
0x204: {  	s4 =	simm.s32 $0x6;
	v34 =	vshll.u32 v61, $0x7;
	v21 =	vadd.s32 s19, v0;
	v18 =	vor.u32 v15, v17  }
0x205: {  	v22 =	vshll.u32 v57, $0x7;
	v23 =	vadd.s32 s4, v0;
	v32 =	vand.u32 $0x7F, v21;
	[tilespmem:v60+s24+$0x0] =	vst.idx.msk $0xffff, v36  }
0x206: {  	s18 =	simm.s32 $0x5;
	s20 =	simm.s32 $0x8;
	v21 =	vor.u32 v14, v22;
	v33 =	vor.u32 v1, v32;
	[tilespmem:v63+s24+$0x0] =	vst.idx.msk $0xffff, v62;
	v22 =	vld.idx.msk [tilespmem:v59+s0+$0x0], $0xffff  }
.LBB2_7:
0x207: {  	p1 =	slt.u32 s20, $0x7C;
	v35 =	vadd.s32 s18, v0;
	v23 =	vand.u32 $0x7F, v23;
	[tilespmem:v28+s24+$0x0] =	vst.idx.msk $0xffff, v25;
	v19 =	vld.idx.msk [tilespmem:v19+s0+$0x0], $0xffff;
	v25 =	vor.u32 v14, v34  }
0x208: {  	v28 =	vand.u32 $0x7F, v35;
	v34 =	vor.u32 v1, v23;
	[tilespmem:v27+s24+$0x0] =	vst.idx.msk $0xffff, v24;
	v20 =	vld.idx.msk [tilespmem:v20+s0+$0x0], $0xffff;
	v24 =	vshll.u32 v26, $0x7  }
0x209: {  	v17 =	vshll.u32 v17, $0x7;
	v26 =	vor.u32 v1, v28;
	v18 =	vld.idx.msk [tilespmem:v18+s0+$0x0], $0xffff;
	v24 =	vor.u32 v14, v24  }
0x20a: {  	v27 =	vshll.u32 v30, $0x7;
	v30 =	vadd.s32 s19, v2;
	v17 =	vor.u32 v14, v17  }
0x20b: {  	v35 =	vor.u32 v3, v29;
	v27 =	vor.u32 v0, v27;
	v30 =	vand.u32 $0x7F, v30;
	v31 =	vld.idx.msk [tilespmem:v31+s0+$0x0], $0xffff  }
0x20c: {  	v36 =	vadd.s32 s4, v2;
	v32 =	vshll.u32 v32, $0x7;
	v37 =	vor.u32 v3, v30;
	v33 =	vld.idx.msk [tilespmem:v33+s0+$0x0], $0xffff;
	[tilespmem:v21+s24+$0x0] =	vst.idx.msk $0xffff, v22  }
0x20d: {  	v32 =	vor.u32 v0, v32;
	v22 =	vshll.u32 v23, $0x7;
	v23 =	vand.u32 $0x7F, v36;
	v21 =	vld.idx.msk [tilespmem:v34+s0+$0x0], $0xffff;
	[tilespmem:v25+s24+$0x0] =	vst.idx.msk $0xffff, v19  }
0x20e: {  	v25 =	vshll.u32 v28, $0x7;
	v22 =	vor.u32 v0, v22;
	v19 =	vld.idx.msk [tilespmem:v26+s0+$0x0], $0xffff;
	v26 =	vadd.s32 s18, v2;
	[tilespmem:v24+s24+$0x0] =	vst.idx.msk $0xffff, v20  }
0x20f: {  	v20 =	vor.u32 v0, v25;
	v25 =	vor.u32 v3, v23;
	v24 =	vand.u32 $0x7F, v26;
	[tilespmem:v17+s24+$0x0] =	vst.idx.msk $0xffff, v18  }
0x210: {  	v16 =	vand.u32 $0x7F, v16;
	v17 =	vor.u32 v3, v24  }
0x211: {  	v18 =	vshll.u32 v29, $0x7;
	v26 =	vor.u32 v5, v16;
	[tilespmem:v27+s24+$0x0] =	vst.idx.msk $0xffff, v31;
	v27 =	vadd.s32 s19, v4  }
0x212: {  	v29 =	vadd.s32 s17, v6;
	v18 =	vor.u32 v2, v18;
	v28 =	vld.idx.msk [tilespmem:v35+s0+$0x0], $0xffff;
	[tilespmem:v32+s24+$0x0] =	vst.idx.msk $0xffff, v33;
	v27 =	vand.u32 $0x7F, v27  }
0x213: {  	v30 =	vshll.u32 v30, $0x7;
	[tilespmem:v22+s24+$0x0] =	vst.idx.msk $0xffff, v21;
	v21 =	vadd.s32 s4, v4;
	v22 =	vld.idx.msk [tilespmem:v37+s0+$0x0], $0xffff;
	v31 =	vor.u32 v5, v27  }
0x214: {  	[tilespmem:v20+s24+$0x0] =	vst.idx.msk $0xffff, v19;
	v19 =	vld.idx.msk [tilespmem:v25+s0+$0x0], $0xffff;
	v20 =	vshll.u32 v23, $0x7;
	v21 =	vand.u32 $0x7F, v21;
	v23 =	vor.u32 v2, v30  }
0x215: {  	v24 =	vshll.u32 v24, $0x7;
	v25 =	vadd.s32 s18, v4;
	v17 =	vld.idx.msk [tilespmem:v17+s0+$0x0], $0xffff;
	v20 =	vor.u32 v2, v20  }
0x216: {  	v24 =	vor.u32 v2, v24;
	v25 =	vand.u32 $0x7F, v25;
	v30 =	vor.u32 v5, v21  }
0x217: {  	v29 =	vand.u32 $0x7F, v29;
	v32 =	vor.u32 v5, v25  }
0x218: {  	v16 =	vshll.u32 v16, $0x7;
	[tilespmem:v18+s24+$0x0] =	vst.idx.msk $0xffff, v28;
	v18 =	vor.u32 v7, v29;
	v28 =	vadd.s32 s19, v6  }
0x219: {  	v16 =	vor.u32 v4, v16;
	v33 =	vadd.s32 s17, v8;
	v26 =	vld.idx.msk [tilespmem:v26+s0+$0x0], $0xffff;
	[tilespmem:v23+s24+$0x0] =	vst.idx.msk $0xffff, v22;
	v22 =	vand.u32 $0x7F, v28  }
0x21a: {  	v23 =	vshll.u32 v27, $0x7;
	[tilespmem:v20+s24+$0x0] =	vst.idx.msk $0xffff, v19;
	v19 =	vadd.s32 s4, v6;
	v20 =	vld.idx.msk [tilespmem:v31+s0+$0x0], $0xffff;
	v27 =	vor.u32 v7, v22  }
0x21b: {  	v21 =	vshll.u32 v21, $0x7;
	v23 =	vor.u32 v4, v23;
	[tilespmem:v24+s24+$0x0] =	vst.idx.msk $0xffff, v17;
	v17 =	vld.idx.msk [tilespmem:v30+s0+$0x0], $0xffff;
	v19 =	vand.u32 $0x7F, v19  }
0x21c: {  	v25 =	vshll.u32 v25, $0x7;
	v21 =	vor.u32 v4, v21;
	v28 =	vadd.s32 s18, v6;
	v24 =	vld.idx.msk [tilespmem:v32+s0+$0x0], $0xffff  }
0x21d: {  	v25 =	vor.u32 v4, v25;
	v28 =	vand.u32 $0x7F, v28;
	v30 =	vor.u32 v7, v19  }
0x21e: {  	v31 =	vand.u32 $0x7F, v33;
	v33 =	vor.u32 v7, v28;
	v32 =	vadd.s32 s17, v14  }
0x21f: {  	[tilespmem:v16+s24+$0x0] =	vst.idx.msk $0xffff, v26;
	v16 =	vshll.u32 v29, $0x7;
	v26 =	vor.u32 v9, v31;
	v29 =	vadd.s32 s19, v8  }
0x220: {  	v34 =	vadd.s32 s17, v10;
	v18 =	vld.idx.msk [tilespmem:v18+s0+$0x0], $0xffff;
	v16 =	vor.u32 v6, v16;
	[tilespmem:v23+s24+$0x0] =	vst.idx.msk $0xffff, v20;
	v20 =	vand.u32 $0x7F, v29  }
0x221: {  	v22 =	vshll.u32 v22, $0x7;
	[tilespmem:v21+s24+$0x0] =	vst.idx.msk $0xffff, v17;
	v17 =	vadd.s32 s4, v8;
	v21 =	vld.idx.msk [tilespmem:v27+s0+$0x0], $0xffff;
	v23 =	vor.u32 v9, v20  }
0x222: {  	v22 =	vor.u32 v6, v22;
	v19 =	vshll.u32 v19, $0x7;
	[tilespmem:v25+s24+$0x0] =	vst.idx.msk $0xffff, v24;
	v24 =	vld.idx.msk [tilespmem:v30+s0+$0x0], $0xffff;
	v17 =	vand.u32 $0x7F, v17  }
0x223: {  	v19 =	vor.u32 v6, v19;
	v27 =	vshll.u32 v28, $0x7;
	v28 =	vadd.s32 s18, v8;
	v25 =	vld.idx.msk [tilespmem:v33+s0+$0x0], $0xffff  }
0x224: {  	v27 =	vor.u32 v6, v27;
	v28 =	vand.u32 $0x7F, v28;
	v29 =	vor.u32 v9, v17  }
0x225: {  	v30 =	vand.u32 $0x7F, v34;
	v33 =	vadd.s32 s17, v12;
	v34 =	vor.u32 v9, v28;
	s17 =	smov.u32 s20  }
0x226: {  	v35 =	vadd.s32 s19, v10;
	[tilespmem:v16+s24+$0x0] =	vst.idx.msk $0xffff, v18;
	v18 =	vshll.u32 v31, $0x7;
	v31 =	vor.u32 v11, v30  }
0x227: {  	v16 =	vadd.s32 s20, v4;
	v26 =	vld.idx.msk [tilespmem:v26+s0+$0x0], $0xffff;
	v18 =	vor.u32 v8, v18;
	[tilespmem:v22+s24+$0x0] =	vst.idx.msk $0xffff, v21;
	v21 =	vand.u32 $0x7F, v35  }
0x228: {  	v20 =	vshll.u32 v20, $0x7;
	[tilespmem:v19+s24+$0x0] =	vst.idx.msk $0xffff, v24;
	v19 =	vadd.s32 s4, v10;
	v22 =	vld.idx.msk [tilespmem:v23+s0+$0x0], $0xffff;
	v23 =	vor.u32 v11, v21  }
0x229: {  	v20 =	vor.u32 v8, v20;
	v17 =	vshll.u32 v17, $0x7;
	[tilespmem:v27+s24+$0x0] =	vst.idx.msk $0xffff, v25;
	v24 =	vld.idx.msk [tilespmem:v29+s0+$0x0], $0xffff;
	v19 =	vand.u32 $0x7F, v19  }
0x22a: {  	v17 =	vor.u32 v8, v17;
	v27 =	vshll.u32 v28, $0x7;
	v28 =	vadd.s32 s18, v10;
	v25 =	vld.idx.msk [tilespmem:v34+s0+$0x0], $0xffff  }
0x22b: {  	v27 =	vor.u32 v8, v27;
	v28 =	vand.u32 $0x7F, v28;
	v29 =	vor.u32 v11, v19  }
0x22c: {  	v33 =	vand.u32 $0x7F, v33;
	v34 =	vadd.s32 s20, v2;
	v35 =	vor.u32 v11, v28  }
0x22d: {  	[tilespmem:v18+s24+$0x0] =	vst.idx.msk $0xffff, v26;
	v18 =	vshll.u32 v30, $0x7;
	v26 =	vor.u32 v13, v33;
	v30 =	vadd.s32 s19, v12  }
0x22e: {  	v36 =	vadd.s32 s20, v0;
	v31 =	vld.idx.msk [tilespmem:v31+s0+$0x0], $0xffff;
	v18 =	vor.u32 v10, v18;
	[tilespmem:v20+s24+$0x0] =	vst.idx.msk $0xffff, v22;
	v20 =	vand.u32 $0x7F, v30  }
0x22f: {  	v21 =	vshll.u32 v21, $0x7;
	[tilespmem:v17+s24+$0x0] =	vst.idx.msk $0xffff, v24;
	v17 =	vadd.s32 s4, v12;
	v22 =	vld.idx.msk [tilespmem:v23+s0+$0x0], $0xffff;
	v23 =	vor.u32 v13, v20  }
0x230: {  	v21 =	vor.u32 v10, v21;
	v19 =	vshll.u32 v19, $0x7;
	[tilespmem:v27+s24+$0x0] =	vst.idx.msk $0xffff, v25;
	v24 =	vld.idx.msk [tilespmem:v29+s0+$0x0], $0xffff;
	v17 =	vand.u32 $0x7F, v17  }
0x231: {  	v19 =	vor.u32 v10, v19;
	v27 =	vshll.u32 v28, $0x7;
	v28 =	vadd.s32 s18, v12;
	v25 =	vld.idx.msk [tilespmem:v35+s0+$0x0], $0xffff  }
0x232: {  	v27 =	vor.u32 v10, v27;
	v28 =	vand.u32 $0x7F, v28;
	v35 =	vor.u32 v13, v17  }
0x233: {  	v32 =	vand.u32 $0x7F, v32;
	v29 =	vand.u32 $0x7F, v34;
	v34 =	vor.u32 v13, v28  }
0x234: {  	v37 =	vor.u32 v15, v32;
	[tilespmem:v18+s24+$0x0] =	vst.idx.msk $0xffff, v31;
	v18 =	vshll.u32 v33, $0x7;
	v31 =	vadd.s32 s19, v14  }
0x235: {  	v30 =	vand.u32 $0x7F, v36;
	v33 =	vld.idx.msk [tilespmem:v26+s0+$0x0], $0xffff;
	v36 =	vor.u32 v12, v18;
	[tilespmem:v21+s24+$0x0] =	vst.idx.msk $0xffff, v22;
	v38 =	vand.u32 $0x7F, v31  }
0x236: {  	v20 =	vshll.u32 v20, $0x7;
	v18 =	vadd.s32 s4, v14;
	[tilespmem:v19+s24+$0x0] =	vst.idx.msk $0xffff, v24;
	v39 =	vld.idx.msk [tilespmem:v23+s0+$0x0], $0xffff;
	v19 =	vor.u32 v15, v38  }
0x237: {  	v17 =	vshll.u32 v17, $0x7;
	v26 =	vand.u32 $0x7F, v18;
	[tilespmem:v27+s24+$0x0] =	vst.idx.msk $0xffff, v25;
	v25 =	vld.idx.msk [tilespmem:v35+s0+$0x0], $0xffff;
	v35 =	vor.u32 v12, v20  }
.Ltmp2:
0x238: {  	v18 =	vshll.u32 v28, $0x7;
	v28 =	vor.u32 v12, v17;
	v20 =	vadd.s32 s18, v14;
	v24 =	vld.idx.msk [tilespmem:v34+s0+$0x0], $0xffff;
	(pc) =	sbr.rel @p1 .LBB2_7-.Ltmp2, $4  }
0x239: {  	s19 =	sadd.s32 $0x3, s20;
	v27 =	vor.u32 v12, v18;
	v17 =	vand.u32 $0x7F, v20;
	v20 =	vor.u32 v15, v26  }
0x23a: {  	v21 =	vadd.s32 s19, v0;
	v22 =	vshll.u32 v32, $0x7;
	v18 =	vor.u32 v15, v17  }
0x23b: {  	v31 =	vor.u32 v1, v30;
	s4 =	sadd.s32 $0x2, s20;
	v32 =	vand.u32 $0x7F, v21;
	v21 =	vor.u32 v14, v22;
	[tilespmem:v36+s24+$0x0] =	vst.idx.msk $0xffff, v33  }
0x23c: {  	s20 =	sadd.s32 $0x4, s20;
	v23 =	vadd.s32 s4, v0;
	s18 =	sadd.s32 $0x1, s17;
	v34 =	vshll.u32 v38, $0x7;
	v33 =	vor.u32 v1, v32;
	v22 =	vld.idx.msk [tilespmem:v37+s0+$0x0], $0xffff;
	[tilespmem:v35+s24+$0x0] =	vst.idx.msk $0xffff, v39  }
0x23d: {  	v35 =	vadd.s32 s18, v0;
	v36 =	vand.u32 $0x7F, v23;
	v23 =	vor.u32 v14, v34  }
0x23e: {  	v26 =	vshll.u32 v26, $0x7;
	v30 =	vshll.u32 v30, $0x7;
	v38 =	vadd.s32 s19, v2  }
0x23f: {  	v39 =	vor.u32 v3, v29;
	v40 =	vadd.s32 s4, v2;
	v32 =	vshll.u32 v32, $0x7  }
0x240: {  	v42 =	vadd.s32 s18, v2;
	v16 =	vand.u32 $0x7F, v16;
	v29 =	vshll.u32 v29, $0x7  }
0x241: {  	v52 =	vadd.s32 s18, v4;
	v59 =	vadd.s32 s19, v6;
	v61 =	vadd.s32 s4, v6  }
0x242: {  	v17 =	vshll.u32 v17, $0x7;
	v46 =	vand.u32 $0x7F, v35;
	v47 =	vor.u32 v1, v36  }
0x243: {  	v30 =	vor.u32 v0, v30;
	v38 =	vand.u32 $0x7F, v38;
	v37 =	vor.u32 v1, v46  }
0x244: {  	v36 =	vshll.u32 v36, $0x7;
	v40 =	vand.u32 $0x7F, v40;
	v32 =	vor.u32 v0, v32  }
0x245: {  	v31 =	vld.idx.msk [tilespmem:v31+s0+$0x0], $0xffff;
	v42 =	vand.u32 $0x7F, v42;
	v45 =	vor.u32 v5, v16;
	v29 =	vor.u32 v2, v29  }
0x246: {  	v33 =	vld.idx.msk [tilespmem:v33+s0+$0x0], $0xffff;
	v16 =	vshll.u32 v16, $0x7;
	v60 =	vand.u32 $0x7F, v59;
	v41 =	vor.u32 v3, v38  }
0x247: {  	v34 =	vshll.u32 v46, $0x7;
	v36 =	vor.u32 v0, v36;
	v43 =	vor.u32 v3, v40;
	v35 =	vld.idx.msk [tilespmem:v47+s0+$0x0], $0xffff  }
0x248: {  	v44 =	vor.u32 v3, v42;
	v46 =	vadd.s32 s19, v4;
	v34 =	vor.u32 v0, v34;
	v37 =	vld.idx.msk [tilespmem:v37+s0+$0x0], $0xffff  }
0x249: {  	v49 =	vshll.u32 v40, $0x7;
	v51 =	vshll.u32 v42, $0x7;
	v16 =	vor.u32 v4, v16  }
0x24a: {  	v63 =	vor.u32 v7, v60;
	v42 =	vadd.s32 s17, v14;
	v46 =	vand.u32 $0x7F, v46;
	[tilespmem:v30+s24+$0x0] =	vst.idx.msk $0xffff, v31  }
0x24b: {  	v62 =	vshll.u32 v46, $0x7;
	v30 =	vadd.s32 s4, v4;
	v31 =	vshll.u32 v38, $0x7;
	[tilespmem:v32+s24+$0x0] =	vst.idx.msk $0xffff, v33;
	v48 =	vld.idx.msk [tilespmem:v39+s0+$0x0], $0xffff  }
0x24c: {  	v38 =	vor.u32 v5, v46;
	v31 =	vor.u32 v2, v31;
	v50 =	vld.idx.msk [tilespmem:v41+s0+$0x0], $0xffff;
	[tilespmem:v36+s24+$0x0] =	vst.idx.msk $0xffff, v35  }
0x24d: {  	v47 =	vadd.s32 s17, v6;
	v33 =	vor.u32 v2, v49;
	v30 =	vand.u32 $0x7F, v30;
	v53 =	vld.idx.msk [tilespmem:v43+s0+$0x0], $0xffff;
	[tilespmem:v34+s24+$0x0] =	vst.idx.msk $0xffff, v37  }
0x24e: {  	v39 =	vand.u32 $0x7F, v52;
	v54 =	vor.u32 v5, v30;
	v36 =	vor.u32 v2, v51;
	v57 =	vld.idx.msk [tilespmem:v44+s0+$0x0], $0xffff  }
0x24f: {  	v49 =	vand.u32 $0x7F, v61;
	v32 =	vshll.u32 v60, $0x7;
	v56 =	vor.u32 v5, v39  }
0x250: {  	v55 =	vand.u32 $0x7F, v47;
	v52 =	vor.u32 v7, v49;
	v32 =	vor.u32 v6, v32;
	[tilespmem:v29+s24+$0x0] =	vst.idx.msk $0xffff, v48  }
0x251: {  	v58 =	vor.u32 v7, v55;
	v30 =	vshll.u32 v30, $0x7;
	v39 =	vshll.u32 v39, $0x7;
	[tilespmem:v31+s24+$0x0] =	vst.idx.msk $0xffff, v50;
	v31 =	vld.idx.msk [tilespmem:v45+s0+$0x0], $0xffff  }
0x252: {  	v30 =	vor.u32 v4, v30;
	v35 =	vor.u32 v4, v62;
	v48 =	vld.idx.msk [tilespmem:v38+s0+$0x0], $0xffff;
	[tilespmem:v33+s24+$0x0] =	vst.idx.msk $0xffff, v53  }
0x253: {  	v60 =	vadd.s32 s17, v12;
	v39 =	vor.u32 v4, v39;
	v50 =	vadd.s32 s18, v6;
	v40 =	vld.idx.msk [tilespmem:v54+s0+$0x0], $0xffff;
	[tilespmem:v36+s24+$0x0] =	vst.idx.msk $0xffff, v57  }
0x254: {  	v29 =	vadd.s32 s17, v8;
	v34 =	vshll.u32 v55, $0x7;
	v51 =	vand.u32 $0x7F, v50;
	v37 =	vld.idx.msk [tilespmem:v56+s0+$0x0], $0xffff  }
0x255: {  	[tilespmem:v28+s24+$0x0] =	vst.idx.msk $0xffff, v25;
	v55 =	vadd.s32 s17, v10;
	v38 =	vshll.u32 v49, $0x7;
	v53 =	vor.u32 v7, v51  }
0x256: {  	v29 =	vand.u32 $0x7F, v29;
	v34 =	vor.u32 v6, v34;
	v38 =	vor.u32 v6, v38;
	[tilespmem:v16+s24+$0x0] =	vst.idx.msk $0xffff, v31  }
0x257: {  	v45 =	vadd.s32 s4, v10;
	v16 =	vor.u32 v9, v29;
	v31 =	vadd.s32 s19, v8;
	[tilespmem:v35+s24+$0x0] =	vst.idx.msk $0xffff, v48;
	v54 =	vld.idx.msk [tilespmem:v58+s0+$0x0], $0xffff  }
0x258: {  	v36 =	vshll.u32 v51, $0x7;
	v31 =	vand.u32 $0x7F, v31;
	v56 =	vld.idx.msk [tilespmem:v63+s0+$0x0], $0xffff;
	[tilespmem:v30+s24+$0x0] =	vst.idx.msk $0xffff, v40;
	v30 =	vadd.s32 s4, v8  }
0x259: {  	v58 =	vadd.s32 s18, v8;
	v57 =	vor.u32 v9, v31;
	v41 =	vld.idx.msk [tilespmem:v52+s0+$0x0], $0xffff;
	[tilespmem:v39+s24+$0x0] =	vst.idx.msk $0xffff, v37;
	v30 =	vand.u32 $0x7F, v30  }
0x25a: {  	v36 =	vor.u32 v6, v36;
	v37 =	vand.u32 $0x7F, v58;
	v39 =	vld.idx.msk [tilespmem:v53+s0+$0x0], $0xffff;
	v59 =	vor.u32 v9, v30  }
0x25b: {  	[tilespmem:v27+s24+$0x0] =	vst.idx.msk $0xffff, v24;
	v25 =	vand.u32 $0x7F, v45;
	v35 =	vand.u32 $0x7F, v55;
	v61 =	vor.u32 v9, v37  }
0x25c: {  	v24 =	vor.u32 v11, v25;
	v29 =	vshll.u32 v29, $0x7;
	v62 =	vor.u32 v11, v35;
	[tilespmem:v34+s24+$0x0] =	vst.idx.msk $0xffff, v54  }
0x25d: {  	v49 =	vadd.s32 s18, v10;
	v29 =	vor.u32 v8, v29;
	v31 =	vshll.u32 v31, $0x7;
	[tilespmem:v32+s24+$0x0] =	vst.idx.msk $0xffff, v56;
	v16 =	vld.idx.msk [tilespmem:v16+s0+$0x0], $0xffff  }
0x25e: {  	v63 =	vadd.s32 s19, v10;
	v31 =	vor.u32 v8, v31;
	v46 =	vld.idx.msk [tilespmem:v57+s0+$0x0], $0xffff;
	v30 =	vshll.u32 v30, $0x7;
	[tilespmem:v38+s24+$0x0] =	vst.idx.msk $0xffff, v41  }
0x25f: {  	v40 =	vand.u32 $0x7F, v63;
	v37 =	vshll.u32 v37, $0x7;
	v30 =	vor.u32 v8, v30;
	[tilespmem:v36+s24+$0x0] =	vst.idx.msk $0xffff, v39;
	v48 =	vld.idx.msk [tilespmem:v59+s0+$0x0], $0xffff  }
0x260: {  	v25 =	vshll.u32 v25, $0x7;
	v47 =	vor.u32 v11, v40;
	v50 =	vor.u32 v8, v37;
	v28 =	vld.idx.msk [tilespmem:v61+s0+$0x0], $0xffff  }
0x261: {  	v27 =	vand.u32 $0x7F, v60;
	v25 =	vor.u32 v10, v25;
	v51 =	vand.u32 $0x7F, v49  }
0x262: {  	v55 =	vadd.s32 s4, v12;
	v52 =	vor.u32 v11, v51;
	[tilespmem:v29+s24+$0x0] =	vst.idx.msk $0xffff, v16;
	v16 =	vshll.u32 v35, $0x7  }
0x263: {  	v58 =	vshll.u32 v51, $0x7;
	v53 =	vadd.s32 s19, v12;
	[tilespmem:v31+s24+$0x0] =	vst.idx.msk $0xffff, v46;
	v31 =	vld.idx.msk [tilespmem:v62+s0+$0x0], $0xffff;
	v16 =	vor.u32 v10, v16  }
0x264: {  	v57 =	vand.u32 $0x7F, v55;
	v54 =	vand.u32 $0x7F, v53;
	[tilespmem:v30+s24+$0x0] =	vst.idx.msk $0xffff, v48;
	v30 =	vshll.u32 v40, $0x7  }
0x265: {  	v29 =	vor.u32 v13, v27;
	[tilespmem:v50+s24+$0x0] =	vst.idx.msk $0xffff, v28;
	v28 =	vld.idx.msk [tilespmem:v47+s0+$0x0], $0xffff;
	v30 =	vor.u32 v10, v30  }
0x266: {  	v60 =	vor.u32 v13, v57;
	v56 =	vor.u32 v13, v54;
	v59 =	vadd.s32 s18, v12;
	v24 =	vld.idx.msk [tilespmem:v24+s0+$0x0], $0xffff  }
0x267: {  	[tilespmem:v21+s24+$0x0] =	vst.idx.msk $0xffff, v22;
	v35 =	vor.u32 v10, v58;
	v22 =	vand.u32 $0x7F, v59;
	v61 =	vand.u32 $0x7F, v42;
	v21 =	vld.idx.msk [tilespmem:v52+s0+$0x0], $0xffff  }
0x268: {  	v62 =	vor.u32 v13, v22;
	[tilespmem:v16+s24+$0x0] =	vst.idx.msk $0xffff, v31;
	v16 =	vshll.u32 v27, $0x7;
	v27 =	vadd.s32 s19, v14  }
0x269: {  	v19 =	vld.idx.msk [tilespmem:v19+s0+$0x0], $0xffff;
	v31 =	vor.u32 v15, v61;
	v16 =	vor.u32 v12, v16;
	v27 =	vand.u32 $0x7F, v27  }
0x26a: {  	v36 =	vadd.s32 s18, v14;
	v29 =	vld.idx.msk [tilespmem:v29+s0+$0x0], $0xffff;
	v63 =	vor.u32 v15, v27;
	[tilespmem:v30+s24+$0x0] =	vst.idx.msk $0xffff, v28;
	v30 =	vshll.u32 v54, $0x7  }
0x26b: {  	v28 =	vadd.s32 s4, v14;
	[tilespmem:v25+s24+$0x0] =	vst.idx.msk $0xffff, v24;
	v25 =	vshll.u32 v57, $0x7;
	v24 =	vld.idx.msk [tilespmem:v56+s0+$0x0], $0xffff;
	v30 =	vor.u32 v12, v30  }
0x26c: {  	v22 =	vshll.u32 v22, $0x7;
	v28 =	vand.u32 $0x7F, v28;
	[tilespmem:v35+s24+$0x0] =	vst.idx.msk $0xffff, v21;
	v21 =	vld.idx.msk [tilespmem:v60+s0+$0x0], $0xffff;
	v25 =	vor.u32 v12, v25  }
0x26d: {  	v33 =	vand.u32 $0x7F, v36;
	v22 =	vor.u32 v12, v22;
	v39 =	vld.idx.msk [tilespmem:v62+s0+$0x0], $0xffff;
	v40 =	vor.u32 v15, v28  }
0x26e: {  	v20 =	vld.idx.msk [tilespmem:v20+s0+$0x0], $0xffff;
	v26 =	vor.u32 v14, v26;
	[tilespmem:v23+s24+$0x0] =	vst.idx.msk $0xffff, v19;
	v19 =	vor.u32 v15, v33  }
0x26f: {  	v18 =	vld.idx.msk [tilespmem:v18+s0+$0x0], $0xffff;
	v17 =	vor.u32 v14, v17;
	v23 =	vshll.u32 v61, $0x7;
	[tilespmem:v16+s24+$0x0] =	vst.idx.msk $0xffff, v29  }
0x270: {  	v16 =	vor.u32 v14, v23;
	v23 =	vld.idx.msk [tilespmem:v31+s0+$0x0], $0xffff;
	[tilespmem:v30+s24+$0x0] =	vst.idx.msk $0xffff, v24;
	v24 =	vshll.u32 v27, $0x7  }
0x271: {  	[tilespmem:v25+s24+$0x0] =	vst.idx.msk $0xffff, v21;
	v25 =	vshll.u32 v28, $0x7;
	v21 =	vld.idx.msk [tilespmem:v63+s0+$0x0], $0xffff;
	v24 =	vor.u32 v14, v24  }
0x272: {  	v27 =	vshll.u32 v33, $0x7;
	[tilespmem:v22+s24+$0x0] =	vst.idx.msk $0xffff, v39;
	v22 =	vld.idx.msk [tilespmem:v40+s0+$0x0], $0xffff;
	v25 =	vor.u32 v14, v25  }
0x273: {  	[tilespmem:v26+s24+$0x0] =	vst.idx.msk $0xffff, v20;
	v20 =	vor.u32 v14, v27;
	v19 =	vld.idx.msk [tilespmem:v19+s0+$0x0], $0xffff  }
0x274: {  	[tilespmem:v17+s24+$0x0] =	vst.idx.msk $0xffff, v18  }
0x275: {  	[tilespmem:v16+s24+$0x0] =	vst.idx.msk $0xffff, v23  }
0x276: {  	[tilespmem:v24+s24+$0x0] =	vst.idx.msk $0xffff, v21  }
0x277: {  	[tilespmem:v25+s24+$0x0] =	vst.idx.msk $0xffff, v22  }
0x278: {  	s31 =	sadd.s32 $0x8000, s15;
	s18 =	simm.s32 $0x3;
	[tilespmem:v20+s24+$0x0] =	vst.idx.msk $0xffff, v19  }
0x279: {  	[hbm4b:s31+s1] =	stream.strided.scatter [tilespmem:s24], [sflag:$0x3], $0x4000, s26, s1, $0x38;
	[tilespmem:$0x1FC00] =	vst v63  }
0x27a: {  	v26 =	vadd.s32 s18, v2;
	v49 =	vadd.s32 s18, v10;
	s4 =	simm.s32 $0x0  }
0x27b: {  	v53 =	vadd.s32 s18, v12;
	v26 =	vand.u32 $0x7F, v26;
	v18 =	vadd.s32 s4, v0;
	[tilespmem:s0], [sflag:$0x1] =	stream.indirect.gather [spmem:s10], $0x80, s16, s25, $0xb8;
	[tilespmem:$0x1FC00] =	vst v63  }
0x27c: {  	s20 =	simm.s32 $0x2;
	v50 =	vand.u32 $0x7F, v49;
	v18 =	vand.u32 $0x7F, v18;
	v19 =	vadd.s32 s18, v0;
	_ =	swait.ge [sflag:s28], $0x4000  }
0x27d: {  	v21 =	vadd.s32 s20, v0;
	v20 =	vor.u32 v1, v18;
	v19 =	vand.u32 $0x7F, v19;
	s31 =	simm.s32 $0x1;
	[sflag:s28] =	ssyncset.done $0x0  }
0x27e: {  	v21 =	vand.u32 $0x7F, v21;
	v22 =	vor.u32 v1, v19;
	v23 =	vadd.s32 s31, v0;
	[sflag:s28] =	ssyncadd.s32 $0xFFFFC000  }
0x27f: {  	v51 =	vor.u32 v11, v50;
	v24 =	vor.u32 v1, v21;
	v23 =	vand.u32 $0x7F, v23;
	_ =	swait.ge [sflag:s5], $0x4000  }
0x280: {  	v54 =	vand.u32 $0x7F, v53;
	v17 =	vadd.s32 s4, v2;
	v25 =	vor.u32 v1, v23;
	[sflag:s5] =	ssyncset.done $0x0  }
0x281: {  	v29 =	vor.u32 v3, v26;
	v55 =	vor.u32 v13, v54;
	v18 =	vshll.u32 v18, $0x7;
	[sflag:s5] =	ssyncadd.s32 $0xFFFFC000  }
0x282: {  	v17 =	vand.u32 $0x7F, v17;
	v18 =	vor.u32 v0, v18;
	v19 =	vshll.u32 v19, $0x7;
	v20 =	vld.idx.msk [tilespmem:v20+s7+$0x0], $0xffff  }
0x283: {  	v28 =	vadd.s32 s20, v2;
	v21 =	vshll.u32 v21, $0x7;
	v19 =	vor.u32 v0, v19;
	v22 =	vld.idx.msk [tilespmem:v22+s7+$0x0], $0xffff  }
0x284: {  	v16 =	vadd.s32 s4, v4;
	v21 =	vor.u32 v0, v21;
	v23 =	vshll.u32 v23, $0x7;
	v24 =	vld.idx.msk [tilespmem:v24+s7+$0x0], $0xffff  }
0x285: {  	v27 =	vor.u32 v3, v17;
	v28 =	vand.u32 $0x7F, v28;
	v23 =	vor.u32 v0, v23;
	v25 =	vld.idx.msk [tilespmem:v25+s7+$0x0], $0xffff  }
0x286: {  	v17 =	vshll.u32 v17, $0x7;
	v31 =	vor.u32 v3, v28;
	v30 =	vadd.s32 s31, v2  }
0x287: {  	v16 =	vand.u32 $0x7F, v16;
	v17 =	vor.u32 v2, v17;
	v30 =	vand.u32 $0x7F, v30;
	[tilespmem:v18+s29+$0x0] =	vst.idx.msk $0xffff, v20  }
0x288: {  	v44 =	vadd.s32 s18, v6;
	v42 =	vor.u32 v5, v16;
	v41 =	vor.u32 v3, v30;
	[tilespmem:v19+s29+$0x0] =	vst.idx.msk $0xffff, v22  }
0x289: {  	v18 =	vadd.s32 s18, v4;
	v20 =	vadd.s32 s4, v6;
	v19 =	vadd.s32 s20, v4;
	[tilespmem:v21+s29+$0x0] =	vst.idx.msk $0xffff, v24  }
0x28a: {  	v22 =	vshll.u32 v26, $0x7;
	v24 =	vshll.u32 v28, $0x7;
	[tilespmem:v23+s29+$0x0] =	vst.idx.msk $0xffff, v25;
	v23 =	vshll.u32 v30, $0x7;
	v26 =	vld.idx.msk [tilespmem:v27+s7+$0x0], $0xffff  }
0x28b: {  	v25 =	vadd.s32 s31, v4;
	v18 =	vand.u32 $0x7F, v18;
	v27 =	vld.idx.msk [tilespmem:v29+s7+$0x0], $0xffff;
	v22 =	vor.u32 v2, v22  }
0x28c: {  	v19 =	vand.u32 $0x7F, v19;
	v28 =	vld.idx.msk [tilespmem:v31+s7+$0x0], $0xffff;
	v24 =	vor.u32 v2, v24;
	v21 =	vor.u32 v5, v18  }
0x28d: {  	v23 =	vor.u32 v2, v23;
	v25 =	vand.u32 $0x7F, v25;
	v29 =	vld.idx.msk [tilespmem:v41+s7+$0x0], $0xffff;
	v30 =	vor.u32 v5, v19  }
0x28e: {  	v16 =	vshll.u32 v16, $0x7;
	v20 =	vand.u32 $0x7F, v20;
	v31 =	vor.u32 v5, v25  }
0x28f: {  	v16 =	vor.u32 v4, v16;
	v43 =	vor.u32 v7, v20;
	v18 =	vshll.u32 v18, $0x7;
	[tilespmem:v17+s29+$0x0] =	vst.idx.msk $0xffff, v26  }
0x290: {  	v46 =	vadd.s32 s18, v8;
	v19 =	vshll.u32 v19, $0x7;
	v18 =	vor.u32 v4, v18;
	[tilespmem:v22+s29+$0x0] =	vst.idx.msk $0xffff, v27;
	v33 =	vld.idx.msk [tilespmem:v42+s7+$0x0], $0xffff  }
0x291: {  	v47 =	vand.u32 $0x7F, v46;
	v19 =	vor.u32 v4, v19;
	v26 =	vand.u32 $0x7F, v44;
	[tilespmem:v24+s29+$0x0] =	vst.idx.msk $0xffff, v28;
	v21 =	vld.idx.msk [tilespmem:v21+s7+$0x0], $0xffff  }
0x292: {  	v22 =	vadd.s32 s20, v6;
	[tilespmem:v23+s29+$0x0] =	vst.idx.msk $0xffff, v29;
	v23 =	vshll.u32 v25, $0x7;
	v24 =	vadd.s32 s31, v6;
	v25 =	vld.idx.msk [tilespmem:v30+s7+$0x0], $0xffff  }
0x293: {  	v27 =	vor.u32 v7, v26;
	v22 =	vand.u32 $0x7F, v22;
	v23 =	vor.u32 v4, v23;
	v29 =	vld.idx.msk [tilespmem:v31+s7+$0x0], $0xffff  }
0x294: {  	v17 =	vadd.s32 s4, v8;
	v24 =	vand.u32 $0x7F, v24;
	v28 =	vor.u32 v7, v22  }
0x295: {  	v20 =	vshll.u32 v20, $0x7;
	v17 =	vand.u32 $0x7F, v17;
	v31 =	vor.u32 v7, v24;
	[tilespmem:v16+s29+$0x0] =	vst.idx.msk $0xffff, v33  }
0x296: {  	v30 =	vadd.s32 s4, v14;
	v45 =	vor.u32 v9, v17;
	v16 =	vor.u32 v6, v20;
	[tilespmem:v18+s29+$0x0] =	vst.idx.msk $0xffff, v21  }
0x297: {  	v18 =	vadd.s32 s20, v8;
	v21 =	vshll.u32 v26, $0x7;
	v26 =	vor.u32 v9, v47;
	[tilespmem:v19+s29+$0x0] =	vst.idx.msk $0xffff, v25;
	v32 =	vld.idx.msk [tilespmem:v43+s7+$0x0], $0xffff  }
0x298: {  	v19 =	vshll.u32 v22, $0x7;
	[tilespmem:v23+s29+$0x0] =	vst.idx.msk $0xffff, v29;
	v23 =	vshll.u32 v24, $0x7;
	v21 =	vor.u32 v6, v21;
	v22 =	vld.idx.msk [tilespmem:v27+s7+$0x0], $0xffff  }
0x299: {  	v24 =	vadd.s32 s31, v8;
	v18 =	vand.u32 $0x7F, v18;
	v19 =	vor.u32 v6, v19;
	v25 =	vld.idx.msk [tilespmem:v28+s7+$0x0], $0xffff  }
0x29a: {  	v23 =	vor.u32 v6, v23;
	v24 =	vand.u32 $0x7F, v24;
	v28 =	vld.idx.msk [tilespmem:v31+s7+$0x0], $0xffff;
	v27 =	vor.u32 v9, v18  }
0x29b: {  	v17 =	vshll.u32 v17, $0x7;
	v57 =	vand.u32 $0x7F, v30;
	v31 =	vor.u32 v9, v24  }
0x29c: {  	v17 =	vor.u32 v8, v17;
	v59 =	vor.u32 v15, v57;
	[tilespmem:v16+s29+$0x0] =	vst.idx.msk $0xffff, v32  }
0x29d: {  	v20 =	vadd.s32 s4, v10;
	[tilespmem:v21+s29+$0x0] =	vst.idx.msk $0xffff, v22;
	v21 =	vadd.s32 s20, v10;
	v22 =	vshll.u32 v47, $0x7;
	v34 =	vld.idx.msk [tilespmem:v45+s7+$0x0], $0xffff  }
0x29e: {  	v18 =	vshll.u32 v18, $0x7;
	[tilespmem:v19+s29+$0x0] =	vst.idx.msk $0xffff, v25;
	v19 =	vand.u32 $0x7F, v21;
	v21 =	vor.u32 v8, v22;
	v22 =	vld.idx.msk [tilespmem:v26+s7+$0x0], $0xffff  }
0x29f: {  	v20 =	vand.u32 $0x7F, v20;
	v18 =	vor.u32 v8, v18;
	[tilespmem:v23+s29+$0x0] =	vst.idx.msk $0xffff, v28;
	v23 =	vshll.u32 v24, $0x7;
	v25 =	vld.idx.msk [tilespmem:v27+s7+$0x0], $0xffff  }
0x2a0: {  	v48 =	vor.u32 v11, v20;
	v20 =	vshll.u32 v20, $0x7;
	v23 =	vor.u32 v8, v23;
	v27 =	vld.idx.msk [tilespmem:v31+s7+$0x0], $0xffff  }
0x2a1: {  	s17 =	simm.s32 $0x4;
	v29 =	vadd.s32 s4, v12;
	v20 =	vor.u32 v10, v20;
	v24 =	vadd.s32 s31, v10  }
0x2a2: {  	v16 =	vadd.s32 s17, v4;
	v24 =	vand.u32 $0x7F, v24;
	v26 =	vor.u32 v11, v19;
	[tilespmem:v17+s29+$0x0] =	vst.idx.msk $0xffff, v34  }
0x2a3: {  	v28 =	vadd.s32 s17, v2;
	v31 =	vand.u32 $0x7F, v29;
	v29 =	vor.u32 v11, v24;
	[tilespmem:v21+s29+$0x0] =	vst.idx.msk $0xffff, v22  }
0x2a4: {  	v52 =	vor.u32 v13, v31;
	v17 =	vadd.s32 s17, v0;
	v21 =	vadd.s32 s20, v12;
	[tilespmem:v18+s29+$0x0] =	vst.idx.msk $0xffff, v25  }
0x2a5: {  	v22 =	vshll.u32 v50, $0x7;
	v18 =	vshll.u32 v19, $0x7;
	[tilespmem:v23+s29+$0x0] =	vst.idx.msk $0xffff, v27;
	v23 =	vshll.u32 v24, $0x7;
	v35 =	vld.idx.msk [tilespmem:v48+s7+$0x0], $0xffff  }
0x2a6: {  	v24 =	vadd.s32 s31, v12;
	v21 =	vand.u32 $0x7F, v21;
	v19 =	vor.u32 v10, v22;
	v22 =	vld.idx.msk [tilespmem:v51+s7+$0x0], $0xffff  }
0x2a7: {  	v18 =	vor.u32 v10, v18;
	v25 =	vld.idx.msk [tilespmem:v26+s7+$0x0], $0xffff;
	v23 =	vor.u32 v10, v23;
	v24 =	vand.u32 $0x7F, v24  }
0x2a8: {  	v56 =	vld.idx.msk [tilespmem:v29+s7+$0x0], $0xffff;
	v29 =	vand.u32 $0x7F, v28;
	v26 =	vshll.u32 v31, $0x7;
	v27 =	vor.u32 v13, v21  }
0x2a9: {  	v28 =	vadd.s32 s18, v14;
	v30 =	vand.u32 $0x7F, v17;
	v58 =	vor.u32 v13, v24  }
0x2aa: {  	v60 =	vor.u32 v12, v26;
	v61 =	vand.u32 $0x7F, v28;
	v31 =	vor.u32 v1, v30;
	[tilespmem:v20+s29+$0x0] =	vst.idx.msk $0xffff, v35  }
0x2ab: {  	v17 =	vadd.s32 s20, v14;
	[tilespmem:v19+s29+$0x0] =	vst.idx.msk $0xffff, v22;
	v20 =	vshll.u32 v54, $0x7;
	v19 =	vor.u32 v15, v61;
	v36 =	vld.idx.msk [tilespmem:v52+s7+$0x0], $0xffff  }
0x2ac: {  	v26 =	vand.u32 $0x7F, v17;
	[tilespmem:v18+s29+$0x0] =	vst.idx.msk $0xffff, v25;
	v18 =	vshll.u32 v21, $0x7;
	v62 =	vld.idx.msk [tilespmem:v55+s7+$0x0], $0xffff;
	v63 =	vor.u32 v12, v20  }
0x2ad: {  	v17 =	vshll.u32 v24, $0x7;
	[tilespmem:v23+s29+$0x0] =	vst.idx.msk $0xffff, v56;
	v20 =	vadd.s32 s31, v14;
	v28 =	vor.u32 v12, v18;
	v25 =	vld.idx.msk [tilespmem:v27+s7+$0x0], $0xffff  }
0x2ae: {  	s19 =	simm.s32 $0x7;
	v27 =	vor.u32 v12, v17;
	v24 =	vld.idx.msk [tilespmem:v58+s7+$0x0], $0xffff;
	v17 =	vand.u32 $0x7F, v20;
	v20 =	vor.u32 v15, v26  }
0x2af: {  	s4 =	simm.s32 $0x6;
	v34 =	vshll.u32 v61, $0x7;
	v21 =	vadd.s32 s19, v0;
	v18 =	vor.u32 v15, v17  }
0x2b0: {  	v22 =	vshll.u32 v57, $0x7;
	v23 =	vadd.s32 s4, v0;
	v32 =	vand.u32 $0x7F, v21;
	[tilespmem:v60+s29+$0x0] =	vst.idx.msk $0xffff, v36  }
0x2b1: {  	s18 =	simm.s32 $0x5;
	s20 =	simm.s32 $0x8;
	v21 =	vor.u32 v14, v22;
	v33 =	vor.u32 v1, v32;
	[tilespmem:v63+s29+$0x0] =	vst.idx.msk $0xffff, v62;
	v22 =	vld.idx.msk [tilespmem:v59+s7+$0x0], $0xffff  }
.LBB2_9:
0x2b2: {  	p1 =	slt.u32 s20, $0x7C;
	v35 =	vadd.s32 s18, v0;
	v23 =	vand.u32 $0x7F, v23;
	[tilespmem:v28+s29+$0x0] =	vst.idx.msk $0xffff, v25;
	v19 =	vld.idx.msk [tilespmem:v19+s7+$0x0], $0xffff;
	v25 =	vor.u32 v14, v34  }
0x2b3: {  	v28 =	vand.u32 $0x7F, v35;
	v34 =	vor.u32 v1, v23;
	[tilespmem:v27+s29+$0x0] =	vst.idx.msk $0xffff, v24;
	v20 =	vld.idx.msk [tilespmem:v20+s7+$0x0], $0xffff;
	v24 =	vshll.u32 v26, $0x7  }
0x2b4: {  	v17 =	vshll.u32 v17, $0x7;
	v26 =	vor.u32 v1, v28;
	v18 =	vld.idx.msk [tilespmem:v18+s7+$0x0], $0xffff;
	v24 =	vor.u32 v14, v24  }
0x2b5: {  	v27 =	vshll.u32 v30, $0x7;
	v30 =	vadd.s32 s19, v2;
	v17 =	vor.u32 v14, v17  }
0x2b6: {  	v35 =	vor.u32 v3, v29;
	v27 =	vor.u32 v0, v27;
	v30 =	vand.u32 $0x7F, v30;
	v31 =	vld.idx.msk [tilespmem:v31+s7+$0x0], $0xffff  }
0x2b7: {  	v36 =	vadd.s32 s4, v2;
	v32 =	vshll.u32 v32, $0x7;
	v37 =	vor.u32 v3, v30;
	v33 =	vld.idx.msk [tilespmem:v33+s7+$0x0], $0xffff;
	[tilespmem:v21+s29+$0x0] =	vst.idx.msk $0xffff, v22  }
0x2b8: {  	v32 =	vor.u32 v0, v32;
	v22 =	vshll.u32 v23, $0x7;
	v23 =	vand.u32 $0x7F, v36;
	v21 =	vld.idx.msk [tilespmem:v34+s7+$0x0], $0xffff;
	[tilespmem:v25+s29+$0x0] =	vst.idx.msk $0xffff, v19  }
0x2b9: {  	v25 =	vshll.u32 v28, $0x7;
	v22 =	vor.u32 v0, v22;
	v19 =	vld.idx.msk [tilespmem:v26+s7+$0x0], $0xffff;
	v26 =	vadd.s32 s18, v2;
	[tilespmem:v24+s29+$0x0] =	vst.idx.msk $0xffff, v20  }
0x2ba: {  	v20 =	vor.u32 v0, v25;
	v25 =	vor.u32 v3, v23;
	v24 =	vand.u32 $0x7F, v26;
	[tilespmem:v17+s29+$0x0] =	vst.idx.msk $0xffff, v18  }
0x2bb: {  	v16 =	vand.u32 $0x7F, v16;
	v17 =	vor.u32 v3, v24  }
0x2bc: {  	v18 =	vshll.u32 v29, $0x7;
	v26 =	vor.u32 v5, v16;
	[tilespmem:v27+s29+$0x0] =	vst.idx.msk $0xffff, v31;
	v27 =	vadd.s32 s19, v4  }
0x2bd: {  	v29 =	vadd.s32 s17, v6;
	v18 =	vor.u32 v2, v18;
	v28 =	vld.idx.msk [tilespmem:v35+s7+$0x0], $0xffff;
	[tilespmem:v32+s29+$0x0] =	vst.idx.msk $0xffff, v33;
	v27 =	vand.u32 $0x7F, v27  }
0x2be: {  	v30 =	vshll.u32 v30, $0x7;
	[tilespmem:v22+s29+$0x0] =	vst.idx.msk $0xffff, v21;
	v21 =	vadd.s32 s4, v4;
	v22 =	vld.idx.msk [tilespmem:v37+s7+$0x0], $0xffff;
	v31 =	vor.u32 v5, v27  }
0x2bf: {  	[tilespmem:v20+s29+$0x0] =	vst.idx.msk $0xffff, v19;
	v19 =	vld.idx.msk [tilespmem:v25+s7+$0x0], $0xffff;
	v20 =	vshll.u32 v23, $0x7;
	v21 =	vand.u32 $0x7F, v21;
	v23 =	vor.u32 v2, v30  }
0x2c0: {  	v24 =	vshll.u32 v24, $0x7;
	v25 =	vadd.s32 s18, v4;
	v17 =	vld.idx.msk [tilespmem:v17+s7+$0x0], $0xffff;
	v20 =	vor.u32 v2, v20  }
0x2c1: {  	v24 =	vor.u32 v2, v24;
	v25 =	vand.u32 $0x7F, v25;
	v30 =	vor.u32 v5, v21  }
0x2c2: {  	v29 =	vand.u32 $0x7F, v29;
	v32 =	vor.u32 v5, v25  }
0x2c3: {  	v16 =	vshll.u32 v16, $0x7;
	[tilespmem:v18+s29+$0x0] =	vst.idx.msk $0xffff, v28;
	v18 =	vor.u32 v7, v29;
	v28 =	vadd.s32 s19, v6  }
0x2c4: {  	v16 =	vor.u32 v4, v16;
	v33 =	vadd.s32 s17, v8;
	v26 =	vld.idx.msk [tilespmem:v26+s7+$0x0], $0xffff;
	[tilespmem:v23+s29+$0x0] =	vst.idx.msk $0xffff, v22;
	v22 =	vand.u32 $0x7F, v28  }
0x2c5: {  	v23 =	vshll.u32 v27, $0x7;
	[tilespmem:v20+s29+$0x0] =	vst.idx.msk $0xffff, v19;
	v19 =	vadd.s32 s4, v6;
	v20 =	vld.idx.msk [tilespmem:v31+s7+$0x0], $0xffff;
	v27 =	vor.u32 v7, v22  }
0x2c6: {  	v21 =	vshll.u32 v21, $0x7;
	v23 =	vor.u32 v4, v23;
	[tilespmem:v24+s29+$0x0] =	vst.idx.msk $0xffff, v17;
	v17 =	vld.idx.msk [tilespmem:v30+s7+$0x0], $0xffff;
	v19 =	vand.u32 $0x7F, v19  }
0x2c7: {  	v25 =	vshll.u32 v25, $0x7;
	v21 =	vor.u32 v4, v21;
	v28 =	vadd.s32 s18, v6;
	v24 =	vld.idx.msk [tilespmem:v32+s7+$0x0], $0xffff  }
0x2c8: {  	v25 =	vor.u32 v4, v25;
	v28 =	vand.u32 $0x7F, v28;
	v30 =	vor.u32 v7, v19  }
0x2c9: {  	v31 =	vand.u32 $0x7F, v33;
	v33 =	vor.u32 v7, v28;
	v32 =	vadd.s32 s17, v14  }
0x2ca: {  	[tilespmem:v16+s29+$0x0] =	vst.idx.msk $0xffff, v26;
	v16 =	vshll.u32 v29, $0x7;
	v26 =	vor.u32 v9, v31;
	v29 =	vadd.s32 s19, v8  }
0x2cb: {  	v34 =	vadd.s32 s17, v10;
	v18 =	vld.idx.msk [tilespmem:v18+s7+$0x0], $0xffff;
	v16 =	vor.u32 v6, v16;
	[tilespmem:v23+s29+$0x0] =	vst.idx.msk $0xffff, v20;
	v20 =	vand.u32 $0x7F, v29  }
0x2cc: {  	v22 =	vshll.u32 v22, $0x7;
	[tilespmem:v21+s29+$0x0] =	vst.idx.msk $0xffff, v17;
	v17 =	vadd.s32 s4, v8;
	v21 =	vld.idx.msk [tilespmem:v27+s7+$0x0], $0xffff;
	v23 =	vor.u32 v9, v20  }
0x2cd: {  	v22 =	vor.u32 v6, v22;
	v19 =	vshll.u32 v19, $0x7;
	[tilespmem:v25+s29+$0x0] =	vst.idx.msk $0xffff, v24;
	v24 =	vld.idx.msk [tilespmem:v30+s7+$0x0], $0xffff;
	v17 =	vand.u32 $0x7F, v17  }
0x2ce: {  	v19 =	vor.u32 v6, v19;
	v27 =	vshll.u32 v28, $0x7;
	v28 =	vadd.s32 s18, v8;
	v25 =	vld.idx.msk [tilespmem:v33+s7+$0x0], $0xffff  }
0x2cf: {  	v27 =	vor.u32 v6, v27;
	v28 =	vand.u32 $0x7F, v28;
	v29 =	vor.u32 v9, v17  }
0x2d0: {  	v30 =	vand.u32 $0x7F, v34;
	v33 =	vadd.s32 s17, v12;
	v34 =	vor.u32 v9, v28;
	s17 =	smov.u32 s20  }
0x2d1: {  	v35 =	vadd.s32 s19, v10;
	[tilespmem:v16+s29+$0x0] =	vst.idx.msk $0xffff, v18;
	v18 =	vshll.u32 v31, $0x7;
	v31 =	vor.u32 v11, v30  }
0x2d2: {  	v16 =	vadd.s32 s20, v4;
	v26 =	vld.idx.msk [tilespmem:v26+s7+$0x0], $0xffff;
	v18 =	vor.u32 v8, v18;
	[tilespmem:v22+s29+$0x0] =	vst.idx.msk $0xffff, v21;
	v21 =	vand.u32 $0x7F, v35  }
0x2d3: {  	v20 =	vshll.u32 v20, $0x7;
	[tilespmem:v19+s29+$0x0] =	vst.idx.msk $0xffff, v24;
	v19 =	vadd.s32 s4, v10;
	v22 =	vld.idx.msk [tilespmem:v23+s7+$0x0], $0xffff;
	v23 =	vor.u32 v11, v21  }
0x2d4: {  	v20 =	vor.u32 v8, v20;
	v17 =	vshll.u32 v17, $0x7;
	[tilespmem:v27+s29+$0x0] =	vst.idx.msk $0xffff, v25;
	v24 =	vld.idx.msk [tilespmem:v29+s7+$0x0], $0xffff;
	v19 =	vand.u32 $0x7F, v19  }
0x2d5: {  	v17 =	vor.u32 v8, v17;
	v27 =	vshll.u32 v28, $0x7;
	v28 =	vadd.s32 s18, v10;
	v25 =	vld.idx.msk [tilespmem:v34+s7+$0x0], $0xffff  }
0x2d6: {  	v27 =	vor.u32 v8, v27;
	v28 =	vand.u32 $0x7F, v28;
	v29 =	vor.u32 v11, v19  }
0x2d7: {  	v33 =	vand.u32 $0x7F, v33;
	v34 =	vadd.s32 s20, v2;
	v35 =	vor.u32 v11, v28  }
0x2d8: {  	[tilespmem:v18+s29+$0x0] =	vst.idx.msk $0xffff, v26;
	v18 =	vshll.u32 v30, $0x7;
	v26 =	vor.u32 v13, v33;
	v30 =	vadd.s32 s19, v12  }
0x2d9: {  	v36 =	vadd.s32 s20, v0;
	v31 =	vld.idx.msk [tilespmem:v31+s7+$0x0], $0xffff;
	v18 =	vor.u32 v10, v18;
	[tilespmem:v20+s29+$0x0] =	vst.idx.msk $0xffff, v22;
	v20 =	vand.u32 $0x7F, v30  }
0x2da: {  	v21 =	vshll.u32 v21, $0x7;
	[tilespmem:v17+s29+$0x0] =	vst.idx.msk $0xffff, v24;
	v17 =	vadd.s32 s4, v12;
	v22 =	vld.idx.msk [tilespmem:v23+s7+$0x0], $0xffff;
	v23 =	vor.u32 v13, v20  }
0x2db: {  	v21 =	vor.u32 v10, v21;
	v19 =	vshll.u32 v19, $0x7;
	[tilespmem:v27+s29+$0x0] =	vst.idx.msk $0xffff, v25;
	v24 =	vld.idx.msk [tilespmem:v29+s7+$0x0], $0xffff;
	v17 =	vand.u32 $0x7F, v17  }
0x2dc: {  	v19 =	vor.u32 v10, v19;
	v27 =	vshll.u32 v28, $0x7;
	v28 =	vadd.s32 s18, v12;
	v25 =	vld.idx.msk [tilespmem:v35+s7+$0x0], $0xffff  }
0x2dd: {  	v27 =	vor.u32 v10, v27;
	v28 =	vand.u32 $0x7F, v28;
	v35 =	vor.u32 v13, v17  }
0x2de: {  	v32 =	vand.u32 $0x7F, v32;
	v29 =	vand.u32 $0x7F, v34;
	v34 =	vor.u32 v13, v28  }
0x2df: {  	v37 =	vor.u32 v15, v32;
	[tilespmem:v18+s29+$0x0] =	vst.idx.msk $0xffff, v31;
	v18 =	vshll.u32 v33, $0x7;
	v31 =	vadd.s32 s19, v14  }
0x2e0: {  	v30 =	vand.u32 $0x7F, v36;
	v33 =	vld.idx.msk [tilespmem:v26+s7+$0x0], $0xffff;
	v36 =	vor.u32 v12, v18;
	[tilespmem:v21+s29+$0x0] =	vst.idx.msk $0xffff, v22;
	v38 =	vand.u32 $0x7F, v31  }
0x2e1: {  	v20 =	vshll.u32 v20, $0x7;
	v18 =	vadd.s32 s4, v14;
	[tilespmem:v19+s29+$0x0] =	vst.idx.msk $0xffff, v24;
	v39 =	vld.idx.msk [tilespmem:v23+s7+$0x0], $0xffff;
	v19 =	vor.u32 v15, v38  }
0x2e2: {  	v17 =	vshll.u32 v17, $0x7;
	v26 =	vand.u32 $0x7F, v18;
	[tilespmem:v27+s29+$0x0] =	vst.idx.msk $0xffff, v25;
	v25 =	vld.idx.msk [tilespmem:v35+s7+$0x0], $0xffff;
	v35 =	vor.u32 v12, v20  }
.Ltmp3:
0x2e3: {  	v18 =	vshll.u32 v28, $0x7;
	v28 =	vor.u32 v12, v17;
	v20 =	vadd.s32 s18, v14;
	v24 =	vld.idx.msk [tilespmem:v34+s7+$0x0], $0xffff;
	(pc) =	sbr.rel @p1 .LBB2_9-.Ltmp3, $4  }
0x2e4: {  	s19 =	sadd.s32 $0x3, s20;
	v27 =	vor.u32 v12, v18;
	v17 =	vand.u32 $0x7F, v20;
	v20 =	vor.u32 v15, v26  }
0x2e5: {  	v21 =	vadd.s32 s19, v0;
	v22 =	vshll.u32 v32, $0x7;
	v18 =	vor.u32 v15, v17  }
0x2e6: {  	v31 =	vor.u32 v1, v30;
	s4 =	sadd.s32 $0x2, s20;
	v32 =	vand.u32 $0x7F, v21;
	v21 =	vor.u32 v14, v22;
	[tilespmem:v36+s29+$0x0] =	vst.idx.msk $0xffff, v33  }
0x2e7: {  	s20 =	sadd.s32 $0x4, s20;
	v23 =	vadd.s32 s4, v0;
	s18 =	sadd.s32 $0x1, s17;
	v34 =	vshll.u32 v38, $0x7;
	v33 =	vor.u32 v1, v32;
	v22 =	vld.idx.msk [tilespmem:v37+s7+$0x0], $0xffff;
	[tilespmem:v35+s29+$0x0] =	vst.idx.msk $0xffff, v39  }
0x2e8: {  	v35 =	vadd.s32 s18, v0;
	v36 =	vand.u32 $0x7F, v23;
	v23 =	vor.u32 v14, v34  }
0x2e9: {  	v26 =	vshll.u32 v26, $0x7;
	v30 =	vshll.u32 v30, $0x7;
	v38 =	vadd.s32 s19, v2  }
0x2ea: {  	v39 =	vor.u32 v3, v29;
	v40 =	vadd.s32 s4, v2;
	v32 =	vshll.u32 v32, $0x7  }
0x2eb: {  	v42 =	vadd.s32 s18, v2;
	v16 =	vand.u32 $0x7F, v16;
	v29 =	vshll.u32 v29, $0x7  }
0x2ec: {  	v52 =	vadd.s32 s18, v4;
	v59 =	vadd.s32 s19, v6;
	v61 =	vadd.s32 s4, v6  }
0x2ed: {  	v17 =	vshll.u32 v17, $0x7;
	v46 =	vand.u32 $0x7F, v35;
	v47 =	vor.u32 v1, v36  }
0x2ee: {  	v30 =	vor.u32 v0, v30;
	v38 =	vand.u32 $0x7F, v38;
	v37 =	vor.u32 v1, v46  }
0x2ef: {  	v36 =	vshll.u32 v36, $0x7;
	v40 =	vand.u32 $0x7F, v40;
	v32 =	vor.u32 v0, v32  }
0x2f0: {  	v31 =	vld.idx.msk [tilespmem:v31+s7+$0x0], $0xffff;
	v42 =	vand.u32 $0x7F, v42;
	v45 =	vor.u32 v5, v16;
	v29 =	vor.u32 v2, v29  }
0x2f1: {  	v33 =	vld.idx.msk [tilespmem:v33+s7+$0x0], $0xffff;
	v16 =	vshll.u32 v16, $0x7;
	v60 =	vand.u32 $0x7F, v59;
	v41 =	vor.u32 v3, v38  }
0x2f2: {  	v34 =	vshll.u32 v46, $0x7;
	v36 =	vor.u32 v0, v36;
	v43 =	vor.u32 v3, v40;
	v35 =	vld.idx.msk [tilespmem:v47+s7+$0x0], $0xffff  }
0x2f3: {  	v44 =	vor.u32 v3, v42;
	v46 =	vadd.s32 s19, v4;
	v34 =	vor.u32 v0, v34;
	v37 =	vld.idx.msk [tilespmem:v37+s7+$0x0], $0xffff  }
0x2f4: {  	v49 =	vshll.u32 v40, $0x7;
	v51 =	vshll.u32 v42, $0x7;
	v16 =	vor.u32 v4, v16  }
0x2f5: {  	v63 =	vor.u32 v7, v60;
	v42 =	vadd.s32 s17, v14;
	v46 =	vand.u32 $0x7F, v46;
	[tilespmem:v30+s29+$0x0] =	vst.idx.msk $0xffff, v31  }
0x2f6: {  	v62 =	vshll.u32 v46, $0x7;
	v30 =	vadd.s32 s4, v4;
	v31 =	vshll.u32 v38, $0x7;
	[tilespmem:v32+s29+$0x0] =	vst.idx.msk $0xffff, v33;
	v48 =	vld.idx.msk [tilespmem:v39+s7+$0x0], $0xffff  }
0x2f7: {  	v38 =	vor.u32 v5, v46;
	v31 =	vor.u32 v2, v31;
	v50 =	vld.idx.msk [tilespmem:v41+s7+$0x0], $0xffff;
	[tilespmem:v36+s29+$0x0] =	vst.idx.msk $0xffff, v35  }
0x2f8: {  	v47 =	vadd.s32 s17, v6;
	v33 =	vor.u32 v2, v49;
	v30 =	vand.u32 $0x7F, v30;
	v53 =	vld.idx.msk [tilespmem:v43+s7+$0x0], $0xffff;
	[tilespmem:v34+s29+$0x0] =	vst.idx.msk $0xffff, v37  }
0x2f9: {  	v39 =	vand.u32 $0x7F, v52;
	v54 =	vor.u32 v5, v30;
	v36 =	vor.u32 v2, v51;
	v57 =	vld.idx.msk [tilespmem:v44+s7+$0x0], $0xffff  }
0x2fa: {  	v49 =	vand.u32 $0x7F, v61;
	v32 =	vshll.u32 v60, $0x7;
	v56 =	vor.u32 v5, v39  }
0x2fb: {  	v55 =	vand.u32 $0x7F, v47;
	v52 =	vor.u32 v7, v49;
	v32 =	vor.u32 v6, v32;
	[tilespmem:v29+s29+$0x0] =	vst.idx.msk $0xffff, v48  }
0x2fc: {  	v58 =	vor.u32 v7, v55;
	v30 =	vshll.u32 v30, $0x7;
	v39 =	vshll.u32 v39, $0x7;
	[tilespmem:v31+s29+$0x0] =	vst.idx.msk $0xffff, v50;
	v31 =	vld.idx.msk [tilespmem:v45+s7+$0x0], $0xffff  }
0x2fd: {  	v30 =	vor.u32 v4, v30;
	v35 =	vor.u32 v4, v62;
	v48 =	vld.idx.msk [tilespmem:v38+s7+$0x0], $0xffff;
	[tilespmem:v33+s29+$0x0] =	vst.idx.msk $0xffff, v53  }
0x2fe: {  	v60 =	vadd.s32 s17, v12;
	v39 =	vor.u32 v4, v39;
	v50 =	vadd.s32 s18, v6;
	v40 =	vld.idx.msk [tilespmem:v54+s7+$0x0], $0xffff;
	[tilespmem:v36+s29+$0x0] =	vst.idx.msk $0xffff, v57  }
0x2ff: {  	v29 =	vadd.s32 s17, v8;
	v34 =	vshll.u32 v55, $0x7;
	v51 =	vand.u32 $0x7F, v50;
	v37 =	vld.idx.msk [tilespmem:v56+s7+$0x0], $0xffff  }
0x300: {  	[tilespmem:v28+s29+$0x0] =	vst.idx.msk $0xffff, v25;
	v55 =	vadd.s32 s17, v10;
	v38 =	vshll.u32 v49, $0x7;
	v53 =	vor.u32 v7, v51  }
0x301: {  	v29 =	vand.u32 $0x7F, v29;
	v34 =	vor.u32 v6, v34;
	v38 =	vor.u32 v6, v38;
	[tilespmem:v16+s29+$0x0] =	vst.idx.msk $0xffff, v31  }
0x302: {  	v45 =	vadd.s32 s4, v10;
	v16 =	vor.u32 v9, v29;
	v31 =	vadd.s32 s19, v8;
	[tilespmem:v35+s29+$0x0] =	vst.idx.msk $0xffff, v48;
	v54 =	vld.idx.msk [tilespmem:v58+s7+$0x0], $0xffff  }
0x303: {  	v36 =	vshll.u32 v51, $0x7;
	v31 =	vand.u32 $0x7F, v31;
	v56 =	vld.idx.msk [tilespmem:v63+s7+$0x0], $0xffff;
	[tilespmem:v30+s29+$0x0] =	vst.idx.msk $0xffff, v40;
	v30 =	vadd.s32 s4, v8  }
0x304: {  	v58 =	vadd.s32 s18, v8;
	v57 =	vor.u32 v9, v31;
	v41 =	vld.idx.msk [tilespmem:v52+s7+$0x0], $0xffff;
	[tilespmem:v39+s29+$0x0] =	vst.idx.msk $0xffff, v37;
	v30 =	vand.u32 $0x7F, v30  }
0x305: {  	v36 =	vor.u32 v6, v36;
	v37 =	vand.u32 $0x7F, v58;
	v39 =	vld.idx.msk [tilespmem:v53+s7+$0x0], $0xffff;
	v59 =	vor.u32 v9, v30  }
0x306: {  	[tilespmem:v27+s29+$0x0] =	vst.idx.msk $0xffff, v24;
	v25 =	vand.u32 $0x7F, v45;
	v35 =	vand.u32 $0x7F, v55;
	v61 =	vor.u32 v9, v37  }
0x307: {  	v24 =	vor.u32 v11, v25;
	v29 =	vshll.u32 v29, $0x7;
	v62 =	vor.u32 v11, v35;
	[tilespmem:v34+s29+$0x0] =	vst.idx.msk $0xffff, v54  }
0x308: {  	v49 =	vadd.s32 s18, v10;
	v29 =	vor.u32 v8, v29;
	v31 =	vshll.u32 v31, $0x7;
	[tilespmem:v32+s29+$0x0] =	vst.idx.msk $0xffff, v56;
	v16 =	vld.idx.msk [tilespmem:v16+s7+$0x0], $0xffff  }
0x309: {  	v63 =	vadd.s32 s19, v10;
	v31 =	vor.u32 v8, v31;
	v46 =	vld.idx.msk [tilespmem:v57+s7+$0x0], $0xffff;
	v30 =	vshll.u32 v30, $0x7;
	[tilespmem:v38+s29+$0x0] =	vst.idx.msk $0xffff, v41  }
0x30a: {  	v40 =	vand.u32 $0x7F, v63;
	v37 =	vshll.u32 v37, $0x7;
	v30 =	vor.u32 v8, v30;
	[tilespmem:v36+s29+$0x0] =	vst.idx.msk $0xffff, v39;
	v48 =	vld.idx.msk [tilespmem:v59+s7+$0x0], $0xffff  }
0x30b: {  	v25 =	vshll.u32 v25, $0x7;
	v47 =	vor.u32 v11, v40;
	v50 =	vor.u32 v8, v37;
	v28 =	vld.idx.msk [tilespmem:v61+s7+$0x0], $0xffff  }
0x30c: {  	v27 =	vand.u32 $0x7F, v60;
	v25 =	vor.u32 v10, v25;
	v51 =	vand.u32 $0x7F, v49  }
0x30d: {  	v55 =	vadd.s32 s4, v12;
	v52 =	vor.u32 v11, v51;
	[tilespmem:v29+s29+$0x0] =	vst.idx.msk $0xffff, v16;
	v16 =	vshll.u32 v35, $0x7  }
0x30e: {  	v58 =	vshll.u32 v51, $0x7;
	v53 =	vadd.s32 s19, v12;
	[tilespmem:v31+s29+$0x0] =	vst.idx.msk $0xffff, v46;
	v31 =	vld.idx.msk [tilespmem:v62+s7+$0x0], $0xffff;
	v16 =	vor.u32 v10, v16  }
0x30f: {  	v57 =	vand.u32 $0x7F, v55;
	v54 =	vand.u32 $0x7F, v53;
	[tilespmem:v30+s29+$0x0] =	vst.idx.msk $0xffff, v48;
	v30 =	vshll.u32 v40, $0x7  }
0x310: {  	v29 =	vor.u32 v13, v27;
	[tilespmem:v50+s29+$0x0] =	vst.idx.msk $0xffff, v28;
	v28 =	vld.idx.msk [tilespmem:v47+s7+$0x0], $0xffff;
	v30 =	vor.u32 v10, v30  }
0x311: {  	v60 =	vor.u32 v13, v57;
	v56 =	vor.u32 v13, v54;
	v59 =	vadd.s32 s18, v12;
	v24 =	vld.idx.msk [tilespmem:v24+s7+$0x0], $0xffff  }
0x312: {  	[tilespmem:v21+s29+$0x0] =	vst.idx.msk $0xffff, v22;
	v35 =	vor.u32 v10, v58;
	v22 =	vand.u32 $0x7F, v59;
	v61 =	vand.u32 $0x7F, v42;
	v21 =	vld.idx.msk [tilespmem:v52+s7+$0x0], $0xffff  }
0x313: {  	v62 =	vor.u32 v13, v22;
	[tilespmem:v16+s29+$0x0] =	vst.idx.msk $0xffff, v31;
	v16 =	vshll.u32 v27, $0x7;
	v27 =	vadd.s32 s19, v14  }
0x314: {  	v19 =	vld.idx.msk [tilespmem:v19+s7+$0x0], $0xffff;
	v31 =	vor.u32 v15, v61;
	v16 =	vor.u32 v12, v16;
	v27 =	vand.u32 $0x7F, v27  }
0x315: {  	v36 =	vadd.s32 s18, v14;
	v29 =	vld.idx.msk [tilespmem:v29+s7+$0x0], $0xffff;
	v63 =	vor.u32 v15, v27;
	[tilespmem:v30+s29+$0x0] =	vst.idx.msk $0xffff, v28;
	v30 =	vshll.u32 v54, $0x7  }
0x316: {  	v28 =	vadd.s32 s4, v14;
	[tilespmem:v25+s29+$0x0] =	vst.idx.msk $0xffff, v24;
	v25 =	vshll.u32 v57, $0x7;
	v24 =	vld.idx.msk [tilespmem:v56+s7+$0x0], $0xffff;
	v30 =	vor.u32 v12, v30  }
0x317: {  	v22 =	vshll.u32 v22, $0x7;
	v28 =	vand.u32 $0x7F, v28;
	[tilespmem:v35+s29+$0x0] =	vst.idx.msk $0xffff, v21;
	v21 =	vld.idx.msk [tilespmem:v60+s7+$0x0], $0xffff;
	v25 =	vor.u32 v12, v25  }
0x318: {  	v33 =	vand.u32 $0x7F, v36;
	v22 =	vor.u32 v12, v22;
	v39 =	vld.idx.msk [tilespmem:v62+s7+$0x0], $0xffff;
	v40 =	vor.u32 v15, v28  }
0x319: {  	v20 =	vld.idx.msk [tilespmem:v20+s7+$0x0], $0xffff;
	v26 =	vor.u32 v14, v26;
	[tilespmem:v23+s29+$0x0] =	vst.idx.msk $0xffff, v19;
	v19 =	vor.u32 v15, v33  }
0x31a: {  	v18 =	vld.idx.msk [tilespmem:v18+s7+$0x0], $0xffff;
	v17 =	vor.u32 v14, v17;
	v23 =	vshll.u32 v61, $0x7;
	[tilespmem:v16+s29+$0x0] =	vst.idx.msk $0xffff, v29  }
0x31b: {  	v16 =	vor.u32 v14, v23;
	v23 =	vld.idx.msk [tilespmem:v31+s7+$0x0], $0xffff;
	[tilespmem:v30+s29+$0x0] =	vst.idx.msk $0xffff, v24;
	v24 =	vshll.u32 v27, $0x7  }
0x31c: {  	[tilespmem:v25+s29+$0x0] =	vst.idx.msk $0xffff, v21;
	v25 =	vshll.u32 v28, $0x7;
	v21 =	vld.idx.msk [tilespmem:v63+s7+$0x0], $0xffff;
	v24 =	vor.u32 v14, v24  }
0x31d: {  	v27 =	vshll.u32 v33, $0x7;
	[tilespmem:v22+s29+$0x0] =	vst.idx.msk $0xffff, v39;
	v22 =	vld.idx.msk [tilespmem:v40+s7+$0x0], $0xffff;
	v25 =	vor.u32 v14, v25  }
0x31e: {  	[tilespmem:v26+s29+$0x0] =	vst.idx.msk $0xffff, v20;
	v20 =	vor.u32 v14, v27;
	v19 =	vld.idx.msk [tilespmem:v19+s7+$0x0], $0xffff  }
0x31f: {  	[tilespmem:v17+s29+$0x0] =	vst.idx.msk $0xffff, v18  }
0x320: {  	[tilespmem:v16+s29+$0x0] =	vst.idx.msk $0xffff, v23  }
0x321: {  	[tilespmem:v24+s29+$0x0] =	vst.idx.msk $0xffff, v21  }
0x322: {  	[tilespmem:v25+s29+$0x0] =	vst.idx.msk $0xffff, v22  }
0x323: {  	s31 =	sadd.s32 $0xC000, s15;
	s18 =	simm.s32 $0x3;
	[tilespmem:v20+s29+$0x0] =	vst.idx.msk $0xffff, v19  }
0x324: {  	[hbm4b:s31+s1] =	stream.strided.scatter [tilespmem:s29], [sflag:$0x4], $0x4000, s26, s1, $0x38;
	[tilespmem:$0x1FC00] =	vst v63  }
0x325: {  	v26 =	vadd.s32 s18, v2;
	v49 =	vadd.s32 s18, v10;
	s4 =	simm.s32 $0x0  }
0x326: {  	v53 =	vadd.s32 s18, v12;
	v26 =	vand.u32 $0x7F, v26;
	v18 =	vadd.s32 s4, v0;
	[tilespmem:s7], [sflag:$0x2] =	stream.indirect.gather [spmem:s11], $0x80, s16, s25, $0xb8;
	[tilespmem:$0x1FC00] =	vst v63  }
0x327: {  	s20 =	simm.s32 $0x2;
	v50 =	vand.u32 $0x7F, v49;
	v18 =	vand.u32 $0x7F, v18;
	v19 =	vadd.s32 s18, v0;
	_ =	swait.ge [sflag:s21], $0x4000  }
0x328: {  	v21 =	vadd.s32 s20, v0;
	v20 =	vor.u32 v1, v18;
	v19 =	vand.u32 $0x7F, v19;
	s31 =	simm.s32 $0x1;
	[sflag:s21] =	ssyncset.done $0x0  }
0x329: {  	v21 =	vand.u32 $0x7F, v21;
	v22 =	vor.u32 v1, v19;
	v23 =	vadd.s32 s31, v0;
	[sflag:s21] =	ssyncadd.s32 $0xFFFFC000  }
0x32a: {  	v51 =	vor.u32 v11, v50;
	v24 =	vor.u32 v1, v21;
	v23 =	vand.u32 $0x7F, v23;
	_ =	swait.ge [sflag:s30], $0x4000  }
0x32b: {  	v54 =	vand.u32 $0x7F, v53;
	v17 =	vadd.s32 s4, v2;
	v25 =	vor.u32 v1, v23;
	[sflag:s30] =	ssyncset.done $0x0  }
0x32c: {  	v29 =	vor.u32 v3, v26;
	v55 =	vor.u32 v13, v54;
	v18 =	vshll.u32 v18, $0x7;
	[sflag:s30] =	ssyncadd.s32 $0xFFFFC000  }
0x32d: {  	v17 =	vand.u32 $0x7F, v17;
	v18 =	vor.u32 v0, v18;
	v19 =	vshll.u32 v19, $0x7;
	v20 =	vld.idx.msk [tilespmem:v20+s0+$0x0], $0xffff  }
0x32e: {  	v28 =	vadd.s32 s20, v2;
	v21 =	vshll.u32 v21, $0x7;
	v19 =	vor.u32 v0, v19;
	v22 =	vld.idx.msk [tilespmem:v22+s0+$0x0], $0xffff  }
0x32f: {  	v16 =	vadd.s32 s4, v4;
	v21 =	vor.u32 v0, v21;
	v23 =	vshll.u32 v23, $0x7;
	v24 =	vld.idx.msk [tilespmem:v24+s0+$0x0], $0xffff  }
0x330: {  	v27 =	vor.u32 v3, v17;
	v28 =	vand.u32 $0x7F, v28;
	v23 =	vor.u32 v0, v23;
	v25 =	vld.idx.msk [tilespmem:v25+s0+$0x0], $0xffff  }
0x331: {  	v17 =	vshll.u32 v17, $0x7;
	v31 =	vor.u32 v3, v28;
	v30 =	vadd.s32 s31, v2  }
0x332: {  	v16 =	vand.u32 $0x7F, v16;
	v17 =	vor.u32 v2, v17;
	v30 =	vand.u32 $0x7F, v30;
	[tilespmem:v18+s24+$0x0] =	vst.idx.msk $0xffff, v20  }
0x333: {  	v44 =	vadd.s32 s18, v6;
	v42 =	vor.u32 v5, v16;
	v41 =	vor.u32 v3, v30;
	[tilespmem:v19+s24+$0x0] =	vst.idx.msk $0xffff, v22  }
0x334: {  	v18 =	vadd.s32 s18, v4;
	v20 =	vadd.s32 s4, v6;
	v19 =	vadd.s32 s20, v4;
	[tilespmem:v21+s24+$0x0] =	vst.idx.msk $0xffff, v24  }
0x335: {  	v22 =	vshll.u32 v26, $0x7;
	v24 =	vshll.u32 v28, $0x7;
	[tilespmem:v23+s24+$0x0] =	vst.idx.msk $0xffff, v25;
	v23 =	vshll.u32 v30, $0x7;
	v26 =	vld.idx.msk [tilespmem:v27+s0+$0x0], $0xffff  }
0x336: {  	v25 =	vadd.s32 s31, v4;
	v18 =	vand.u32 $0x7F, v18;
	v27 =	vld.idx.msk [tilespmem:v29+s0+$0x0], $0xffff;
	v22 =	vor.u32 v2, v22  }
0x337: {  	v19 =	vand.u32 $0x7F, v19;
	v28 =	vld.idx.msk [tilespmem:v31+s0+$0x0], $0xffff;
	v24 =	vor.u32 v2, v24;
	v21 =	vor.u32 v5, v18  }
0x338: {  	v23 =	vor.u32 v2, v23;
	v25 =	vand.u32 $0x7F, v25;
	v29 =	vld.idx.msk [tilespmem:v41+s0+$0x0], $0xffff;
	v30 =	vor.u32 v5, v19  }
0x339: {  	v16 =	vshll.u32 v16, $0x7;
	v20 =	vand.u32 $0x7F, v20;
	v31 =	vor.u32 v5, v25  }
0x33a: {  	v16 =	vor.u32 v4, v16;
	v43 =	vor.u32 v7, v20;
	v18 =	vshll.u32 v18, $0x7;
	[tilespmem:v17+s24+$0x0] =	vst.idx.msk $0xffff, v26  }
0x33b: {  	v46 =	vadd.s32 s18, v8;
	v19 =	vshll.u32 v19, $0x7;
	v18 =	vor.u32 v4, v18;
	[tilespmem:v22+s24+$0x0] =	vst.idx.msk $0xffff, v27;
	v33 =	vld.idx.msk [tilespmem:v42+s0+$0x0], $0xffff  }
0x33c: {  	v47 =	vand.u32 $0x7F, v46;
	v19 =	vor.u32 v4, v19;
	v26 =	vand.u32 $0x7F, v44;
	[tilespmem:v24+s24+$0x0] =	vst.idx.msk $0xffff, v28;
	v21 =	vld.idx.msk [tilespmem:v21+s0+$0x0], $0xffff  }
0x33d: {  	v22 =	vadd.s32 s20, v6;
	[tilespmem:v23+s24+$0x0] =	vst.idx.msk $0xffff, v29;
	v23 =	vshll.u32 v25, $0x7;
	v24 =	vadd.s32 s31, v6;
	v25 =	vld.idx.msk [tilespmem:v30+s0+$0x0], $0xffff  }
0x33e: {  	v27 =	vor.u32 v7, v26;
	v22 =	vand.u32 $0x7F, v22;
	v23 =	vor.u32 v4, v23;
	v29 =	vld.idx.msk [tilespmem:v31+s0+$0x0], $0xffff  }
0x33f: {  	v17 =	vadd.s32 s4, v8;
	v24 =	vand.u32 $0x7F, v24;
	v28 =	vor.u32 v7, v22  }
0x340: {  	v20 =	vshll.u32 v20, $0x7;
	v17 =	vand.u32 $0x7F, v17;
	v31 =	vor.u32 v7, v24;
	[tilespmem:v16+s24+$0x0] =	vst.idx.msk $0xffff, v33  }
0x341: {  	v30 =	vadd.s32 s4, v14;
	v45 =	vor.u32 v9, v17;
	v16 =	vor.u32 v6, v20;
	[tilespmem:v18+s24+$0x0] =	vst.idx.msk $0xffff, v21  }
0x342: {  	v18 =	vadd.s32 s20, v8;
	v21 =	vshll.u32 v26, $0x7;
	v26 =	vor.u32 v9, v47;
	[tilespmem:v19+s24+$0x0] =	vst.idx.msk $0xffff, v25;
	v32 =	vld.idx.msk [tilespmem:v43+s0+$0x0], $0xffff  }
0x343: {  	v19 =	vshll.u32 v22, $0x7;
	[tilespmem:v23+s24+$0x0] =	vst.idx.msk $0xffff, v29;
	v23 =	vshll.u32 v24, $0x7;
	v21 =	vor.u32 v6, v21;
	v22 =	vld.idx.msk [tilespmem:v27+s0+$0x0], $0xffff  }
0x344: {  	v24 =	vadd.s32 s31, v8;
	v18 =	vand.u32 $0x7F, v18;
	v19 =	vor.u32 v6, v19;
	v25 =	vld.idx.msk [tilespmem:v28+s0+$0x0], $0xffff  }
0x345: {  	v23 =	vor.u32 v6, v23;
	v24 =	vand.u32 $0x7F, v24;
	v28 =	vld.idx.msk [tilespmem:v31+s0+$0x0], $0xffff;
	v27 =	vor.u32 v9, v18  }
0x346: {  	v17 =	vshll.u32 v17, $0x7;
	v57 =	vand.u32 $0x7F, v30;
	v31 =	vor.u32 v9, v24  }
0x347: {  	v17 =	vor.u32 v8, v17;
	v59 =	vor.u32 v15, v57;
	[tilespmem:v16+s24+$0x0] =	vst.idx.msk $0xffff, v32  }
0x348: {  	v20 =	vadd.s32 s4, v10;
	[tilespmem:v21+s24+$0x0] =	vst.idx.msk $0xffff, v22;
	v21 =	vadd.s32 s20, v10;
	v22 =	vshll.u32 v47, $0x7;
	v34 =	vld.idx.msk [tilespmem:v45+s0+$0x0], $0xffff  }
0x349: {  	v18 =	vshll.u32 v18, $0x7;
	[tilespmem:v19+s24+$0x0] =	vst.idx.msk $0xffff, v25;
	v19 =	vand.u32 $0x7F, v21;
	v21 =	vor.u32 v8, v22;
	v22 =	vld.idx.msk [tilespmem:v26+s0+$0x0], $0xffff  }
0x34a: {  	v20 =	vand.u32 $0x7F, v20;
	v18 =	vor.u32 v8, v18;
	[tilespmem:v23+s24+$0x0] =	vst.idx.msk $0xffff, v28;
	v23 =	vshll.u32 v24, $0x7;
	v25 =	vld.idx.msk [tilespmem:v27+s0+$0x0], $0xffff  }
0x34b: {  	v48 =	vor.u32 v11, v20;
	v20 =	vshll.u32 v20, $0x7;
	v23 =	vor.u32 v8, v23;
	v27 =	vld.idx.msk [tilespmem:v31+s0+$0x0], $0xffff  }
0x34c: {  	s17 =	simm.s32 $0x4;
	v29 =	vadd.s32 s4, v12;
	v20 =	vor.u32 v10, v20;
	v24 =	vadd.s32 s31, v10  }
0x34d: {  	v16 =	vadd.s32 s17, v4;
	v24 =	vand.u32 $0x7F, v24;
	v26 =	vor.u32 v11, v19;
	[tilespmem:v17+s24+$0x0] =	vst.idx.msk $0xffff, v34  }
0x34e: {  	v28 =	vadd.s32 s17, v2;
	v31 =	vand.u32 $0x7F, v29;
	v29 =	vor.u32 v11, v24;
	[tilespmem:v21+s24+$0x0] =	vst.idx.msk $0xffff, v22  }
0x34f: {  	v52 =	vor.u32 v13, v31;
	v17 =	vadd.s32 s17, v0;
	v21 =	vadd.s32 s20, v12;
	[tilespmem:v18+s24+$0x0] =	vst.idx.msk $0xffff, v25  }
0x350: {  	v22 =	vshll.u32 v50, $0x7;
	v18 =	vshll.u32 v19, $0x7;
	[tilespmem:v23+s24+$0x0] =	vst.idx.msk $0xffff, v27;
	v23 =	vshll.u32 v24, $0x7;
	v35 =	vld.idx.msk [tilespmem:v48+s0+$0x0], $0xffff  }
0x351: {  	v24 =	vadd.s32 s31, v12;
	v21 =	vand.u32 $0x7F, v21;
	v19 =	vor.u32 v10, v22;
	v22 =	vld.idx.msk [tilespmem:v51+s0+$0x0], $0xffff  }
0x352: {  	v18 =	vor.u32 v10, v18;
	v25 =	vld.idx.msk [tilespmem:v26+s0+$0x0], $0xffff;
	v23 =	vor.u32 v10, v23;
	v24 =	vand.u32 $0x7F, v24  }
0x353: {  	v56 =	vld.idx.msk [tilespmem:v29+s0+$0x0], $0xffff;
	v29 =	vand.u32 $0x7F, v28;
	v26 =	vshll.u32 v31, $0x7;
	v27 =	vor.u32 v13, v21  }
0x354: {  	v28 =	vadd.s32 s18, v14;
	v30 =	vand.u32 $0x7F, v17;
	v58 =	vor.u32 v13, v24  }
0x355: {  	v60 =	vor.u32 v12, v26;
	v61 =	vand.u32 $0x7F, v28;
	v31 =	vor.u32 v1, v30;
	[tilespmem:v20+s24+$0x0] =	vst.idx.msk $0xffff, v35  }
0x356: {  	v17 =	vadd.s32 s20, v14;
	[tilespmem:v19+s24+$0x0] =	vst.idx.msk $0xffff, v22;
	v20 =	vshll.u32 v54, $0x7;
	v19 =	vor.u32 v15, v61;
	v36 =	vld.idx.msk [tilespmem:v52+s0+$0x0], $0xffff  }
0x357: {  	v26 =	vand.u32 $0x7F, v17;
	[tilespmem:v18+s24+$0x0] =	vst.idx.msk $0xffff, v25;
	v18 =	vshll.u32 v21, $0x7;
	v62 =	vld.idx.msk [tilespmem:v55+s0+$0x0], $0xffff;
	v63 =	vor.u32 v12, v20  }
0x358: {  	v17 =	vshll.u32 v24, $0x7;
	[tilespmem:v23+s24+$0x0] =	vst.idx.msk $0xffff, v56;
	v20 =	vadd.s32 s31, v14;
	v28 =	vor.u32 v12, v18;
	v25 =	vld.idx.msk [tilespmem:v27+s0+$0x0], $0xffff  }
0x359: {  	s19 =	simm.s32 $0x7;
	v27 =	vor.u32 v12, v17;
	v24 =	vld.idx.msk [tilespmem:v58+s0+$0x0], $0xffff;
	v17 =	vand.u32 $0x7F, v20;
	v20 =	vor.u32 v15, v26  }
0x35a: {  	s4 =	simm.s32 $0x6;
	v34 =	vshll.u32 v61, $0x7;
	v21 =	vadd.s32 s19, v0;
	v18 =	vor.u32 v15, v17  }
0x35b: {  	v22 =	vshll.u32 v57, $0x7;
	v23 =	vadd.s32 s4, v0;
	v32 =	vand.u32 $0x7F, v21;
	[tilespmem:v60+s24+$0x0] =	vst.idx.msk $0xffff, v36  }
0x35c: {  	s18 =	simm.s32 $0x5;
	s20 =	simm.s32 $0x8;
	v21 =	vor.u32 v14, v22;
	v33 =	vor.u32 v1, v32;
	[tilespmem:v63+s24+$0x0] =	vst.idx.msk $0xffff, v62;
	v22 =	vld.idx.msk [tilespmem:v59+s0+$0x0], $0xffff  }
.LBB2_11:
0x35d: {  	p1 =	slt.u32 s20, $0x7C;
	v35 =	vadd.s32 s18, v0;
	v23 =	vand.u32 $0x7F, v23;
	[tilespmem:v28+s24+$0x0] =	vst.idx.msk $0xffff, v25;
	v19 =	vld.idx.msk [tilespmem:v19+s0+$0x0], $0xffff;
	v25 =	vor.u32 v14, v34  }
0x35e: {  	v28 =	vand.u32 $0x7F, v35;
	v34 =	vor.u32 v1, v23;
	[tilespmem:v27+s24+$0x0] =	vst.idx.msk $0xffff, v24;
	v20 =	vld.idx.msk [tilespmem:v20+s0+$0x0], $0xffff;
	v24 =	vshll.u32 v26, $0x7  }
0x35f: {  	v17 =	vshll.u32 v17, $0x7;
	v26 =	vor.u32 v1, v28;
	v18 =	vld.idx.msk [tilespmem:v18+s0+$0x0], $0xffff;
	v24 =	vor.u32 v14, v24  }
0x360: {  	v27 =	vshll.u32 v30, $0x7;
	v30 =	vadd.s32 s19, v2;
	v17 =	vor.u32 v14, v17  }
0x361: {  	v35 =	vor.u32 v3, v29;
	v27 =	vor.u32 v0, v27;
	v30 =	vand.u32 $0x7F, v30;
	v31 =	vld.idx.msk [tilespmem:v31+s0+$0x0], $0xffff  }
0x362: {  	v36 =	vadd.s32 s4, v2;
	v32 =	vshll.u32 v32, $0x7;
	v37 =	vor.u32 v3, v30;
	v33 =	vld.idx.msk [tilespmem:v33+s0+$0x0], $0xffff;
	[tilespmem:v21+s24+$0x0] =	vst.idx.msk $0xffff, v22  }
0x363: {  	v32 =	vor.u32 v0, v32;
	v22 =	vshll.u32 v23, $0x7;
	v23 =	vand.u32 $0x7F, v36;
	v21 =	vld.idx.msk [tilespmem:v34+s0+$0x0], $0xffff;
	[tilespmem:v25+s24+$0x0] =	vst.idx.msk $0xffff, v19  }
0x364: {  	v25 =	vshll.u32 v28, $0x7;
	v22 =	vor.u32 v0, v22;
	v19 =	vld.idx.msk [tilespmem:v26+s0+$0x0], $0xffff;
	v26 =	vadd.s32 s18, v2;
	[tilespmem:v24+s24+$0x0] =	vst.idx.msk $0xffff, v20  }
0x365: {  	v20 =	vor.u32 v0, v25;
	v25 =	vor.u32 v3, v23;
	v24 =	vand.u32 $0x7F, v26;
	[tilespmem:v17+s24+$0x0] =	vst.idx.msk $0xffff, v18  }
0x366: {  	v16 =	vand.u32 $0x7F, v16;
	v17 =	vor.u32 v3, v24  }
0x367: {  	v18 =	vshll.u32 v29, $0x7;
	v26 =	vor.u32 v5, v16;
	[tilespmem:v27+s24+$0x0] =	vst.idx.msk $0xffff, v31;
	v27 =	vadd.s32 s19, v4  }
0x368: {  	v29 =	vadd.s32 s17, v6;
	v18 =	vor.u32 v2, v18;
	v28 =	vld.idx.msk [tilespmem:v35+s0+$0x0], $0xffff;
	[tilespmem:v32+s24+$0x0] =	vst.idx.msk $0xffff, v33;
	v27 =	vand.u32 $0x7F, v27  }
0x369: {  	v30 =	vshll.u32 v30, $0x7;
	[tilespmem:v22+s24+$0x0] =	vst.idx.msk $0xffff, v21;
	v21 =	vadd.s32 s4, v4;
	v22 =	vld.idx.msk [tilespmem:v37+s0+$0x0], $0xffff;
	v31 =	vor.u32 v5, v27  }
0x36a: {  	[tilespmem:v20+s24+$0x0] =	vst.idx.msk $0xffff, v19;
	v19 =	vld.idx.msk [tilespmem:v25+s0+$0x0], $0xffff;
	v20 =	vshll.u32 v23, $0x7;
	v21 =	vand.u32 $0x7F, v21;
	v23 =	vor.u32 v2, v30  }
0x36b: {  	v24 =	vshll.u32 v24, $0x7;
	v25 =	vadd.s32 s18, v4;
	v17 =	vld.idx.msk [tilespmem:v17+s0+$0x0], $0xffff;
	v20 =	vor.u32 v2, v20  }
0x36c: {  	v24 =	vor.u32 v2, v24;
	v25 =	vand.u32 $0x7F, v25;
	v30 =	vor.u32 v5, v21  }
0x36d: {  	v29 =	vand.u32 $0x7F, v29;
	v32 =	vor.u32 v5, v25  }
0x36e: {  	v16 =	vshll.u32 v16, $0x7;
	[tilespmem:v18+s24+$0x0] =	vst.idx.msk $0xffff, v28;
	v18 =	vor.u32 v7, v29;
	v28 =	vadd.s32 s19, v6  }
0x36f: {  	v16 =	vor.u32 v4, v16;
	v33 =	vadd.s32 s17, v8;
	v26 =	vld.idx.msk [tilespmem:v26+s0+$0x0], $0xffff;
	[tilespmem:v23+s24+$0x0] =	vst.idx.msk $0xffff, v22;
	v22 =	vand.u32 $0x7F, v28  }
0x370: {  	v23 =	vshll.u32 v27, $0x7;
	[tilespmem:v20+s24+$0x0] =	vst.idx.msk $0xffff, v19;
	v19 =	vadd.s32 s4, v6;
	v20 =	vld.idx.msk [tilespmem:v31+s0+$0x0], $0xffff;
	v27 =	vor.u32 v7, v22  }
0x371: {  	v21 =	vshll.u32 v21, $0x7;
	v23 =	vor.u32 v4, v23;
	[tilespmem:v24+s24+$0x0] =	vst.idx.msk $0xffff, v17;
	v17 =	vld.idx.msk [tilespmem:v30+s0+$0x0], $0xffff;
	v19 =	vand.u32 $0x7F, v19  }
0x372: {  	v25 =	vshll.u32 v25, $0x7;
	v21 =	vor.u32 v4, v21;
	v28 =	vadd.s32 s18, v6;
	v24 =	vld.idx.msk [tilespmem:v32+s0+$0x0], $0xffff  }
0x373: {  	v25 =	vor.u32 v4, v25;
	v28 =	vand.u32 $0x7F, v28;
	v30 =	vor.u32 v7, v19  }
0x374: {  	v31 =	vand.u32 $0x7F, v33;
	v33 =	vor.u32 v7, v28;
	v32 =	vadd.s32 s17, v14  }
0x375: {  	[tilespmem:v16+s24+$0x0] =	vst.idx.msk $0xffff, v26;
	v16 =	vshll.u32 v29, $0x7;
	v26 =	vor.u32 v9, v31;
	v29 =	vadd.s32 s19, v8  }
0x376: {  	v34 =	vadd.s32 s17, v10;
	v18 =	vld.idx.msk [tilespmem:v18+s0+$0x0], $0xffff;
	v16 =	vor.u32 v6, v16;
	[tilespmem:v23+s24+$0x0] =	vst.idx.msk $0xffff, v20;
	v20 =	vand.u32 $0x7F, v29  }
0x377: {  	v22 =	vshll.u32 v22, $0x7;
	[tilespmem:v21+s24+$0x0] =	vst.idx.msk $0xffff, v17;
	v17 =	vadd.s32 s4, v8;
	v21 =	vld.idx.msk [tilespmem:v27+s0+$0x0], $0xffff;
	v23 =	vor.u32 v9, v20  }
0x378: {  	v22 =	vor.u32 v6, v22;
	v19 =	vshll.u32 v19, $0x7;
	[tilespmem:v25+s24+$0x0] =	vst.idx.msk $0xffff, v24;
	v24 =	vld.idx.msk [tilespmem:v30+s0+$0x0], $0xffff;
	v17 =	vand.u32 $0x7F, v17  }
0x379: {  	v19 =	vor.u32 v6, v19;
	v27 =	vshll.u32 v28, $0x7;
	v28 =	vadd.s32 s18, v8;
	v25 =	vld.idx.msk [tilespmem:v33+s0+$0x0], $0xffff  }
0x37a: {  	v27 =	vor.u32 v6, v27;
	v28 =	vand.u32 $0x7F, v28;
	v29 =	vor.u32 v9, v17  }
0x37b: {  	v30 =	vand.u32 $0x7F, v34;
	v33 =	vadd.s32 s17, v12;
	v34 =	vor.u32 v9, v28;
	s17 =	smov.u32 s20  }
0x37c: {  	v35 =	vadd.s32 s19, v10;
	[tilespmem:v16+s24+$0x0] =	vst.idx.msk $0xffff, v18;
	v18 =	vshll.u32 v31, $0x7;
	v31 =	vor.u32 v11, v30  }
0x37d: {  	v16 =	vadd.s32 s20, v4;
	v26 =	vld.idx.msk [tilespmem:v26+s0+$0x0], $0xffff;
	v18 =	vor.u32 v8, v18;
	[tilespmem:v22+s24+$0x0] =	vst.idx.msk $0xffff, v21;
	v21 =	vand.u32 $0x7F, v35  }
0x37e: {  	v20 =	vshll.u32 v20, $0x7;
	[tilespmem:v19+s24+$0x0] =	vst.idx.msk $0xffff, v24;
	v19 =	vadd.s32 s4, v10;
	v22 =	vld.idx.msk [tilespmem:v23+s0+$0x0], $0xffff;
	v23 =	vor.u32 v11, v21  }
0x37f: {  	v20 =	vor.u32 v8, v20;
	v17 =	vshll.u32 v17, $0x7;
	[tilespmem:v27+s24+$0x0] =	vst.idx.msk $0xffff, v25;
	v24 =	vld.idx.msk [tilespmem:v29+s0+$0x0], $0xffff;
	v19 =	vand.u32 $0x7F, v19  }
0x380: {  	v17 =	vor.u32 v8, v17;
	v27 =	vshll.u32 v28, $0x7;
	v28 =	vadd.s32 s18, v10;
	v25 =	vld.idx.msk [tilespmem:v34+s0+$0x0], $0xffff  }
0x381: {  	v27 =	vor.u32 v8, v27;
	v28 =	vand.u32 $0x7F, v28;
	v29 =	vor.u32 v11, v19  }
0x382: {  	v33 =	vand.u32 $0x7F, v33;
	v34 =	vadd.s32 s20, v2;
	v35 =	vor.u32 v11, v28  }
0x383: {  	[tilespmem:v18+s24+$0x0] =	vst.idx.msk $0xffff, v26;
	v18 =	vshll.u32 v30, $0x7;
	v26 =	vor.u32 v13, v33;
	v30 =	vadd.s32 s19, v12  }
0x384: {  	v36 =	vadd.s32 s20, v0;
	v31 =	vld.idx.msk [tilespmem:v31+s0+$0x0], $0xffff;
	v18 =	vor.u32 v10, v18;
	[tilespmem:v20+s24+$0x0] =	vst.idx.msk $0xffff, v22;
	v20 =	vand.u32 $0x7F, v30  }
0x385: {  	v21 =	vshll.u32 v21, $0x7;
	[tilespmem:v17+s24+$0x0] =	vst.idx.msk $0xffff, v24;
	v17 =	vadd.s32 s4, v12;
	v22 =	vld.idx.msk [tilespmem:v23+s0+$0x0], $0xffff;
	v23 =	vor.u32 v13, v20  }
0x386: {  	v21 =	vor.u32 v10, v21;
	v19 =	vshll.u32 v19, $0x7;
	[tilespmem:v27+s24+$0x0] =	vst.idx.msk $0xffff, v25;
	v24 =	vld.idx.msk [tilespmem:v29+s0+$0x0], $0xffff;
	v17 =	vand.u32 $0x7F, v17  }
0x387: {  	v19 =	vor.u32 v10, v19;
	v27 =	vshll.u32 v28, $0x7;
	v28 =	vadd.s32 s18, v12;
	v25 =	vld.idx.msk [tilespmem:v35+s0+$0x0], $0xffff  }
0x388: {  	v27 =	vor.u32 v10, v27;
	v28 =	vand.u32 $0x7F, v28;
	v35 =	vor.u32 v13, v17  }
0x389: {  	v32 =	vand.u32 $0x7F, v32;
	v29 =	vand.u32 $0x7F, v34;
	v34 =	vor.u32 v13, v28  }
0x38a: {  	v37 =	vor.u32 v15, v32;
	[tilespmem:v18+s24+$0x0] =	vst.idx.msk $0xffff, v31;
	v18 =	vshll.u32 v33, $0x7;
	v31 =	vadd.s32 s19, v14  }
0x38b: {  	v30 =	vand.u32 $0x7F, v36;
	v33 =	vld.idx.msk [tilespmem:v26+s0+$0x0], $0xffff;
	v36 =	vor.u32 v12, v18;
	[tilespmem:v21+s24+$0x0] =	vst.idx.msk $0xffff, v22;
	v38 =	vand.u32 $0x7F, v31  }
0x38c: {  	v20 =	vshll.u32 v20, $0x7;
	v18 =	vadd.s32 s4, v14;
	[tilespmem:v19+s24+$0x0] =	vst.idx.msk $0xffff, v24;
	v39 =	vld.idx.msk [tilespmem:v23+s0+$0x0], $0xffff;
	v19 =	vor.u32 v15, v38  }
0x38d: {  	v17 =	vshll.u32 v17, $0x7;
	v26 =	vand.u32 $0x7F, v18;
	[tilespmem:v27+s24+$0x0] =	vst.idx.msk $0xffff, v25;
	v25 =	vld.idx.msk [tilespmem:v35+s0+$0x0], $0xffff;
	v35 =	vor.u32 v12, v20  }
.Ltmp4:
0x38e: {  	v18 =	vshll.u32 v28, $0x7;
	v28 =	vor.u32 v12, v17;
	v20 =	vadd.s32 s18, v14;
	v24 =	vld.idx.msk [tilespmem:v34+s0+$0x0], $0xffff;
	(pc) =	sbr.rel @p1 .LBB2_11-.Ltmp4, $4  }
0x38f: {  	s19 =	sadd.s32 $0x3, s20;
	v27 =	vor.u32 v12, v18;
	v17 =	vand.u32 $0x7F, v20;
	v20 =	vor.u32 v15, v26  }
0x390: {  	v21 =	vadd.s32 s19, v0;
	v22 =	vshll.u32 v32, $0x7;
	v18 =	vor.u32 v15, v17  }
0x391: {  	v31 =	vor.u32 v1, v30;
	s4 =	sadd.s32 $0x2, s20;
	v32 =	vand.u32 $0x7F, v21;
	v21 =	vor.u32 v14, v22;
	[tilespmem:v36+s24+$0x0] =	vst.idx.msk $0xffff, v33  }
0x392: {  	s20 =	sadd.s32 $0x4, s20;
	v23 =	vadd.s32 s4, v0;
	s18 =	sadd.s32 $0x1, s17;
	v34 =	vshll.u32 v38, $0x7;
	v33 =	vor.u32 v1, v32;
	v22 =	vld.idx.msk [tilespmem:v37+s0+$0x0], $0xffff;
	[tilespmem:v35+s24+$0x0] =	vst.idx.msk $0xffff, v39  }
0x393: {  	v35 =	vadd.s32 s18, v0;
	v36 =	vand.u32 $0x7F, v23;
	v23 =	vor.u32 v14, v34  }
0x394: {  	v26 =	vshll.u32 v26, $0x7;
	v30 =	vshll.u32 v30, $0x7;
	v38 =	vadd.s32 s19, v2  }
0x395: {  	v39 =	vor.u32 v3, v29;
	v40 =	vadd.s32 s4, v2;
	v32 =	vshll.u32 v32, $0x7  }
0x396: {  	v42 =	vadd.s32 s18, v2;
	v16 =	vand.u32 $0x7F, v16;
	v29 =	vshll.u32 v29, $0x7  }
0x397: {  	v52 =	vadd.s32 s18, v4;
	v59 =	vadd.s32 s19, v6;
	v61 =	vadd.s32 s4, v6  }
0x398: {  	v17 =	vshll.u32 v17, $0x7;
	v46 =	vand.u32 $0x7F, v35;
	v47 =	vor.u32 v1, v36  }
0x399: {  	v30 =	vor.u32 v0, v30;
	v38 =	vand.u32 $0x7F, v38;
	v37 =	vor.u32 v1, v46  }
0x39a: {  	v36 =	vshll.u32 v36, $0x7;
	v40 =	vand.u32 $0x7F, v40;
	v32 =	vor.u32 v0, v32  }
0x39b: {  	v31 =	vld.idx.msk [tilespmem:v31+s0+$0x0], $0xffff;
	v42 =	vand.u32 $0x7F, v42;
	v45 =	vor.u32 v5, v16;
	v29 =	vor.u32 v2, v29  }
0x39c: {  	v33 =	vld.idx.msk [tilespmem:v33+s0+$0x0], $0xffff;
	v16 =	vshll.u32 v16, $0x7;
	v60 =	vand.u32 $0x7F, v59;
	v41 =	vor.u32 v3, v38  }
0x39d: {  	v34 =	vshll.u32 v46, $0x7;
	v36 =	vor.u32 v0, v36;
	v43 =	vor.u32 v3, v40;
	v35 =	vld.idx.msk [tilespmem:v47+s0+$0x0], $0xffff  }
0x39e: {  	v44 =	vor.u32 v3, v42;
	v46 =	vadd.s32 s19, v4;
	v34 =	vor.u32 v0, v34;
	v37 =	vld.idx.msk [tilespmem:v37+s0+$0x0], $0xffff  }
0x39f: {  	v49 =	vshll.u32 v40, $0x7;
	v51 =	vshll.u32 v42, $0x7;
	v16 =	vor.u32 v4, v16  }
0x3a0: {  	v63 =	vor.u32 v7, v60;
	v42 =	vadd.s32 s17, v14;
	v46 =	vand.u32 $0x7F, v46;
	[tilespmem:v30+s24+$0x0] =	vst.idx.msk $0xffff, v31  }
0x3a1: {  	v62 =	vshll.u32 v46, $0x7;
	v30 =	vadd.s32 s4, v4;
	v31 =	vshll.u32 v38, $0x7;
	[tilespmem:v32+s24+$0x0] =	vst.idx.msk $0xffff, v33;
	v48 =	vld.idx.msk [tilespmem:v39+s0+$0x0], $0xffff  }
0x3a2: {  	v38 =	vor.u32 v5, v46;
	v31 =	vor.u32 v2, v31;
	v50 =	vld.idx.msk [tilespmem:v41+s0+$0x0], $0xffff;
	[tilespmem:v36+s24+$0x0] =	vst.idx.msk $0xffff, v35  }
0x3a3: {  	v47 =	vadd.s32 s17, v6;
	v33 =	vor.u32 v2, v49;
	v30 =	vand.u32 $0x7F, v30;
	v53 =	vld.idx.msk [tilespmem:v43+s0+$0x0], $0xffff;
	[tilespmem:v34+s24+$0x0] =	vst.idx.msk $0xffff, v37  }
0x3a4: {  	v39 =	vand.u32 $0x7F, v52;
	v54 =	vor.u32 v5, v30;
	v36 =	vor.u32 v2, v51;
	v57 =	vld.idx.msk [tilespmem:v44+s0+$0x0], $0xffff  }
0x3a5: {  	v49 =	vand.u32 $0x7F, v61;
	v32 =	vshll.u32 v60, $0x7;
	v56 =	vor.u32 v5, v39  }
0x3a6: {  	v55 =	vand.u32 $0x7F, v47;
	v52 =	vor.u32 v7, v49;
	v32 =	vor.u32 v6, v32;
	[tilespmem:v29+s24+$0x0] =	vst.idx.msk $0xffff, v48  }
0x3a7: {  	v58 =	vor.u32 v7, v55;
	v30 =	vshll.u32 v30, $0x7;
	v39 =	vshll.u32 v39, $0x7;
	[tilespmem:v31+s24+$0x0] =	vst.idx.msk $0xffff, v50;
	v31 =	vld.idx.msk [tilespmem:v45+s0+$0x0], $0xffff  }
0x3a8: {  	v30 =	vor.u32 v4, v30;
	v35 =	vor.u32 v4, v62;
	v48 =	vld.idx.msk [tilespmem:v38+s0+$0x0], $0xffff;
	[tilespmem:v33+s24+$0x0] =	vst.idx.msk $0xffff, v53  }
0x3a9: {  	v60 =	vadd.s32 s17, v12;
	v39 =	vor.u32 v4, v39;
	v50 =	vadd.s32 s18, v6;
	v40 =	vld.idx.msk [tilespmem:v54+s0+$0x0], $0xffff;
	[tilespmem:v36+s24+$0x0] =	vst.idx.msk $0xffff, v57  }
0x3aa: {  	v29 =	vadd.s32 s17, v8;
	v34 =	vshll.u32 v55, $0x7;
	v51 =	vand.u32 $0x7F, v50;
	v37 =	vld.idx.msk [tilespmem:v56+s0+$0x0], $0xffff  }
0x3ab: {  	[tilespmem:v28+s24+$0x0] =	vst.idx.msk $0xffff, v25;
	v55 =	vadd.s32 s17, v10;
	v38 =	vshll.u32 v49, $0x7;
	v53 =	vor.u32 v7, v51  }
0x3ac: {  	v29 =	vand.u32 $0x7F, v29;
	v34 =	vor.u32 v6, v34;
	v38 =	vor.u32 v6, v38;
	[tilespmem:v16+s24+$0x0] =	vst.idx.msk $0xffff, v31  }
0x3ad: {  	v45 =	vadd.s32 s4, v10;
	v16 =	vor.u32 v9, v29;
	v31 =	vadd.s32 s19, v8;
	[tilespmem:v35+s24+$0x0] =	vst.idx.msk $0xffff, v48;
	v54 =	vld.idx.msk [tilespmem:v58+s0+$0x0], $0xffff  }
0x3ae: {  	v36 =	vshll.u32 v51, $0x7;
	v31 =	vand.u32 $0x7F, v31;
	v56 =	vld.idx.msk [tilespmem:v63+s0+$0x0], $0xffff;
	[tilespmem:v30+s24+$0x0] =	vst.idx.msk $0xffff, v40;
	v30 =	vadd.s32 s4, v8  }
0x3af: {  	v58 =	vadd.s32 s18, v8;
	v57 =	vor.u32 v9, v31;
	v41 =	vld.idx.msk [tilespmem:v52+s0+$0x0], $0xffff;
	[tilespmem:v39+s24+$0x0] =	vst.idx.msk $0xffff, v37;
	v30 =	vand.u32 $0x7F, v30  }
0x3b0: {  	v36 =	vor.u32 v6, v36;
	v37 =	vand.u32 $0x7F, v58;
	v39 =	vld.idx.msk [tilespmem:v53+s0+$0x0], $0xffff;
	v59 =	vor.u32 v9, v30  }
0x3b1: {  	[tilespmem:v27+s24+$0x0] =	vst.idx.msk $0xffff, v24;
	v25 =	vand.u32 $0x7F, v45;
	v35 =	vand.u32 $0x7F, v55;
	v61 =	vor.u32 v9, v37  }
0x3b2: {  	v24 =	vor.u32 v11, v25;
	v29 =	vshll.u32 v29, $0x7;
	v62 =	vor.u32 v11, v35;
	[tilespmem:v34+s24+$0x0] =	vst.idx.msk $0xffff, v54  }
0x3b3: {  	v49 =	vadd.s32 s18, v10;
	v29 =	vor.u32 v8, v29;
	v31 =	vshll.u32 v31, $0x7;
	[tilespmem:v32+s24+$0x0] =	vst.idx.msk $0xffff, v56;
	v16 =	vld.idx.msk [tilespmem:v16+s0+$0x0], $0xffff  }
0x3b4: {  	v63 =	vadd.s32 s19, v10;
	v31 =	vor.u32 v8, v31;
	v46 =	vld.idx.msk [tilespmem:v57+s0+$0x0], $0xffff;
	v30 =	vshll.u32 v30, $0x7;
	[tilespmem:v38+s24+$0x0] =	vst.idx.msk $0xffff, v41  }
0x3b5: {  	v40 =	vand.u32 $0x7F, v63;
	v37 =	vshll.u32 v37, $0x7;
	v30 =	vor.u32 v8, v30;
	[tilespmem:v36+s24+$0x0] =	vst.idx.msk $0xffff, v39;
	v48 =	vld.idx.msk [tilespmem:v59+s0+$0x0], $0xffff  }
0x3b6: {  	v25 =	vshll.u32 v25, $0x7;
	v47 =	vor.u32 v11, v40;
	v50 =	vor.u32 v8, v37;
	v28 =	vld.idx.msk [tilespmem:v61+s0+$0x0], $0xffff  }
0x3b7: {  	v27 =	vand.u32 $0x7F, v60;
	v25 =	vor.u32 v10, v25;
	v51 =	vand.u32 $0x7F, v49  }
0x3b8: {  	v55 =	vadd.s32 s4, v12;
	v52 =	vor.u32 v11, v51;
	[tilespmem:v29+s24+$0x0] =	vst.idx.msk $0xffff, v16;
	v16 =	vshll.u32 v35, $0x7  }
0x3b9: {  	v58 =	vshll.u32 v51, $0x7;
	v53 =	vadd.s32 s19, v12;
	[tilespmem:v31+s24+$0x0] =	vst.idx.msk $0xffff, v46;
	v31 =	vld.idx.msk [tilespmem:v62+s0+$0x0], $0xffff;
	v16 =	vor.u32 v10, v16  }
0x3ba: {  	v57 =	vand.u32 $0x7F, v55;
	v54 =	vand.u32 $0x7F, v53;
	[tilespmem:v30+s24+$0x0] =	vst.idx.msk $0xffff, v48;
	v30 =	vshll.u32 v40, $0x7  }
0x3bb: {  	v29 =	vor.u32 v13, v27;
	[tilespmem:v50+s24+$0x0] =	vst.idx.msk $0xffff, v28;
	v28 =	vld.idx.msk [tilespmem:v47+s0+$0x0], $0xffff;
	v30 =	vor.u32 v10, v30  }
0x3bc: {  	v60 =	vor.u32 v13, v57;
	v56 =	vor.u32 v13, v54;
	v59 =	vadd.s32 s18, v12;
	v24 =	vld.idx.msk [tilespmem:v24+s0+$0x0], $0xffff  }
0x3bd: {  	[tilespmem:v21+s24+$0x0] =	vst.idx.msk $0xffff, v22;
	v35 =	vor.u32 v10, v58;
	v22 =	vand.u32 $0x7F, v59;
	v61 =	vand.u32 $0x7F, v42;
	v21 =	vld.idx.msk [tilespmem:v52+s0+$0x0], $0xffff  }
0x3be: {  	v62 =	vor.u32 v13, v22;
	[tilespmem:v16+s24+$0x0] =	vst.idx.msk $0xffff, v31;
	v16 =	vshll.u32 v27, $0x7;
	v27 =	vadd.s32 s19, v14  }
0x3bf: {  	v19 =	vld.idx.msk [tilespmem:v19+s0+$0x0], $0xffff;
	v31 =	vor.u32 v15, v61;
	v16 =	vor.u32 v12, v16;
	v27 =	vand.u32 $0x7F, v27  }
0x3c0: {  	v36 =	vadd.s32 s18, v14;
	v29 =	vld.idx.msk [tilespmem:v29+s0+$0x0], $0xffff;
	v63 =	vor.u32 v15, v27;
	[tilespmem:v30+s24+$0x0] =	vst.idx.msk $0xffff, v28;
	v30 =	vshll.u32 v54, $0x7  }
0x3c1: {  	v28 =	vadd.s32 s4, v14;
	[tilespmem:v25+s24+$0x0] =	vst.idx.msk $0xffff, v24;
	v25 =	vshll.u32 v57, $0x7;
	v24 =	vld.idx.msk [tilespmem:v56+s0+$0x0], $0xffff;
	v30 =	vor.u32 v12, v30  }
0x3c2: {  	v22 =	vshll.u32 v22, $0x7;
	v28 =	vand.u32 $0x7F, v28;
	[tilespmem:v35+s24+$0x0] =	vst.idx.msk $0xffff, v21;
	v21 =	vld.idx.msk [tilespmem:v60+s0+$0x0], $0xffff;
	v25 =	vor.u32 v12, v25  }
0x3c3: {  	v33 =	vand.u32 $0x7F, v36;
	v22 =	vor.u32 v12, v22;
	v39 =	vld.idx.msk [tilespmem:v62+s0+$0x0], $0xffff;
	v40 =	vor.u32 v15, v28  }
0x3c4: {  	v20 =	vld.idx.msk [tilespmem:v20+s0+$0x0], $0xffff;
	v26 =	vor.u32 v14, v26;
	[tilespmem:v23+s24+$0x0] =	vst.idx.msk $0xffff, v19;
	v19 =	vor.u32 v15, v33  }
0x3c5: {  	v18 =	vld.idx.msk [tilespmem:v18+s0+$0x0], $0xffff;
	v17 =	vor.u32 v14, v17;
	v23 =	vshll.u32 v61, $0x7;
	[tilespmem:v16+s24+$0x0] =	vst.idx.msk $0xffff, v29  }
0x3c6: {  	v16 =	vor.u32 v14, v23;
	v23 =	vld.idx.msk [tilespmem:v31+s0+$0x0], $0xffff;
	[tilespmem:v30+s24+$0x0] =	vst.idx.msk $0xffff, v24;
	v24 =	vshll.u32 v27, $0x7  }
0x3c7: {  	[tilespmem:v25+s24+$0x0] =	vst.idx.msk $0xffff, v21;
	v25 =	vshll.u32 v28, $0x7;
	v21 =	vld.idx.msk [tilespmem:v63+s0+$0x0], $0xffff;
	v24 =	vor.u32 v14, v24  }
0x3c8: {  	v27 =	vshll.u32 v33, $0x7;
	[tilespmem:v22+s24+$0x0] =	vst.idx.msk $0xffff, v39;
	v22 =	vld.idx.msk [tilespmem:v40+s0+$0x0], $0xffff;
	v25 =	vor.u32 v14, v25  }
0x3c9: {  	[tilespmem:v26+s24+$0x0] =	vst.idx.msk $0xffff, v20;
	v20 =	vor.u32 v14, v27;
	v19 =	vld.idx.msk [tilespmem:v19+s0+$0x0], $0xffff  }
0x3ca: {  	[tilespmem:v17+s24+$0x0] =	vst.idx.msk $0xffff, v18  }
0x3cb: {  	[tilespmem:v16+s24+$0x0] =	vst.idx.msk $0xffff, v23  }
0x3cc: {  	[tilespmem:v24+s24+$0x0] =	vst.idx.msk $0xffff, v21  }
0x3cd: {  	[tilespmem:v25+s24+$0x0] =	vst.idx.msk $0xffff, v22  }
0x3ce: {  	s31 =	sadd.s32 $0x10000, s15;
	s18 =	simm.s32 $0x3;
	[tilespmem:v20+s24+$0x0] =	vst.idx.msk $0xffff, v19  }
0x3cf: {  	[hbm4b:s31+s1] =	stream.strided.scatter [tilespmem:s24], [sflag:$0x3], $0x4000, s26, s1, $0x38;
	[tilespmem:$0x1FC00] =	vst v63  }
0x3d0: {  	v26 =	vadd.s32 s18, v2;
	v49 =	vadd.s32 s18, v10;
	s4 =	simm.s32 $0x0  }
0x3d1: {  	v53 =	vadd.s32 s18, v12;
	v26 =	vand.u32 $0x7F, v26;
	v18 =	vadd.s32 s4, v0;
	[tilespmem:s0], [sflag:$0x1] =	stream.indirect.gather [spmem:s12], $0x80, s16, s25, $0xb8;
	[tilespmem:$0x1FC00] =	vst v63  }
0x3d2: {  	s20 =	simm.s32 $0x2;
	v50 =	vand.u32 $0x7F, v49;
	v18 =	vand.u32 $0x7F, v18;
	v19 =	vadd.s32 s18, v0;
	_ =	swait.ge [sflag:s28], $0x4000  }
0x3d3: {  	v21 =	vadd.s32 s20, v0;
	v20 =	vor.u32 v1, v18;
	v19 =	vand.u32 $0x7F, v19;
	s31 =	simm.s32 $0x1;
	[sflag:s28] =	ssyncset.done $0x0  }
0x3d4: {  	v21 =	vand.u32 $0x7F, v21;
	v22 =	vor.u32 v1, v19;
	v23 =	vadd.s32 s31, v0;
	[sflag:s28] =	ssyncadd.s32 $0xFFFFC000  }
0x3d5: {  	v51 =	vor.u32 v11, v50;
	v24 =	vor.u32 v1, v21;
	v23 =	vand.u32 $0x7F, v23;
	_ =	swait.ge [sflag:s5], $0x4000  }
0x3d6: {  	v54 =	vand.u32 $0x7F, v53;
	v17 =	vadd.s32 s4, v2;
	v25 =	vor.u32 v1, v23;
	[sflag:s5] =	ssyncset.done $0x0  }
0x3d7: {  	v29 =	vor.u32 v3, v26;
	v55 =	vor.u32 v13, v54;
	v18 =	vshll.u32 v18, $0x7;
	[sflag:s5] =	ssyncadd.s32 $0xFFFFC000  }
0x3d8: {  	v17 =	vand.u32 $0x7F, v17;
	v18 =	vor.u32 v0, v18;
	v19 =	vshll.u32 v19, $0x7;
	v20 =	vld.idx.msk [tilespmem:v20+s7+$0x0], $0xffff  }
0x3d9: {  	v28 =	vadd.s32 s20, v2;
	v21 =	vshll.u32 v21, $0x7;
	v19 =	vor.u32 v0, v19;
	v22 =	vld.idx.msk [tilespmem:v22+s7+$0x0], $0xffff  }
0x3da: {  	v16 =	vadd.s32 s4, v4;
	v21 =	vor.u32 v0, v21;
	v23 =	vshll.u32 v23, $0x7;
	v24 =	vld.idx.msk [tilespmem:v24+s7+$0x0], $0xffff  }
0x3db: {  	v27 =	vor.u32 v3, v17;
	v28 =	vand.u32 $0x7F, v28;
	v23 =	vor.u32 v0, v23;
	v25 =	vld.idx.msk [tilespmem:v25+s7+$0x0], $0xffff  }
0x3dc: {  	v17 =	vshll.u32 v17, $0x7;
	v31 =	vor.u32 v3, v28;
	v30 =	vadd.s32 s31, v2  }
0x3dd: {  	v16 =	vand.u32 $0x7F, v16;
	v17 =	vor.u32 v2, v17;
	v30 =	vand.u32 $0x7F, v30;
	[tilespmem:v18+s29+$0x0] =	vst.idx.msk $0xffff, v20  }
0x3de: {  	v44 =	vadd.s32 s18, v6;
	v42 =	vor.u32 v5, v16;
	v41 =	vor.u32 v3, v30;
	[tilespmem:v19+s29+$0x0] =	vst.idx.msk $0xffff, v22  }
0x3df: {  	v18 =	vadd.s32 s18, v4;
	v20 =	vadd.s32 s4, v6;
	v19 =	vadd.s32 s20, v4;
	[tilespmem:v21+s29+$0x0] =	vst.idx.msk $0xffff, v24  }
0x3e0: {  	v22 =	vshll.u32 v26, $0x7;
	v24 =	vshll.u32 v28, $0x7;
	[tilespmem:v23+s29+$0x0] =	vst.idx.msk $0xffff, v25;
	v23 =	vshll.u32 v30, $0x7;
	v26 =	vld.idx.msk [tilespmem:v27+s7+$0x0], $0xffff  }
0x3e1: {  	v25 =	vadd.s32 s31, v4;
	v18 =	vand.u32 $0x7F, v18;
	v27 =	vld.idx.msk [tilespmem:v29+s7+$0x0], $0xffff;
	v22 =	vor.u32 v2, v22  }
0x3e2: {  	v19 =	vand.u32 $0x7F, v19;
	v28 =	vld.idx.msk [tilespmem:v31+s7+$0x0], $0xffff;
	v24 =	vor.u32 v2, v24;
	v21 =	vor.u32 v5, v18  }
0x3e3: {  	v23 =	vor.u32 v2, v23;
	v25 =	vand.u32 $0x7F, v25;
	v29 =	vld.idx.msk [tilespmem:v41+s7+$0x0], $0xffff;
	v30 =	vor.u32 v5, v19  }
0x3e4: {  	v16 =	vshll.u32 v16, $0x7;
	v20 =	vand.u32 $0x7F, v20;
	v31 =	vor.u32 v5, v25  }
0x3e5: {  	v16 =	vor.u32 v4, v16;
	v43 =	vor.u32 v7, v20;
	v18 =	vshll.u32 v18, $0x7;
	[tilespmem:v17+s29+$0x0] =	vst.idx.msk $0xffff, v26  }
0x3e6: {  	v46 =	vadd.s32 s18, v8;
	v19 =	vshll.u32 v19, $0x7;
	v18 =	vor.u32 v4, v18;
	[tilespmem:v22+s29+$0x0] =	vst.idx.msk $0xffff, v27;
	v33 =	vld.idx.msk [tilespmem:v42+s7+$0x0], $0xffff  }
0x3e7: {  	v47 =	vand.u32 $0x7F, v46;
	v19 =	vor.u32 v4, v19;
	v26 =	vand.u32 $0x7F, v44;
	[tilespmem:v24+s29+$0x0] =	vst.idx.msk $0xffff, v28;
	v21 =	vld.idx.msk [tilespmem:v21+s7+$0x0], $0xffff  }
0x3e8: {  	v22 =	vadd.s32 s20, v6;
	[tilespmem:v23+s29+$0x0] =	vst.idx.msk $0xffff, v29;
	v23 =	vshll.u32 v25, $0x7;
	v24 =	vadd.s32 s31, v6;
	v25 =	vld.idx.msk [tilespmem:v30+s7+$0x0], $0xffff  }
0x3e9: {  	v27 =	vor.u32 v7, v26;
	v22 =	vand.u32 $0x7F, v22;
	v23 =	vor.u32 v4, v23;
	v29 =	vld.idx.msk [tilespmem:v31+s7+$0x0], $0xffff  }
0x3ea: {  	v17 =	vadd.s32 s4, v8;
	v24 =	vand.u32 $0x7F, v24;
	v28 =	vor.u32 v7, v22  }
0x3eb: {  	v20 =	vshll.u32 v20, $0x7;
	v17 =	vand.u32 $0x7F, v17;
	v31 =	vor.u32 v7, v24;
	[tilespmem:v16+s29+$0x0] =	vst.idx.msk $0xffff, v33  }
0x3ec: {  	v30 =	vadd.s32 s4, v14;
	v45 =	vor.u32 v9, v17;
	v16 =	vor.u32 v6, v20;
	[tilespmem:v18+s29+$0x0] =	vst.idx.msk $0xffff, v21  }
0x3ed: {  	v18 =	vadd.s32 s20, v8;
	v21 =	vshll.u32 v26, $0x7;
	v26 =	vor.u32 v9, v47;
	[tilespmem:v19+s29+$0x0] =	vst.idx.msk $0xffff, v25;
	v32 =	vld.idx.msk [tilespmem:v43+s7+$0x0], $0xffff  }
0x3ee: {  	v19 =	vshll.u32 v22, $0x7;
	[tilespmem:v23+s29+$0x0] =	vst.idx.msk $0xffff, v29;
	v23 =	vshll.u32 v24, $0x7;
	v21 =	vor.u32 v6, v21;
	v22 =	vld.idx.msk [tilespmem:v27+s7+$0x0], $0xffff  }
0x3ef: {  	v24 =	vadd.s32 s31, v8;
	v18 =	vand.u32 $0x7F, v18;
	v19 =	vor.u32 v6, v19;
	v25 =	vld.idx.msk [tilespmem:v28+s7+$0x0], $0xffff  }
0x3f0: {  	v23 =	vor.u32 v6, v23;
	v24 =	vand.u32 $0x7F, v24;
	v28 =	vld.idx.msk [tilespmem:v31+s7+$0x0], $0xffff;
	v27 =	vor.u32 v9, v18  }
0x3f1: {  	v17 =	vshll.u32 v17, $0x7;
	v57 =	vand.u32 $0x7F, v30;
	v31 =	vor.u32 v9, v24  }
0x3f2: {  	v17 =	vor.u32 v8, v17;
	v59 =	vor.u32 v15, v57;
	[tilespmem:v16+s29+$0x0] =	vst.idx.msk $0xffff, v32  }
0x3f3: {  	v20 =	vadd.s32 s4, v10;
	[tilespmem:v21+s29+$0x0] =	vst.idx.msk $0xffff, v22;
	v21 =	vadd.s32 s20, v10;
	v22 =	vshll.u32 v47, $0x7;
	v34 =	vld.idx.msk [tilespmem:v45+s7+$0x0], $0xffff  }
0x3f4: {  	v18 =	vshll.u32 v18, $0x7;
	[tilespmem:v19+s29+$0x0] =	vst.idx.msk $0xffff, v25;
	v19 =	vand.u32 $0x7F, v21;
	v21 =	vor.u32 v8, v22;
	v22 =	vld.idx.msk [tilespmem:v26+s7+$0x0], $0xffff  }
0x3f5: {  	v20 =	vand.u32 $0x7F, v20;
	v18 =	vor.u32 v8, v18;
	[tilespmem:v23+s29+$0x0] =	vst.idx.msk $0xffff, v28;
	v23 =	vshll.u32 v24, $0x7;
	v25 =	vld.idx.msk [tilespmem:v27+s7+$0x0], $0xffff  }
0x3f6: {  	v48 =	vor.u32 v11, v20;
	v20 =	vshll.u32 v20, $0x7;
	v23 =	vor.u32 v8, v23;
	v27 =	vld.idx.msk [tilespmem:v31+s7+$0x0], $0xffff  }
0x3f7: {  	s17 =	simm.s32 $0x4;
	v29 =	vadd.s32 s4, v12;
	v20 =	vor.u32 v10, v20;
	v24 =	vadd.s32 s31, v10  }
0x3f8: {  	v16 =	vadd.s32 s17, v4;
	v24 =	vand.u32 $0x7F, v24;
	v26 =	vor.u32 v11, v19;
	[tilespmem:v17+s29+$0x0] =	vst.idx.msk $0xffff, v34  }
0x3f9: {  	v28 =	vadd.s32 s17, v2;
	v31 =	vand.u32 $0x7F, v29;
	v29 =	vor.u32 v11, v24;
	[tilespmem:v21+s29+$0x0] =	vst.idx.msk $0xffff, v22  }
0x3fa: {  	v52 =	vor.u32 v13, v31;
	v17 =	vadd.s32 s17, v0;
	v21 =	vadd.s32 s20, v12;
	[tilespmem:v18+s29+$0x0] =	vst.idx.msk $0xffff, v25  }
0x3fb: {  	v22 =	vshll.u32 v50, $0x7;
	v18 =	vshll.u32 v19, $0x7;
	[tilespmem:v23+s29+$0x0] =	vst.idx.msk $0xffff, v27;
	v23 =	vshll.u32 v24, $0x7;
	v35 =	vld.idx.msk [tilespmem:v48+s7+$0x0], $0xffff  }
0x3fc: {  	v24 =	vadd.s32 s31, v12;
	v21 =	vand.u32 $0x7F, v21;
	v19 =	vor.u32 v10, v22;
	v22 =	vld.idx.msk [tilespmem:v51+s7+$0x0], $0xffff  }
0x3fd: {  	v18 =	vor.u32 v10, v18;
	v25 =	vld.idx.msk [tilespmem:v26+s7+$0x0], $0xffff;
	v23 =	vor.u32 v10, v23;
	v24 =	vand.u32 $0x7F, v24  }
0x3fe: {  	v56 =	vld.idx.msk [tilespmem:v29+s7+$0x0], $0xffff;
	v29 =	vand.u32 $0x7F, v28;
	v26 =	vshll.u32 v31, $0x7;
	v27 =	vor.u32 v13, v21  }
0x3ff: {  	v28 =	vadd.s32 s18, v14;
	v30 =	vand.u32 $0x7F, v17;
	v58 =	vor.u32 v13, v24  }
0x400: {  	v60 =	vor.u32 v12, v26;
	v61 =	vand.u32 $0x7F, v28;
	v31 =	vor.u32 v1, v30;
	[tilespmem:v20+s29+$0x0] =	vst.idx.msk $0xffff, v35  }
0x401: {  	v17 =	vadd.s32 s20, v14;
	[tilespmem:v19+s29+$0x0] =	vst.idx.msk $0xffff, v22;
	v20 =	vshll.u32 v54, $0x7;
	v19 =	vor.u32 v15, v61;
	v36 =	vld.idx.msk [tilespmem:v52+s7+$0x0], $0xffff  }
0x402: {  	v26 =	vand.u32 $0x7F, v17;
	[tilespmem:v18+s29+$0x0] =	vst.idx.msk $0xffff, v25;
	v18 =	vshll.u32 v21, $0x7;
	v62 =	vld.idx.msk [tilespmem:v55+s7+$0x0], $0xffff;
	v63 =	vor.u32 v12, v20  }
0x403: {  	v17 =	vshll.u32 v24, $0x7;
	[tilespmem:v23+s29+$0x0] =	vst.idx.msk $0xffff, v56;
	v20 =	vadd.s32 s31, v14;
	v28 =	vor.u32 v12, v18;
	v25 =	vld.idx.msk [tilespmem:v27+s7+$0x0], $0xffff  }
0x404: {  	s19 =	simm.s32 $0x7;
	v27 =	vor.u32 v12, v17;
	v24 =	vld.idx.msk [tilespmem:v58+s7+$0x0], $0xffff;
	v17 =	vand.u32 $0x7F, v20;
	v20 =	vor.u32 v15, v26  }
0x405: {  	s4 =	simm.s32 $0x6;
	v34 =	vshll.u32 v61, $0x7;
	v21 =	vadd.s32 s19, v0;
	v18 =	vor.u32 v15, v17  }
0x406: {  	v22 =	vshll.u32 v57, $0x7;
	v23 =	vadd.s32 s4, v0;
	v32 =	vand.u32 $0x7F, v21;
	[tilespmem:v60+s29+$0x0] =	vst.idx.msk $0xffff, v36  }
0x407: {  	s18 =	simm.s32 $0x5;
	s20 =	simm.s32 $0x8;
	v21 =	vor.u32 v14, v22;
	v33 =	vor.u32 v1, v32;
	[tilespmem:v63+s29+$0x0] =	vst.idx.msk $0xffff, v62;
	v22 =	vld.idx.msk [tilespmem:v59+s7+$0x0], $0xffff  }
.LBB2_13:
0x408: {  	p1 =	slt.u32 s20, $0x7C;
	v35 =	vadd.s32 s18, v0;
	v23 =	vand.u32 $0x7F, v23;
	[tilespmem:v28+s29+$0x0] =	vst.idx.msk $0xffff, v25;
	v19 =	vld.idx.msk [tilespmem:v19+s7+$0x0], $0xffff;
	v25 =	vor.u32 v14, v34  }
0x409: {  	v28 =	vand.u32 $0x7F, v35;
	v34 =	vor.u32 v1, v23;
	[tilespmem:v27+s29+$0x0] =	vst.idx.msk $0xffff, v24;
	v20 =	vld.idx.msk [tilespmem:v20+s7+$0x0], $0xffff;
	v24 =	vshll.u32 v26, $0x7  }
0x40a: {  	v17 =	vshll.u32 v17, $0x7;
	v26 =	vor.u32 v1, v28;
	v18 =	vld.idx.msk [tilespmem:v18+s7+$0x0], $0xffff;
	v24 =	vor.u32 v14, v24  }
0x40b: {  	v27 =	vshll.u32 v30, $0x7;
	v30 =	vadd.s32 s19, v2;
	v17 =	vor.u32 v14, v17  }
0x40c: {  	v35 =	vor.u32 v3, v29;
	v27 =	vor.u32 v0, v27;
	v30 =	vand.u32 $0x7F, v30;
	v31 =	vld.idx.msk [tilespmem:v31+s7+$0x0], $0xffff  }
0x40d: {  	v36 =	vadd.s32 s4, v2;
	v32 =	vshll.u32 v32, $0x7;
	v37 =	vor.u32 v3, v30;
	v33 =	vld.idx.msk [tilespmem:v33+s7+$0x0], $0xffff;
	[tilespmem:v21+s29+$0x0] =	vst.idx.msk $0xffff, v22  }
0x40e: {  	v32 =	vor.u32 v0, v32;
	v22 =	vshll.u32 v23, $0x7;
	v23 =	vand.u32 $0x7F, v36;
	v21 =	vld.idx.msk [tilespmem:v34+s7+$0x0], $0xffff;
	[tilespmem:v25+s29+$0x0] =	vst.idx.msk $0xffff, v19  }
0x40f: {  	v25 =	vshll.u32 v28, $0x7;
	v22 =	vor.u32 v0, v22;
	v19 =	vld.idx.msk [tilespmem:v26+s7+$0x0], $0xffff;
	v26 =	vadd.s32 s18, v2;
	[tilespmem:v24+s29+$0x0] =	vst.idx.msk $0xffff, v20  }
0x410: {  	v20 =	vor.u32 v0, v25;
	v25 =	vor.u32 v3, v23;
	v24 =	vand.u32 $0x7F, v26;
	[tilespmem:v17+s29+$0x0] =	vst.idx.msk $0xffff, v18  }
0x411: {  	v16 =	vand.u32 $0x7F, v16;
	v17 =	vor.u32 v3, v24  }
0x412: {  	v18 =	vshll.u32 v29, $0x7;
	v26 =	vor.u32 v5, v16;
	[tilespmem:v27+s29+$0x0] =	vst.idx.msk $0xffff, v31;
	v27 =	vadd.s32 s19, v4  }
0x413: {  	v29 =	vadd.s32 s17, v6;
	v18 =	vor.u32 v2, v18;
	v28 =	vld.idx.msk [tilespmem:v35+s7+$0x0], $0xffff;
	[tilespmem:v32+s29+$0x0] =	vst.idx.msk $0xffff, v33;
	v27 =	vand.u32 $0x7F, v27  }
0x414: {  	v30 =	vshll.u32 v30, $0x7;
	[tilespmem:v22+s29+$0x0] =	vst.idx.msk $0xffff, v21;
	v21 =	vadd.s32 s4, v4;
	v22 =	vld.idx.msk [tilespmem:v37+s7+$0x0], $0xffff;
	v31 =	vor.u32 v5, v27  }
0x415: {  	[tilespmem:v20+s29+$0x0] =	vst.idx.msk $0xffff, v19;
	v19 =	vld.idx.msk [tilespmem:v25+s7+$0x0], $0xffff;
	v20 =	vshll.u32 v23, $0x7;
	v21 =	vand.u32 $0x7F, v21;
	v23 =	vor.u32 v2, v30  }
0x416: {  	v24 =	vshll.u32 v24, $0x7;
	v25 =	vadd.s32 s18, v4;
	v17 =	vld.idx.msk [tilespmem:v17+s7+$0x0], $0xffff;
	v20 =	vor.u32 v2, v20  }
0x417: {  	v24 =	vor.u32 v2, v24;
	v25 =	vand.u32 $0x7F, v25;
	v30 =	vor.u32 v5, v21  }
0x418: {  	v29 =	vand.u32 $0x7F, v29;
	v32 =	vor.u32 v5, v25  }
0x419: {  	v16 =	vshll.u32 v16, $0x7;
	[tilespmem:v18+s29+$0x0] =	vst.idx.msk $0xffff, v28;
	v18 =	vor.u32 v7, v29;
	v28 =	vadd.s32 s19, v6  }
0x41a: {  	v16 =	vor.u32 v4, v16;
	v33 =	vadd.s32 s17, v8;
	v26 =	vld.idx.msk [tilespmem:v26+s7+$0x0], $0xffff;
	[tilespmem:v23+s29+$0x0] =	vst.idx.msk $0xffff, v22;
	v22 =	vand.u32 $0x7F, v28  }
0x41b: {  	v23 =	vshll.u32 v27, $0x7;
	[tilespmem:v20+s29+$0x0] =	vst.idx.msk $0xffff, v19;
	v19 =	vadd.s32 s4, v6;
	v20 =	vld.idx.msk [tilespmem:v31+s7+$0x0], $0xffff;
	v27 =	vor.u32 v7, v22  }
0x41c: {  	v21 =	vshll.u32 v21, $0x7;
	v23 =	vor.u32 v4, v23;
	[tilespmem:v24+s29+$0x0] =	vst.idx.msk $0xffff, v17;
	v17 =	vld.idx.msk [tilespmem:v30+s7+$0x0], $0xffff;
	v19 =	vand.u32 $0x7F, v19  }
0x41d: {  	v25 =	vshll.u32 v25, $0x7;
	v21 =	vor.u32 v4, v21;
	v28 =	vadd.s32 s18, v6;
	v24 =	vld.idx.msk [tilespmem:v32+s7+$0x0], $0xffff  }
0x41e: {  	v25 =	vor.u32 v4, v25;
	v28 =	vand.u32 $0x7F, v28;
	v30 =	vor.u32 v7, v19  }
0x41f: {  	v31 =	vand.u32 $0x7F, v33;
	v33 =	vor.u32 v7, v28;
	v32 =	vadd.s32 s17, v14  }
0x420: {  	[tilespmem:v16+s29+$0x0] =	vst.idx.msk $0xffff, v26;
	v16 =	vshll.u32 v29, $0x7;
	v26 =	vor.u32 v9, v31;
	v29 =	vadd.s32 s19, v8  }
0x421: {  	v34 =	vadd.s32 s17, v10;
	v18 =	vld.idx.msk [tilespmem:v18+s7+$0x0], $0xffff;
	v16 =	vor.u32 v6, v16;
	[tilespmem:v23+s29+$0x0] =	vst.idx.msk $0xffff, v20;
	v20 =	vand.u32 $0x7F, v29  }
0x422: {  	v22 =	vshll.u32 v22, $0x7;
	[tilespmem:v21+s29+$0x0] =	vst.idx.msk $0xffff, v17;
	v17 =	vadd.s32 s4, v8;
	v21 =	vld.idx.msk [tilespmem:v27+s7+$0x0], $0xffff;
	v23 =	vor.u32 v9, v20  }
0x423: {  	v22 =	vor.u32 v6, v22;
	v19 =	vshll.u32 v19, $0x7;
	[tilespmem:v25+s29+$0x0] =	vst.idx.msk $0xffff, v24;
	v24 =	vld.idx.msk [tilespmem:v30+s7+$0x0], $0xffff;
	v17 =	vand.u32 $0x7F, v17  }
0x424: {  	v19 =	vor.u32 v6, v19;
	v27 =	vshll.u32 v28, $0x7;
	v28 =	vadd.s32 s18, v8;
	v25 =	vld.idx.msk [tilespmem:v33+s7+$0x0], $0xffff  }
0x425: {  	v27 =	vor.u32 v6, v27;
	v28 =	vand.u32 $0x7F, v28;
	v29 =	vor.u32 v9, v17  }
0x426: {  	v30 =	vand.u32 $0x7F, v34;
	v33 =	vadd.s32 s17, v12;
	v34 =	vor.u32 v9, v28;
	s17 =	smov.u32 s20  }
0x427: {  	v35 =	vadd.s32 s19, v10;
	[tilespmem:v16+s29+$0x0] =	vst.idx.msk $0xffff, v18;
	v18 =	vshll.u32 v31, $0x7;
	v31 =	vor.u32 v11, v30  }
0x428: {  	v16 =	vadd.s32 s20, v4;
	v26 =	vld.idx.msk [tilespmem:v26+s7+$0x0], $0xffff;
	v18 =	vor.u32 v8, v18;
	[tilespmem:v22+s29+$0x0] =	vst.idx.msk $0xffff, v21;
	v21 =	vand.u32 $0x7F, v35  }
0x429: {  	v20 =	vshll.u32 v20, $0x7;
	[tilespmem:v19+s29+$0x0] =	vst.idx.msk $0xffff, v24;
	v19 =	vadd.s32 s4, v10;
	v22 =	vld.idx.msk [tilespmem:v23+s7+$0x0], $0xffff;
	v23 =	vor.u32 v11, v21  }
0x42a: {  	v20 =	vor.u32 v8, v20;
	v17 =	vshll.u32 v17, $0x7;
	[tilespmem:v27+s29+$0x0] =	vst.idx.msk $0xffff, v25;
	v24 =	vld.idx.msk [tilespmem:v29+s7+$0x0], $0xffff;
	v19 =	vand.u32 $0x7F, v19  }
0x42b: {  	v17 =	vor.u32 v8, v17;
	v27 =	vshll.u32 v28, $0x7;
	v28 =	vadd.s32 s18, v10;
	v25 =	vld.idx.msk [tilespmem:v34+s7+$0x0], $0xffff  }
0x42c: {  	v27 =	vor.u32 v8, v27;
	v28 =	vand.u32 $0x7F, v28;
	v29 =	vor.u32 v11, v19  }
0x42d: {  	v33 =	vand.u32 $0x7F, v33;
	v34 =	vadd.s32 s20, v2;
	v35 =	vor.u32 v11, v28  }
0x42e: {  	[tilespmem:v18+s29+$0x0] =	vst.idx.msk $0xffff, v26;
	v18 =	vshll.u32 v30, $0x7;
	v26 =	vor.u32 v13, v33;
	v30 =	vadd.s32 s19, v12  }
0x42f: {  	v36 =	vadd.s32 s20, v0;
	v31 =	vld.idx.msk [tilespmem:v31+s7+$0x0], $0xffff;
	v18 =	vor.u32 v10, v18;
	[tilespmem:v20+s29+$0x0] =	vst.idx.msk $0xffff, v22;
	v20 =	vand.u32 $0x7F, v30  }
0x430: {  	v21 =	vshll.u32 v21, $0x7;
	[tilespmem:v17+s29+$0x0] =	vst.idx.msk $0xffff, v24;
	v17 =	vadd.s32 s4, v12;
	v22 =	vld.idx.msk [tilespmem:v23+s7+$0x0], $0xffff;
	v23 =	vor.u32 v13, v20  }
0x431: {  	v21 =	vor.u32 v10, v21;
	v19 =	vshll.u32 v19, $0x7;
	[tilespmem:v27+s29+$0x0] =	vst.idx.msk $0xffff, v25;
	v24 =	vld.idx.msk [tilespmem:v29+s7+$0x0], $0xffff;
	v17 =	vand.u32 $0x7F, v17  }
0x432: {  	v19 =	vor.u32 v10, v19;
	v27 =	vshll.u32 v28, $0x7;
	v28 =	vadd.s32 s18, v12;
	v25 =	vld.idx.msk [tilespmem:v35+s7+$0x0], $0xffff  }
0x433: {  	v27 =	vor.u32 v10, v27;
	v28 =	vand.u32 $0x7F, v28;
	v35 =	vor.u32 v13, v17  }
0x434: {  	v32 =	vand.u32 $0x7F, v32;
	v29 =	vand.u32 $0x7F, v34;
	v34 =	vor.u32 v13, v28  }
0x435: {  	v37 =	vor.u32 v15, v32;
	[tilespmem:v18+s29+$0x0] =	vst.idx.msk $0xffff, v31;
	v18 =	vshll.u32 v33, $0x7;
	v31 =	vadd.s32 s19, v14  }
0x436: {  	v30 =	vand.u32 $0x7F, v36;
	v33 =	vld.idx.msk [tilespmem:v26+s7+$0x0], $0xffff;
	v36 =	vor.u32 v12, v18;
	[tilespmem:v21+s29+$0x0] =	vst.idx.msk $0xffff, v22;
	v38 =	vand.u32 $0x7F, v31  }
0x437: {  	v20 =	vshll.u32 v20, $0x7;
	v18 =	vadd.s32 s4, v14;
	[tilespmem:v19+s29+$0x0] =	vst.idx.msk $0xffff, v24;
	v39 =	vld.idx.msk [tilespmem:v23+s7+$0x0], $0xffff;
	v19 =	vor.u32 v15, v38  }
0x438: {  	v17 =	vshll.u32 v17, $0x7;
	v26 =	vand.u32 $0x7F, v18;
	[tilespmem:v27+s29+$0x0] =	vst.idx.msk $0xffff, v25;
	v25 =	vld.idx.msk [tilespmem:v35+s7+$0x0], $0xffff;
	v35 =	vor.u32 v12, v20  }
.Ltmp5:
0x439: {  	v18 =	vshll.u32 v28, $0x7;
	v28 =	vor.u32 v12, v17;
	v20 =	vadd.s32 s18, v14;
	v24 =	vld.idx.msk [tilespmem:v34+s7+$0x0], $0xffff;
	(pc) =	sbr.rel @p1 .LBB2_13-.Ltmp5, $4  }
0x43a: {  	s19 =	sadd.s32 $0x3, s20;
	v27 =	vor.u32 v12, v18;
	v17 =	vand.u32 $0x7F, v20;
	v20 =	vor.u32 v15, v26  }
0x43b: {  	v21 =	vadd.s32 s19, v0;
	v22 =	vshll.u32 v32, $0x7;
	v18 =	vor.u32 v15, v17  }
0x43c: {  	v31 =	vor.u32 v1, v30;
	s4 =	sadd.s32 $0x2, s20;
	v32 =	vand.u32 $0x7F, v21;
	v21 =	vor.u32 v14, v22;
	[tilespmem:v36+s29+$0x0] =	vst.idx.msk $0xffff, v33  }
0x43d: {  	s20 =	sadd.s32 $0x4, s20;
	v23 =	vadd.s32 s4, v0;
	s18 =	sadd.s32 $0x1, s17;
	v34 =	vshll.u32 v38, $0x7;
	v33 =	vor.u32 v1, v32;
	v22 =	vld.idx.msk [tilespmem:v37+s7+$0x0], $0xffff;
	[tilespmem:v35+s29+$0x0] =	vst.idx.msk $0xffff, v39  }
0x43e: {  	v35 =	vadd.s32 s18, v0;
	v36 =	vand.u32 $0x7F, v23;
	v23 =	vor.u32 v14, v34  }
0x43f: {  	v26 =	vshll.u32 v26, $0x7;
	v30 =	vshll.u32 v30, $0x7;
	v38 =	vadd.s32 s19, v2  }
0x440: {  	v39 =	vor.u32 v3, v29;
	v40 =	vadd.s32 s4, v2;
	v32 =	vshll.u32 v32, $0x7  }
0x441: {  	v42 =	vadd.s32 s18, v2;
	v16 =	vand.u32 $0x7F, v16;
	v29 =	vshll.u32 v29, $0x7  }
0x442: {  	v52 =	vadd.s32 s18, v4;
	v59 =	vadd.s32 s19, v6;
	v61 =	vadd.s32 s4, v6  }
0x443: {  	v17 =	vshll.u32 v17, $0x7;
	v46 =	vand.u32 $0x7F, v35;
	v47 =	vor.u32 v1, v36  }
0x444: {  	v30 =	vor.u32 v0, v30;
	v38 =	vand.u32 $0x7F, v38;
	v37 =	vor.u32 v1, v46  }
0x445: {  	v36 =	vshll.u32 v36, $0x7;
	v40 =	vand.u32 $0x7F, v40;
	v32 =	vor.u32 v0, v32  }
0x446: {  	v31 =	vld.idx.msk [tilespmem:v31+s7+$0x0], $0xffff;
	v42 =	vand.u32 $0x7F, v42;
	v45 =	vor.u32 v5, v16;
	v29 =	vor.u32 v2, v29  }
0x447: {  	v33 =	vld.idx.msk [tilespmem:v33+s7+$0x0], $0xffff;
	v16 =	vshll.u32 v16, $0x7;
	v60 =	vand.u32 $0x7F, v59;
	v41 =	vor.u32 v3, v38  }
0x448: {  	v34 =	vshll.u32 v46, $0x7;
	v36 =	vor.u32 v0, v36;
	v43 =	vor.u32 v3, v40;
	v35 =	vld.idx.msk [tilespmem:v47+s7+$0x0], $0xffff  }
0x449: {  	v44 =	vor.u32 v3, v42;
	v46 =	vadd.s32 s19, v4;
	v34 =	vor.u32 v0, v34;
	v37 =	vld.idx.msk [tilespmem:v37+s7+$0x0], $0xffff  }
0x44a: {  	v49 =	vshll.u32 v40, $0x7;
	v51 =	vshll.u32 v42, $0x7;
	v16 =	vor.u32 v4, v16  }
0x44b: {  	v63 =	vor.u32 v7, v60;
	v42 =	vadd.s32 s17, v14;
	v46 =	vand.u32 $0x7F, v46;
	[tilespmem:v30+s29+$0x0] =	vst.idx.msk $0xffff, v31  }
0x44c: {  	v62 =	vshll.u32 v46, $0x7;
	v30 =	vadd.s32 s4, v4;
	v31 =	vshll.u32 v38, $0x7;
	[tilespmem:v32+s29+$0x0] =	vst.idx.msk $0xffff, v33;
	v48 =	vld.idx.msk [tilespmem:v39+s7+$0x0], $0xffff  }
0x44d: {  	v38 =	vor.u32 v5, v46;
	v31 =	vor.u32 v2, v31;
	v50 =	vld.idx.msk [tilespmem:v41+s7+$0x0], $0xffff;
	[tilespmem:v36+s29+$0x0] =	vst.idx.msk $0xffff, v35  }
0x44e: {  	v47 =	vadd.s32 s17, v6;
	v33 =	vor.u32 v2, v49;
	v30 =	vand.u32 $0x7F, v30;
	v53 =	vld.idx.msk [tilespmem:v43+s7+$0x0], $0xffff;
	[tilespmem:v34+s29+$0x0] =	vst.idx.msk $0xffff, v37  }
0x44f: {  	v39 =	vand.u32 $0x7F, v52;
	v54 =	vor.u32 v5, v30;
	v36 =	vor.u32 v2, v51;
	v57 =	vld.idx.msk [tilespmem:v44+s7+$0x0], $0xffff  }
0x450: {  	v49 =	vand.u32 $0x7F, v61;
	v32 =	vshll.u32 v60, $0x7;
	v56 =	vor.u32 v5, v39  }
0x451: {  	v55 =	vand.u32 $0x7F, v47;
	v52 =	vor.u32 v7, v49;
	v32 =	vor.u32 v6, v32;
	[tilespmem:v29+s29+$0x0] =	vst.idx.msk $0xffff, v48  }
0x452: {  	v58 =	vor.u32 v7, v55;
	v30 =	vshll.u32 v30, $0x7;
	v39 =	vshll.u32 v39, $0x7;
	[tilespmem:v31+s29+$0x0] =	vst.idx.msk $0xffff, v50;
	v31 =	vld.idx.msk [tilespmem:v45+s7+$0x0], $0xffff  }
0x453: {  	v30 =	vor.u32 v4, v30;
	v35 =	vor.u32 v4, v62;
	v48 =	vld.idx.msk [tilespmem:v38+s7+$0x0], $0xffff;
	[tilespmem:v33+s29+$0x0] =	vst.idx.msk $0xffff, v53  }
0x454: {  	v60 =	vadd.s32 s17, v12;
	v39 =	vor.u32 v4, v39;
	v50 =	vadd.s32 s18, v6;
	v40 =	vld.idx.msk [tilespmem:v54+s7+$0x0], $0xffff;
	[tilespmem:v36+s29+$0x0] =	vst.idx.msk $0xffff, v57  }
0x455: {  	v29 =	vadd.s32 s17, v8;
	v34 =	vshll.u32 v55, $0x7;
	v51 =	vand.u32 $0x7F, v50;
	v37 =	vld.idx.msk [tilespmem:v56+s7+$0x0], $0xffff  }
0x456: {  	[tilespmem:v28+s29+$0x0] =	vst.idx.msk $0xffff, v25;
	v55 =	vadd.s32 s17, v10;
	v38 =	vshll.u32 v49, $0x7;
	v53 =	vor.u32 v7, v51  }
0x457: {  	v29 =	vand.u32 $0x7F, v29;
	v34 =	vor.u32 v6, v34;
	v38 =	vor.u32 v6, v38;
	[tilespmem:v16+s29+$0x0] =	vst.idx.msk $0xffff, v31  }
0x458: {  	v45 =	vadd.s32 s4, v10;
	v16 =	vor.u32 v9, v29;
	v31 =	vadd.s32 s19, v8;
	[tilespmem:v35+s29+$0x0] =	vst.idx.msk $0xffff, v48;
	v54 =	vld.idx.msk [tilespmem:v58+s7+$0x0], $0xffff  }
0x459: {  	v36 =	vshll.u32 v51, $0x7;
	v31 =	vand.u32 $0x7F, v31;
	v56 =	vld.idx.msk [tilespmem:v63+s7+$0x0], $0xffff;
	[tilespmem:v30+s29+$0x0] =	vst.idx.msk $0xffff, v40;
	v30 =	vadd.s32 s4, v8  }
0x45a: {  	v58 =	vadd.s32 s18, v8;
	v57 =	vor.u32 v9, v31;
	v41 =	vld.idx.msk [tilespmem:v52+s7+$0x0], $0xffff;
	[tilespmem:v39+s29+$0x0] =	vst.idx.msk $0xffff, v37;
	v30 =	vand.u32 $0x7F, v30  }
0x45b: {  	v36 =	vor.u32 v6, v36;
	v37 =	vand.u32 $0x7F, v58;
	v39 =	vld.idx.msk [tilespmem:v53+s7+$0x0], $0xffff;
	v59 =	vor.u32 v9, v30  }
0x45c: {  	[tilespmem:v27+s29+$0x0] =	vst.idx.msk $0xffff, v24;
	v25 =	vand.u32 $0x7F, v45;
	v35 =	vand.u32 $0x7F, v55;
	v61 =	vor.u32 v9, v37  }
0x45d: {  	v24 =	vor.u32 v11, v25;
	v29 =	vshll.u32 v29, $0x7;
	v62 =	vor.u32 v11, v35;
	[tilespmem:v34+s29+$0x0] =	vst.idx.msk $0xffff, v54  }
0x45e: {  	v49 =	vadd.s32 s18, v10;
	v29 =	vor.u32 v8, v29;
	v31 =	vshll.u32 v31, $0x7;
	[tilespmem:v32+s29+$0x0] =	vst.idx.msk $0xffff, v56;
	v16 =	vld.idx.msk [tilespmem:v16+s7+$0x0], $0xffff  }
0x45f: {  	v63 =	vadd.s32 s19, v10;
	v31 =	vor.u32 v8, v31;
	v46 =	vld.idx.msk [tilespmem:v57+s7+$0x0], $0xffff;
	v30 =	vshll.u32 v30, $0x7;
	[tilespmem:v38+s29+$0x0] =	vst.idx.msk $0xffff, v41  }
0x460: {  	v40 =	vand.u32 $0x7F, v63;
	v37 =	vshll.u32 v37, $0x7;
	v30 =	vor.u32 v8, v30;
	[tilespmem:v36+s29+$0x0] =	vst.idx.msk $0xffff, v39;
	v48 =	vld.idx.msk [tilespmem:v59+s7+$0x0], $0xffff  }
0x461: {  	v25 =	vshll.u32 v25, $0x7;
	v47 =	vor.u32 v11, v40;
	v50 =	vor.u32 v8, v37;
	v28 =	vld.idx.msk [tilespmem:v61+s7+$0x0], $0xffff  }
0x462: {  	v27 =	vand.u32 $0x7F, v60;
	v25 =	vor.u32 v10, v25;
	v51 =	vand.u32 $0x7F, v49  }
0x463: {  	v55 =	vadd.s32 s4, v12;
	v52 =	vor.u32 v11, v51;
	[tilespmem:v29+s29+$0x0] =	vst.idx.msk $0xffff, v16;
	v16 =	vshll.u32 v35, $0x7  }
0x464: {  	v58 =	vshll.u32 v51, $0x7;
	v53 =	vadd.s32 s19, v12;
	[tilespmem:v31+s29+$0x0] =	vst.idx.msk $0xffff, v46;
	v31 =	vld.idx.msk [tilespmem:v62+s7+$0x0], $0xffff;
	v16 =	vor.u32 v10, v16  }
0x465: {  	v57 =	vand.u32 $0x7F, v55;
	v54 =	vand.u32 $0x7F, v53;
	[tilespmem:v30+s29+$0x0] =	vst.idx.msk $0xffff, v48;
	v30 =	vshll.u32 v40, $0x7  }
0x466: {  	v29 =	vor.u32 v13, v27;
	[tilespmem:v50+s29+$0x0] =	vst.idx.msk $0xffff, v28;
	v28 =	vld.idx.msk [tilespmem:v47+s7+$0x0], $0xffff;
	v30 =	vor.u32 v10, v30  }
0x467: {  	v60 =	vor.u32 v13, v57;
	v56 =	vor.u32 v13, v54;
	v59 =	vadd.s32 s18, v12;
	v24 =	vld.idx.msk [tilespmem:v24+s7+$0x0], $0xffff  }
0x468: {  	[tilespmem:v21+s29+$0x0] =	vst.idx.msk $0xffff, v22;
	v35 =	vor.u32 v10, v58;
	v22 =	vand.u32 $0x7F, v59;
	v61 =	vand.u32 $0x7F, v42;
	v21 =	vld.idx.msk [tilespmem:v52+s7+$0x0], $0xffff  }
0x469: {  	v62 =	vor.u32 v13, v22;
	[tilespmem:v16+s29+$0x0] =	vst.idx.msk $0xffff, v31;
	v16 =	vshll.u32 v27, $0x7;
	v27 =	vadd.s32 s19, v14  }
0x46a: {  	v19 =	vld.idx.msk [tilespmem:v19+s7+$0x0], $0xffff;
	v31 =	vor.u32 v15, v61;
	v16 =	vor.u32 v12, v16;
	v27 =	vand.u32 $0x7F, v27  }
0x46b: {  	v36 =	vadd.s32 s18, v14;
	v29 =	vld.idx.msk [tilespmem:v29+s7+$0x0], $0xffff;
	v63 =	vor.u32 v15, v27;
	[tilespmem:v30+s29+$0x0] =	vst.idx.msk $0xffff, v28;
	v30 =	vshll.u32 v54, $0x7  }
0x46c: {  	v28 =	vadd.s32 s4, v14;
	[tilespmem:v25+s29+$0x0] =	vst.idx.msk $0xffff, v24;
	v25 =	vshll.u32 v57, $0x7;
	v24 =	vld.idx.msk [tilespmem:v56+s7+$0x0], $0xffff;
	v30 =	vor.u32 v12, v30  }
0x46d: {  	v22 =	vshll.u32 v22, $0x7;
	v28 =	vand.u32 $0x7F, v28;
	[tilespmem:v35+s29+$0x0] =	vst.idx.msk $0xffff, v21;
	v21 =	vld.idx.msk [tilespmem:v60+s7+$0x0], $0xffff;
	v25 =	vor.u32 v12, v25  }
0x46e: {  	v33 =	vand.u32 $0x7F, v36;
	v22 =	vor.u32 v12, v22;
	v39 =	vld.idx.msk [tilespmem:v62+s7+$0x0], $0xffff;
	v40 =	vor.u32 v15, v28  }
0x46f: {  	v20 =	vld.idx.msk [tilespmem:v20+s7+$0x0], $0xffff;
	v26 =	vor.u32 v14, v26;
	[tilespmem:v23+s29+$0x0] =	vst.idx.msk $0xffff, v19;
	v19 =	vor.u32 v15, v33  }
0x470: {  	v18 =	vld.idx.msk [tilespmem:v18+s7+$0x0], $0xffff;
	v17 =	vor.u32 v14, v17;
	v23 =	vshll.u32 v61, $0x7;
	[tilespmem:v16+s29+$0x0] =	vst.idx.msk $0xffff, v29  }
0x471: {  	v16 =	vor.u32 v14, v23;
	v23 =	vld.idx.msk [tilespmem:v31+s7+$0x0], $0xffff;
	[tilespmem:v30+s29+$0x0] =	vst.idx.msk $0xffff, v24;
	v24 =	vshll.u32 v27, $0x7  }
0x472: {  	[tilespmem:v25+s29+$0x0] =	vst.idx.msk $0xffff, v21;
	v25 =	vshll.u32 v28, $0x7;
	v21 =	vld.idx.msk [tilespmem:v63+s7+$0x0], $0xffff;
	v24 =	vor.u32 v14, v24  }
0x473: {  	v27 =	vshll.u32 v33, $0x7;
	[tilespmem:v22+s29+$0x0] =	vst.idx.msk $0xffff, v39;
	v22 =	vld.idx.msk [tilespmem:v40+s7+$0x0], $0xffff;
	v25 =	vor.u32 v14, v25  }
0x474: {  	[tilespmem:v26+s29+$0x0] =	vst.idx.msk $0xffff, v20;
	v20 =	vor.u32 v14, v27;
	v19 =	vld.idx.msk [tilespmem:v19+s7+$0x0], $0xffff  }
0x475: {  	[tilespmem:v17+s29+$0x0] =	vst.idx.msk $0xffff, v18  }
0x476: {  	[tilespmem:v16+s29+$0x0] =	vst.idx.msk $0xffff, v23  }
0x477: {  	[tilespmem:v24+s29+$0x0] =	vst.idx.msk $0xffff, v21  }
0x478: {  	[tilespmem:v25+s29+$0x0] =	vst.idx.msk $0xffff, v22  }
0x479: {  	s17 =	sadd.s32 $0x14000, s15;
	s18 =	simm.s32 $0x0;
	[tilespmem:v20+s29+$0x0] =	vst.idx.msk $0xffff, v19  }
0x47a: {  	[hbm4b:s17+s1] =	stream.strided.scatter [tilespmem:s29], [sflag:$0x4], $0x4000, s26, s1, $0x38;
	[tilespmem:$0x1FC00] =	vst v63  }
0x47b: {  	v17 =	vadd.s32 s18, v2;
	v18 =	vadd.s32 s18, v0;
	s19 =	simm.s32 $0x3  }
0x47c: {  	v17 =	vand.u32 $0x7F, v17;
	v18 =	vand.u32 $0x7F, v18;
	v26 =	vadd.s32 s19, v2;
	[tilespmem:s7], [sflag:$0x2] =	stream.indirect.gather [spmem:s13], $0x80, s16, s25, $0xb8;
	[tilespmem:$0x1FC00] =	vst v63  }
0x47d: {  	s20 =	simm.s32 $0x2;
	v49 =	vadd.s32 s19, v10;
	v53 =	vadd.s32 s19, v12;
	v19 =	vadd.s32 s19, v0;
	_ =	swait.ge [sflag:s21], $0x4000  }
0x47e: {  	s31 =	simm.s32 $0x1;
	v21 =	vadd.s32 s20, v0;
	v20 =	vor.u32 v1, v18;
	v19 =	vand.u32 $0x7F, v19;
	[sflag:s21] =	ssyncset.done $0x0  }
0x47f: {  	v23 =	vadd.s32 s31, v0;
	v21 =	vand.u32 $0x7F, v21;
	v22 =	vor.u32 v1, v19;
	[sflag:s21] =	ssyncadd.s32 $0xFFFFC000  }
0x480: {  	v50 =	vand.u32 $0x7F, v49;
	v23 =	vand.u32 $0x7F, v23;
	v24 =	vor.u32 v1, v21;
	_ =	swait.ge [sflag:s30], $0x4000  }
0x481: {  	v26 =	vand.u32 $0x7F, v26;
	v51 =	vor.u32 v11, v50;
	v25 =	vor.u32 v1, v23;
	[sflag:s30] =	ssyncset.done $0x0  }
0x482: {  	v54 =	vand.u32 $0x7F, v53;
	v29 =	vor.u32 v3, v26;
	v18 =	vshll.u32 v18, $0x7;
	[sflag:s30] =	ssyncadd.s32 $0xFFFFC000  }
0x483: {  	v55 =	vor.u32 v13, v54;
	v18 =	vor.u32 v0, v18;
	v19 =	vshll.u32 v19, $0x7;
	v20 =	vld.idx.msk [tilespmem:v20+s0+$0x0], $0xffff  }
0x484: {  	v28 =	vadd.s32 s20, v2;
	v21 =	vshll.u32 v21, $0x7;
	v19 =	vor.u32 v0, v19;
	v22 =	vld.idx.msk [tilespmem:v22+s0+$0x0], $0xffff  }
0x485: {  	v30 =	vadd.s32 s31, v2;
	v23 =	vshll.u32 v23, $0x7;
	v21 =	vor.u32 v0, v21;
	v24 =	vld.idx.msk [tilespmem:v24+s0+$0x0], $0xffff  }
0x486: {  	v16 =	vadd.s32 s18, v4;
	v27 =	vor.u32 v3, v17;
	v23 =	vor.u32 v0, v23;
	v25 =	vld.idx.msk [tilespmem:v25+s0+$0x0], $0xffff  }
0x487: {  	v28 =	vand.u32 $0x7F, v28;
	v30 =	vand.u32 $0x7F, v30;
	v17 =	vshll.u32 v17, $0x7  }
0x488: {  	v31 =	vor.u32 v3, v28;
	v16 =	vand.u32 $0x7F, v16;
	v41 =	vor.u32 v3, v30;
	[tilespmem:v18+s24+$0x0] =	vst.idx.msk $0xffff, v20  }
0x489: {  	v44 =	vadd.s32 s19, v6;
	v17 =	vor.u32 v2, v17;
	v42 =	vor.u32 v5, v16;
	[tilespmem:v19+s24+$0x0] =	vst.idx.msk $0xffff, v22  }
0x48a: {  	v18 =	vadd.s32 s19, v4;
	v20 =	vadd.s32 s18, v6;
	v19 =	vadd.s32 s20, v4;
	[tilespmem:v21+s24+$0x0] =	vst.idx.msk $0xffff, v24  }
0x48b: {  	v22 =	vshll.u32 v26, $0x7;
	v24 =	vshll.u32 v28, $0x7;
	[tilespmem:v23+s24+$0x0] =	vst.idx.msk $0xffff, v25;
	v23 =	vshll.u32 v30, $0x7;
	v26 =	vld.idx.msk [tilespmem:v27+s0+$0x0], $0xffff  }
0x48c: {  	v25 =	vadd.s32 s31, v4;
	v18 =	vand.u32 $0x7F, v18;
	v27 =	vld.idx.msk [tilespmem:v29+s0+$0x0], $0xffff;
	v22 =	vor.u32 v2, v22  }
0x48d: {  	v19 =	vand.u32 $0x7F, v19;
	v28 =	vld.idx.msk [tilespmem:v31+s0+$0x0], $0xffff;
	v24 =	vor.u32 v2, v24;
	v21 =	vor.u32 v5, v18  }
0x48e: {  	v23 =	vor.u32 v2, v23;
	v25 =	vand.u32 $0x7F, v25;
	v29 =	vld.idx.msk [tilespmem:v41+s0+$0x0], $0xffff;
	v30 =	vor.u32 v5, v19  }
0x48f: {  	v16 =	vshll.u32 v16, $0x7;
	v20 =	vand.u32 $0x7F, v20;
	v31 =	vor.u32 v5, v25  }
0x490: {  	v16 =	vor.u32 v4, v16;
	v43 =	vor.u32 v7, v20;
	v18 =	vshll.u32 v18, $0x7;
	[tilespmem:v17+s24+$0x0] =	vst.idx.msk $0xffff, v26  }
0x491: {  	v46 =	vadd.s32 s19, v8;
	v19 =	vshll.u32 v19, $0x7;
	v18 =	vor.u32 v4, v18;
	[tilespmem:v22+s24+$0x0] =	vst.idx.msk $0xffff, v27;
	v33 =	vld.idx.msk [tilespmem:v42+s0+$0x0], $0xffff  }
0x492: {  	v47 =	vand.u32 $0x7F, v46;
	v19 =	vor.u32 v4, v19;
	v26 =	vand.u32 $0x7F, v44;
	[tilespmem:v24+s24+$0x0] =	vst.idx.msk $0xffff, v28;
	v21 =	vld.idx.msk [tilespmem:v21+s0+$0x0], $0xffff  }
0x493: {  	v22 =	vadd.s32 s20, v6;
	[tilespmem:v23+s24+$0x0] =	vst.idx.msk $0xffff, v29;
	v23 =	vshll.u32 v25, $0x7;
	v24 =	vadd.s32 s31, v6;
	v25 =	vld.idx.msk [tilespmem:v30+s0+$0x0], $0xffff  }
0x494: {  	v27 =	vor.u32 v7, v26;
	v22 =	vand.u32 $0x7F, v22;
	v23 =	vor.u32 v4, v23;
	v29 =	vld.idx.msk [tilespmem:v31+s0+$0x0], $0xffff  }
0x495: {  	v17 =	vadd.s32 s18, v8;
	v24 =	vand.u32 $0x7F, v24;
	v28 =	vor.u32 v7, v22  }
0x496: {  	v20 =	vshll.u32 v20, $0x7;
	v17 =	vand.u32 $0x7F, v17;
	v31 =	vor.u32 v7, v24;
	[tilespmem:v16+s24+$0x0] =	vst.idx.msk $0xffff, v33  }
0x497: {  	v30 =	vadd.s32 s18, v14;
	v45 =	vor.u32 v9, v17;
	v16 =	vor.u32 v6, v20;
	[tilespmem:v18+s24+$0x0] =	vst.idx.msk $0xffff, v21  }
0x498: {  	v18 =	vadd.s32 s20, v8;
	v21 =	vshll.u32 v26, $0x7;
	v26 =	vor.u32 v9, v47;
	[tilespmem:v19+s24+$0x0] =	vst.idx.msk $0xffff, v25;
	v32 =	vld.idx.msk [tilespmem:v43+s0+$0x0], $0xffff  }
0x499: {  	v19 =	vshll.u32 v22, $0x7;
	[tilespmem:v23+s24+$0x0] =	vst.idx.msk $0xffff, v29;
	v23 =	vshll.u32 v24, $0x7;
	v21 =	vor.u32 v6, v21;
	v22 =	vld.idx.msk [tilespmem:v27+s0+$0x0], $0xffff  }
0x49a: {  	v24 =	vadd.s32 s31, v8;
	v18 =	vand.u32 $0x7F, v18;
	v19 =	vor.u32 v6, v19;
	v25 =	vld.idx.msk [tilespmem:v28+s0+$0x0], $0xffff  }
0x49b: {  	v23 =	vor.u32 v6, v23;
	v24 =	vand.u32 $0x7F, v24;
	v28 =	vld.idx.msk [tilespmem:v31+s0+$0x0], $0xffff;
	v27 =	vor.u32 v9, v18  }
0x49c: {  	v17 =	vshll.u32 v17, $0x7;
	v57 =	vand.u32 $0x7F, v30;
	v31 =	vor.u32 v9, v24  }
0x49d: {  	v17 =	vor.u32 v8, v17;
	v59 =	vor.u32 v15, v57;
	[tilespmem:v16+s24+$0x0] =	vst.idx.msk $0xffff, v32  }
0x49e: {  	v20 =	vadd.s32 s18, v10;
	[tilespmem:v21+s24+$0x0] =	vst.idx.msk $0xffff, v22;
	v21 =	vadd.s32 s20, v10;
	v22 =	vshll.u32 v47, $0x7;
	v34 =	vld.idx.msk [tilespmem:v45+s0+$0x0], $0xffff  }
0x49f: {  	v18 =	vshll.u32 v18, $0x7;
	[tilespmem:v19+s24+$0x0] =	vst.idx.msk $0xffff, v25;
	v19 =	vand.u32 $0x7F, v21;
	v21 =	vor.u32 v8, v22;
	v22 =	vld.idx.msk [tilespmem:v26+s0+$0x0], $0xffff  }
0x4a0: {  	v20 =	vand.u32 $0x7F, v20;
	v18 =	vor.u32 v8, v18;
	[tilespmem:v23+s24+$0x0] =	vst.idx.msk $0xffff, v28;
	v23 =	vshll.u32 v24, $0x7;
	v25 =	vld.idx.msk [tilespmem:v27+s0+$0x0], $0xffff  }
0x4a1: {  	v48 =	vor.u32 v11, v20;
	v20 =	vshll.u32 v20, $0x7;
	v23 =	vor.u32 v8, v23;
	v27 =	vld.idx.msk [tilespmem:v31+s0+$0x0], $0xffff  }
0x4a2: {  	s16 =	simm.s32 $0x4;
	v29 =	vadd.s32 s18, v12;
	v20 =	vor.u32 v10, v20;
	v24 =	vadd.s32 s31, v10  }
0x4a3: {  	v16 =	vadd.s32 s16, v4;
	v24 =	vand.u32 $0x7F, v24;
	v26 =	vor.u32 v11, v19;
	[tilespmem:v17+s24+$0x0] =	vst.idx.msk $0xffff, v34  }
0x4a4: {  	v28 =	vadd.s32 s16, v2;
	v31 =	vand.u32 $0x7F, v29;
	v29 =	vor.u32 v11, v24;
	[tilespmem:v21+s24+$0x0] =	vst.idx.msk $0xffff, v22  }
0x4a5: {  	v52 =	vor.u32 v13, v31;
	v17 =	vadd.s32 s16, v0;
	v21 =	vadd.s32 s20, v12;
	[tilespmem:v18+s24+$0x0] =	vst.idx.msk $0xffff, v25  }
0x4a6: {  	v22 =	vshll.u32 v50, $0x7;
	v18 =	vshll.u32 v19, $0x7;
	[tilespmem:v23+s24+$0x0] =	vst.idx.msk $0xffff, v27;
	v23 =	vshll.u32 v24, $0x7;
	v35 =	vld.idx.msk [tilespmem:v48+s0+$0x0], $0xffff  }
0x4a7: {  	v24 =	vadd.s32 s31, v12;
	v21 =	vand.u32 $0x7F, v21;
	v19 =	vor.u32 v10, v22;
	v22 =	vld.idx.msk [tilespmem:v51+s0+$0x0], $0xffff  }
0x4a8: {  	v18 =	vor.u32 v10, v18;
	v25 =	vld.idx.msk [tilespmem:v26+s0+$0x0], $0xffff;
	v23 =	vor.u32 v10, v23;
	v24 =	vand.u32 $0x7F, v24  }
0x4a9: {  	v56 =	vld.idx.msk [tilespmem:v29+s0+$0x0], $0xffff;
	v29 =	vand.u32 $0x7F, v28;
	v26 =	vshll.u32 v31, $0x7;
	v27 =	vor.u32 v13, v21  }
0x4aa: {  	v28 =	vadd.s32 s19, v14;
	v30 =	vand.u32 $0x7F, v17;
	v58 =	vor.u32 v13, v24  }
0x4ab: {  	v60 =	vor.u32 v12, v26;
	v61 =	vand.u32 $0x7F, v28;
	v31 =	vor.u32 v1, v30;
	[tilespmem:v20+s24+$0x0] =	vst.idx.msk $0xffff, v35  }
0x4ac: {  	v17 =	vadd.s32 s20, v14;
	[tilespmem:v19+s24+$0x0] =	vst.idx.msk $0xffff, v22;
	v20 =	vshll.u32 v54, $0x7;
	v19 =	vor.u32 v15, v61;
	v36 =	vld.idx.msk [tilespmem:v52+s0+$0x0], $0xffff  }
0x4ad: {  	v26 =	vand.u32 $0x7F, v17;
	[tilespmem:v18+s24+$0x0] =	vst.idx.msk $0xffff, v25;
	v18 =	vshll.u32 v21, $0x7;
	v62 =	vld.idx.msk [tilespmem:v55+s0+$0x0], $0xffff;
	v63 =	vor.u32 v12, v20  }
0x4ae: {  	v17 =	vshll.u32 v24, $0x7;
	[tilespmem:v23+s24+$0x0] =	vst.idx.msk $0xffff, v56;
	v20 =	vadd.s32 s31, v14;
	v28 =	vor.u32 v12, v18;
	v25 =	vld.idx.msk [tilespmem:v27+s0+$0x0], $0xffff  }
0x4af: {  	s18 =	simm.s32 $0x7;
	v27 =	vor.u32 v12, v17;
	v24 =	vld.idx.msk [tilespmem:v58+s0+$0x0], $0xffff;
	v17 =	vand.u32 $0x7F, v20;
	v20 =	vor.u32 v15, v26  }
0x4b0: {  	s4 =	simm.s32 $0x6;
	v34 =	vshll.u32 v61, $0x7;
	v21 =	vadd.s32 s18, v0;
	v18 =	vor.u32 v15, v17  }
0x4b1: {  	v22 =	vshll.u32 v57, $0x7;
	v23 =	vadd.s32 s4, v0;
	v32 =	vand.u32 $0x7F, v21;
	[tilespmem:v60+s24+$0x0] =	vst.idx.msk $0xffff, v36  }
0x4b2: {  	s17 =	simm.s32 $0x5;
	s19 =	simm.s32 $0x8;
	v21 =	vor.u32 v14, v22;
	v33 =	vor.u32 v1, v32;
	[tilespmem:v63+s24+$0x0] =	vst.idx.msk $0xffff, v62;
	v22 =	vld.idx.msk [tilespmem:v59+s0+$0x0], $0xffff  }
.LBB2_15:
0x4b3: {  	p1 =	slt.u32 s19, $0x7C;
	v35 =	vadd.s32 s17, v0;
	v23 =	vand.u32 $0x7F, v23;
	[tilespmem:v28+s24+$0x0] =	vst.idx.msk $0xffff, v25;
	v19 =	vld.idx.msk [tilespmem:v19+s0+$0x0], $0xffff;
	v25 =	vor.u32 v14, v34  }
0x4b4: {  	v28 =	vand.u32 $0x7F, v35;
	v34 =	vor.u32 v1, v23;
	[tilespmem:v27+s24+$0x0] =	vst.idx.msk $0xffff, v24;
	v20 =	vld.idx.msk [tilespmem:v20+s0+$0x0], $0xffff;
	v24 =	vshll.u32 v26, $0x7  }
0x4b5: {  	v17 =	vshll.u32 v17, $0x7;
	v26 =	vor.u32 v1, v28;
	v18 =	vld.idx.msk [tilespmem:v18+s0+$0x0], $0xffff;
	v24 =	vor.u32 v14, v24  }
0x4b6: {  	v27 =	vshll.u32 v30, $0x7;
	v30 =	vadd.s32 s18, v2;
	v17 =	vor.u32 v14, v17  }
0x4b7: {  	v35 =	vor.u32 v3, v29;
	v27 =	vor.u32 v0, v27;
	v30 =	vand.u32 $0x7F, v30;
	v31 =	vld.idx.msk [tilespmem:v31+s0+$0x0], $0xffff  }
0x4b8: {  	v36 =	vadd.s32 s4, v2;
	v32 =	vshll.u32 v32, $0x7;
	v37 =	vor.u32 v3, v30;
	v33 =	vld.idx.msk [tilespmem:v33+s0+$0x0], $0xffff;
	[tilespmem:v21+s24+$0x0] =	vst.idx.msk $0xffff, v22  }
0x4b9: {  	v32 =	vor.u32 v0, v32;
	v22 =	vshll.u32 v23, $0x7;
	v23 =	vand.u32 $0x7F, v36;
	v21 =	vld.idx.msk [tilespmem:v34+s0+$0x0], $0xffff;
	[tilespmem:v25+s24+$0x0] =	vst.idx.msk $0xffff, v19  }
0x4ba: {  	v25 =	vshll.u32 v28, $0x7;
	v22 =	vor.u32 v0, v22;
	v19 =	vld.idx.msk [tilespmem:v26+s0+$0x0], $0xffff;
	v26 =	vadd.s32 s17, v2;
	[tilespmem:v24+s24+$0x0] =	vst.idx.msk $0xffff, v20  }
0x4bb: {  	v20 =	vor.u32 v0, v25;
	v25 =	vor.u32 v3, v23;
	v24 =	vand.u32 $0x7F, v26;
	[tilespmem:v17+s24+$0x0] =	vst.idx.msk $0xffff, v18  }
0x4bc: {  	v16 =	vand.u32 $0x7F, v16;
	v17 =	vor.u32 v3, v24  }
0x4bd: {  	v18 =	vshll.u32 v29, $0x7;
	v26 =	vor.u32 v5, v16;
	[tilespmem:v27+s24+$0x0] =	vst.idx.msk $0xffff, v31;
	v27 =	vadd.s32 s18, v4  }
0x4be: {  	v29 =	vadd.s32 s16, v6;
	v18 =	vor.u32 v2, v18;
	v28 =	vld.idx.msk [tilespmem:v35+s0+$0x0], $0xffff;
	[tilespmem:v32+s24+$0x0] =	vst.idx.msk $0xffff, v33;
	v27 =	vand.u32 $0x7F, v27  }
0x4bf: {  	v30 =	vshll.u32 v30, $0x7;
	[tilespmem:v22+s24+$0x0] =	vst.idx.msk $0xffff, v21;
	v21 =	vadd.s32 s4, v4;
	v22 =	vld.idx.msk [tilespmem:v37+s0+$0x0], $0xffff;
	v31 =	vor.u32 v5, v27  }
0x4c0: {  	[tilespmem:v20+s24+$0x0] =	vst.idx.msk $0xffff, v19;
	v19 =	vld.idx.msk [tilespmem:v25+s0+$0x0], $0xffff;
	v20 =	vshll.u32 v23, $0x7;
	v21 =	vand.u32 $0x7F, v21;
	v23 =	vor.u32 v2, v30  }
0x4c1: {  	v24 =	vshll.u32 v24, $0x7;
	v25 =	vadd.s32 s17, v4;
	v17 =	vld.idx.msk [tilespmem:v17+s0+$0x0], $0xffff;
	v20 =	vor.u32 v2, v20  }
0x4c2: {  	v24 =	vor.u32 v2, v24;
	v25 =	vand.u32 $0x7F, v25;
	v30 =	vor.u32 v5, v21  }
0x4c3: {  	v29 =	vand.u32 $0x7F, v29;
	v32 =	vor.u32 v5, v25  }
0x4c4: {  	v16 =	vshll.u32 v16, $0x7;
	[tilespmem:v18+s24+$0x0] =	vst.idx.msk $0xffff, v28;
	v18 =	vor.u32 v7, v29;
	v28 =	vadd.s32 s18, v6  }
0x4c5: {  	v16 =	vor.u32 v4, v16;
	v33 =	vadd.s32 s16, v8;
	v26 =	vld.idx.msk [tilespmem:v26+s0+$0x0], $0xffff;
	[tilespmem:v23+s24+$0x0] =	vst.idx.msk $0xffff, v22;
	v22 =	vand.u32 $0x7F, v28  }
0x4c6: {  	v23 =	vshll.u32 v27, $0x7;
	[tilespmem:v20+s24+$0x0] =	vst.idx.msk $0xffff, v19;
	v19 =	vadd.s32 s4, v6;
	v20 =	vld.idx.msk [tilespmem:v31+s0+$0x0], $0xffff;
	v27 =	vor.u32 v7, v22  }
0x4c7: {  	v21 =	vshll.u32 v21, $0x7;
	v23 =	vor.u32 v4, v23;
	[tilespmem:v24+s24+$0x0] =	vst.idx.msk $0xffff, v17;
	v17 =	vld.idx.msk [tilespmem:v30+s0+$0x0], $0xffff;
	v19 =	vand.u32 $0x7F, v19  }
0x4c8: {  	v25 =	vshll.u32 v25, $0x7;
	v21 =	vor.u32 v4, v21;
	v28 =	vadd.s32 s17, v6;
	v24 =	vld.idx.msk [tilespmem:v32+s0+$0x0], $0xffff  }
0x4c9: {  	v25 =	vor.u32 v4, v25;
	v28 =	vand.u32 $0x7F, v28;
	v30 =	vor.u32 v7, v19  }
0x4ca: {  	v31 =	vand.u32 $0x7F, v33;
	v33 =	vor.u32 v7, v28;
	v32 =	vadd.s32 s16, v14  }
0x4cb: {  	[tilespmem:v16+s24+$0x0] =	vst.idx.msk $0xffff, v26;
	v16 =	vshll.u32 v29, $0x7;
	v26 =	vor.u32 v9, v31;
	v29 =	vadd.s32 s18, v8  }
0x4cc: {  	v34 =	vadd.s32 s16, v10;
	v18 =	vld.idx.msk [tilespmem:v18+s0+$0x0], $0xffff;
	v16 =	vor.u32 v6, v16;
	[tilespmem:v23+s24+$0x0] =	vst.idx.msk $0xffff, v20;
	v20 =	vand.u32 $0x7F, v29  }
0x4cd: {  	v22 =	vshll.u32 v22, $0x7;
	[tilespmem:v21+s24+$0x0] =	vst.idx.msk $0xffff, v17;
	v17 =	vadd.s32 s4, v8;
	v21 =	vld.idx.msk [tilespmem:v27+s0+$0x0], $0xffff;
	v23 =	vor.u32 v9, v20  }
0x4ce: {  	v22 =	vor.u32 v6, v22;
	v19 =	vshll.u32 v19, $0x7;
	[tilespmem:v25+s24+$0x0] =	vst.idx.msk $0xffff, v24;
	v24 =	vld.idx.msk [tilespmem:v30+s0+$0x0], $0xffff;
	v17 =	vand.u32 $0x7F, v17  }
0x4cf: {  	v19 =	vor.u32 v6, v19;
	v27 =	vshll.u32 v28, $0x7;
	v28 =	vadd.s32 s17, v8;
	v25 =	vld.idx.msk [tilespmem:v33+s0+$0x0], $0xffff  }
0x4d0: {  	v27 =	vor.u32 v6, v27;
	v28 =	vand.u32 $0x7F, v28;
	v29 =	vor.u32 v9, v17  }
0x4d1: {  	v30 =	vand.u32 $0x7F, v34;
	v33 =	vadd.s32 s16, v12;
	v34 =	vor.u32 v9, v28;
	s16 =	smov.u32 s19  }
0x4d2: {  	v35 =	vadd.s32 s18, v10;
	[tilespmem:v16+s24+$0x0] =	vst.idx.msk $0xffff, v18;
	v18 =	vshll.u32 v31, $0x7;
	v31 =	vor.u32 v11, v30  }
0x4d3: {  	v16 =	vadd.s32 s19, v4;
	v26 =	vld.idx.msk [tilespmem:v26+s0+$0x0], $0xffff;
	v18 =	vor.u32 v8, v18;
	[tilespmem:v22+s24+$0x0] =	vst.idx.msk $0xffff, v21;
	v21 =	vand.u32 $0x7F, v35  }
0x4d4: {  	v20 =	vshll.u32 v20, $0x7;
	[tilespmem:v19+s24+$0x0] =	vst.idx.msk $0xffff, v24;
	v19 =	vadd.s32 s4, v10;
	v22 =	vld.idx.msk [tilespmem:v23+s0+$0x0], $0xffff;
	v23 =	vor.u32 v11, v21  }
0x4d5: {  	v20 =	vor.u32 v8, v20;
	v17 =	vshll.u32 v17, $0x7;
	[tilespmem:v27+s24+$0x0] =	vst.idx.msk $0xffff, v25;
	v24 =	vld.idx.msk [tilespmem:v29+s0+$0x0], $0xffff;
	v19 =	vand.u32 $0x7F, v19  }
0x4d6: {  	v17 =	vor.u32 v8, v17;
	v27 =	vshll.u32 v28, $0x7;
	v28 =	vadd.s32 s17, v10;
	v25 =	vld.idx.msk [tilespmem:v34+s0+$0x0], $0xffff  }
0x4d7: {  	v27 =	vor.u32 v8, v27;
	v28 =	vand.u32 $0x7F, v28;
	v29 =	vor.u32 v11, v19  }
0x4d8: {  	v33 =	vand.u32 $0x7F, v33;
	v34 =	vadd.s32 s19, v2;
	v35 =	vor.u32 v11, v28  }
0x4d9: {  	[tilespmem:v18+s24+$0x0] =	vst.idx.msk $0xffff, v26;
	v18 =	vshll.u32 v30, $0x7;
	v26 =	vor.u32 v13, v33;
	v30 =	vadd.s32 s18, v12  }
0x4da: {  	v36 =	vadd.s32 s19, v0;
	v31 =	vld.idx.msk [tilespmem:v31+s0+$0x0], $0xffff;
	v18 =	vor.u32 v10, v18;
	[tilespmem:v20+s24+$0x0] =	vst.idx.msk $0xffff, v22;
	v20 =	vand.u32 $0x7F, v30  }
0x4db: {  	v21 =	vshll.u32 v21, $0x7;
	[tilespmem:v17+s24+$0x0] =	vst.idx.msk $0xffff, v24;
	v17 =	vadd.s32 s4, v12;
	v22 =	vld.idx.msk [tilespmem:v23+s0+$0x0], $0xffff;
	v23 =	vor.u32 v13, v20  }
0x4dc: {  	v21 =	vor.u32 v10, v21;
	v19 =	vshll.u32 v19, $0x7;
	[tilespmem:v27+s24+$0x0] =	vst.idx.msk $0xffff, v25;
	v24 =	vld.idx.msk [tilespmem:v29+s0+$0x0], $0xffff;
	v17 =	vand.u32 $0x7F, v17  }
0x4dd: {  	v19 =	vor.u32 v10, v19;
	v27 =	vshll.u32 v28, $0x7;
	v28 =	vadd.s32 s17, v12;
	v25 =	vld.idx.msk [tilespmem:v35+s0+$0x0], $0xffff  }
0x4de: {  	v27 =	vor.u32 v10, v27;
	v28 =	vand.u32 $0x7F, v28;
	v35 =	vor.u32 v13, v17  }
0x4df: {  	v32 =	vand.u32 $0x7F, v32;
	v29 =	vand.u32 $0x7F, v34;
	v34 =	vor.u32 v13, v28  }
0x4e0: {  	v37 =	vor.u32 v15, v32;
	[tilespmem:v18+s24+$0x0] =	vst.idx.msk $0xffff, v31;
	v18 =	vshll.u32 v33, $0x7;
	v31 =	vadd.s32 s18, v14  }
0x4e1: {  	v30 =	vand.u32 $0x7F, v36;
	v33 =	vld.idx.msk [tilespmem:v26+s0+$0x0], $0xffff;
	v36 =	vor.u32 v12, v18;
	[tilespmem:v21+s24+$0x0] =	vst.idx.msk $0xffff, v22;
	v38 =	vand.u32 $0x7F, v31  }
0x4e2: {  	v20 =	vshll.u32 v20, $0x7;
	v18 =	vadd.s32 s4, v14;
	[tilespmem:v19+s24+$0x0] =	vst.idx.msk $0xffff, v24;
	v39 =	vld.idx.msk [tilespmem:v23+s0+$0x0], $0xffff;
	v19 =	vor.u32 v15, v38  }
0x4e3: {  	v17 =	vshll.u32 v17, $0x7;
	v26 =	vand.u32 $0x7F, v18;
	[tilespmem:v27+s24+$0x0] =	vst.idx.msk $0xffff, v25;
	v25 =	vld.idx.msk [tilespmem:v35+s0+$0x0], $0xffff;
	v35 =	vor.u32 v12, v20  }
.Ltmp6:
0x4e4: {  	v18 =	vshll.u32 v28, $0x7;
	v28 =	vor.u32 v12, v17;
	v20 =	vadd.s32 s17, v14;
	v24 =	vld.idx.msk [tilespmem:v34+s0+$0x0], $0xffff;
	(pc) =	sbr.rel @p1 .LBB2_15-.Ltmp6, $4  }
0x4e5: {  	s18 =	sadd.s32 $0x3, s19;
	v27 =	vor.u32 v12, v18;
	v17 =	vand.u32 $0x7F, v20;
	v20 =	vor.u32 v15, v26  }
0x4e6: {  	v21 =	vadd.s32 s18, v0;
	v22 =	vshll.u32 v32, $0x7;
	v18 =	vor.u32 v15, v17  }
0x4e7: {  	v31 =	vor.u32 v1, v30;
	s4 =	sadd.s32 $0x2, s19;
	v32 =	vand.u32 $0x7F, v21;
	v21 =	vor.u32 v14, v22;
	[tilespmem:v36+s24+$0x0] =	vst.idx.msk $0xffff, v33  }
0x4e8: {  	s19 =	sadd.s32 $0x4, s19;
	v23 =	vadd.s32 s4, v0;
	s17 =	sadd.s32 $0x1, s16;
	v34 =	vshll.u32 v38, $0x7;
	v33 =	vor.u32 v1, v32;
	v22 =	vld.idx.msk [tilespmem:v37+s0+$0x0], $0xffff;
	[tilespmem:v35+s24+$0x0] =	vst.idx.msk $0xffff, v39  }
0x4e9: {  	v35 =	vadd.s32 s17, v0;
	v36 =	vand.u32 $0x7F, v23;
	v23 =	vor.u32 v14, v34  }
0x4ea: {  	v26 =	vshll.u32 v26, $0x7;
	v30 =	vshll.u32 v30, $0x7;
	v38 =	vadd.s32 s18, v2  }
0x4eb: {  	v39 =	vor.u32 v3, v29;
	v40 =	vadd.s32 s4, v2;
	v32 =	vshll.u32 v32, $0x7  }
0x4ec: {  	v42 =	vadd.s32 s17, v2;
	v16 =	vand.u32 $0x7F, v16;
	v29 =	vshll.u32 v29, $0x7  }
0x4ed: {  	v52 =	vadd.s32 s17, v4;
	v59 =	vadd.s32 s18, v6;
	v61 =	vadd.s32 s4, v6  }
0x4ee: {  	v17 =	vshll.u32 v17, $0x7;
	v46 =	vand.u32 $0x7F, v35;
	v47 =	vor.u32 v1, v36  }
0x4ef: {  	v30 =	vor.u32 v0, v30;
	v38 =	vand.u32 $0x7F, v38;
	v37 =	vor.u32 v1, v46  }
0x4f0: {  	v36 =	vshll.u32 v36, $0x7;
	v40 =	vand.u32 $0x7F, v40;
	v32 =	vor.u32 v0, v32  }
0x4f1: {  	v31 =	vld.idx.msk [tilespmem:v31+s0+$0x0], $0xffff;
	v42 =	vand.u32 $0x7F, v42;
	v45 =	vor.u32 v5, v16;
	v29 =	vor.u32 v2, v29  }
0x4f2: {  	v33 =	vld.idx.msk [tilespmem:v33+s0+$0x0], $0xffff;
	v16 =	vshll.u32 v16, $0x7;
	v60 =	vand.u32 $0x7F, v59;
	v41 =	vor.u32 v3, v38  }
0x4f3: {  	v34 =	vshll.u32 v46, $0x7;
	v36 =	vor.u32 v0, v36;
	v43 =	vor.u32 v3, v40;
	v35 =	vld.idx.msk [tilespmem:v47+s0+$0x0], $0xffff  }
0x4f4: {  	v44 =	vor.u32 v3, v42;
	v46 =	vadd.s32 s18, v4;
	v34 =	vor.u32 v0, v34;
	v37 =	vld.idx.msk [tilespmem:v37+s0+$0x0], $0xffff  }
0x4f5: {  	v49 =	vshll.u32 v40, $0x7;
	v51 =	vshll.u32 v42, $0x7;
	v16 =	vor.u32 v4, v16  }
0x4f6: {  	v63 =	vor.u32 v7, v60;
	v42 =	vadd.s32 s16, v14;
	v46 =	vand.u32 $0x7F, v46;
	[tilespmem:v30+s24+$0x0] =	vst.idx.msk $0xffff, v31  }
0x4f7: {  	v62 =	vshll.u32 v46, $0x7;
	v30 =	vadd.s32 s4, v4;
	v31 =	vshll.u32 v38, $0x7;
	[tilespmem:v32+s24+$0x0] =	vst.idx.msk $0xffff, v33;
	v48 =	vld.idx.msk [tilespmem:v39+s0+$0x0], $0xffff  }
0x4f8: {  	v38 =	vor.u32 v5, v46;
	v31 =	vor.u32 v2, v31;
	v50 =	vld.idx.msk [tilespmem:v41+s0+$0x0], $0xffff;
	[tilespmem:v36+s24+$0x0] =	vst.idx.msk $0xffff, v35  }
0x4f9: {  	v47 =	vadd.s32 s16, v6;
	v33 =	vor.u32 v2, v49;
	v30 =	vand.u32 $0x7F, v30;
	v53 =	vld.idx.msk [tilespmem:v43+s0+$0x0], $0xffff;
	[tilespmem:v34+s24+$0x0] =	vst.idx.msk $0xffff, v37  }
0x4fa: {  	v39 =	vand.u32 $0x7F, v52;
	v54 =	vor.u32 v5, v30;
	v36 =	vor.u32 v2, v51;
	v57 =	vld.idx.msk [tilespmem:v44+s0+$0x0], $0xffff  }
0x4fb: {  	v49 =	vand.u32 $0x7F, v61;
	v32 =	vshll.u32 v60, $0x7;
	v56 =	vor.u32 v5, v39  }
0x4fc: {  	v55 =	vand.u32 $0x7F, v47;
	v52 =	vor.u32 v7, v49;
	v32 =	vor.u32 v6, v32;
	[tilespmem:v29+s24+$0x0] =	vst.idx.msk $0xffff, v48  }
0x4fd: {  	v58 =	vor.u32 v7, v55;
	v30 =	vshll.u32 v30, $0x7;
	v39 =	vshll.u32 v39, $0x7;
	[tilespmem:v31+s24+$0x0] =	vst.idx.msk $0xffff, v50;
	v31 =	vld.idx.msk [tilespmem:v45+s0+$0x0], $0xffff  }
0x4fe: {  	v30 =	vor.u32 v4, v30;
	v35 =	vor.u32 v4, v62;
	v48 =	vld.idx.msk [tilespmem:v38+s0+$0x0], $0xffff;
	[tilespmem:v33+s24+$0x0] =	vst.idx.msk $0xffff, v53  }
0x4ff: {  	v60 =	vadd.s32 s16, v12;
	v39 =	vor.u32 v4, v39;
	v50 =	vadd.s32 s17, v6;
	v40 =	vld.idx.msk [tilespmem:v54+s0+$0x0], $0xffff;
	[tilespmem:v36+s24+$0x0] =	vst.idx.msk $0xffff, v57  }
0x500: {  	v29 =	vadd.s32 s16, v8;
	v34 =	vshll.u32 v55, $0x7;
	v51 =	vand.u32 $0x7F, v50;
	v37 =	vld.idx.msk [tilespmem:v56+s0+$0x0], $0xffff  }
0x501: {  	[tilespmem:v28+s24+$0x0] =	vst.idx.msk $0xffff, v25;
	v55 =	vadd.s32 s16, v10;
	v38 =	vshll.u32 v49, $0x7;
	v53 =	vor.u32 v7, v51  }
0x502: {  	v29 =	vand.u32 $0x7F, v29;
	v34 =	vor.u32 v6, v34;
	v38 =	vor.u32 v6, v38;
	[tilespmem:v16+s24+$0x0] =	vst.idx.msk $0xffff, v31  }
0x503: {  	v45 =	vadd.s32 s4, v10;
	v16 =	vor.u32 v9, v29;
	v31 =	vadd.s32 s18, v8;
	[tilespmem:v35+s24+$0x0] =	vst.idx.msk $0xffff, v48;
	v54 =	vld.idx.msk [tilespmem:v58+s0+$0x0], $0xffff  }
0x504: {  	v36 =	vshll.u32 v51, $0x7;
	v31 =	vand.u32 $0x7F, v31;
	v56 =	vld.idx.msk [tilespmem:v63+s0+$0x0], $0xffff;
	[tilespmem:v30+s24+$0x0] =	vst.idx.msk $0xffff, v40;
	v30 =	vadd.s32 s4, v8  }
0x505: {  	v58 =	vadd.s32 s17, v8;
	v57 =	vor.u32 v9, v31;
	v41 =	vld.idx.msk [tilespmem:v52+s0+$0x0], $0xffff;
	[tilespmem:v39+s24+$0x0] =	vst.idx.msk $0xffff, v37;
	v30 =	vand.u32 $0x7F, v30  }
0x506: {  	v36 =	vor.u32 v6, v36;
	v37 =	vand.u32 $0x7F, v58;
	v39 =	vld.idx.msk [tilespmem:v53+s0+$0x0], $0xffff;
	v59 =	vor.u32 v9, v30  }
0x507: {  	[tilespmem:v27+s24+$0x0] =	vst.idx.msk $0xffff, v24;
	v25 =	vand.u32 $0x7F, v45;
	v35 =	vand.u32 $0x7F, v55;
	v61 =	vor.u32 v9, v37  }
0x508: {  	v24 =	vor.u32 v11, v25;
	v29 =	vshll.u32 v29, $0x7;
	v62 =	vor.u32 v11, v35;
	[tilespmem:v34+s24+$0x0] =	vst.idx.msk $0xffff, v54  }
0x509: {  	v49 =	vadd.s32 s17, v10;
	v29 =	vor.u32 v8, v29;
	v31 =	vshll.u32 v31, $0x7;
	[tilespmem:v32+s24+$0x0] =	vst.idx.msk $0xffff, v56;
	v16 =	vld.idx.msk [tilespmem:v16+s0+$0x0], $0xffff  }
0x50a: {  	v63 =	vadd.s32 s18, v10;
	v31 =	vor.u32 v8, v31;
	v46 =	vld.idx.msk [tilespmem:v57+s0+$0x0], $0xffff;
	v30 =	vshll.u32 v30, $0x7;
	[tilespmem:v38+s24+$0x0] =	vst.idx.msk $0xffff, v41  }
0x50b: {  	v40 =	vand.u32 $0x7F, v63;
	v37 =	vshll.u32 v37, $0x7;
	v30 =	vor.u32 v8, v30;
	[tilespmem:v36+s24+$0x0] =	vst.idx.msk $0xffff, v39;
	v48 =	vld.idx.msk [tilespmem:v59+s0+$0x0], $0xffff  }
0x50c: {  	v25 =	vshll.u32 v25, $0x7;
	v47 =	vor.u32 v11, v40;
	v50 =	vor.u32 v8, v37;
	v28 =	vld.idx.msk [tilespmem:v61+s0+$0x0], $0xffff  }
0x50d: {  	v27 =	vand.u32 $0x7F, v60;
	v25 =	vor.u32 v10, v25;
	v51 =	vand.u32 $0x7F, v49  }
0x50e: {  	v55 =	vadd.s32 s4, v12;
	v52 =	vor.u32 v11, v51;
	[tilespmem:v29+s24+$0x0] =	vst.idx.msk $0xffff, v16;
	v16 =	vshll.u32 v35, $0x7  }
0x50f: {  	v58 =	vshll.u32 v51, $0x7;
	v53 =	vadd.s32 s18, v12;
	[tilespmem:v31+s24+$0x0] =	vst.idx.msk $0xffff, v46;
	v31 =	vld.idx.msk [tilespmem:v62+s0+$0x0], $0xffff;
	v16 =	vor.u32 v10, v16  }
0x510: {  	v57 =	vand.u32 $0x7F, v55;
	v54 =	vand.u32 $0x7F, v53;
	[tilespmem:v30+s24+$0x0] =	vst.idx.msk $0xffff, v48;
	v30 =	vshll.u32 v40, $0x7  }
0x511: {  	v29 =	vor.u32 v13, v27;
	[tilespmem:v50+s24+$0x0] =	vst.idx.msk $0xffff, v28;
	v28 =	vld.idx.msk [tilespmem:v47+s0+$0x0], $0xffff;
	v30 =	vor.u32 v10, v30  }
0x512: {  	v60 =	vor.u32 v13, v57;
	v56 =	vor.u32 v13, v54;
	v59 =	vadd.s32 s17, v12;
	v24 =	vld.idx.msk [tilespmem:v24+s0+$0x0], $0xffff  }
0x513: {  	[tilespmem:v21+s24+$0x0] =	vst.idx.msk $0xffff, v22;
	v35 =	vor.u32 v10, v58;
	v22 =	vand.u32 $0x7F, v59;
	v61 =	vand.u32 $0x7F, v42;
	v21 =	vld.idx.msk [tilespmem:v52+s0+$0x0], $0xffff  }
0x514: {  	v62 =	vor.u32 v13, v22;
	[tilespmem:v16+s24+$0x0] =	vst.idx.msk $0xffff, v31;
	v16 =	vshll.u32 v27, $0x7;
	v27 =	vadd.s32 s18, v14  }
0x515: {  	v19 =	vld.idx.msk [tilespmem:v19+s0+$0x0], $0xffff;
	v31 =	vor.u32 v15, v61;
	v16 =	vor.u32 v12, v16;
	v27 =	vand.u32 $0x7F, v27  }
0x516: {  	v36 =	vadd.s32 s17, v14;
	v29 =	vld.idx.msk [tilespmem:v29+s0+$0x0], $0xffff;
	v63 =	vor.u32 v15, v27;
	[tilespmem:v30+s24+$0x0] =	vst.idx.msk $0xffff, v28;
	v30 =	vshll.u32 v54, $0x7  }
0x517: {  	v28 =	vadd.s32 s4, v14;
	[tilespmem:v25+s24+$0x0] =	vst.idx.msk $0xffff, v24;
	v25 =	vshll.u32 v57, $0x7;
	v24 =	vld.idx.msk [tilespmem:v56+s0+$0x0], $0xffff;
	v30 =	vor.u32 v12, v30  }
0x518: {  	v22 =	vshll.u32 v22, $0x7;
	v28 =	vand.u32 $0x7F, v28;
	[tilespmem:v35+s24+$0x0] =	vst.idx.msk $0xffff, v21;
	v21 =	vld.idx.msk [tilespmem:v60+s0+$0x0], $0xffff;
	v25 =	vor.u32 v12, v25  }
0x519: {  	v33 =	vand.u32 $0x7F, v36;
	v22 =	vor.u32 v12, v22;
	v39 =	vld.idx.msk [tilespmem:v62+s0+$0x0], $0xffff;
	v40 =	vor.u32 v15, v28  }
0x51a: {  	v20 =	vld.idx.msk [tilespmem:v20+s0+$0x0], $0xffff;
	v26 =	vor.u32 v14, v26;
	[tilespmem:v23+s24+$0x0] =	vst.idx.msk $0xffff, v19;
	v19 =	vor.u32 v15, v33  }
0x51b: {  	v18 =	vld.idx.msk [tilespmem:v18+s0+$0x0], $0xffff;
	v17 =	vor.u32 v14, v17;
	v23 =	vshll.u32 v61, $0x7;
	[tilespmem:v16+s24+$0x0] =	vst.idx.msk $0xffff, v29  }
0x51c: {  	v16 =	vor.u32 v14, v23;
	v23 =	vld.idx.msk [tilespmem:v31+s0+$0x0], $0xffff;
	[tilespmem:v30+s24+$0x0] =	vst.idx.msk $0xffff, v24;
	v24 =	vshll.u32 v27, $0x7  }
0x51d: {  	[tilespmem:v25+s24+$0x0] =	vst.idx.msk $0xffff, v21;
	v25 =	vshll.u32 v28, $0x7;
	v21 =	vld.idx.msk [tilespmem:v63+s0+$0x0], $0xffff;
	v24 =	vor.u32 v14, v24  }
0x51e: {  	v27 =	vshll.u32 v33, $0x7;
	[tilespmem:v22+s24+$0x0] =	vst.idx.msk $0xffff, v39;
	v22 =	vld.idx.msk [tilespmem:v40+s0+$0x0], $0xffff;
	v25 =	vor.u32 v14, v25  }
0x51f: {  	[tilespmem:v26+s24+$0x0] =	vst.idx.msk $0xffff, v20;
	v20 =	vor.u32 v14, v27;
	v19 =	vld.idx.msk [tilespmem:v19+s0+$0x0], $0xffff  }
0x520: {  	[tilespmem:v17+s24+$0x0] =	vst.idx.msk $0xffff, v18  }
0x521: {  	p2 =	seq.s32 s14, $0x31;
	[tilespmem:v16+s24+$0x0] =	vst.idx.msk $0xffff, v23  }
0x522: {  	p1 =	sgt.u32 @!p2 s14, $0x2F;
	[tilespmem:v24+s24+$0x0] =	vst.idx.msk $0xffff, v21  }
0x523: {  	p1 =	por p1, p2;
	s16 =	sadd.s32 $0x1, s14;
	[tilespmem:v25+s24+$0x0] =	vst.idx.msk $0xffff, v22  }
0x524: {  	s14 =	sadd.s32 @!p1 $0x2, s14;
	s17 =	sadd.s32 $0x18000, s15;
	s4 =	smulhi.u32 @!p2 $0xAAAAAAAB, s16;
	[tilespmem:v20+s24+$0x0] =	vst.idx.msk $0xffff, v19  }
0x525: {  	[hbm4b:s17+s1] =	stream.strided.scatter [tilespmem:s24], [sflag:$0x3], $0x4000, s26, s1, $0x38;
	[tilespmem:$0x1FC00] =	vst v63  }
0x526: {  	s18 =	smul.u32 @!p1 $0xAB, s14;
	s4 =	sshrl.u32 @!p2 s4, $0x1;
	s17 =	simm.s32 @!p2 $0x5  }
0x527: {  	s20 =	simm.s32 $0x2;
	s4 =	smul.u32 @!p2 $0x3, s4;
	_ =	swait.ge @!p2 [sflag:s17], $0x80  }
0x528: {  	s19 =	simm.s32 @!p2 $0xFC00;
	s18 =	sshrl.u32 @!p1 s18, $0x9;
	[sflag:s17] =	ssyncset.done @!p2 $0x0  }
0x529: {  	s4 =	ssub.s32 @!p2 s16, s4;
	[sflag:s17] =	ssyncadd.s32 @!p2 $0xFFFFFF80;
	s17 =	sand.u32 @!p1 $0x7F, s18  }
0x52a: {  	s4 =	sshll.u32 @!p2 s4, $0x7;
	s18 =	simm.s32 @!p2 $0x80;
	s17 =	smul.u32 @!p1 $0x3, s17  }
0x52b: {  	[tilespmem:s19], [sflag:$0x1] =	stream.indirect.gather @!p2 [spmem:s3], $0x80, s4, s18, $0xb8;
	[tilespmem:$0x1FC00] =	vst v63  }
0x52c: {  	s31 =	simm.s32 $0x1;
	s18 =	simm.s32 $0x0;
	s4 =	ssub.s32 @!p1 s14, s17  }
0x52d: {  	s19 =	simm.s32 $0x3;
	s14 =	sshll.u32 @!p1 s14, $0x4;
	s4 =	sand.u32 @!p1 $0xFF, s4  }
0x52e: {  	v28 =	vadd.s32 s20, v2;
	v30 =	vadd.s32 s31, v2;
	s17 =	simm.s32 @!p1 $0x0;
	s14 =	sadd.s32 @!p1 s22, s14;
	s4 =	sshll.u32 @!p1 s4, $0x7  }
0x52f: {  	v23 =	vadd.s32 s31, v0;
	v28 =	vand.u32 $0x7F, v28;
	v18 =	vadd.s32 s18, v0;
	[tilespmem:s4], [sflag:$0x5] =	stream.linear.gather @!p1 [hbm4b:s14+s17], $0x80, $0x38;
	[tilespmem:$0x1FC00] =	vst v63  }
0x530: {  	v30 =	vand.u32 $0x7F, v30;
	v19 =	vadd.s32 s19, v0;
	v18 =	vand.u32 $0x7F, v18;
	_ =	swait.ge [sflag:s28], $0x4000  }
0x531: {  	v21 =	vadd.s32 s20, v0;
	v19 =	vand.u32 $0x7F, v19;
	v20 =	vor.u32 v1, v18;
	[sflag:s28] =	ssyncset.done $0x0  }
0x532: {  	v23 =	vand.u32 $0x7F, v23;
	v21 =	vand.u32 $0x7F, v21;
	v22 =	vor.u32 v1, v19;
	[sflag:s28] =	ssyncadd.s32 $0xFFFFC000  }
0x533: {  	v31 =	vor.u32 v3, v28;
	v41 =	vor.u32 v3, v30;
	v24 =	vor.u32 v1, v21;
	_ =	swait.ge [sflag:s5], $0x4000  }
0x534: {  	v25 =	vor.u32 v1, v23;
	v23 =	vshll.u32 v23, $0x7;
	v21 =	vshll.u32 v21, $0x7;
	[sflag:s5] =	ssyncset.done $0x0  }
0x535: {  	v23 =	vor.u32 v0, v23;
	v21 =	vor.u32 v0, v21;
	v18 =	vshll.u32 v18, $0x7;
	[sflag:s5] =	ssyncadd.s32 $0xFFFFC000  }
0x536: {  	v16 =	vadd.s32 s18, v4;
	v19 =	vshll.u32 v19, $0x7;
	v18 =	vor.u32 v0, v18;
	v20 =	vld.idx.msk [tilespmem:v20+s7+$0x0], $0xffff  }
0x537: {  	v17 =	vadd.s32 s18, v2;
	v26 =	vadd.s32 s19, v2;
	v19 =	vor.u32 v0, v19;
	v22 =	vld.idx.msk [tilespmem:v22+s7+$0x0], $0xffff  }
0x538: {  	v44 =	vadd.s32 s19, v6;
	v49 =	vadd.s32 s19, v10;
	v17 =	vand.u32 $0x7F, v17;
	v24 =	vld.idx.msk [tilespmem:v24+s7+$0x0], $0xffff  }
0x539: {  	v53 =	vadd.s32 s19, v12;
	v26 =	vand.u32 $0x7F, v26;
	v27 =	vor.u32 v3, v17;
	v25 =	vld.idx.msk [tilespmem:v25+s7+$0x0], $0xffff  }
0x53a: {  	v16 =	vand.u32 $0x7F, v16;
	v50 =	vand.u32 $0x7F, v49;
	v29 =	vor.u32 v3, v26  }
0x53b: {  	v54 =	vand.u32 $0x7F, v53;
	v17 =	vshll.u32 v17, $0x7;
	v42 =	vor.u32 v5, v16;
	[tilespmem:v18+s29+$0x0] =	vst.idx.msk $0xffff, v20  }
0x53c: {  	v16 =	vshll.u32 v16, $0x7;
	v51 =	vor.u32 v11, v50;
	v17 =	vor.u32 v2, v17;
	[tilespmem:v19+s29+$0x0] =	vst.idx.msk $0xffff, v22  }
0x53d: {  	v18 =	vadd.s32 s19, v4;
	v20 =	vadd.s32 s18, v6;
	v19 =	vadd.s32 s20, v4;
	[tilespmem:v21+s29+$0x0] =	vst.idx.msk $0xffff, v24  }
0x53e: {  	v22 =	vshll.u32 v26, $0x7;
	v24 =	vshll.u32 v28, $0x7;
	[tilespmem:v23+s29+$0x0] =	vst.idx.msk $0xffff, v25;
	v23 =	vshll.u32 v30, $0x7;
	v26 =	vld.idx.msk [tilespmem:v27+s7+$0x0], $0xffff  }
0x53f: {  	v25 =	vadd.s32 s31, v4;
	v18 =	vand.u32 $0x7F, v18;
	v27 =	vld.idx.msk [tilespmem:v29+s7+$0x0], $0xffff;
	v22 =	vor.u32 v2, v22  }
0x540: {  	v19 =	vand.u32 $0x7F, v19;
	v28 =	vld.idx.msk [tilespmem:v31+s7+$0x0], $0xffff;
	v24 =	vor.u32 v2, v24;
	v21 =	vor.u32 v5, v18  }
0x541: {  	v23 =	vor.u32 v2, v23;
	v25 =	vand.u32 $0x7F, v25;
	v29 =	vld.idx.msk [tilespmem:v41+s7+$0x0], $0xffff;
	v30 =	vor.u32 v5, v19  }
0x542: {  	v55 =	vor.u32 v13, v54;
	v20 =	vand.u32 $0x7F, v20;
	v31 =	vor.u32 v5, v25  }
0x543: {  	v16 =	vor.u32 v4, v16;
	v43 =	vor.u32 v7, v20;
	v18 =	vshll.u32 v18, $0x7;
	[tilespmem:v17+s29+$0x0] =	vst.idx.msk $0xffff, v26  }
0x544: {  	v46 =	vadd.s32 s19, v8;
	v19 =	vshll.u32 v19, $0x7;
	v18 =	vor.u32 v4, v18;
	[tilespmem:v22+s29+$0x0] =	vst.idx.msk $0xffff, v27;
	v33 =	vld.idx.msk [tilespmem:v42+s7+$0x0], $0xffff  }
0x545: {  	v47 =	vand.u32 $0x7F, v46;
	v19 =	vor.u32 v4, v19;
	v26 =	vand.u32 $0x7F, v44;
	[tilespmem:v24+s29+$0x0] =	vst.idx.msk $0xffff, v28;
	v21 =	vld.idx.msk [tilespmem:v21+s7+$0x0], $0xffff  }
0x546: {  	v22 =	vadd.s32 s20, v6;
	[tilespmem:v23+s29+$0x0] =	vst.idx.msk $0xffff, v29;
	v23 =	vshll.u32 v25, $0x7;
	v24 =	vadd.s32 s31, v6;
	v25 =	vld.idx.msk [tilespmem:v30+s7+$0x0], $0xffff  }
0x547: {  	v27 =	vor.u32 v7, v26;
	v22 =	vand.u32 $0x7F, v22;
	v23 =	vor.u32 v4, v23;
	v29 =	vld.idx.msk [tilespmem:v31+s7+$0x0], $0xffff  }
0x548: {  	v17 =	vadd.s32 s18, v8;
	v24 =	vand.u32 $0x7F, v24;
	v28 =	vor.u32 v7, v22  }
0x549: {  	v20 =	vshll.u32 v20, $0x7;
	v17 =	vand.u32 $0x7F, v17;
	v31 =	vor.u32 v7, v24;
	[tilespmem:v16+s29+$0x0] =	vst.idx.msk $0xffff, v33  }
0x54a: {  	v30 =	vadd.s32 s18, v14;
	v45 =	vor.u32 v9, v17;
	v16 =	vor.u32 v6, v20;
	[tilespmem:v18+s29+$0x0] =	vst.idx.msk $0xffff, v21  }
0x54b: {  	v18 =	vadd.s32 s20, v8;
	v21 =	vshll.u32 v26, $0x7;
	v26 =	vor.u32 v9, v47;
	[tilespmem:v19+s29+$0x0] =	vst.idx.msk $0xffff, v25;
	v32 =	vld.idx.msk [tilespmem:v43+s7+$0x0], $0xffff  }
0x54c: {  	v19 =	vshll.u32 v22, $0x7;
	[tilespmem:v23+s29+$0x0] =	vst.idx.msk $0xffff, v29;
	v23 =	vshll.u32 v24, $0x7;
	v21 =	vor.u32 v6, v21;
	v22 =	vld.idx.msk [tilespmem:v27+s7+$0x0], $0xffff  }
0x54d: {  	v24 =	vadd.s32 s31, v8;
	v18 =	vand.u32 $0x7F, v18;
	v19 =	vor.u32 v6, v19;
	v25 =	vld.idx.msk [tilespmem:v28+s7+$0x0], $0xffff  }
0x54e: {  	v23 =	vor.u32 v6, v23;
	v24 =	vand.u32 $0x7F, v24;
	v28 =	vld.idx.msk [tilespmem:v31+s7+$0x0], $0xffff;
	v27 =	vor.u32 v9, v18  }
0x54f: {  	v17 =	vshll.u32 v17, $0x7;
	v57 =	vand.u32 $0x7F, v30;
	v31 =	vor.u32 v9, v24  }
0x550: {  	v17 =	vor.u32 v8, v17;
	v59 =	vor.u32 v15, v57;
	[tilespmem:v16+s29+$0x0] =	vst.idx.msk $0xffff, v32  }
0x551: {  	v20 =	vadd.s32 s18, v10;
	[tilespmem:v21+s29+$0x0] =	vst.idx.msk $0xffff, v22;
	v21 =	vadd.s32 s20, v10;
	v22 =	vshll.u32 v47, $0x7;
	v34 =	vld.idx.msk [tilespmem:v45+s7+$0x0], $0xffff  }
0x552: {  	v18 =	vshll.u32 v18, $0x7;
	[tilespmem:v19+s29+$0x0] =	vst.idx.msk $0xffff, v25;
	v19 =	vand.u32 $0x7F, v21;
	v21 =	vor.u32 v8, v22;
	v22 =	vld.idx.msk [tilespmem:v26+s7+$0x0], $0xffff  }
0x553: {  	v20 =	vand.u32 $0x7F, v20;
	v18 =	vor.u32 v8, v18;
	[tilespmem:v23+s29+$0x0] =	vst.idx.msk $0xffff, v28;
	v23 =	vshll.u32 v24, $0x7;
	v25 =	vld.idx.msk [tilespmem:v27+s7+$0x0], $0xffff  }
0x554: {  	v48 =	vor.u32 v11, v20;
	v20 =	vshll.u32 v20, $0x7;
	v23 =	vor.u32 v8, v23;
	v27 =	vld.idx.msk [tilespmem:v31+s7+$0x0], $0xffff  }
0x555: {  	s14 =	simm.s32 $0x4;
	v29 =	vadd.s32 s18, v12;
	v20 =	vor.u32 v10, v20;
	v24 =	vadd.s32 s31, v10  }
0x556: {  	v16 =	vadd.s32 s14, v4;
	v24 =	vand.u32 $0x7F, v24;
	v26 =	vor.u32 v11, v19;
	[tilespmem:v17+s29+$0x0] =	vst.idx.msk $0xffff, v34  }
0x557: {  	v28 =	vadd.s32 s14, v2;
	v31 =	vand.u32 $0x7F, v29;
	v29 =	vor.u32 v11, v24;
	[tilespmem:v21+s29+$0x0] =	vst.idx.msk $0xffff, v22  }
0x558: {  	v52 =	vor.u32 v13, v31;
	v17 =	vadd.s32 s14, v0;
	v21 =	vadd.s32 s20, v12;
	[tilespmem:v18+s29+$0x0] =	vst.idx.msk $0xffff, v25  }
0x559: {  	v22 =	vshll.u32 v50, $0x7;
	v18 =	vshll.u32 v19, $0x7;
	[tilespmem:v23+s29+$0x0] =	vst.idx.msk $0xffff, v27;
	v23 =	vshll.u32 v24, $0x7;
	v35 =	vld.idx.msk [tilespmem:v48+s7+$0x0], $0xffff  }
0x55a: {  	v24 =	vadd.s32 s31, v12;
	v21 =	vand.u32 $0x7F, v21;
	v19 =	vor.u32 v10, v22;
	v22 =	vld.idx.msk [tilespmem:v51+s7+$0x0], $0xffff  }
0x55b: {  	v18 =	vor.u32 v10, v18;
	v25 =	vld.idx.msk [tilespmem:v26+s7+$0x0], $0xffff;
	v23 =	vor.u32 v10, v23;
	v24 =	vand.u32 $0x7F, v24  }
0x55c: {  	v56 =	vld.idx.msk [tilespmem:v29+s7+$0x0], $0xffff;
	v29 =	vand.u32 $0x7F, v28;
	v26 =	vshll.u32 v31, $0x7;
	v27 =	vor.u32 v13, v21  }
0x55d: {  	v28 =	vadd.s32 s19, v14;
	v30 =	vand.u32 $0x7F, v17;
	v58 =	vor.u32 v13, v24  }
0x55e: {  	v60 =	vor.u32 v12, v26;
	v61 =	vand.u32 $0x7F, v28;
	v31 =	vor.u32 v1, v30;
	[tilespmem:v20+s29+$0x0] =	vst.idx.msk $0xffff, v35  }
0x55f: {  	v17 =	vadd.s32 s20, v14;
	[tilespmem:v19+s29+$0x0] =	vst.idx.msk $0xffff, v22;
	v20 =	vshll.u32 v54, $0x7;
	v19 =	vor.u32 v15, v61;
	v36 =	vld.idx.msk [tilespmem:v52+s7+$0x0], $0xffff  }
0x560: {  	v26 =	vand.u32 $0x7F, v17;
	[tilespmem:v18+s29+$0x0] =	vst.idx.msk $0xffff, v25;
	v18 =	vshll.u32 v21, $0x7;
	v62 =	vld.idx.msk [tilespmem:v55+s7+$0x0], $0xffff;
	v63 =	vor.u32 v12, v20  }
0x561: {  	v17 =	vshll.u32 v24, $0x7;
	[tilespmem:v23+s29+$0x0] =	vst.idx.msk $0xffff, v56;
	v20 =	vadd.s32 s31, v14;
	v28 =	vor.u32 v12, v18;
	v25 =	vld.idx.msk [tilespmem:v27+s7+$0x0], $0xffff  }
0x562: {  	s18 =	simm.s32 $0x7;
	v27 =	vor.u32 v12, v17;
	v24 =	vld.idx.msk [tilespmem:v58+s7+$0x0], $0xffff;
	v17 =	vand.u32 $0x7F, v20;
	v20 =	vor.u32 v15, v26  }
0x563: {  	s4 =	simm.s32 $0x6;
	v34 =	vshll.u32 v61, $0x7;
	v21 =	vadd.s32 s18, v0;
	v18 =	vor.u32 v15, v17  }
0x564: {  	v22 =	vshll.u32 v57, $0x7;
	v23 =	vadd.s32 s4, v0;
	v32 =	vand.u32 $0x7F, v21;
	[tilespmem:v60+s29+$0x0] =	vst.idx.msk $0xffff, v36  }
0x565: {  	s17 =	simm.s32 $0x5;
	s19 =	simm.s32 $0x8;
	v21 =	vor.u32 v14, v22;
	v33 =	vor.u32 v1, v32;
	[tilespmem:v63+s29+$0x0] =	vst.idx.msk $0xffff, v62;
	v22 =	vld.idx.msk [tilespmem:v59+s7+$0x0], $0xffff  }
.LBB2_17:
0x566: {  	p1 =	slt.u32 s19, $0x7C;
	v35 =	vadd.s32 s17, v0;
	v23 =	vand.u32 $0x7F, v23;
	[tilespmem:v28+s29+$0x0] =	vst.idx.msk $0xffff, v25;
	v19 =	vld.idx.msk [tilespmem:v19+s7+$0x0], $0xffff;
	v25 =	vor.u32 v14, v34  }
0x567: {  	v28 =	vand.u32 $0x7F, v35;
	v34 =	vor.u32 v1, v23;
	[tilespmem:v27+s29+$0x0] =	vst.idx.msk $0xffff, v24;
	v20 =	vld.idx.msk [tilespmem:v20+s7+$0x0], $0xffff;
	v24 =	vshll.u32 v26, $0x7  }
0x568: {  	v17 =	vshll.u32 v17, $0x7;
	v26 =	vor.u32 v1, v28;
	v18 =	vld.idx.msk [tilespmem:v18+s7+$0x0], $0xffff;
	v24 =	vor.u32 v14, v24  }
0x569: {  	v27 =	vshll.u32 v30, $0x7;
	v30 =	vadd.s32 s18, v2;
	v17 =	vor.u32 v14, v17  }
0x56a: {  	v35 =	vor.u32 v3, v29;
	v27 =	vor.u32 v0, v27;
	v30 =	vand.u32 $0x7F, v30;
	v31 =	vld.idx.msk [tilespmem:v31+s7+$0x0], $0xffff  }
0x56b: {  	v36 =	vadd.s32 s4, v2;
	v32 =	vshll.u32 v32, $0x7;
	v37 =	vor.u32 v3, v30;
	v33 =	vld.idx.msk [tilespmem:v33+s7+$0x0], $0xffff;
	[tilespmem:v21+s29+$0x0] =	vst.idx.msk $0xffff, v22  }
0x56c: {  	v32 =	vor.u32 v0, v32;
	v22 =	vshll.u32 v23, $0x7;
	v23 =	vand.u32 $0x7F, v36;
	v21 =	vld.idx.msk [tilespmem:v34+s7+$0x0], $0xffff;
	[tilespmem:v25+s29+$0x0] =	vst.idx.msk $0xffff, v19  }
0x56d: {  	v25 =	vshll.u32 v28, $0x7;
	v22 =	vor.u32 v0, v22;
	v19 =	vld.idx.msk [tilespmem:v26+s7+$0x0], $0xffff;
	v26 =	vadd.s32 s17, v2;
	[tilespmem:v24+s29+$0x0] =	vst.idx.msk $0xffff, v20  }
0x56e: {  	v20 =	vor.u32 v0, v25;
	v25 =	vor.u32 v3, v23;
	v24 =	vand.u32 $0x7F, v26;
	[tilespmem:v17+s29+$0x0] =	vst.idx.msk $0xffff, v18  }
0x56f: {  	v16 =	vand.u32 $0x7F, v16;
	v17 =	vor.u32 v3, v24  }
0x570: {  	v18 =	vshll.u32 v29, $0x7;
	v26 =	vor.u32 v5, v16;
	[tilespmem:v27+s29+$0x0] =	vst.idx.msk $0xffff, v31;
	v27 =	vadd.s32 s18, v4  }
0x571: {  	v29 =	vadd.s32 s14, v6;
	v18 =	vor.u32 v2, v18;
	v28 =	vld.idx.msk [tilespmem:v35+s7+$0x0], $0xffff;
	[tilespmem:v32+s29+$0x0] =	vst.idx.msk $0xffff, v33;
	v27 =	vand.u32 $0x7F, v27  }
0x572: {  	v30 =	vshll.u32 v30, $0x7;
	[tilespmem:v22+s29+$0x0] =	vst.idx.msk $0xffff, v21;
	v21 =	vadd.s32 s4, v4;
	v22 =	vld.idx.msk [tilespmem:v37+s7+$0x0], $0xffff;
	v31 =	vor.u32 v5, v27  }
0x573: {  	[tilespmem:v20+s29+$0x0] =	vst.idx.msk $0xffff, v19;
	v19 =	vld.idx.msk [tilespmem:v25+s7+$0x0], $0xffff;
	v20 =	vshll.u32 v23, $0x7;
	v21 =	vand.u32 $0x7F, v21;
	v23 =	vor.u32 v2, v30  }
0x574: {  	v24 =	vshll.u32 v24, $0x7;
	v25 =	vadd.s32 s17, v4;
	v17 =	vld.idx.msk [tilespmem:v17+s7+$0x0], $0xffff;
	v20 =	vor.u32 v2, v20  }
0x575: {  	v24 =	vor.u32 v2, v24;
	v25 =	vand.u32 $0x7F, v25;
	v30 =	vor.u32 v5, v21  }
0x576: {  	v29 =	vand.u32 $0x7F, v29;
	v32 =	vor.u32 v5, v25  }
0x577: {  	v16 =	vshll.u32 v16, $0x7;
	[tilespmem:v18+s29+$0x0] =	vst.idx.msk $0xffff, v28;
	v18 =	vor.u32 v7, v29;
	v28 =	vadd.s32 s18, v6  }
0x578: {  	v16 =	vor.u32 v4, v16;
	v33 =	vadd.s32 s14, v8;
	v26 =	vld.idx.msk [tilespmem:v26+s7+$0x0], $0xffff;
	[tilespmem:v23+s29+$0x0] =	vst.idx.msk $0xffff, v22;
	v22 =	vand.u32 $0x7F, v28  }
0x579: {  	v23 =	vshll.u32 v27, $0x7;
	[tilespmem:v20+s29+$0x0] =	vst.idx.msk $0xffff, v19;
	v19 =	vadd.s32 s4, v6;
	v20 =	vld.idx.msk [tilespmem:v31+s7+$0x0], $0xffff;
	v27 =	vor.u32 v7, v22  }
0x57a: {  	v21 =	vshll.u32 v21, $0x7;
	v23 =	vor.u32 v4, v23;
	[tilespmem:v24+s29+$0x0] =	vst.idx.msk $0xffff, v17;
	v17 =	vld.idx.msk [tilespmem:v30+s7+$0x0], $0xffff;
	v19 =	vand.u32 $0x7F, v19  }
0x57b: {  	v25 =	vshll.u32 v25, $0x7;
	v21 =	vor.u32 v4, v21;
	v28 =	vadd.s32 s17, v6;
	v24 =	vld.idx.msk [tilespmem:v32+s7+$0x0], $0xffff  }
0x57c: {  	v25 =	vor.u32 v4, v25;
	v28 =	vand.u32 $0x7F, v28;
	v30 =	vor.u32 v7, v19  }
0x57d: {  	v31 =	vand.u32 $0x7F, v33;
	v33 =	vor.u32 v7, v28;
	v32 =	vadd.s32 s14, v14  }
0x57e: {  	[tilespmem:v16+s29+$0x0] =	vst.idx.msk $0xffff, v26;
	v16 =	vshll.u32 v29, $0x7;
	v26 =	vor.u32 v9, v31;
	v29 =	vadd.s32 s18, v8  }
0x57f: {  	v34 =	vadd.s32 s14, v10;
	v18 =	vld.idx.msk [tilespmem:v18+s7+$0x0], $0xffff;
	v16 =	vor.u32 v6, v16;
	[tilespmem:v23+s29+$0x0] =	vst.idx.msk $0xffff, v20;
	v20 =	vand.u32 $0x7F, v29  }
0x580: {  	v22 =	vshll.u32 v22, $0x7;
	[tilespmem:v21+s29+$0x0] =	vst.idx.msk $0xffff, v17;
	v17 =	vadd.s32 s4, v8;
	v21 =	vld.idx.msk [tilespmem:v27+s7+$0x0], $0xffff;
	v23 =	vor.u32 v9, v20  }
0x581: {  	v22 =	vor.u32 v6, v22;
	v19 =	vshll.u32 v19, $0x7;
	[tilespmem:v25+s29+$0x0] =	vst.idx.msk $0xffff, v24;
	v24 =	vld.idx.msk [tilespmem:v30+s7+$0x0], $0xffff;
	v17 =	vand.u32 $0x7F, v17  }
0x582: {  	v19 =	vor.u32 v6, v19;
	v27 =	vshll.u32 v28, $0x7;
	v28 =	vadd.s32 s17, v8;
	v25 =	vld.idx.msk [tilespmem:v33+s7+$0x0], $0xffff  }
0x583: {  	v27 =	vor.u32 v6, v27;
	v28 =	vand.u32 $0x7F, v28;
	v29 =	vor.u32 v9, v17  }
0x584: {  	v30 =	vand.u32 $0x7F, v34;
	v33 =	vadd.s32 s14, v12;
	v34 =	vor.u32 v9, v28;
	s14 =	smov.u32 s19  }
0x585: {  	v35 =	vadd.s32 s18, v10;
	[tilespmem:v16+s29+$0x0] =	vst.idx.msk $0xffff, v18;
	v18 =	vshll.u32 v31, $0x7;
	v31 =	vor.u32 v11, v30  }
0x586: {  	v16 =	vadd.s32 s19, v4;
	v26 =	vld.idx.msk [tilespmem:v26+s7+$0x0], $0xffff;
	v18 =	vor.u32 v8, v18;
	[tilespmem:v22+s29+$0x0] =	vst.idx.msk $0xffff, v21;
	v21 =	vand.u32 $0x7F, v35  }
0x587: {  	v20 =	vshll.u32 v20, $0x7;
	[tilespmem:v19+s29+$0x0] =	vst.idx.msk $0xffff, v24;
	v19 =	vadd.s32 s4, v10;
	v22 =	vld.idx.msk [tilespmem:v23+s7+$0x0], $0xffff;
	v23 =	vor.u32 v11, v21  }
0x588: {  	v20 =	vor.u32 v8, v20;
	v17 =	vshll.u32 v17, $0x7;
	[tilespmem:v27+s29+$0x0] =	vst.idx.msk $0xffff, v25;
	v24 =	vld.idx.msk [tilespmem:v29+s7+$0x0], $0xffff;
	v19 =	vand.u32 $0x7F, v19  }
0x589: {  	v17 =	vor.u32 v8, v17;
	v27 =	vshll.u32 v28, $0x7;
	v28 =	vadd.s32 s17, v10;
	v25 =	vld.idx.msk [tilespmem:v34+s7+$0x0], $0xffff  }
0x58a: {  	v27 =	vor.u32 v8, v27;
	v28 =	vand.u32 $0x7F, v28;
	v29 =	vor.u32 v11, v19  }
0x58b: {  	v33 =	vand.u32 $0x7F, v33;
	v34 =	vadd.s32 s19, v2;
	v35 =	vor.u32 v11, v28  }
0x58c: {  	[tilespmem:v18+s29+$0x0] =	vst.idx.msk $0xffff, v26;
	v18 =	vshll.u32 v30, $0x7;
	v26 =	vor.u32 v13, v33;
	v30 =	vadd.s32 s18, v12  }
0x58d: {  	v36 =	vadd.s32 s19, v0;
	v31 =	vld.idx.msk [tilespmem:v31+s7+$0x0], $0xffff;
	v18 =	vor.u32 v10, v18;
	[tilespmem:v20+s29+$0x0] =	vst.idx.msk $0xffff, v22;
	v20 =	vand.u32 $0x7F, v30  }
0x58e: {  	v21 =	vshll.u32 v21, $0x7;
	[tilespmem:v17+s29+$0x0] =	vst.idx.msk $0xffff, v24;
	v17 =	vadd.s32 s4, v12;
	v22 =	vld.idx.msk [tilespmem:v23+s7+$0x0], $0xffff;
	v23 =	vor.u32 v13, v20  }
0x58f: {  	v21 =	vor.u32 v10, v21;
	v19 =	vshll.u32 v19, $0x7;
	[tilespmem:v27+s29+$0x0] =	vst.idx.msk $0xffff, v25;
	v24 =	vld.idx.msk [tilespmem:v29+s7+$0x0], $0xffff;
	v17 =	vand.u32 $0x7F, v17  }
0x590: {  	v19 =	vor.u32 v10, v19;
	v27 =	vshll.u32 v28, $0x7;
	v28 =	vadd.s32 s17, v12;
	v25 =	vld.idx.msk [tilespmem:v35+s7+$0x0], $0xffff  }
0x591: {  	v27 =	vor.u32 v10, v27;
	v28 =	vand.u32 $0x7F, v28;
	v35 =	vor.u32 v13, v17  }
0x592: {  	v32 =	vand.u32 $0x7F, v32;
	v29 =	vand.u32 $0x7F, v34;
	v34 =	vor.u32 v13, v28  }
0x593: {  	v37 =	vor.u32 v15, v32;
	[tilespmem:v18+s29+$0x0] =	vst.idx.msk $0xffff, v31;
	v18 =	vshll.u32 v33, $0x7;
	v31 =	vadd.s32 s18, v14  }
0x594: {  	v30 =	vand.u32 $0x7F, v36;
	v33 =	vld.idx.msk [tilespmem:v26+s7+$0x0], $0xffff;
	v36 =	vor.u32 v12, v18;
	[tilespmem:v21+s29+$0x0] =	vst.idx.msk $0xffff, v22;
	v38 =	vand.u32 $0x7F, v31  }
0x595: {  	v20 =	vshll.u32 v20, $0x7;
	v18 =	vadd.s32 s4, v14;
	[tilespmem:v19+s29+$0x0] =	vst.idx.msk $0xffff, v24;
	v39 =	vld.idx.msk [tilespmem:v23+s7+$0x0], $0xffff;
	v19 =	vor.u32 v15, v38  }
0x596: {  	v17 =	vshll.u32 v17, $0x7;
	v26 =	vand.u32 $0x7F, v18;
	[tilespmem:v27+s29+$0x0] =	vst.idx.msk $0xffff, v25;
	v25 =	vld.idx.msk [tilespmem:v35+s7+$0x0], $0xffff;
	v35 =	vor.u32 v12, v20  }
.Ltmp7:
0x597: {  	v18 =	vshll.u32 v28, $0x7;
	v28 =	vor.u32 v12, v17;
	v20 =	vadd.s32 s17, v14;
	v24 =	vld.idx.msk [tilespmem:v34+s7+$0x0], $0xffff;
	(pc) =	sbr.rel @p1 .LBB2_17-.Ltmp7, $4  }
0x598: {  	s18 =	sadd.s32 $0x3, s19;
	v27 =	vor.u32 v12, v18;
	v17 =	vand.u32 $0x7F, v20;
	v20 =	vor.u32 v15, v26  }
0x599: {  	v21 =	vadd.s32 s18, v0;
	v22 =	vshll.u32 v32, $0x7;
	v18 =	vor.u32 v15, v17  }
0x59a: {  	v31 =	vor.u32 v1, v30;
	s4 =	sadd.s32 $0x2, s19;
	v32 =	vand.u32 $0x7F, v21;
	v21 =	vor.u32 v14, v22;
	[tilespmem:v36+s29+$0x0] =	vst.idx.msk $0xffff, v33  }
0x59b: {  	s19 =	sadd.s32 $0x4, s19;
	v23 =	vadd.s32 s4, v0;
	s17 =	sadd.s32 $0x1, s14;
	v34 =	vshll.u32 v38, $0x7;
	v33 =	vor.u32 v1, v32;
	v22 =	vld.idx.msk [tilespmem:v37+s7+$0x0], $0xffff;
	[tilespmem:v35+s29+$0x0] =	vst.idx.msk $0xffff, v39  }
0x59c: {  	v35 =	vadd.s32 s17, v0;
	v36 =	vand.u32 $0x7F, v23;
	v23 =	vor.u32 v14, v34  }
0x59d: {  	v26 =	vshll.u32 v26, $0x7;
	v30 =	vshll.u32 v30, $0x7;
	v38 =	vadd.s32 s18, v2  }
0x59e: {  	v39 =	vor.u32 v3, v29;
	v40 =	vadd.s32 s4, v2;
	v32 =	vshll.u32 v32, $0x7  }
0x59f: {  	v42 =	vadd.s32 s17, v2;
	v16 =	vand.u32 $0x7F, v16;
	v54 =	vshll.u32 v29, $0x7  }
0x5a0: {  	v46 =	vadd.s32 s18, v4;
	v47 =	vadd.s32 s14, v6;
	v55 =	vadd.s32 s4, v4  }
0x5a1: {  	v61 =	vadd.s32 s17, v4;
	v52 =	vand.u32 $0x7F, v35;
	v53 =	vor.u32 v1, v36  }
0x5a2: {  	v51 =	vadd.s32 s18, v6;
	v17 =	vshll.u32 v17, $0x7;
	v37 =	vor.u32 v1, v52  }
0x5a3: {  	v30 =	vor.u32 v0, v30;
	v38 =	vand.u32 $0x7F, v38;
	v36 =	vshll.u32 v36, $0x7  }
0x5a4: {  	v31 =	vld.idx.msk [tilespmem:v31+s7+$0x0], $0xffff;
	v40 =	vand.u32 $0x7F, v40;
	v32 =	vor.u32 v0, v32;
	v42 =	vand.u32 $0x7F, v42  }
0x5a5: {  	v33 =	vld.idx.msk [tilespmem:v33+s7+$0x0], $0xffff;
	v45 =	vor.u32 v5, v16;
	v29 =	vor.u32 v2, v54;
	v46 =	vand.u32 $0x7F, v46  }
0x5a6: {  	v41 =	vor.u32 v3, v38;
	v34 =	vshll.u32 v52, $0x7;
	v36 =	vor.u32 v0, v36;
	v35 =	vld.idx.msk [tilespmem:v53+s7+$0x0], $0xffff  }
0x5a7: {  	v16 =	vshll.u32 v16, $0x7;
	v43 =	vor.u32 v3, v40;
	v34 =	vor.u32 v0, v34;
	v37 =	vld.idx.msk [tilespmem:v37+s7+$0x0], $0xffff  }
0x5a8: {  	v54 =	vadd.s32 s4, v6;
	v44 =	vor.u32 v3, v42;
	v56 =	vshll.u32 v38, $0x7  }
0x5a9: {  	v38 =	vor.u32 v5, v46;
	v58 =	vshll.u32 v40, $0x7;
	v16 =	vor.u32 v4, v16;
	[tilespmem:v30+s29+$0x0] =	vst.idx.msk $0xffff, v31  }
0x5aa: {  	v60 =	vshll.u32 v42, $0x7;
	[tilespmem:v32+s29+$0x0] =	vst.idx.msk $0xffff, v33;
	v30 =	vand.u32 $0x7F, v55;
	v31 =	vor.u32 v2, v56;
	v57 =	vld.idx.msk [tilespmem:v39+s7+$0x0], $0xffff  }
0x5ab: {  	v33 =	vor.u32 v2, v58;
	v53 =	vand.u32 $0x7F, v51;
	v56 =	vshll.u32 v46, $0x7;
	v59 =	vld.idx.msk [tilespmem:v41+s7+$0x0], $0xffff;
	[tilespmem:v36+s29+$0x0] =	vst.idx.msk $0xffff, v35  }
0x5ac: {  	v39 =	vand.u32 $0x7F, v61;
	v63 =	vor.u32 v5, v30;
	v30 =	vshll.u32 v30, $0x7;
	v62 =	vld.idx.msk [tilespmem:v43+s7+$0x0], $0xffff;
	[tilespmem:v34+s29+$0x0] =	vst.idx.msk $0xffff, v37  }
0x5ad: {  	v32 =	vshll.u32 v53, $0x7;
	v48 =	vor.u32 v5, v39;
	v36 =	vor.u32 v2, v60;
	v49 =	vld.idx.msk [tilespmem:v44+s7+$0x0], $0xffff  }
0x5ae: {  	v39 =	vshll.u32 v39, $0x7;
	v30 =	vor.u32 v4, v30;
	v32 =	vor.u32 v6, v32  }
0x5af: {  	v52 =	vadd.s32 s14, v8;
	v39 =	vor.u32 v4, v39;
	v35 =	vor.u32 v4, v56;
	[tilespmem:v29+s29+$0x0] =	vst.idx.msk $0xffff, v57  }
0x5b0: {  	v51 =	vadd.s32 s4, v8;
	v34 =	vand.u32 $0x7F, v47;
	[tilespmem:v31+s29+$0x0] =	vst.idx.msk $0xffff, v59;
	v57 =	vor.u32 v7, v53;
	v55 =	vld.idx.msk [tilespmem:v45+s7+$0x0], $0xffff  }
0x5b1: {  	v60 =	vadd.s32 s17, v6;
	v59 =	vand.u32 $0x7F, v54;
	v50 =	vor.u32 v7, v34;
	v58 =	vld.idx.msk [tilespmem:v38+s7+$0x0], $0xffff;
	[tilespmem:v33+s29+$0x0] =	vst.idx.msk $0xffff, v62  }
0x5b2: {  	v61 =	vand.u32 $0x7F, v60;
	v29 =	vand.u32 $0x7F, v52;
	v54 =	vadd.s32 s17, v8;
	v40 =	vld.idx.msk [tilespmem:v63+s7+$0x0], $0xffff;
	[tilespmem:v36+s29+$0x0] =	vst.idx.msk $0xffff, v49  }
0x5b3: {  	v60 =	vadd.s32 s4, v10;
	v34 =	vshll.u32 v34, $0x7;
	v62 =	vor.u32 v7, v59;
	v37 =	vld.idx.msk [tilespmem:v48+s7+$0x0], $0xffff  }
0x5b4: {  	[tilespmem:v28+s29+$0x0] =	vst.idx.msk $0xffff, v25;
	v38 =	vshll.u32 v59, $0x7;
	v45 =	vand.u32 $0x7F, v60;
	v63 =	vor.u32 v7, v61  }
0x5b5: {  	v34 =	vor.u32 v6, v34;
	v38 =	vor.u32 v6, v38;
	v25 =	vshll.u32 v45, $0x7;
	[tilespmem:v16+s29+$0x0] =	vst.idx.msk $0xffff, v55  }
0x5b6: {  	v25 =	vor.u32 v10, v25;
	v59 =	vadd.s32 s18, v10;
	[tilespmem:v35+s29+$0x0] =	vst.idx.msk $0xffff, v58;
	v48 =	vadd.s32 s18, v8;
	v49 =	vld.idx.msk [tilespmem:v50+s7+$0x0], $0xffff  }
0x5b7: {  	v16 =	vor.u32 v9, v29;
	v36 =	vshll.u32 v61, $0x7;
	v52 =	vld.idx.msk [tilespmem:v57+s7+$0x0], $0xffff;
	v31 =	vand.u32 $0x7F, v48;
	[tilespmem:v30+s29+$0x0] =	vst.idx.msk $0xffff, v40  }
0x5b8: {  	v50 =	vadd.s32 s14, v10;
	v53 =	vor.u32 v9, v31;
	v30 =	vand.u32 $0x7F, v51;
	v41 =	vld.idx.msk [tilespmem:v62+s7+$0x0], $0xffff;
	[tilespmem:v39+s29+$0x0] =	vst.idx.msk $0xffff, v37  }
0x5b9: {  	v36 =	vor.u32 v6, v36;
	v37 =	vand.u32 $0x7F, v54;
	v55 =	vor.u32 v9, v30;
	v39 =	vld.idx.msk [tilespmem:v63+s7+$0x0], $0xffff  }
0x5ba: {  	v29 =	vshll.u32 v29, $0x7;
	v35 =	vand.u32 $0x7F, v50;
	v57 =	vor.u32 v9, v37  }
0x5bb: {  	v29 =	vor.u32 v8, v29;
	v58 =	vor.u32 v11, v35;
	v31 =	vshll.u32 v31, $0x7;
	[tilespmem:v34+s29+$0x0] =	vst.idx.msk $0xffff, v49  }
0x5bc: {  	v42 =	vadd.s32 s14, v14;
	v31 =	vor.u32 v8, v31;
	v40 =	vand.u32 $0x7F, v59;
	[tilespmem:v32+s29+$0x0] =	vst.idx.msk $0xffff, v52;
	v16 =	vld.idx.msk [tilespmem:v16+s7+$0x0], $0xffff  }
0x5bd: {  	v56 =	vadd.s32 s14, v12;
	v62 =	vor.u32 v11, v40;
	v30 =	vshll.u32 v30, $0x7;
	v61 =	vld.idx.msk [tilespmem:v53+s7+$0x0], $0xffff;
	[tilespmem:v38+s29+$0x0] =	vst.idx.msk $0xffff, v41  }
0x5be: {  	v44 =	vadd.s32 s17, v10;
	v37 =	vshll.u32 v37, $0x7;
	v30 =	vor.u32 v8, v30;
	[tilespmem:v36+s29+$0x0] =	vst.idx.msk $0xffff, v39;
	v63 =	vld.idx.msk [tilespmem:v55+s7+$0x0], $0xffff  }
0x5bf: {  	v48 =	vand.u32 $0x7F, v44;
	v49 =	vor.u32 v11, v45;
	v47 =	vor.u32 v8, v37;
	v46 =	vld.idx.msk [tilespmem:v57+s7+$0x0], $0xffff  }
0x5c0: {  	[tilespmem:v27+s29+$0x0] =	vst.idx.msk $0xffff, v24;
	v50 =	vand.u32 $0x7F, v56;
	v56 =	vadd.s32 s4, v12;
	v51 =	vor.u32 v11, v48  }
0x5c1: {  	v44 =	vadd.s32 s18, v14;
	v52 =	vor.u32 v13, v50;
	[tilespmem:v29+s29+$0x0] =	vst.idx.msk $0xffff, v16;
	v16 =	vshll.u32 v35, $0x7  }
0x5c2: {  	v53 =	vadd.s32 s18, v12;
	[tilespmem:v31+s29+$0x0] =	vst.idx.msk $0xffff, v61;
	v54 =	vld.idx.msk [tilespmem:v58+s7+$0x0], $0xffff;
	v16 =	vor.u32 v10, v16;
	v57 =	vshll.u32 v40, $0x7  }
0x5c3: {  	v60 =	vand.u32 $0x7F, v56;
	v55 =	vand.u32 $0x7F, v53;
	v59 =	vld.idx.msk [tilespmem:v62+s7+$0x0], $0xffff;
	[tilespmem:v30+s29+$0x0] =	vst.idx.msk $0xffff, v63;
	v30 =	vor.u32 v10, v57  }
0x5c4: {  	v58 =	vor.u32 v13, v55;
	v61 =	vshll.u32 v48, $0x7;
	v62 =	vadd.s32 s17, v12;
	[tilespmem:v47+s29+$0x0] =	vst.idx.msk $0xffff, v46;
	v24 =	vld.idx.msk [tilespmem:v49+s7+$0x0], $0xffff  }
0x5c5: {  	v41 =	vor.u32 v13, v60;
	v35 =	vor.u32 v10, v61;
	v40 =	vand.u32 $0x7F, v62;
	v63 =	vld.idx.msk [tilespmem:v51+s7+$0x0], $0xffff  }
0x5c6: {  	v19 =	vld.idx.msk [tilespmem:v19+s7+$0x0], $0xffff;
	v42 =	vand.u32 $0x7F, v42;
	[tilespmem:v21+s29+$0x0] =	vst.idx.msk $0xffff, v22;
	v27 =	vand.u32 $0x7F, v44;
	v43 =	vor.u32 v13, v40  }
0x5c7: {  	v45 =	vor.u32 v15, v42;
	v48 =	vor.u32 v15, v27;
	[tilespmem:v16+s29+$0x0] =	vst.idx.msk $0xffff, v54;
	v16 =	vshll.u32 v50, $0x7  }
0x5c8: {  	v22 =	vshll.u32 v40, $0x7;
	v47 =	vshll.u32 v55, $0x7;
	v16 =	vor.u32 v12, v16;
	v29 =	vld.idx.msk [tilespmem:v52+s7+$0x0], $0xffff;
	[tilespmem:v30+s29+$0x0] =	vst.idx.msk $0xffff, v59  }
0x5c9: {  	v46 =	vadd.s32 s4, v14;
	v50 =	vshll.u32 v60, $0x7;
	v30 =	vor.u32 v12, v47;
	[tilespmem:v25+s29+$0x0] =	vst.idx.msk $0xffff, v24;
	v49 =	vld.idx.msk [tilespmem:v58+s7+$0x0], $0xffff  }
0x5ca: {  	v28 =	vand.u32 $0x7F, v46;
	v52 =	vadd.s32 s17, v14;
	v25 =	vor.u32 v12, v50;
	[tilespmem:v35+s29+$0x0] =	vst.idx.msk $0xffff, v63;
	v51 =	vld.idx.msk [tilespmem:v41+s7+$0x0], $0xffff  }
0x5cb: {  	v22 =	vor.u32 v12, v22;
	v33 =	vand.u32 $0x7F, v52;
	v54 =	vor.u32 v15, v28;
	v53 =	vld.idx.msk [tilespmem:v43+s7+$0x0], $0xffff  }
0x5cc: {  	v20 =	vld.idx.msk [tilespmem:v20+s7+$0x0], $0xffff;
	v26 =	vor.u32 v14, v26;
	[tilespmem:v23+s29+$0x0] =	vst.idx.msk $0xffff, v19;
	v55 =	vor.u32 v15, v33  }
0x5cd: {  	v18 =	vld.idx.msk [tilespmem:v18+s7+$0x0], $0xffff;
	v17 =	vor.u32 v14, v17;
	v56 =	vshll.u32 v42, $0x7;
	[tilespmem:v16+s29+$0x0] =	vst.idx.msk $0xffff, v29  }
0x5ce: {  	v58 =	vshll.u32 v27, $0x7;
	v16 =	vor.u32 v14, v56;
	v57 =	vld.idx.msk [tilespmem:v45+s7+$0x0], $0xffff;
	[tilespmem:v30+s29+$0x0] =	vst.idx.msk $0xffff, v49  }
0x5cf: {  	v60 =	vshll.u32 v28, $0x7;
	v24 =	vor.u32 v14, v58;
	[tilespmem:v25+s29+$0x0] =	vst.idx.msk $0xffff, v51;
	v59 =	vld.idx.msk [tilespmem:v48+s7+$0x0], $0xffff  }
0x5d0: {  	v62 =	vshll.u32 v33, $0x7;
	v25 =	vor.u32 v14, v60;
	[tilespmem:v22+s29+$0x0] =	vst.idx.msk $0xffff, v53;
	v61 =	vld.idx.msk [tilespmem:v54+s7+$0x0], $0xffff  }
0x5d1: {  	[tilespmem:v26+s29+$0x0] =	vst.idx.msk $0xffff, v20;
	v63 =	vor.u32 v14, v62;
	v19 =	vld.idx.msk [tilespmem:v55+s7+$0x0], $0xffff  }
0x5d2: {  	p1 =	sne.s32 s16, $0x32;
	[tilespmem:v17+s29+$0x0] =	vst.idx.msk $0xffff, v18  }
.Ltmp8:
0x5d3: {  	[tilespmem:v16+s29+$0x0] =	vst.idx.msk $0xffff, v57;
	(pc) =	sbr.rel @p1 .LBB2_2-.Ltmp8, $4  }
0x5d4: {  	[tilespmem:v24+s29+$0x0] =	vst.idx.msk $0xffff, v59  }
0x5d5: {  	[tilespmem:v25+s29+$0x0] =	vst.idx.msk $0xffff, v61  }
0x5d6: {  	s31 =	sadd.s32 $0x1C000, s15;
	s14 =	smov.u32 s16;
	[tilespmem:v63+s29+$0x0] =	vst.idx.msk $0xffff, v19  }
0x5d7: {  	[hbm4b:s31+s1] =	stream.strided.scatter [tilespmem:s29], [sflag:$0x4], $0x3400, s26, s1, $0x38;
	[tilespmem:$0x1FC00] =	vst v63  }
0x5d8: {  	_ =	swait.ge [sflag:s30], $0x4000  }
0x5d9: {  	[sflag:s30] =	ssyncset.done $0x0  }
0x5da: {  	[sflag:s30] =	ssyncadd.s32 $0xFFFFC000  }
0x5db: {  	_ =	swait.ge [sflag:s5], $0x3400  }
0x5dc: {  	s4 =	rddreg [dreg:$0x1f]  }
0x5dd: {  	s1 =	rddreg [dreg:$0xe];
	s4 =	sadd.s32 $0x1, s4  }
0x5de: {  	p1 =	sne.s32 s4, s1  }
.Ltmp9:
0x5df: {  	_ = 	snop;
	(pc) =	sbr.rel @p1 .LBB2_1-.Ltmp9, $3  }
0x5e0: {  	_ =	sdelay $0x1  }
0x5e1: {  	[sflag:s5] =	ssyncset.done $0x0  }
0x5e2: {  	[sflag:s5] =	ssyncadd.s32 $0xFFFFCC00  }
0x5e3: {  	_ =	sfence.sel $0x180000  }
0x5e4: {  	[bflag:$0x0] =	sbarrier.arrive $0xFFFF  }
0x5e5: {  	_ =	strace $0x90000047  }
0x5e6: {  	s0 =	stileid.u32;
	[bflag:$0x2] =	sbarrier.arrive $0xFFFF  }
0x5e7: {  	p0 =	sne.s32 s0, $0x0;
	s0 =	rddreg [dreg:$0x3]  }
0x5e8: {  	s0 =	sadd.s32 @!p0 $0x100000, s0  }
0x5e9: {  	[sflag:s0] =	ssyncadd.tile.s32 @!p0 $0x1;
	_ =	shalt  }
.Lfunc_end2:
_tile_overlayer_lowered:
.L_overlay_start_2:
0x5ea: {  	(tag) =	ssettag $0x2  }
0x5eb: {  	s0 =	rddreg [dreg:$0x0];
	s2 =	stileid.u32  }
0x5ec: {  	s1 =	rddreg [dreg:$0x1];
	p0 =	sne.s32 s2, $0x0  }
0x5ed: {  	s3 =	rddreg [dreg:$0x2];
	[bflag:$0x3] =	sbarrier.arrive $0xFFFF;
	s2 =	simm.s32 @!p0 $0x1C06  }
0x5ee: {  	[timem:s3], [sflag:s2] =	dma.local @!p0 [hbm:s0], s1  }
0x5ef: {  	s0 =	simm.s32 @!p0 $0x6  }
0x5f0: {  	_ =	swait.ge @!p0 [sflag:s0], s1  }
0x5f1: {  	s1 =	ssub.s32 @!p0 $0x0, s1;
	[sflag:s0] =	ssyncset.done @!p0 $0x0  }
0x5f2: {  	[sflag:s0] =	ssyncadd.s32 @!p0 s1  }
0x5f3: {  	[bflag:$0x3] =	sbarrier.arrive $0xFFFF  }
0x5f4: {  	_ =	shalt  }

</sc_bundles>
